<compile_context>
chip_gen: v7x
topology: tpu7x:2x2x1
jax: 0.10.2.dev20260603
libtpu: 0.0.44.dev20260713+nightly
codegen_flags: <defaults>
</compile_context>

<pallas_src>
import functools

import jax
import jax.numpy as jnp
from jax import lax
from jax.experimental import pallas as pl
from jax.experimental.pallas import tpu as pltpu
from jax.experimental.pallas import tpu_sc as plsc

L = 10000
E = 320000
D = 128
H = 4
DH = D // H
SCALE = DH ** -0.5

LP = 10240
NTILES = 32
EDGES_PER_TILE = E // NTILES
CHUNK = 128
NFULL = EDGES_PER_TILE // CHUNK
TAIL = EDGES_PER_TILE - NFULL * CHUNK
ROWS_PER_TILE = LP // 16
HP = 16

_PREC = lax.Precision.HIGHEST


def _proj_body(x_ref, w_ref, b_ref, o_ref):
    o_ref[...] = (
        jnp.dot(x_ref[...], w_ref[...], precision=_PREC) + b_ref[...]
    )


def _project(x, w, b, block):
    n = x.shape[0]
    grid = n // block
    return pl.pallas_call(
        _proj_body,
        grid=(grid,),
        in_specs=[
            pl.BlockSpec((block, D), lambda i: (i, 0)),
            pl.BlockSpec((D, D), lambda i: (0, 0)),
            pl.BlockSpec((1, D), lambda i: (0, 0)),
        ],
        out_specs=pl.BlockSpec((block, D), lambda i: (i, 0)),
        out_shape=jax.ShapeDtypeStruct((n, D), jnp.float32),
    )(x, w, b)


def _gather_body(q_hbm, idx_hbm, qe_hbm, idx_a, idx_b, rows_a, rows_b,
                 idx_t, rows_t, s0, s1, s2, s3, s4, s5):
    wid = lax.axis_index("s") * 2 + lax.axis_index("c")
    base = wid * EDGES_PER_TILE

    def pair(j, carry):
        off_a = base + (2 * j) * CHUNK
        off_b = off_a + CHUNK
        ca = pltpu.async_copy(idx_hbm.at[pl.ds(off_a, CHUNK)], idx_a, s0)
        cb = pltpu.async_copy(idx_hbm.at[pl.ds(off_b, CHUNK)], idx_b, s1)
        ca.wait()
        ga = pltpu.async_copy(q_hbm.at[idx_a], rows_a, s2)
        cb.wait()
        gb = pltpu.async_copy(q_hbm.at[idx_b], rows_b, s3)
        ga.wait()
        wa = pltpu.async_copy(rows_a, qe_hbm.at[pl.ds(off_a, CHUNK)], s4)
        gb.wait()
        wb = pltpu.async_copy(rows_b, qe_hbm.at[pl.ds(off_b, CHUNK)], s5)
        wa.wait()
        wb.wait()
        return carry

    lax.fori_loop(0, NFULL // 2, pair, 0)

    off = base + NFULL * CHUNK
    pltpu.sync_copy(idx_hbm.at[pl.ds(off, TAIL)], idx_t)
    pltpu.async_copy(q_hbm.at[idx_t], rows_t, s0).wait()
    pltpu.sync_copy(rows_t, qe_hbm.at[pl.ds(off, TAIL)])


def _gather_rows(q, idx):
    mesh = plsc.VectorSubcoreMesh(core_axis_name="c", subcore_axis_name="s")
    kern = functools.partial(
        pl.kernel,
        mesh=mesh,
        out_type=jax.ShapeDtypeStruct((E, D), jnp.float32),
        scratch_types=[
            pltpu.VMEM((CHUNK,), jnp.int32),
            pltpu.VMEM((CHUNK,), jnp.int32),
            pltpu.VMEM((CHUNK, D), jnp.float32),
            pltpu.VMEM((CHUNK, D), jnp.float32),
            pltpu.VMEM((TAIL,), jnp.int32),
            pltpu.VMEM((TAIL, D), jnp.float32),
            pltpu.SemaphoreType.DMA,
            pltpu.SemaphoreType.DMA,
            pltpu.SemaphoreType.DMA,
            pltpu.SemaphoreType.DMA,
            pltpu.SemaphoreType.DMA,
            pltpu.SemaphoreType.DMA,
        ],
    )(_gather_body)
    return kern(q, idx)


def _edge_body(k_ref, v_ref, qe_ref, wk_ref, bk_ref, wv_ref, bv_ref,
               vvu_ref, exw_ref):
    kk = jnp.dot(k_ref[...], wk_ref[...]) + bk_ref[...]
    vv = jnp.dot(v_ref[...], wv_ref[...]) + bv_ref[...]
    prod = qe_ref[...] * kk
    d_ids = lax.broadcasted_iota(jnp.int32, (D, HP), 0) // DH
    h_ids = lax.broadcasted_iota(jnp.int32, (D, HP), 1)
    g = jnp.where(d_ids == h_ids, 1.0, 0.0).astype(jnp.float32)
    logits = jnp.dot(prod, g, precision=_PREC) * SCALE
    col = lax.broadcasted_iota(jnp.int32, logits.shape, 1)
    ex = jnp.where(col < H, jnp.exp(logits), 0.0)
    exw_ref[...] = ex
    b_ids = lax.broadcasted_iota(jnp.int32, (HP, D), 0)
    d2_ids = lax.broadcasted_iota(jnp.int32, (HP, D), 1) // DH
    expand = jnp.where(b_ids == d2_ids, 1.0, 0.0).astype(jnp.float32)
    mult = jnp.dot(ex, expand, precision=_PREC)
    vvu_ref[...] = vv * mult


def _edge_stage(k, v, qe, wk, bk, wv, bv, block=512):
    grid = E // block
    return pl.pallas_call(
        _edge_body,
        grid=(grid,),
        in_specs=[
            pl.BlockSpec((block, D), lambda i: (i, 0)),
            pl.BlockSpec((block, D), lambda i: (i, 0)),
            pl.BlockSpec((block, D), lambda i: (i, 0)),
            pl.BlockSpec((D, D), lambda i: (0, 0)),
            pl.BlockSpec((1, D), lambda i: (0, 0)),
            pl.BlockSpec((D, D), lambda i: (0, 0)),
            pl.BlockSpec((1, D), lambda i: (0, 0)),
        ],
        out_specs=[
            pl.BlockSpec((block, D), lambda i: (i, 0)),
            pl.BlockSpec((block, HP), lambda i: (i, 0)),
        ],
        out_shape=[
            jax.ShapeDtypeStruct((E, D), jnp.float32),
            jax.ShapeDtypeStruct((E, HP), jnp.float32),
        ],
    )(k, v, qe, wk, bk, wv, bv)


SMW = LP * H


def _scatter_agg_body(vvu_hbm, idx_hbm, zrow_hbm, agg_hbm,
                      idx_a, idx_b, rows_a, rows_b, idx_t, rows_t, agg_sh,
                      s0, s1, s2, s3, s4, s5):
    cid = lax.axis_index("c")
    sid = lax.axis_index("s")
    wid = sid * 2 + cid
    base = wid * EDGES_PER_TILE
    row0 = sid * ROWS_PER_TILE

    for z in range(ROWS_PER_TILE // CHUNK):
        pltpu.sync_copy(zrow_hbm, agg_sh.at[pl.ds(row0 + z * CHUNK, CHUNK)])
    plsc.subcore_barrier()

    def pair(j, carry):
        off_a = base + (2 * j) * CHUNK
        off_b = off_a + CHUNK
        ia = pltpu.async_copy(idx_hbm.at[pl.ds(off_a, CHUNK)], idx_a, s0)
        ib = pltpu.async_copy(idx_hbm.at[pl.ds(off_b, CHUNK)], idx_b, s1)
        ra = pltpu.async_copy(vvu_hbm.at[pl.ds(off_a, CHUNK)], rows_a, s2)
        rb = pltpu.async_copy(vvu_hbm.at[pl.ds(off_b, CHUNK)], rows_b, s3)
        ia.wait()
        ra.wait()
        sa = pltpu.async_copy(rows_a, agg_sh.at[idx_a], s4, add=True)
        ib.wait()
        rb.wait()
        sb = pltpu.async_copy(rows_b, agg_sh.at[idx_b], s5, add=True)
        sa.wait()
        sb.wait()
        return carry

    lax.fori_loop(0, NFULL // 2, pair, 0)

    off = base + NFULL * CHUNK
    pltpu.sync_copy(idx_hbm.at[pl.ds(off, TAIL)], idx_t)
    pltpu.sync_copy(vvu_hbm.at[pl.ds(off, TAIL)], rows_t)
    pltpu.sync_copy(rows_t, agg_sh.at[idx_t], add=True)

    plsc.subcore_barrier()
    pltpu.sync_copy(agg_sh.at[pl.ds(row0, ROWS_PER_TILE)],
                    agg_hbm.at[cid, pl.ds(row0, ROWS_PER_TILE)])


def _scatter_agg(vvu, idx):
    mesh = plsc.VectorSubcoreMesh(core_axis_name="c", subcore_axis_name="s")
    zrow = jnp.zeros((CHUNK, D), jnp.float32)
    kern = functools.partial(
        pl.kernel,
        mesh=mesh,
        out_type=jax.ShapeDtypeStruct((2, LP, D), jnp.float32),
        scratch_types=[
            pltpu.VMEM((CHUNK,), jnp.int32),
            pltpu.VMEM((CHUNK,), jnp.int32),
            pltpu.VMEM((CHUNK, D), jnp.float32),
            pltpu.VMEM((CHUNK, D), jnp.float32),
            pltpu.VMEM((TAIL,), jnp.int32),
            pltpu.VMEM((TAIL, D), jnp.float32),
            pltpu.VMEM_SHARED((LP, D), jnp.float32),
            pltpu.SemaphoreType.DMA,
            pltpu.SemaphoreType.DMA,
            pltpu.SemaphoreType.DMA,
            pltpu.SemaphoreType.DMA,
            pltpu.SemaphoreType.DMA,
            pltpu.SemaphoreType.DMA,
        ],
    )(_scatter_agg_body)
    return kern(vvu, idx, zrow)


CHUNK_SM = 768
NFULL_SM = EDGES_PER_TILE // CHUNK_SM
TAIL_SM = EDGES_PER_TILE - NFULL_SM * CHUNK_SM


def _scatter_sm_body(exw_hbm, idx_hbm, sm_hbm, idx_v, ex_v, sm_t, sem):
    cid = lax.axis_index("c")
    sid = lax.axis_index("s")
    wid = sid * 2 + cid
    base = wid * EDGES_PER_TILE

    def zero(i, carry):
        sm_t[pl.ds(i * 16, 16)] = jnp.zeros((16,), jnp.float32)
        return carry

    lax.fori_loop(0, SMW // 16, zero, 0)

    def scatter_sm(nedges):
        for g in range(nedges // 16):
            rows = lax.iota(jnp.int32, 16) + g * 16
            nidx = idx_v[pl.ds(g * 16, 16)]
            for h in range(H):
                vals = plsc.load_gather(ex_v, [rows * HP + h])
                plsc.addupdate_scatter(sm_t, [nidx * H + h], vals)

    def body(c, carry):
        off = base + c * CHUNK_SM
        pltpu.sync_copy(idx_hbm.at[pl.ds(off, CHUNK_SM)], idx_v)
        pltpu.sync_copy(exw_hbm.at[pl.ds(off * HP, CHUNK_SM * HP)], ex_v)
        scatter_sm(CHUNK_SM)
        return carry

    lax.fori_loop(0, NFULL_SM, body, 0)

    off = base + NFULL_SM * CHUNK_SM
    pltpu.sync_copy(idx_hbm.at[pl.ds(off, TAIL_SM)], idx_v.at[pl.ds(0, TAIL_SM)])
    pltpu.sync_copy(exw_hbm.at[pl.ds(off * HP, TAIL_SM * HP)],
                    ex_v.at[pl.ds(0, TAIL_SM * HP)])
    scatter_sm(TAIL_SM)

    pltpu.sync_copy(sm_t, sm_hbm.at[wid])


def _scatter_sm(exw, idx):
    mesh = plsc.VectorSubcoreMesh(core_axis_name="c", subcore_axis_name="s")
    kern = functools.partial(
        pl.kernel,
        mesh=mesh,
        compiler_params=pltpu.CompilerParams(needs_layout_passes=False),
        out_type=jax.ShapeDtypeStruct((NTILES, SMW), jnp.float32),
        scratch_types=[
            pltpu.VMEM((CHUNK_SM,), jnp.int32),
            pltpu.VMEM((CHUNK_SM * HP,), jnp.float32),
            pltpu.VMEM((SMW,), jnp.float32),
            pltpu.SemaphoreType.DMA,
        ],
    )(_scatter_sm_body)
    return kern(exw.reshape(-1), idx)


def _rsm_body(a_ref, o_ref):
    s = jnp.sum(a_ref[...], axis=0)
    o_ref[...] = (1.0 / (s + 1e-7)).reshape(1, -1)


def _reduce_sm(sm32, block=8192):
    grid = SMW // block
    return pl.pallas_call(
        _rsm_body,
        grid=(grid,),
        in_specs=[pl.BlockSpec((NTILES, block), lambda i: (0, i))],
        out_specs=pl.BlockSpec((1, block), lambda i: (0, i)),
        out_shape=jax.ShapeDtypeStruct((1, SMW), jnp.float32),
    )(sm32)


def _final_body(agg_ref, r_ref, wo_ref, bo_ref, g_ref, b_ref, o_ref):
    agg = agg_ref[0] + agg_ref[1]
    b_ids = lax.broadcasted_iota(jnp.int32, (H, D), 0)
    d_ids = lax.broadcasted_iota(jnp.int32, (H, D), 1) // DH
    expand = jnp.where(b_ids == d_ids, 1.0, 0.0).astype(jnp.float32)
    mult = jnp.dot(r_ref[...], expand, precision=_PREC)
    out = jnp.dot(agg * mult, wo_ref[...], precision=_PREC) + bo_ref[...]
    mean = jnp.mean(out, axis=-1, keepdims=True)
    var = jnp.mean((out - mean) ** 2, axis=-1, keepdims=True)
    o_ref[...] = (out - mean) / jnp.sqrt(var + 1e-5) * g_ref[...] + b_ref[...]


def _final_stage(agg2, recip, wo, bo, gamma, beta, block=1000):
    grid = L // block
    return pl.pallas_call(
        _final_body,
        grid=(grid,),
        in_specs=[
            pl.BlockSpec((2, block, D), lambda i: (0, i, 0)),
            pl.BlockSpec((block, H), lambda i: (i, 0)),
            pl.BlockSpec((D, D), lambda i: (0, 0)),
            pl.BlockSpec((1, D), lambda i: (0, 0)),
            pl.BlockSpec((1, D), lambda i: (0, 0)),
            pl.BlockSpec((1, D), lambda i: (0, 0)),
        ],
        out_specs=pl.BlockSpec((block, D), lambda i: (i, 0)),
        out_shape=jax.ShapeDtypeStruct((L, D), jnp.float32),
    )(agg2, recip, wo, bo, gamma, beta)


def kernel(f, k, v, agg_idx, Wq, bq, Wk, bk, Wv, bv, Wo, bo, gamma, beta):
    idx = agg_idx.astype(jnp.int32)
    bq2 = bq.reshape(1, D)
    bk2 = bk.reshape(1, D)
    bv2 = bv.reshape(1, D)
    bo2 = bo.reshape(1, D)
    g2 = gamma.reshape(1, D)
    be2 = beta.reshape(1, D)

    q = _project(f, Wq, bq2, block=1000)
    qe = _gather_rows(q, idx)
    vvu, exw = _edge_stage(k, v, qe, Wk, bk2, Wv, bv2)
    agg2 = _scatter_agg(vvu, idx)
    sm32 = _scatter_sm(exw, idx)
    recip = _reduce_sm(sm32)
    agg2 = agg2[:, :L]
    recip = recip.reshape(LP, H)[:L]
    return _final_stage(agg2, recip, Wo, bo2, g2, be2)

# --- scband reference (transcript-rebuilt; emitter-appended) ---
"""Pipeline reference for scband-graph-attention-update-87196426043573 (READ-ONLY COPY).

The authoritative reference and input builder live on the scoring server;
editing this copy changes nothing except your own understanding.
"""

import jax, jax.numpy as jnp
import numpy as np

L = 10000
E = 320000
D = 128
H = 4
DH = D // H
SCALE = DH ** -0.5


def setup_inputs(seed: int = 0) -> dict:
    key = jax.random.key(seed)
    ks = jax.random.split(key, 10)
    f = jax.random.normal(ks[0], (L, D), dtype=jnp.float32)
    k = jax.random.normal(ks[1], (E, D), dtype=jnp.float32)
    v = jax.random.normal(ks[2], (E, D), dtype=jnp.float32)
    agg_idx = jax.random.randint(ks[3], (E,), 0, L, dtype=jnp.int64) if jax.config.jax_enable_x64 else jax.random.randint(ks[3], (E,), 0, L, dtype=jnp.int32)
    Wq = jax.random.normal(ks[4], (D, D), dtype=jnp.float32) * 0.02
    bq = jnp.zeros((D,), dtype=jnp.float32)
    Wk = jax.random.normal(ks[5], (D, D), dtype=jnp.float32) * 0.02
    bk = jnp.zeros((D,), dtype=jnp.float32)
    Wv = jax.random.normal(ks[6], (D, D), dtype=jnp.float32) * 0.02
    bv = jnp.zeros((D,), dtype=jnp.float32)
    Wo = jax.random.normal(ks[7], (D, D), dtype=jnp.float32) * 0.02
    bo = jnp.zeros((D,), dtype=jnp.float32)
    gamma = jnp.ones((D,), dtype=jnp.float32)
    beta = jnp.zeros((D,), dtype=jnp.float32)
    return {"f": f, "k": k, "v": v, "agg_idx": agg_idx, "Wq": Wq, "bq": bq, "Wk": Wk, "bk": bk, "Wv": Wv, "bv": bv, "Wo": Wo, "bo": bo, "gamma": gamma, "beta": beta}


def _layernorm(x, gamma, beta, eps=1e-5):
    mean = jnp.mean(x, axis=-1, keepdims=True)
    var = jnp.mean((x - mean) ** 2, axis=-1, keepdims=True)
    return (x - mean) / jnp.sqrt(var + eps) * gamma + beta


def reference(f, k, v, agg_idx, Wq, bq, Wk, bk, Wv, bv, Wo, bo, gamma, beta):
    # Linear projections (eval mode: dropout disabled)
    q = (f @ Wq + bq).reshape(L, H, DH)
    kk = (k @ Wk + bk).reshape(E, H, DH)
    vv = (v @ Wv + bv).reshape(E, H, DH)
    # gather query per edge, dot with key per head
    qe = jnp.take(q, agg_idx, axis=0)  # [E, H, DH]
    attn = jnp.sum(qe * kk, axis=-1) * SCALE  # [E, H]
    # scatter_softmax over edges grouped by agg_idx (eps=1e-7 as in original)
    mx = jax.ops.segment_max(attn, agg_idx, num_segments=L)  # [L, H]
    rec = attn - jnp.take(mx, agg_idx, axis=0)
    ex = jnp.exp(rec)
    sm = jax.ops.segment_sum(ex, agg_idx, num_segments=L)
    attn = ex / (jnp.take(sm, agg_idx, axis=0) + 1e-7)
    # weighted values, scatter-sum to nodes
    vv = vv * attn[..., None]
    vv = vv.reshape(E, D)
    agg = jax.ops.segment_sum(vv, agg_idx, num_segments=L)  # [L, D]
    out = agg @ Wo + bo
    return _layernorm(out, gamma, beta)

if __name__ == "__main__":
    import jax
    _d = setup_inputs()
    print(jax.jit(kernel)(*tuple(_d.values())))

</pallas_src>

<mosaic_0001>
#map = affine_map<(d0, d1) -> (0)>
#map1 = affine_map<(d0, d1) -> (0, 0)>
module attributes {stable_mosaic.version = 14 : i64} {
  func.func @_scatter_sm_body(%arg0: i32, %arg1: i32, %arg2: memref<5120000xf32, #tpu.memory_space<hbm>>, %arg3: memref<320000xi32, #tpu.memory_space<hbm>>, %arg4: memref<32x40960xf32, #tpu.memory_space<hbm>>, %arg5: memref<768xi32, #tpu.memory_space<vmem>>, %arg6: memref<12288xf32, #tpu.memory_space<vmem>>, %arg7: memref<40960xf32, #tpu.memory_space<vmem>>, %arg8: memref<!tpu.dma_semaphore, #tpu.memory_space<semaphore_mem>>) attributes {dimension_semantics = [#tpu.dimension_semantics<core_parallel>, #tpu.dimension_semantics<subcore_parallel>], iteration_bounds = array<i64: 2, 16>, scalar_prefetch = 0 : i64, scratch_operands = 4 : i64, tpu.core_type = #tpu.core_type<sc_vector_subcore>, window_params = [{transform_indices = #map}, {transform_indices = #map}, {transform_indices = #map1}]} {
    %mul3A = arith.constant 2 : i32
    %mul3A_0 = arith.muli %arg1, %mul3A : i32
    %add3A = arith.addi %mul3A_0, %arg0 : i32
    %mul3A_1 = arith.constant 10000 : i32
    %mul3A_2 = arith.muli %add3A, %mul3A_1 : i32
    %scan3A = arith.constant 0 : i32
    %scan3A_3 = arith.constant 0 : i32
    %scan3A_4 = arith.constant 2560 : i32
    %scan3A_5 = arith.addi %scan3A_3, %scan3A_4 : i32
    %scan3A_6 = arith.constant 1 : i32
    scf.for %scan3A_73 = %scan3A_3 to %scan3A_5 step %scan3A_6  : i32 {
      %broadcast_in_dim3A = arith.constant 0.000000e+00 : f32
      %broadcast_in_dim3A_74 = vector.broadcast %broadcast_in_dim3A : f32 to vector<16xf32>
      %mul3A_75 = arith.constant 16 : i32
      %mul3A_76 = arith.muli %scan3A_73, %mul3A_75 : i32
      %swap3A = arith.index_cast %mul3A_76 : i32 to index
      %swap3A_77 = tpu.vector_load %arg7[%swap3A] {strides = array<i32>} : memref<40960xf32, #tpu.memory_space<vmem>>, vector<16xf32>,
      tpu.vector_store %arg7[%swap3A], %broadcast_in_dim3A_74 {strides = array<i32>} : memref<40960xf32, #tpu.memory_space<vmem>>, vector<16xf32>,
    }
    %scan3A_7 = arith.constant 2560 : i32
    %scan3A_8 = arith.constant 0 : i32
    %scan3A_9 = arith.constant 0 : i32
    %scan3A_10 = arith.constant 13 : i32
    %scan3A_11 = arith.addi %scan3A_9, %scan3A_10 : i32
    %scan3A_12 = arith.constant 1 : i32
    scf.for %scan3A_73 = %scan3A_9 to %scan3A_11 step %scan3A_12  : i32 {
      %mul3A_74 = arith.constant 768 : i32
      %mul3A_75 = arith.muli %scan3A_73, %mul3A_74 : i32
      %add3A_76 = arith.addi %mul3A_2, %mul3A_75 : i32
      "tpu.region"() ({
        %run_scoped3A = tpu.sem_alloc : memref<!tpu.dma_semaphore, #tpu.memory_space<semaphore_mem>>
        %dma_start3A = tpu.memref_slice %arg3[%add3A_76] : memref<320000xi32, #tpu.memory_space<hbm>> -> memref<768xi32, #tpu.memory_space<hbm>>
        %dma_start3A_2863 = tpu.memref_slice %arg3[%add3A_76] : memref<320000xi32, #tpu.memory_space<hbm>> -> memref<768xi32, #tpu.memory_space<hbm>>
        tpu.enqueue_dma source(%dma_start3A_2863 : memref<768xi32, #tpu.memory_space<hbm>>) target(%arg5 : memref<768xi32, #tpu.memory_space<vmem>>) target_semaphore(%run_scoped3A : memref<!tpu.dma_semaphore, #tpu.memory_space<semaphore_mem>>)
        %dma_wait3A = tpu.memref_slice %arg3[%add3A_76] : memref<320000xi32, #tpu.memory_space<hbm>> -> memref<768xi32, #tpu.memory_space<hbm>>
        %dma_wait3A_2864 = tpu.memref_slice %arg3[%add3A_76] : memref<320000xi32, #tpu.memory_space<hbm>> -> memref<768xi32, #tpu.memory_space<hbm>>
        tpu.wait_dma2 semaphore(%run_scoped3A : memref<!tpu.dma_semaphore, #tpu.memory_space<semaphore_mem>>) src(%dma_wait3A_2864 : memref<768xi32, #tpu.memory_space<hbm>>) dst(%arg5 : memref<768xi32, #tpu.memory_space<vmem>>)
        tpu.yield
      }) : () -> ()
      %mul3A_77 = arith.constant 16 : i32
      %mul3A_78 = arith.muli %add3A_76, %mul3A_77 : i32
      "tpu.region"() ({
        %run_scoped3A = tpu.sem_alloc : memref<!tpu.dma_semaphore, #tpu.memory_space<semaphore_mem>>
        %dma_start3A = tpu.memref_slice %arg2[%mul3A_78] : memref<5120000xf32, #tpu.memory_space<hbm>> -> memref<12288xf32, #tpu.memory_space<hbm>>
        %dma_start3A_2863 = tpu.memref_slice %arg2[%mul3A_78] : memref<5120000xf32, #tpu.memory_space<hbm>> -> memref<12288xf32, #tpu.memory_space<hbm>>
        tpu.enqueue_dma source(%dma_start3A_2863 : memref<12288xf32, #tpu.memory_space<hbm>>) target(%arg6 : memref<12288xf32, #tpu.memory_space<vmem>>) target_semaphore(%run_scoped3A : memref<!tpu.dma_semaphore, #tpu.memory_space<semaphore_mem>>)
        %dma_wait3A = tpu.memref_slice %arg2[%mul3A_78] : memref<5120000xf32, #tpu.memory_space<hbm>> -> memref<12288xf32, #tpu.memory_space<hbm>>
        %dma_wait3A_2864 = tpu.memref_slice %arg2[%mul3A_78] : memref<5120000xf32, #tpu.memory_space<hbm>> -> memref<12288xf32, #tpu.memory_space<hbm>>
        tpu.wait_dma2 semaphore(%run_scoped3A : memref<!tpu.dma_semaphore, #tpu.memory_space<semaphore_mem>>) src(%dma_wait3A_2864 : memref<12288xf32, #tpu.memory_space<hbm>>) dst(%arg6 : memref<12288xf32, #tpu.memory_space<vmem>>)
        tpu.yield
      }) : () -> ()
      %iota3A_79 = tpu.iota {dimensions = array<i32: 0>} : vector<16xi32>
      %add3A_80 = arith.constant 0 : i32
      %add3A_81 = vector.broadcast %add3A_80 : i32 to vector<16xi32>
      %add3A_82 = arith.addi %iota3A_79, %add3A_81 : vector<16xi32>
      %get3A_83 = arith.constant 0 : index
      %get3A_84 = tpu.vector_load %arg5[%get3A_83] {strides = array<i32>} : memref<768xi32, #tpu.memory_space<vmem>>, vector<16xi32>,
      %mul3A_85 = arith.constant 16 : i32
      %mul3A_86 = vector.broadcast %mul3A_85 : i32 to vector<16xi32>
      %mul3A_87 = arith.muli %add3A_82, %mul3A_86 : vector<16xi32>
      %add3A_88 = arith.constant 0 : i32
      %add3A_89 = vector.broadcast %add3A_88 : i32 to vector<16xi32>
      %add3A_90 = arith.addi %mul3A_87, %add3A_89 : vector<16xi32>
      %gather3A_91 = tpu.vector_load_idx %arg6[%add3A_90] : memref<12288xf32, #tpu.memory_space<vmem>>[vector<16xi32>], vector<16xf32>,
      %mul3A_92 = arith.constant 4 : i32
      %mul3A_93 = vector.broadcast %mul3A_92 : i32 to vector<16xi32>
      %mul3A_94 = arith.muli %get3A_84, %mul3A_93 : vector<16xi32>
      %add3A_95 = arith.constant 0 : i32
      %add3A_96 = vector.broadcast %add3A_95 : i32 to vector<16xi32>
      %add3A_97 = arith.addi %mul3A_94, %add3A_96 : vector<16xi32>
      tpu.vector_store_idx %arg7[%add3A_97], %gather3A_91 {add = true} : memref<40960xf32, #tpu.memory_space<vmem>>[vector<16xi32>], vector<16xf32>,
      %mul3A_98 = arith.constant 16 : i32
      %mul3A_99 = vector.broadcast %mul3A_98 : i32 to vector<16xi32>
      %mul3A_100 = arith.muli %add3A_82, %mul3A_99 : vector<16xi32>
      %add3A_101 = arith.constant 1 : i32
      %add3A_102 = vector.broadcast %add3A_101 : i32 to vector<16xi32>
      %add3A_103 = arith.addi %mul3A_100, %add3A_102 : vector<16xi32>
      %gather3A_104 = tpu.vector_load_idx %arg6[%add3A_103] : memref<12288xf32, #tpu.memory_space<vmem>>[vector<16xi32>], vector<16xf32>,
      %mul3A_105 = arith.constant 4 : i32
      %mul3A_106 = vector.broadcast %mul3A_105 : i32 to vector<16xi32>
      %mul3A_107 = arith.muli %get3A_84, %mul3A_106 : vector<16xi32>
      %add3A_108 = arith.constant 1 : i32
      %add3A_109 = vector.broadcast %add3A_108 : i32 to vector<16xi32>
      %add3A_110 = arith.addi %mul3A_107, %add3A_109 : vector<16xi32>
      tpu.vector_store_idx %arg7[%add3A_110], %gather3A_104 {add = true} : memref<40960xf32, #tpu.memory_space<vmem>>[vector<16xi32>], vector<16xf32>,
      %mul3A_111 = arith.constant 16 : i32
      %mul3A_112 = vector.broadcast %mul3A_111 : i32 to vector<16xi32>
      %mul3A_113 = arith.muli %add3A_82, %mul3A_112 : vector<16xi32>
      %add3A_114 = arith.constant 2 : i32
      %add3A_115 = vector.broadcast %add3A_114 : i32 to vector<16xi32>
      %add3A_116 = arith.addi %mul3A_113, %add3A_115 : vector<16xi32>
      %gather3A_117 = tpu.vector_load_idx %arg6[%add3A_116] : memref<12288xf32, #tpu.memory_space<vmem>>[vector<16xi32>], vector<16xf32>,
      %mul3A_118 = arith.constant 4 : i32
      %mul3A_119 = vector.broadcast %mul3A_118 : i32 to vector<16xi32>
      %mul3A_120 = arith.muli %get3A_84, %mul3A_119 : vector<16xi32>
      %add3A_121 = arith.constant 2 : i32
      %add3A_122 = vector.broadcast %add3A_121 : i32 to vector<16xi32>
      %add3A_123 = arith.addi %mul3A_120, %add3A_122 : vector<16xi32>
      tpu.vector_store_idx %arg7[%add3A_123], %gather3A_117 {add = true} : memref<40960xf32, #tpu.memory_space<vmem>>[vector<16xi32>], vector<16xf32>,
      %mul3A_124 = arith.constant 16 : i32
      %mul3A_125 = vector.broadcast %mul3A_124 : i32 to vector<16xi32>
      %mul3A_126 = arith.muli %add3A_82, %mul3A_125 : vector<16xi32>
      %add3A_127 = arith.constant 3 : i32
      %add3A_128 = vector.broadcast %add3A_127 : i32 to vector<16xi32>
      %add3A_129 = arith.addi %mul3A_126, %add3A_128 : vector<16xi32>
      %gather3A_130 = tpu.vector_load_idx %arg6[%add3A_129] : memref<12288xf32, #tpu.memory_space<vmem>>[vector<16xi32>], vector<16xf32>,
      %mul3A_131 = arith.constant 4 : i32
      %mul3A_132 = vector.broadcast %mul3A_131 : i32 to vector<16xi32>
      %mul3A_133 = arith.muli %get3A_84, %mul3A_132 : vector<16xi32>
      %add3A_134 = arith.constant 3 : i32
      %add3A_135 = vector.broadcast %add3A_134 : i32 to vector<16xi32>
      %add3A_136 = arith.addi %mul3A_133, %add3A_135 : vector<16xi32>
      tpu.vector_store_idx %arg7[%add3A_136], %gather3A_130 {add = true} : memref<40960xf32, #tpu.memory_space<vmem>>[vector<16xi32>], vector<16xf32>,
      %iota3A_137 = tpu.iota {dimensions = array<i32: 0>} : vector<16xi32>
      %add3A_138 = arith.constant 16 : i32
      %add3A_139 = vector.broadcast %add3A_138 : i32 to vector<16xi32>
      %add3A_140 = arith.addi %iota3A_137, %add3A_139 : vector<16xi32>
      %get3A_141 = arith.constant 16 : index
      %get3A_142 = tpu.vector_load %arg5[%get3A_141] {strides = array<i32>} : memref<768xi32, #tpu.memory_space<vmem>>, vector<16xi32>,
      %mul3A_143 = arith.constant 16 : i32
      %mul3A_144 = vector.broadcast %mul3A_143 : i32 to vector<16xi32>
      %mul3A_145 = arith.muli %add3A_140, %mul3A_144 : vector<16xi32>
      %add3A_146 = arith.constant 0 : i32
      %add3A_147 = vector.broadcast %add3A_146 : i32 to vector<16xi32>
      %add3A_148 = arith.addi %mul3A_145, %add3A_147 : vector<16xi32>
      %gather3A_149 = tpu.vector_load_idx %arg6[%add3A_148] : memref<12288xf32, #tpu.memory_space<vmem>>[vector<16xi32>], vector<16xf32>,
      %mul3A_150 = arith.constant 4 : i32
      %mul3A_151 = vector.broadcast %mul3A_150 : i32 to vector<16xi32>
      %mul3A_152 = arith.muli %get3A_142, %mul3A_151 : vector<16xi32>
      %add3A_153 = arith.constant 0 : i32
      %add3A_154 = vector.broadcast %add3A_153 : i32 to vector<16xi32>
      %add3A_155 = arith.addi %mul3A_152, %add3A_154 : vector<16xi32>
      tpu.vector_store_idx %arg7[%add3A_155], %gather3A_149 {add = true} : memref<40960xf32, #tpu.memory_space<vmem>>[vector<16xi32>], vector<16xf32>,
      %mul3A_156 = arith.constant 16 : i32
      %mul3A_157 = vector.broadcast %mul3A_156 : i32 to vector<16xi32>
      %mul3A_158 = arith.muli %add3A_140, %mul3A_157 : vector<16xi32>
      %add3A_159 = arith.constant 1 : i32
      %add3A_160 = vector.broadcast %add3A_159 : i32 to vector<16xi32>
      %add3A_161 = arith.addi %mul3A_158, %add3A_160 : vector<16xi32>
      %gather3A_162 = tpu.vector_load_idx %arg6[%add3A_161] : memref<12288xf32, #tpu.memory_space<vmem>>[vector<16xi32>], vector<16xf32>,
      %mul3A_163 = arith.constant 4 : i32
      %mul3A_164 = vector.broadcast %mul3A_163 : i32 to vector<16xi32>
      %mul3A_165 = arith.muli %get3A_142, %mul3A_164 : vector<16xi32>
      %add3A_166 = arith.constant 1 : i32
      %add3A_167 = vector.broadcast %add3A_166 : i32 to vector<16xi32>
      %add3A_168 = arith.addi %mul3A_165, %add3A_167 : vector<16xi32>
      tpu.vector_store_idx %arg7[%add3A_168], %gather3A_162 {add = true} : memref<40960xf32, #tpu.memory_space<vmem>>[vector<16xi32>], vector<16xf32>,
      %mul3A_169 = arith.constant 16 : i32
      %mul3A_170 = vector.broadcast %mul3A_169 : i32 to vector<16xi32>
      %mul3A_171 = arith.muli %add3A_140, %mul3A_170 : vector<16xi32>
      %add3A_172 = arith.constant 2 : i32
      %add3A_173 = vector.broadcast %add3A_172 : i32 to vector<16xi32>
      %add3A_174 = arith.addi %mul3A_171, %add3A_173 : vector<16xi32>
      %gather3A_175 = tpu.vector_load_idx %arg6[%add3A_174] : memref<12288xf32, #tpu.memory_space<vmem>>[vector<16xi32>], vector<16xf32>,
      %mul3A_176 = arith.constant 4 : i32
      %mul3A_177 = vector.broadcast %mul3A_176 : i32 to vector<16xi32>
      %mul3A_178 = arith.muli %get3A_142, %mul3A_177 : vector<16xi32>
      %add3A_179 = arith.constant 2 : i32
      %add3A_180 = vector.broadcast %add3A_179 : i32 to vector<16xi32>
      %add3A_181 = arith.addi %mul3A_178, %add3A_180 : vector<16xi32>
      tpu.vector_store_idx %arg7[%add3A_181], %gather3A_175 {add = true} : memref<40960xf32, #tpu.memory_space<vmem>>[vector<16xi32>], vector<16xf32>,
      %mul3A_182 = arith.constant 16 : i32
      %mul3A_183 = vector.broadcast %mul3A_182 : i32 to vector<16xi32>
      %mul3A_184 = arith.muli %add3A_140, %mul3A_183 : vector<16xi32>
      %add3A_185 = arith.constant 3 : i32
      %add3A_186 = vector.broadcast %add3A_185 : i32 to vector<16xi32>
      %add3A_187 = arith.addi %mul3A_184, %add3A_186 : vector<16xi32>
      %gather3A_188 = tpu.vector_load_idx %arg6[%add3A_187] : memref<12288xf32, #tpu.memory_space<vmem>>[vector<16xi32>], vector<16xf32>,
      %mul3A_189 = arith.constant 4 : i32
      %mul3A_190 = vector.broadcast %mul3A_189 : i32 to vector<16xi32>
      %mul3A_191 = arith.muli %get3A_142, %mul3A_190 : vector<16xi32>
      %add3A_192 = arith.constant 3 : i32
      %add3A_193 = vector.broadcast %add3A_192 : i32 to vector<16xi32>
      %add3A_194 = arith.addi %mul3A_191, %add3A_193 : vector<16xi32>
      tpu.vector_store_idx %arg7[%add3A_194], %gather3A_188 {add = true} : memref<40960xf32, #tpu.memory_space<vmem>>[vector<16xi32>], vector<16xf32>,
      %iota3A_195 = tpu.iota {dimensions = array<i32: 0>} : vector<16xi32>
      %add3A_196 = arith.constant 32 : i32
      %add3A_197 = vector.broadcast %add3A_196 : i32 to vector<16xi32>
      %add3A_198 = arith.addi %iota3A_195, %add3A_197 : vector<16xi32>
      %get3A_199 = arith.constant 32 : index
      %get3A_200 = tpu.vector_load %arg5[%get3A_199] {strides = array<i32>} : memref<768xi32, #tpu.memory_space<vmem>>, vector<16xi32>,
      %mul3A_201 = arith.constant 16 : i32
      %mul3A_202 = vector.broadcast %mul3A_201 : i32 to vector<16xi32>
      %mul3A_203 = arith.muli %add3A_198, %mul3A_202 : vector<16xi32>
      %add3A_204 = arith.constant 0 : i32
      %add3A_205 = vector.broadcast %add3A_204 : i32 to vector<16xi32>
      %add3A_206 = arith.addi %mul3A_203, %add3A_205 : vector<16xi32>
      %gather3A_207 = tpu.vector_load_idx %arg6[%add3A_206] : memref<12288xf32, #tpu.memory_space<vmem>>[vector<16xi32>], vector<16xf32>,
      %mul3A_208 = arith.constant 4 : i32
      %mul3A_209 = vector.broadcast %mul3A_208 : i32 to vector<16xi32>
      %mul3A_210 = arith.muli %get3A_200, %mul3A_209 : vector<16xi32>
      %add3A_211 = arith.constant 0 : i32
      %add3A_212 = vector.broadcast %add3A_211 : i32 to vector<16xi32>
      %add3A_213 = arith.addi %mul3A_210, %add3A_212 : vector<16xi32>
      tpu.vector_store_idx %arg7[%add3A_213], %gather3A_207 {add = true} : memref<40960xf32, #tpu.memory_space<vmem>>[vector<16xi32>], vector<16xf32>,
      %mul3A_214 = arith.constant 16 : i32
      %mul3A_215 = vector.broadcast %mul3A_214 : i32 to vector<16xi32>
      %mul3A_216 = arith.muli %add3A_198, %mul3A_215 : vector<16xi32>
      %add3A_217 = arith.constant 1 : i32
      %add3A_218 = vector.broadcast %add3A_217 : i32 to vector<16xi32>
      %add3A_219 = arith.addi %mul3A_216, %add3A_218 : vector<16xi32>
      %gather3A_220 = tpu.vector_load_idx %arg6[%add3A_219] : memref<12288xf32, #tpu.memory_space<vmem>>[vector<16xi32>], vector<16xf32>,
      %mul3A_221 = arith.constant 4 : i32
      %mul3A_222 = vector.broadcast %mul3A_221 : i32 to vector<16xi32>
      %mul3A_223 = arith.muli %get3A_200, %mul3A_222 : vector<16xi32>
      %add3A_224 = arith.constant 1 : i32
      %add3A_225 = vector.broadcast %add3A_224 : i32 to vector<16xi32>
      %add3A_226 = arith.addi %mul3A_223, %add3A_225 : vector<16xi32>
      tpu.vector_store_idx %arg7[%add3A_226], %gather3A_220 {add = true} : memref<40960xf32, #tpu.memory_space<vmem>>[vector<16xi32>], vector<16xf32>,
      %mul3A_227 = arith.constant 16 : i32
      %mul3A_228 = vector.broadcast %mul3A_227 : i32 to vector<16xi32>
      %mul3A_229 = arith.muli %add3A_198, %mul3A_228 : vector<16xi32>
      %add3A_230 = arith.constant 2 : i32
      %add3A_231 = vector.broadcast %add3A_230 : i32 to vector<16xi32>
      %add3A_232 = arith.addi %mul3A_229, %add3A_231 : vector<16xi32>
      %gather3A_233 = tpu.vector_load_idx %arg6[%add3A_232] : memref<12288xf32, #tpu.memory_space<vmem>>[vector<16xi32>], vector<16xf32>,
      %mul3A_234 = arith.constant 4 : i32
      %mul3A_235 = vector.broadcast %mul3A_234 : i32 to vector<16xi32>
      %mul3A_236 = arith.muli %get3A_200, %mul3A_235 : vector<16xi32>
      %add3A_237 = arith.constant 2 : i32
      %add3A_238 = vector.broadcast %add3A_237 : i32 to vector<16xi32>
      %add3A_239 = arith.addi %mul3A_236, %add3A_238 : vector<16xi32>
      tpu.vector_store_idx %arg7[%add3A_239], %gather3A_233 {add = true} : memref<40960xf32, #tpu.memory_space<vmem>>[vector<16xi32>], vector<16xf32>,
      %mul3A_240 = arith.constant 16 : i32
      %mul3A_241 = vector.broadcast %mul3A_240 : i32 to vector<16xi32>
      %mul3A_242 = arith.muli %add3A_198, %mul3A_241 : vector<16xi32>
      %add3A_243 = arith.constant 3 : i32
      %add3A_244 = vector.broadcast %add3A_243 : i32 to vector<16xi32>
      %add3A_245 = arith.addi %mul3A_242, %add3A_244 : vector<16xi32>
      %gather3A_246 = tpu.vector_load_idx %arg6[%add3A_245] : memref<12288xf32, #tpu.memory_space<vmem>>[vector<16xi32>], vector<16xf32>,
      %mul3A_247 = arith.constant 4 : i32
      %mul3A_248 = vector.broadcast %mul3A_247 : i32 to vector<16xi32>
      %mul3A_249 = arith.muli %get3A_200, %mul3A_248 : vector<16xi32>
      %add3A_250 = arith.constant 3 : i32
      %add3A_251 = vector.broadcast %add3A_250 : i32 to vector<16xi32>
      %add3A_252 = arith.addi %mul3A_249, %add3A_251 : vector<16xi32>
      tpu.vector_store_idx %arg7[%add3A_252], %gather3A_246 {add = true} : memref<40960xf32, #tpu.memory_space<vmem>>[vector<16xi32>], vector<16xf32>,
      %iota3A_253 = tpu.iota {dimensions = array<i32: 0>} : vector<16xi32>
      %add3A_254 = arith.constant 48 : i32
      %add3A_255 = vector.broadcast %add3A_254 : i32 to vector<16xi32>
      %add3A_256 = arith.addi %iota3A_253, %add3A_255 : vector<16xi32>
      %get3A_257 = arith.constant 48 : index
      %get3A_258 = tpu.vector_load %arg5[%get3A_257] {strides = array<i32>} : memref<768xi32, #tpu.memory_space<vmem>>, vector<16xi32>,
      %mul3A_259 = arith.constant 16 : i32
      %mul3A_260 = vector.broadcast %mul3A_259 : i32 to vector<16xi32>
      %mul3A_261 = arith.muli %add3A_256, %mul3A_260 : vector<16xi32>
      %add3A_262 = arith.constant 0 : i32
      %add3A_263 = vector.broadcast %add3A_262 : i32 to vector<16xi32>
      %add3A_264 = arith.addi %mul3A_261, %add3A_263 : vector<16xi32>
      %gather3A_265 = tpu.vector_load_idx %arg6[%add3A_264] : memref<12288xf32, #tpu.memory_space<vmem>>[vector<16xi32>], vector<16xf32>,
      %mul3A_266 = arith.constant 4 : i32
      %mul3A_267 = vector.broadcast %mul3A_266 : i32 to vector<16xi32>
      %mul3A_268 = arith.muli %get3A_258, %mul3A_267 : vector<16xi32>
      %add3A_269 = arith.constant 0 : i32
      %add3A_270 = vector.broadcast %add3A_269 : i32 to vector<16xi32>
      %add3A_271 = arith.addi %mul3A_268, %add3A_270 : vector<16xi32>
      tpu.vector_store_idx %arg7[%add3A_271], %gather3A_265 {add = true} : memref<40960xf32, #tpu.memory_space<vmem>>[vector<16xi32>], vector<16xf32>,
      %mul3A_272 = arith.constant 16 : i32
      %mul3A_273 = vector.broadcast %mul3A_272 : i32 to vector<16xi32>
      %mul3A_274 = arith.muli %add3A_256, %mul3A_273 : vector<16xi32>
      %add3A_275 = arith.constant 1 : i32
      %add3A_276 = vector.broadcast %add3A_275 : i32 to vector<16xi32>
      %add3A_277 = arith.addi %mul3A_274, %add3A_276 : vector<16xi32>
      %gather3A_278 = tpu.vector_load_idx %arg6[%add3A_277] : memref<12288xf32, #tpu.memory_space<vmem>>[vector<16xi32>], vector<16xf32>,
      %mul3A_279 = arith.constant 4 : i32
      %mul3A_280 = vector.broadcast %mul3A_279 : i32 to vector<16xi32>
      %mul3A_281 = arith.muli %get3A_258, %mul3A_280 : vector<16xi32>
      %add3A_282 = arith.constant 1 : i32
      %add3A_283 = vector.broadcast %add3A_282 : i32 to vector<16xi32>
      %add3A_284 = arith.addi %mul3A_281, %add3A_283 : vector<16xi32>
      tpu.vector_store_idx %arg7[%add3A_284], %gather3A_278 {add = true} : memref<40960xf32, #tpu.memory_space<vmem>>[vector<16xi32>], vector<16xf32>,
      %mul3A_285 = arith.constant 16 : i32
      %mul3A_286 = vector.broadcast %mul3A_285 : i32 to vector<16xi32>
      %mul3A_287 = arith.muli %add3A_256, %mul3A_286 : vector<16xi32>
      %add3A_288 = arith.constant 2 : i32
      %add3A_289 = vector.broadcast %add3A_288 : i32 to vector<16xi32>
      %add3A_290 = arith.addi %mul3A_287, %add3A_289 : vector<16xi32>
      %gather3A_291 = tpu.vector_load_idx %arg6[%add3A_290] : memref<12288xf32, #tpu.memory_space<vmem>>[vector<16xi32>], vector<16xf32>,
      %mul3A_292 = arith.constant 4 : i32
      %mul3A_293 = vector.broadcast %mul3A_292 : i32 to vector<16xi32>
      %mul3A_294 = arith.muli %get3A_258, %mul3A_293 : vector<16xi32>
      %add3A_295 = arith.constant 2 : i32
      %add3A_296 = vector.broadcast %add3A_295 : i32 to vector<16xi32>
      %add3A_297 = arith.addi %mul3A_294, %add3A_296 : vector<16xi32>
      tpu.vector_store_idx %arg7[%add3A_297], %gather3A_291 {add = true} : memref<40960xf32, #tpu.memory_space<vmem>>[vector<16xi32>], vector<16xf32>,
      %mul3A_298 = arith.constant 16 : i32
      %mul3A_299 = vector.broadcast %mul3A_298 : i32 to vector<16xi32>
      %mul3A_300 = arith.muli %add3A_256, %mul3A_299 : vector<16xi32>
      %add3A_301 = arith.constant 3 : i32
      %add3A_302 = vector.broadcast %add3A_301 : i32 to vector<16xi32>
      %add3A_303 = arith.addi %mul3A_300, %add3A_302 : vector<16xi32>
      %gather3A_304 = tpu.vector_load_idx %arg6[%add3A_303] : memref<12288xf32, #tpu.memory_space<vmem>>[vector<16xi32>], vector<16xf32>,
      %mul3A_305 = arith.constant 4 : i32
      %mul3A_306 = vector.broadcast %mul3A_305 : i32 to vector<16xi32>
      %mul3A_307 = arith.muli %get3A_258, %mul3A_306 : vector<16xi32>
      %add3A_308 = arith.constant 3 : i32
      %add3A_309 = vector.broadcast %add3A_308 : i32 to vector<16xi32>
      %add3A_310 = arith.addi %mul3A_307, %add3A_309 : vector<16xi32>
      tpu.vector_store_idx %arg7[%add3A_310], %gather3A_304 {add = true} : memref<40960xf32, #tpu.memory_space<vmem>>[vector<16xi32>], vector<16xf32>,
      %iota3A_311 = tpu.iota {dimensions = array<i32: 0>} : vector<16xi32>
      %add3A_312 = arith.constant 64 : i32
      %add3A_313 = vector.broadcast %add3A_312 : i32 to vector<16xi32>
      %add3A_314 = arith.addi %iota3A_311, %add3A_313 : vector<16xi32>
      %get3A_315 = arith.constant 64 : index
      %get3A_316 = tpu.vector_load %arg5[%get3A_315] {strides = array<i32>} : memref<768xi32, #tpu.memory_space<vmem>>, vector<16xi32>,
      %mul3A_317 = arith.constant 16 : i32
      %mul3A_318 = vector.broadcast %mul3A_317 : i32 to vector<16xi32>
      %mul3A_319 = arith.muli %add3A_314, %mul3A_318 : vector<16xi32>
      %add3A_320 = arith.constant 0 : i32
      %add3A_321 = vector.broadcast %add3A_320 : i32 to vector<16xi32>
      %add3A_322 = arith.addi %mul3A_319, %add3A_321 : vector<16xi32>
      %gather3A_323 = tpu.vector_load_idx %arg6[%add3A_322] : memref<12288xf32, #tpu.memory_space<vmem>>[vector<16xi32>], vector<16xf32>,
      %mul3A_324 = arith.constant 4 : i32
      %mul3A_325 = vector.broadcast %mul3A_324 : i32 to vector<16xi32>
      %mul3A_326 = arith.muli %get3A_316, %mul3A_325 : vector<16xi32>
      %add3A_327 = arith.constant 0 : i32
      %add3A_328 = vector.broadcast %add3A_327 : i32 to vector<16xi32>
      %add3A_329 = arith.addi %mul3A_326, %add3A_328 : vector<16xi32>
      tpu.vector_store_idx %arg7[%add3A_329], %gather3A_323 {add = true} : memref<40960xf32, #tpu.memory_space<vmem>>[vector<16xi32>], vector<16xf32>,
      %mul3A_330 = arith.constant 16 : i32
      %mul3A_331 = vector.broadcast %mul3A_330 : i32 to vector<16xi32>
      %mul3A_332 = arith.muli %add3A_314, %mul3A_331 : vector<16xi32>
      %add3A_333 = arith.constant 1 : i32
      %add3A_334 = vector.broadcast %add3A_333 : i32 to vector<16xi32>
      %add3A_335 = arith.addi %mul3A_332, %add3A_334 : vector<16xi32>
      %gather3A_336 = tpu.vector_load_idx %arg6[%add3A_335] : memref<12288xf32, #tpu.memory_space<vmem>>[vector<16xi32>], vector<16xf32>,
      %mul3A_337 = arith.constant 4 : i32
      %mul3A_338 = vector.broadcast %mul3A_337 : i32 to vector<16xi32>
      %mul3A_339 = arith.muli %get3A_316, %mul3A_338 : vector<16xi32>
      %add3A_340 = arith.constant 1 : i32
      %add3A_341 = vector.broadcast %add3A_340 : i32 to vector<16xi32>
      %add3A_342 = arith.addi %mul3A_339, %add3A_341 : vector<16xi32>
      tpu.vector_store_idx %arg7[%add3A_342], %gather3A_336 {add = true} : memref<40960xf32, #tpu.memory_space<vmem>>[vector<16xi32>], vector<16xf32>,
      %mul3A_343 = arith.constant 16 : i32
      %mul3A_344 = vector.broadcast %mul3A_343 : i32 to vector<16xi32>
      %mul3A_345 = arith.muli %add3A_314, %mul3A_344 : vector<16xi32>
      %add3A_346 = arith.constant 2 : i32
      %add3A_347 = vector.broadcast %add3A_346 : i32 to vector<16xi32>
      %add3A_348 = arith.addi %mul3A_345, %add3A_347 : vector<16xi32>
      %gather3A_349 = tpu.vector_load_idx %arg6[%add3A_348] : memref<12288xf32, #tpu.memory_space<vmem>>[vector<16xi32>], vector<16xf32>,
      %mul3A_350 = arith.constant 4 : i32
      %mul3A_351 = vector.broadcast %mul3A_350 : i32 to vector<16xi32>
      %mul3A_352 = arith.muli %get3A_316, %mul3A_351 : vector<16xi32>
      %add3A_353 = arith.constant 2 : i32
      %add3A_354 = vector.broadcast %add3A_353 : i32 to vector<16xi32>
      %add3A_355 = arith.addi %mul3A_352, %add3A_354 : vector<16xi32>
      tpu.vector_store_idx %arg7[%add3A_355], %gather3A_349 {add = true} : memref<40960xf32, #tpu.memory_space<vmem>>[vector<16xi32>], vector<16xf32>,
      %mul3A_356 = arith.constant 16 : i32
      %mul3A_357 = vector.broadcast %mul3A_356 : i32 to vector<16xi32>
      %mul3A_358 = arith.muli %add3A_314, %mul3A_357 : vector<16xi32>
      %add3A_359 = arith.constant 3 : i32
      %add3A_360 = vector.broadcast %add3A_359 : i32 to vector<16xi32>
      %add3A_361 = arith.addi %mul3A_358, %add3A_360 : vector<16xi32>
      %gather3A_362 = tpu.vector_load_idx %arg6[%add3A_361] : memref<12288xf32, #tpu.memory_space<vmem>>[vector<16xi32>], vector<16xf32>,
      %mul3A_363 = arith.constant 4 : i32
      %mul3A_364 = vector.broadcast %mul3A_363 : i32 to vector<16xi32>
      %mul3A_365 = arith.muli %get3A_316, %mul3A_364 : vector<16xi32>
      %add3A_366 = arith.constant 3 : i32
      %add3A_367 = vector.broadcast %add3A_366 : i32 to vector<16xi32>
      %add3A_368 = arith.addi %mul3A_365, %add3A_367 : vector<16xi32>
      tpu.vector_store_idx %arg7[%add3A_368], %gather3A_362 {add = true} : memref<40960xf32, #tpu.memory_space<vmem>>[vector<16xi32>], vector<16xf32>,
      %iota3A_369 = tpu.iota {dimensions = array<i32: 0>} : vector<16xi32>
      %add3A_370 = arith.constant 80 : i32
      %add3A_371 = vector.broadcast %add3A_370 : i32 to vector<16xi32>
      %add3A_372 = arith.addi %iota3A_369, %add3A_371 : vector<16xi32>
      %get3A_373 = arith.constant 80 : index
      %get3A_374 = tpu.vector_load %arg5[%get3A_373] {strides = array<i32>} : memref<768xi32, #tpu.memory_space<vmem>>, vector<16xi32>,
      %mul3A_375 = arith.constant 16 : i32
      %mul3A_376 = vector.broadcast %mul3A_375 : i32 to vector<16xi32>
      %mul3A_377 = arith.muli %add3A_372, %mul3A_376 : vector<16xi32>
      %add3A_378 = arith.constant 0 : i32
      %add3A_379 = vector.broadcast %add3A_378 : i32 to vector<16xi32>
      %add3A_380 = arith.addi %mul3A_377, %add3A_379 : vector<16xi32>
      %gather3A_381 = tpu.vector_load_idx %arg6[%add3A_380] : memref<12288xf32, #tpu.memory_space<vmem>>[vector<16xi32>], vector<16xf32>,
      %mul3A_382 = arith.constant 4 : i32
      %mul3A_383 = vector.broadcast %mul3A_382 : i32 to vector<16xi32>
      %mul3A_384 = arith.muli %get3A_374, %mul3A_383 : vector<16xi32>
      %add3A_385 = arith.constant 0 : i32
      %add3A_386 = vector.broadcast %add3A_385 : i32 to vector<16xi32>
      %add3A_387 = arith.addi %mul3A_384, %add3A_386 : vector<16xi32>
      tpu.vector_store_idx %arg7[%add3A_387], %gather3A_381 {add = true} : memref<40960xf32, #tpu.memory_space<vmem>>[vector<16xi32>], vector<16xf32>,
      %mul3A_388 = arith.constant 16 : i32
      %mul3A_389 = vector.broadcast %mul3A_388 : i32 to vector<16xi32>
      %mul3A_390 = arith.muli %add3A_372, %mul3A_389 : vector<16xi32>
      %add3A_391 = arith.constant 1 : i32
      %add3A_392 = vector.broadcast %add3A_391 : i32 to vector<16xi32>
      %add3A_393 = arith.addi %mul3A_390, %add3A_392 : vector<16xi32>
      %gather3A_394 = tpu.vector_load_idx %arg6[%add3A_393] : memref<12288xf32, #tpu.memory_space<vmem>>[vector<16xi32>], vector<16xf32>,
      %mul3A_395 = arith.constant 4 : i32
      %mul3A_396 = vector.broadcast %mul3A_395 : i32 to vector<16xi32>
      %mul3A_397 = arith.muli %get3A_374, %mul3A_396 : vector<16xi32>
      %add3A_398 = arith.constant 1 : i32
      %add3A_399 = vector.broadcast %add3A_398 : i32 to vector<16xi32>
      %add3A_400 = arith.addi %mul3A_397, %add3A_399 : vector<16xi32>
      tpu.vector_store_idx %arg7[%add3A_400], %gather3A_394 {add = true} : memref<40960xf32, #tpu.memory_space<vmem>>[vector<16xi32>], vector<16xf32>,
      %mul3A_401 = arith.constant 16 : i32
      %mul3A_402 = vector.broadcast %mul3A_401 : i32 to vector<16xi32>
      %mul3A_403 = arith.muli %add3A_372, %mul3A_402 : vector<16xi32>
      %add3A_404 = arith.constant 2 : i32
      %add3A_405 = vector.broadcast %add3A_404 : i32 to vector<16xi32>
      %add3A_406 = arith.addi %mul3A_403, %add3A_405 : vector<16xi32>
      %gather3A_407 = tpu.vector_load_idx %arg6[%add3A_406] : memref<12288xf32, #tpu.memory_space<vmem>>[vector<16xi32>], vector<16xf32>,
      %mul3A_408 = arith.constant 4 : i32
      %mul3A_409 = vector.broadcast %mul3A_408 : i32 to vector<16xi32>
      %mul3A_410 = arith.muli %get3A_374, %mul3A_409 : vector<16xi32>
      %add3A_411 = arith.constant 2 : i32
      %add3A_412 = vector.broadcast %add3A_411 : i32 to vector<16xi32>
      %add3A_413 = arith.addi %mul3A_410, %add3A_412 : vector<16xi32>
      tpu.vector_store_idx %arg7[%add3A_413], %gather3A_407 {add = true} : memref<40960xf32, #tpu.memory_space<vmem>>[vector<16xi32>], vector<16xf32>,
      %mul3A_414 = arith.constant 16 : i32
      %mul3A_415 = vector.broadcast %mul3A_414 : i32 to vector<16xi32>
      %mul3A_416 = arith.muli %add3A_372, %mul3A_415 : vector<16xi32>
      %add3A_417 = arith.constant 3 : i32
      %add3A_418 = vector.broadcast %add3A_417 : i32 to vector<16xi32>
      %add3A_419 = arith.addi %mul3A_416, %add3A_418 : vector<16xi32>
      %gather3A_420 = tpu.vector_load_idx %arg6[%add3A_419] : memref<12288xf32, #tpu.memory_space<vmem>>[vector<16xi32>], vector<16xf32>,
      %mul3A_421 = arith.constant 4 : i32
      %mul3A_422 = vector.broadcast %mul3A_421 : i32 to vector<16xi32>
      %mul3A_423 = arith.muli %get3A_374, %mul3A_422 : vector<16xi32>
      %add3A_424 = arith.constant 3 : i32
      %add3A_425 = vector.broadcast %add3A_424 : i32 to vector<16xi32>
      %add3A_426 = arith.addi %mul3A_423, %add3A_425 : vector<16xi32>
      tpu.vector_store_idx %arg7[%add3A_426], %gather3A_420 {add = true} : memref<40960xf32, #tpu.memory_space<vmem>>[vector<16xi32>], vector<16xf32>,
      %iota3A_427 = tpu.iota {dimensions = array<i32: 0>} : vector<16xi32>
      %add3A_428 = arith.constant 96 : i32
      %add3A_429 = vector.broadcast %add3A_428 : i32 to vector<16xi32>
      %add3A_430 = arith.addi %iota3A_427, %add3A_429 : vector<16xi32>
      %get3A_431 = arith.constant 96 : index
      %get3A_432 = tpu.vector_load %arg5[%get3A_431] {strides = array<i32>} : memref<768xi32, #tpu.memory_space<vmem>>, vector<16xi32>,
      %mul3A_433 = arith.constant 16 : i32
      %mul3A_434 = vector.broadcast %mul3A_433 : i32 to vector<16xi32>
      %mul3A_435 = arith.muli %add3A_430, %mul3A_434 : vector<16xi32>
      %add3A_436 = arith.constant 0 : i32
      %add3A_437 = vector.broadcast %add3A_436 : i32 to vector<16xi32>
      %add3A_438 = arith.addi %mul3A_435, %add3A_437 : vector<16xi32>
      %gather3A_439 = tpu.vector_load_idx %arg6[%add3A_438] : memref<12288xf32, #tpu.memory_space<vmem>>[vector<16xi32>], vector<16xf32>,
      %mul3A_440 = arith.constant 4 : i32
      %mul3A_441 = vector.broadcast %mul3A_440 : i32 to vector<16xi32>
      %mul3A_442 = arith.muli %get3A_432, %mul3A_441 : vector<16xi32>
      %add3A_443 = arith.constant 0 : i32
      %add3A_444 = vector.broadcast %add3A_443 : i32 to vector<16xi32>
      %add3A_445 = arith.addi %mul3A_442, %add3A_444 : vector<16xi32>
      tpu.vector_store_idx %arg7[%add3A_445], %gather3A_439 {add = true} : memref<40960xf32, #tpu.memory_space<vmem>>[vector<16xi32>], vector<16xf32>,
      %mul3A_446 = arith.constant 16 : i32
      %mul3A_447 = vector.broadcast %mul3A_446 : i32 to vector<16xi32>
      %mul3A_448 = arith.muli %add3A_430, %mul3A_447 : vector<16xi32>
      %add3A_449 = arith.constant 1 : i32
      %add3A_450 = vector.broadcast %add3A_449 : i32 to vector<16xi32>
      %add3A_451 = arith.addi %mul3A_448, %add3A_450 : vector<16xi32>
      %gather3A_452 = tpu.vector_load_idx %arg6[%add3A_451] : memref<12288xf32, #tpu.memory_space<vmem>>[vector<16xi32>], vector<16xf32>,
      %mul3A_453 = arith.constant 4 : i32
      %mul3A_454 = vector.broadcast %mul3A_453 : i32 to vector<16xi32>
      %mul3A_455 = arith.muli %get3A_432, %mul3A_454 : vector<16xi32>
      %add3A_456 = arith.constant 1 : i32
      %add3A_457 = vector.broadcast %add3A_456 : i32 to vector<16xi32>
      %add3A_458 = arith.addi %mul3A_455, %add3A_457 : vector<16xi32>
      tpu.vector_store_idx %arg7[%add3A_458], %gather3A_452 {add = true} : memref<40960xf32, #tpu.memory_space<vmem>>[vector<16xi32>], vector<16xf32>,
      %mul3A_459 = arith.constant 16 : i32
      %mul3A_460 = vector.broadcast %mul3A_459 : i32 to vector<16xi32>
      %mul3A_461 = arith.muli %add3A_430, %mul3A_460 : vector<16xi32>
      %add3A_462 = arith.constant 2 : i32
      %add3A_463 = vector.broadcast %add3A_462 : i32 to vector<16xi32>
      %add3A_464 = arith.addi %mul3A_461, %add3A_463 : vector<16xi32>
      %gather3A_465 = tpu.vector_load_idx %arg6[%add3A_464] : memref<12288xf32, #tpu.memory_space<vmem>>[vector<16xi32>], vector<16xf32>,
      %mul3A_466 = arith.constant 4 : i32
      %mul3A_467 = vector.broadcast %mul3A_466 : i32 to vector<16xi32>
      %mul3A_468 = arith.muli %get3A_432, %mul3A_467 : vector<16xi32>
      %add3A_469 = arith.constant 2 : i32
      %add3A_470 = vector.broadcast %add3A_469 : i32 to vector<16xi32>
      %add3A_471 = arith.addi %mul3A_468, %add3A_470 : vector<16xi32>
      tpu.vector_store_idx %arg7[%add3A_471], %gather3A_465 {add = true} : memref<40960xf32, #tpu.memory_space<vmem>>[vector<16xi32>], vector<16xf32>,
      %mul3A_472 = arith.constant 16 : i32
      %mul3A_473 = vector.broadcast %mul3A_472 : i32 to vector<16xi32>
      %mul3A_474 = arith.muli %add3A_430, %mul3A_473 : vector<16xi32>
      %add3A_475 = arith.constant 3 : i32
      %add3A_476 = vector.broadcast %add3A_475 : i32 to vector<16xi32>
      %add3A_477 = arith.addi %mul3A_474, %add3A_476 : vector<16xi32>
      %gather3A_478 = tpu.vector_load_idx %arg6[%add3A_477] : memref<12288xf32, #tpu.memory_space<vmem>>[vector<16xi32>], vector<16xf32>,
      %mul3A_479 = arith.constant 4 : i32
      %mul3A_480 = vector.broadcast %mul3A_479 : i32 to vector<16xi32>
      %mul3A_481 = arith.muli %get3A_432, %mul3A_480 : vector<16xi32>
      %add3A_482 = arith.constant 3 : i32
      %add3A_483 = vector.broadcast %add3A_482 : i32 to vector<16xi32>
      %add3A_484 = arith.addi %mul3A_481, %add3A_483 : vector<16xi32>
      tpu.vector_store_idx %arg7[%add3A_484], %gather3A_478 {add = true} : memref<40960xf32, #tpu.memory_space<vmem>>[vector<16xi32>], vector<16xf32>,
      %iota3A_485 = tpu.iota {dimensions = array<i32: 0>} : vector<16xi32>
      %add3A_486 = arith.constant 112 : i32
      %add3A_487 = vector.broadcast %add3A_486 : i32 to vector<16xi32>
      %add3A_488 = arith.addi %iota3A_485, %add3A_487 : vector<16xi32>
      %get3A_489 = arith.constant 112 : index
      %get3A_490 = tpu.vector_load %arg5[%get3A_489] {strides = array<i32>} : memref<768xi32, #tpu.memory_space<vmem>>, vector<16xi32>,
      %mul3A_491 = arith.constant 16 : i32
      %mul3A_492 = vector.broadcast %mul3A_491 : i32 to vector<16xi32>
      %mul3A_493 = arith.muli %add3A_488, %mul3A_492 : vector<16xi32>
      %add3A_494 = arith.constant 0 : i32
      %add3A_495 = vector.broadcast %add3A_494 : i32 to vector<16xi32>
      %add3A_496 = arith.addi %mul3A_493, %add3A_495 : vector<16xi32>
      %gather3A_497 = tpu.vector_load_idx %arg6[%add3A_496] : memref<12288xf32, #tpu.memory_space<vmem>>[vector<16xi32>], vector<16xf32>,
      %mul3A_498 = arith.constant 4 : i32
      %mul3A_499 = vector.broadcast %mul3A_498 : i32 to vector<16xi32>
      %mul3A_500 = arith.muli %get3A_490, %mul3A_499 : vector<16xi32>
      %add3A_501 = arith.constant 0 : i32
      %add3A_502 = vector.broadcast %add3A_501 : i32 to vector<16xi32>
      %add3A_503 = arith.addi %mul3A_500, %add3A_502 : vector<16xi32>
      tpu.vector_store_idx %arg7[%add3A_503], %gather3A_497 {add = true} : memref<40960xf32, #tpu.memory_space<vmem>>[vector<16xi32>], vector<16xf32>,
      %mul3A_504 = arith.constant 16 : i32
      %mul3A_505 = vector.broadcast %mul3A_504 : i32 to vector<16xi32>
      %mul3A_506 = arith.muli %add3A_488, %mul3A_505 : vector<16xi32>
      %add3A_507 = arith.constant 1 : i32
      %add3A_508 = vector.broadcast %add3A_507 : i32 to vector<16xi32>
      %add3A_509 = arith.addi %mul3A_506, %add3A_508 : vector<16xi32>
      %gather3A_510 = tpu.vector_load_idx %arg6[%add3A_509] : memref<12288xf32, #tpu.memory_space<vmem>>[vector<16xi32>], vector<16xf32>,
      %mul3A_511 = arith.constant 4 : i32
      %mul3A_512 = vector.broadcast %mul3A_511 : i32 to vector<16xi32>
      %mul3A_513 = arith.muli %get3A_490, %mul3A_512 : vector<16xi32>
      %add3A_514 = arith.constant 1 : i32
      %add3A_515 = vector.broadcast %add3A_514 : i32 to vector<16xi32>
      %add3A_516 = arith.addi %mul3A_513, %add3A_515 : vector<16xi32>
      tpu.vector_store_idx %arg7[%add3A_516], %gather3A_510 {add = true} : memref<40960xf32, #tpu.memory_space<vmem>>[vector<16xi32>], vector<16xf32>,
      %mul3A_517 = arith.constant 16 : i32
      %mul3A_518 = vector.broadcast %mul3A_517 : i32 to vector<16xi32>
      %mul3A_519 = arith.muli %add3A_488, %mul3A_518 : vector<16xi32>
      %add3A_520 = arith.constant 2 : i32
      %add3A_521 = vector.broadcast %add3A_520 : i32 to vector<16xi32>
      %add3A_522 = arith.addi %mul3A_519, %add3A_521 : vector<16xi32>
      %gather3A_523 = tpu.vector_load_idx %arg6[%add3A_522] : memref<12288xf32, #tpu.memory_space<vmem>>[vector<16xi32>], vector<16xf32>,
      %mul3A_524 = arith.constant 4 : i32
      %mul3A_525 = vector.broadcast %mul3A_524 : i32 to vector<16xi32>
      %mul3A_526 = arith.muli %get3A_490, %mul3A_525 : vector<16xi32>
      %add3A_527 = arith.constant 2 : i32
      %add3A_528 = vector.broadcast %add3A_527 : i32 to vector<16xi32>
      %add3A_529 = arith.addi %mul3A_526, %add3A_528 : vector<16xi32>
      tpu.vector_store_idx %arg7[%add3A_529], %gather3A_523 {add = true} : memref<40960xf32, #tpu.memory_space<vmem>>[vector<16xi32>], vector<16xf32>,
      %mul3A_530 = arith.constant 16 : i32
      %mul3A_531 = vector.broadcast %mul3A_530 : i32 to vector<16xi32>
      %mul3A_532 = arith.muli %add3A_488, %mul3A_531 : vector<16xi32>
      %add3A_533 = arith.constant 3 : i32
      %add3A_534 = vector.broadcast %add3A_533 : i32 to vector<16xi32>
      %add3A_535 = arith.addi %mul3A_532, %add3A_534 : vector<16xi32>
      %gather3A_536 = tpu.vector_load_idx %arg6[%add3A_535] : memref<12288xf32, #tpu.memory_space<vmem>>[vector<16xi32>], vector<16xf32>,
      %mul3A_537 = arith.constant 4 : i32
      %mul3A_538 = vector.broadcast %mul3A_537 : i32 to vector<16xi32>
      %mul3A_539 = arith.muli %get3A_490, %mul3A_538 : vector<16xi32>
      %add3A_540 = arith.constant 3 : i32
      %add3A_541 = vector.broadcast %add3A_540 : i32 to vector<16xi32>
      %add3A_542 = arith.addi %mul3A_539, %add3A_541 : vector<16xi32>
      tpu.vector_store_idx %arg7[%add3A_542], %gather3A_536 {add = true} : memref<40960xf32, #tpu.memory_space<vmem>>[vector<16xi32>], vector<16xf32>,
      %iota3A_543 = tpu.iota {dimensions = array<i32: 0>} : vector<16xi32>
      %add3A_544 = arith.constant 128 : i32
      %add3A_545 = vector.broadcast %add3A_544 : i32 to vector<16xi32>
      %add3A_546 = arith.addi %iota3A_543, %add3A_545 : vector<16xi32>
      %get3A_547 = arith.constant 128 : index
      %get3A_548 = tpu.vector_load %arg5[%get3A_547] {strides = array<i32>} : memref<768xi32, #tpu.memory_space<vmem>>, vector<16xi32>,
      %mul3A_549 = arith.constant 16 : i32
      %mul3A_550 = vector.broadcast %mul3A_549 : i32 to vector<16xi32>
      %mul3A_551 = arith.muli %add3A_546, %mul3A_550 : vector<16xi32>
      %add3A_552 = arith.constant 0 : i32
      %add3A_553 = vector.broadcast %add3A_552 : i32 to vector<16xi32>
      %add3A_554 = arith.addi %mul3A_551, %add3A_553 : vector<16xi32>
      %gather3A_555 = tpu.vector_load_idx %arg6[%add3A_554] : memref<12288xf32, #tpu.memory_space<vmem>>[vector<16xi32>], vector<16xf32>,
      %mul3A_556 = arith.constant 4 : i32
      %mul3A_557 = vector.broadcast %mul3A_556 : i32 to vector<16xi32>
      %mul3A_558 = arith.muli %get3A_548, %mul3A_557 : vector<16xi32>
      %add3A_559 = arith.constant 0 : i32
      %add3A_560 = vector.broadcast %add3A_559 : i32 to vector<16xi32>
      %add3A_561 = arith.addi %mul3A_558, %add3A_560 : vector<16xi32>
      tpu.vector_store_idx %arg7[%add3A_561], %gather3A_555 {add = true} : memref<40960xf32, #tpu.memory_space<vmem>>[vector<16xi32>], vector<16xf32>,
      %mul3A_562 = arith.constant 16 : i32
      %mul3A_563 = vector.broadcast %mul3A_562 : i32 to vector<16xi32>
      %mul3A_564 = arith.muli %add3A_546, %mul3A_563 : vector<16xi32>
      %add3A_565 = arith.constant 1 : i32
      %add3A_566 = vector.broadcast %add3A_565 : i32 to vector<16xi32>
      %add3A_567 = arith.addi %mul3A_564, %add3A_566 : vector<16xi32>
      %gather3A_568 = tpu.vector_load_idx %arg6[%add3A_567] : memref<12288xf32, #tpu.memory_space<vmem>>[vector<16xi32>], vector<16xf32>,
      %mul3A_569 = arith.constant 4 : i32
      %mul3A_570 = vector.broadcast %mul3A_569 : i32 to vector<16xi32>
      %mul3A_571 = arith.muli %get3A_548, %mul3A_570 : vector<16xi32>
      %add3A_572 = arith.constant 1 : i32
      %add3A_573 = vector.broadcast %add3A_572 : i32 to vector<16xi32>
      %add3A_574 = arith.addi %mul3A_571, %add3A_573 : vector<16xi32>
      tpu.vector_store_idx %arg7[%add3A_574], %gather3A_568 {add = true} : memref<40960xf32, #tpu.memory_space<vmem>>[vector<16xi32>], vector<16xf32>,
      %mul3A_575 = arith.constant 16 : i32
      %mul3A_576 = vector.broadcast %mul3A_575 : i32 to vector<16xi32>
      %mul3A_577 = arith.muli %add3A_546, %mul3A_576 : vector<16xi32>
      %add3A_578 = arith.constant 2 : i32
      %add3A_579 = vector.broadcast %add3A_578 : i32 to vector<16xi32>
      %add3A_580 = arith.addi %mul3A_577, %add3A_579 : vector<16xi32>
      %gather3A_581 = tpu.vector_load_idx %arg6[%add3A_580] : memref<12288xf32, #tpu.memory_space<vmem>>[vector<16xi32>], vector<16xf32>,
      %mul3A_582 = arith.constant 4 : i32
      %mul3A_583 = vector.broadcast %mul3A_582 : i32 to vector<16xi32>
      %mul3A_584 = arith.muli %get3A_548, %mul3A_583 : vector<16xi32>
      %add3A_585 = arith.constant 2 : i32
      %add3A_586 = vector.broadcast %add3A_585 : i32 to vector<16xi32>
      %add3A_587 = arith.addi %mul3A_584, %add3A_586 : vector<16xi32>
      tpu.vector_store_idx %arg7[%add3A_587], %gather3A_581 {add = true} : memref<40960xf32, #tpu.memory_space<vmem>>[vector<16xi32>], vector<16xf32>,
      %mul3A_588 = arith.constant 16 : i32
      %mul3A_589 = vector.broadcast %mul3A_588 : i32 to vector<16xi32>
      %mul3A_590 = arith.muli %add3A_546, %mul3A_589 : vector<16xi32>
      %add3A_591 = arith.constant 3 : i32
      %add3A_592 = vector.broadcast %add3A_591 : i32 to vector<16xi32>
      %add3A_593 = arith.addi %mul3A_590, %add3A_592 : vector<16xi32>
      %gather3A_594 = tpu.vector_load_idx %arg6[%add3A_593] : memref<12288xf32, #tpu.memory_space<vmem>>[vector<16xi32>], vector<16xf32>,
      %mul3A_595 = arith.constant 4 : i32
      %mul3A_596 = vector.broadcast %mul3A_595 : i32 to vector<16xi32>
      %mul3A_597 = arith.muli %get3A_548, %mul3A_596 : vector<16xi32>
      %add3A_598 = arith.constant 3 : i32
      %add3A_599 = vector.broadcast %add3A_598 : i32 to vector<16xi32>
      %add3A_600 = arith.addi %mul3A_597, %add3A_599 : vector<16xi32>
      tpu.vector_store_idx %arg7[%add3A_600], %gather3A_594 {add = true} : memref<40960xf32, #tpu.memory_space<vmem>>[vector<16xi32>], vector<16xf32>,
      %iota3A_601 = tpu.iota {dimensions = array<i32: 0>} : vector<16xi32>
      %add3A_602 = arith.constant 144 : i32
      %add3A_603 = vector.broadcast %add3A_602 : i32 to vector<16xi32>
      %add3A_604 = arith.addi %iota3A_601, %add3A_603 : vector<16xi32>
      %get3A_605 = arith.constant 144 : index
      %get3A_606 = tpu.vector_load %arg5[%get3A_605] {strides = array<i32>} : memref<768xi32, #tpu.memory_space<vmem>>, vector<16xi32>,
      %mul3A_607 = arith.constant 16 : i32
      %mul3A_608 = vector.broadcast %mul3A_607 : i32 to vector<16xi32>
      %mul3A_609 = arith.muli %add3A_604, %mul3A_608 : vector<16xi32>
      %add3A_610 = arith.constant 0 : i32
      %add3A_611 = vector.broadcast %add3A_610 : i32 to vector<16xi32>
      %add3A_612 = arith.addi %mul3A_609, %add3A_611 : vector<16xi32>
      %gather3A_613 = tpu.vector_load_idx %arg6[%add3A_612] : memref<12288xf32, #tpu.memory_space<vmem>>[vector<16xi32>], vector<16xf32>,
      %mul3A_614 = arith.constant 4 : i32
      %mul3A_615 = vector.broadcast %mul3A_614 : i32 to vector<16xi32>
      %mul3A_616 = arith.muli %get3A_606, %mul3A_615 : vector<16xi32>
      %add3A_617 = arith.constant 0 : i32
      %add3A_618 = vector.broadcast %add3A_617 : i32 to vector<16xi32>
      %add3A_619 = arith.addi %mul3A_616, %add3A_618 : vector<16xi32>
      tpu.vector_store_idx %arg7[%add3A_619], %gather3A_613 {add = true} : memref<40960xf32, #tpu.memory_space<vmem>>[vector<16xi32>], vector<16xf32>,
      %mul3A_620 = arith.constant 16 : i32
      %mul3A_621 = vector.broadcast %mul3A_620 : i32 to vector<16xi32>
      %mul3A_622 = arith.muli %add3A_604, %mul3A_621 : vector<16xi32>
      %add3A_623 = arith.constant 1 : i32
      %add3A_624 = vector.broadcast %add3A_623 : i32 to vector<16xi32>
      %add3A_625 = arith.addi %mul3A_622, %add3A_624 : vector<16xi32>
      %gather3A_626 = tpu.vector_load_idx %arg6[%add3A_625] : memref<12288xf32, #tpu.memory_space<vmem>>[vector<16xi32>], vector<16xf32>,
      %mul3A_627 = arith.constant 4 : i32
      %mul3A_628 = vector.broadcast %mul3A_627 : i32 to vector<16xi32>
      %mul3A_629 = arith.muli %get3A_606, %mul3A_628 : vector<16xi32>
      %add3A_630 = arith.constant 1 : i32
      %add3A_631 = vector.broadcast %add3A_630 : i32 to vector<16xi32>
      %add3A_632 = arith.addi %mul3A_629, %add3A_631 : vector<16xi32>
      tpu.vector_store_idx %arg7[%add3A_632], %gather3A_626 {add = true} : memref<40960xf32, #tpu.memory_space<vmem>>[vector<16xi32>], vector<16xf32>,
      %mul3A_633 = arith.constant 16 : i32
      %mul3A_634 = vector.broadcast %mul3A_633 : i32 to vector<16xi32>
      %mul3A_635 = arith.muli %add3A_604, %mul3A_634 : vector<16xi32>
      %add3A_636 = arith.constant 2 : i32
      %add3A_637 = vector.broadcast %add3A_636 : i32 to vector<16xi32>
      %add3A_638 = arith.addi %mul3A_635, %add3A_637 : vector<16xi32>
      %gather3A_639 = tpu.vector_load_idx %arg6[%add3A_638] : memref<12288xf32, #tpu.memory_space<vmem>>[vector<16xi32>], vector<16xf32>,
      %mul3A_640 = arith.constant 4 : i32
      %mul3A_641 = vector.broadcast %mul3A_640 : i32 to vector<16xi32>
      %mul3A_642 = arith.muli %get3A_606, %mul3A_641 : vector<16xi32>
      %add3A_643 = arith.constant 2 : i32
      %add3A_644 = vector.broadcast %add3A_643 : i32 to vector<16xi32>
      %add3A_645 = arith.addi %mul3A_642, %add3A_644 : vector<16xi32>
      tpu.vector_store_idx %arg7[%add3A_645], %gather3A_639 {add = true} : memref<40960xf32, #tpu.memory_space<vmem>>[vector<16xi32>], vector<16xf32>,
      %mul3A_646 = arith.constant 16 : i32
      %mul3A_647 = vector.broadcast %mul3A_646 : i32 to vector<16xi32>
      %mul3A_648 = arith.muli %add3A_604, %mul3A_647 : vector<16xi32>
      %add3A_649 = arith.constant 3 : i32
      %add3A_650 = vector.broadcast %add3A_649 : i32 to vector<16xi32>
      %add3A_651 = arith.addi %mul3A_648, %add3A_650 : vector<16xi32>
      %gather3A_652 = tpu.vector_load_idx %arg6[%add3A_651] : memref<12288xf32, #tpu.memory_space<vmem>>[vector<16xi32>], vector<16xf32>,
      %mul3A_653 = arith.constant 4 : i32
      %mul3A_654 = vector.broadcast %mul3A_653 : i32 to vector<16xi32>
      %mul3A_655 = arith.muli %get3A_606, %mul3A_654 : vector<16xi32>
      %add3A_656 = arith.constant 3 : i32
      %add3A_657 = vector.broadcast %add3A_656 : i32 to vector<16xi32>
      %add3A_658 = arith.addi %mul3A_655, %add3A_657 : vector<16xi32>
      tpu.vector_store_idx %arg7[%add3A_658], %gather3A_652 {add = true} : memref<40960xf32, #tpu.memory_space<vmem>>[vector<16xi32>], vector<16xf32>,
      %iota3A_659 = tpu.iota {dimensions = array<i32: 0>} : vector<16xi32>
      %add3A_660 = arith.constant 160 : i32
      %add3A_661 = vector.broadcast %add3A_660 : i32 to vector<16xi32>
      %add3A_662 = arith.addi %iota3A_659, %add3A_661 : vector<16xi32>
      %get3A_663 = arith.constant 160 : index
      %get3A_664 = tpu.vector_load %arg5[%get3A_663] {strides = array<i32>} : memref<768xi32, #tpu.memory_space<vmem>>, vector<16xi32>,
      %mul3A_665 = arith.constant 16 : i32
      %mul3A_666 = vector.broadcast %mul3A_665 : i32 to vector<16xi32>
      %mul3A_667 = arith.muli %add3A_662, %mul3A_666 : vector<16xi32>
      %add3A_668 = arith.constant 0 : i32
      %add3A_669 = vector.broadcast %add3A_668 : i32 to vector<16xi32>
      %add3A_670 = arith.addi %mul3A_667, %add3A_669 : vector<16xi32>
      %gather3A_671 = tpu.vector_load_idx %arg6[%add3A_670] : memref<12288xf32, #tpu.memory_space<vmem>>[vector<16xi32>], vector<16xf32>,
      %mul3A_672 = arith.constant 4 : i32
      %mul3A_673 = vector.broadcast %mul3A_672 : i32 to vector<16xi32>
      %mul3A_674 = arith.muli %get3A_664, %mul3A_673 : vector<16xi32>
      %add3A_675 = arith.constant 0 : i32
      %add3A_676 = vector.broadcast %add3A_675 : i32 to vector<16xi32>
      %add3A_677 = arith.addi %mul3A_674, %add3A_676 : vector<16xi32>
      tpu.vector_store_idx %arg7[%add3A_677], %gather3A_671 {add = true} : memref<40960xf32, #tpu.memory_space<vmem>>[vector<16xi32>], vector<16xf32>,
      %mul3A_678 = arith.constant 16 : i32
      %mul3A_679 = vector.broadcast %mul3A_678 : i32 to vector<16xi32>
      %mul3A_680 = arith.muli %add3A_662, %mul3A_679 : vector<16xi32>
      %add3A_681 = arith.constant 1 : i32
      %add3A_682 = vector.broadcast %add3A_681 : i32 to vector<16xi32>
      %add3A_683 = arith.addi %mul3A_680, %add3A_682 : vector<16xi32>
      %gather3A_684 = tpu.vector_load_idx %arg6[%add3A_683] : memref<12288xf32, #tpu.memory_space<vmem>>[vector<16xi32>], vector<16xf32>,
      %mul3A_685 = arith.constant 4 : i32
      %mul3A_686 = vector.broadcast %mul3A_685 : i32 to vector<16xi32>
      %mul3A_687 = arith.muli %get3A_664, %mul3A_686 : vector<16xi32>
      %add3A_688 = arith.constant 1 : i32
      %add3A_689 = vector.broadcast %add3A_688 : i32 to vector<16xi32>
      %add3A_690 = arith.addi %mul3A_687, %add3A_689 : vector<16xi32>
      tpu.vector_store_idx %arg7[%add3A_690], %gather3A_684 {add = true} : memref<40960xf32, #tpu.memory_space<vmem>>[vector<16xi32>], vector<16xf32>,
      %mul3A_691 = arith.constant 16 : i32
      %mul3A_692 = vector.broadcast %mul3A_691 : i32 to vector<16xi32>
      %mul3A_693 = arith.muli %add3A_662, %mul3A_692 : vector<16xi32>
      %add3A_694 = arith.constant 2 : i32
      %add3A_695 = vector.broadcast %add3A_694 : i32 to vector<16xi32>
      %add3A_696 = arith.addi %mul3A_693, %add3A_695 : vector<16xi32>
      %gather3A_697 = tpu.vector_load_idx %arg6[%add3A_696] : memref<12288xf32, #tpu.memory_space<vmem>>[vector<16xi32>], vector<16xf32>,
      %mul3A_698 = arith.constant 4 : i32
      %mul3A_699 = vector.broadcast %mul3A_698 : i32 to vector<16xi32>
      %mul3A_700 = arith.muli %get3A_664, %mul3A_699 : vector<16xi32>
      %add3A_701 = arith.constant 2 : i32
      %add3A_702 = vector.broadcast %add3A_701 : i32 to vector<16xi32>
      %add3A_703 = arith.addi %mul3A_700, %add3A_702 : vector<16xi32>
      tpu.vector_store_idx %arg7[%add3A_703], %gather3A_697 {add = true} : memref<40960xf32, #tpu.memory_space<vmem>>[vector<16xi32>], vector<16xf32>,
      %mul3A_704 = arith.constant 16 : i32
      %mul3A_705 = vector.broadcast %mul3A_704 : i32 to vector<16xi32>
      %mul3A_706 = arith.muli %add3A_662, %mul3A_705 : vector<16xi32>
      %add3A_707 = arith.constant 3 : i32
      %add3A_708 = vector.broadcast %add3A_707 : i32 to vector<16xi32>
      %add3A_709 = arith.addi %mul3A_706, %add3A_708 : vector<16xi32>
      %gather3A_710 = tpu.vector_load_idx %arg6[%add3A_709] : memref<12288xf32, #tpu.memory_space<vmem>>[vector<16xi32>], vector<16xf32>,
      %mul3A_711 = arith.constant 4 : i32
      %mul3A_712 = vector.broadcast %mul3A_711 : i32 to vector<16xi32>
      %mul3A_713 = arith.muli %get3A_664, %mul3A_712 : vector<16xi32>
      %add3A_714 = arith.constant 3 : i32
      %add3A_715 = vector.broadcast %add3A_714 : i32 to vector<16xi32>
      %add3A_716 = arith.addi %mul3A_713, %add3A_715 : vector<16xi32>
      tpu.vector_store_idx %arg7[%add3A_716], %gather3A_710 {add = true} : memref<40960xf32, #tpu.memory_space<vmem>>[vector<16xi32>], vector<16xf32>,
      %iota3A_717 = tpu.iota {dimensions = array<i32: 0>} : vector<16xi32>
      %add3A_718 = arith.constant 176 : i32
      %add3A_719 = vector.broadcast %add3A_718 : i32 to vector<16xi32>
      %add3A_720 = arith.addi %iota3A_717, %add3A_719 : vector<16xi32>
      %get3A_721 = arith.constant 176 : index
      %get3A_722 = tpu.vector_load %arg5[%get3A_721] {strides = array<i32>} : memref<768xi32, #tpu.memory_space<vmem>>, vector<16xi32>,
      %mul3A_723 = arith.constant 16 : i32
      %mul3A_724 = vector.broadcast %mul3A_723 : i32 to vector<16xi32>
      %mul3A_725 = arith.muli %add3A_720, %mul3A_724 : vector<16xi32>
      %add3A_726 = arith.constant 0 : i32
      %add3A_727 = vector.broadcast %add3A_726 : i32 to vector<16xi32>
      %add3A_728 = arith.addi %mul3A_725, %add3A_727 : vector<16xi32>
      %gather3A_729 = tpu.vector_load_idx %arg6[%add3A_728] : memref<12288xf32, #tpu.memory_space<vmem>>[vector<16xi32>], vector<16xf32>,
      %mul3A_730 = arith.constant 4 : i32
      %mul3A_731 = vector.broadcast %mul3A_730 : i32 to vector<16xi32>
      %mul3A_732 = arith.muli %get3A_722, %mul3A_731 : vector<16xi32>
      %add3A_733 = arith.constant 0 : i32
      %add3A_734 = vector.broadcast %add3A_733 : i32 to vector<16xi32>
      %add3A_735 = arith.addi %mul3A_732, %add3A_734 : vector<16xi32>
      tpu.vector_store_idx %arg7[%add3A_735], %gather3A_729 {add = true} : memref<40960xf32, #tpu.memory_space<vmem>>[vector<16xi32>], vector<16xf32>,
      %mul3A_736 = arith.constant 16 : i32
      %mul3A_737 = vector.broadcast %mul3A_736 : i32 to vector<16xi32>
      %mul3A_738 = arith.muli %add3A_720, %mul3A_737 : vector<16xi32>
      %add3A_739 = arith.constant 1 : i32
      %add3A_740 = vector.broadcast %add3A_739 : i32 to vector<16xi32>
      %add3A_741 = arith.addi %mul3A_738, %add3A_740 : vector<16xi32>
      %gather3A_742 = tpu.vector_load_idx %arg6[%add3A_741] : memref<12288xf32, #tpu.memory_space<vmem>>[vector<16xi32>], vector<16xf32>,
      %mul3A_743 = arith.constant 4 : i32
      %mul3A_744 = vector.broadcast %mul3A_743 : i32 to vector<16xi32>
      %mul3A_745 = arith.muli %get3A_722, %mul3A_744 : vector<16xi32>
      %add3A_746 = arith.constant 1 : i32
      %add3A_747 = vector.broadcast %add3A_746 : i32 to vector<16xi32>
      %add3A_748 = arith.addi %mul3A_745, %add3A_747 : vector<16xi32>
      tpu.vector_store_idx %arg7[%add3A_748], %gather3A_742 {add = true} : memref<40960xf32, #tpu.memory_space<vmem>>[vector<16xi32>], vector<16xf32>,
      %mul3A_749 = arith.constant 16 : i32
      %mul3A_750 = vector.broadcast %mul3A_749 : i32 to vector<16xi32>
      %mul3A_751 = arith.muli %add3A_720, %mul3A_750 : vector<16xi32>
      %add3A_752 = arith.constant 2 : i32
      %add3A_753 = vector.broadcast %add3A_752 : i32 to vector<16xi32>
      %add3A_754 = arith.addi %mul3A_751, %add3A_753 : vector<16xi32>
      %gather3A_755 = tpu.vector_load_idx %arg6[%add3A_754] : memref<12288xf32, #tpu.memory_space<vmem>>[vector<16xi32>], vector<16xf32>,
      %mul3A_756 = arith.constant 4 : i32
      %mul3A_757 = vector.broadcast %mul3A_756 : i32 to vector<16xi32>
      %mul3A_758 = arith.muli %get3A_722, %mul3A_757 : vector<16xi32>
      %add3A_759 = arith.constant 2 : i32
      %add3A_760 = vector.broadcast %add3A_759 : i32 to vector<16xi32>
      %add3A_761 = arith.addi %mul3A_758, %add3A_760 : vector<16xi32>
      tpu.vector_store_idx %arg7[%add3A_761], %gather3A_755 {add = true} : memref<40960xf32, #tpu.memory_space<vmem>>[vector<16xi32>], vector<16xf32>,
      %mul3A_762 = arith.constant 16 : i32
      %mul3A_763 = vector.broadcast %mul3A_762 : i32 to vector<16xi32>
      %mul3A_764 = arith.muli %add3A_720, %mul3A_763 : vector<16xi32>
      %add3A_765 = arith.constant 3 : i32
      %add3A_766 = vector.broadcast %add3A_765 : i32 to vector<16xi32>
      %add3A_767 = arith.addi %mul3A_764, %add3A_766 : vector<16xi32>
      %gather3A_768 = tpu.vector_load_idx %arg6[%add3A_767] : memref<12288xf32, #tpu.memory_space<vmem>>[vector<16xi32>], vector<16xf32>,
      %mul3A_769 = arith.constant 4 : i32
      %mul3A_770 = vector.broadcast %mul3A_769 : i32 to vector<16xi32>
      %mul3A_771 = arith.muli %get3A_722, %mul3A_770 : vector<16xi32>
      %add3A_772 = arith.constant 3 : i32
      %add3A_773 = vector.broadcast %add3A_772 : i32 to vector<16xi32>
      %add3A_774 = arith.addi %mul3A_771, %add3A_773 : vector<16xi32>
      tpu.vector_store_idx %arg7[%add3A_774], %gather3A_768 {add = true} : memref<40960xf32, #tpu.memory_space<vmem>>[vector<16xi32>], vector<16xf32>,
      %iota3A_775 = tpu.iota {dimensions = array<i32: 0>} : vector<16xi32>
      %add3A_776 = arith.constant 192 : i32
      %add3A_777 = vector.broadcast %add3A_776 : i32 to vector<16xi32>
      %add3A_778 = arith.addi %iota3A_775, %add3A_777 : vector<16xi32>
      %get3A_779 = arith.constant 192 : index
      %get3A_780 = tpu.vector_load %arg5[%get3A_779] {strides = array<i32>} : memref<768xi32, #tpu.memory_space<vmem>>, vector<16xi32>,
      %mul3A_781 = arith.constant 16 : i32
      %mul3A_782 = vector.broadcast %mul3A_781 : i32 to vector<16xi32>
      %mul3A_783 = arith.muli %add3A_778, %mul3A_782 : vector<16xi32>
      %add3A_784 = arith.constant 0 : i32
      %add3A_785 = vector.broadcast %add3A_784 : i32 to vector<16xi32>
      %add3A_786 = arith.addi %mul3A_783, %add3A_785 : vector<16xi32>
      %gather3A_787 = tpu.vector_load_idx %arg6[%add3A_786] : memref<12288xf32, #tpu.memory_space<vmem>>[vector<16xi32>], vector<16xf32>,
      %mul3A_788 = arith.constant 4 : i32
      %mul3A_789 = vector.broadcast %mul3A_788 : i32 to vector<16xi32>
      %mul3A_790 = arith.muli %get3A_780, %mul3A_789 : vector<16xi32>
      %add3A_791 = arith.constant 0 : i32
      %add3A_792 = vector.broadcast %add3A_791 : i32 to vector<16xi32>
      %add3A_793 = arith.addi %mul3A_790, %add3A_792 : vector<16xi32>
      tpu.vector_store_idx %arg7[%add3A_793], %gather3A_787 {add = true} : memref<40960xf32, #tpu.memory_space<vmem>>[vector<16xi32>], vector<16xf32>,
      %mul3A_794 = arith.constant 16 : i32
      %mul3A_795 = vector.broadcast %mul3A_794 : i32 to vector<16xi32>
      %mul3A_796 = arith.muli %add3A_778, %mul3A_795 : vector<16xi32>
      %add3A_797 = arith.constant 1 : i32
      %add3A_798 = vector.broadcast %add3A_797 : i32 to vector<16xi32>
      %add3A_799 = arith.addi %mul3A_796, %add3A_798 : vector<16xi32>
      %gather3A_800 = tpu.vector_load_idx %arg6[%add3A_799] : memref<12288xf32, #tpu.memory_space<vmem>>[vector<16xi32>], vector<16xf32>,
      %mul3A_801 = arith.constant 4 : i32
      %mul3A_802 = vector.broadcast %mul3A_801 : i32 to vector<16xi32>
      %mul3A_803 = arith.muli %get3A_780, %mul3A_802 : vector<16xi32>
      %add3A_804 = arith.constant 1 : i32
      %add3A_805 = vector.broadcast %add3A_804 : i32 to vector<16xi32>
      %add3A_806 = arith.addi %mul3A_803, %add3A_805 : vector<16xi32>
      tpu.vector_store_idx %arg7[%add3A_806], %gather3A_800 {add = true} : memref<40960xf32, #tpu.memory_space<vmem>>[vector<16xi32>], vector<16xf32>,
      %mul3A_807 = arith.constant 16 : i32
      %mul3A_808 = vector.broadcast %mul3A_807 : i32 to vector<16xi32>
      %mul3A_809 = arith.muli %add3A_778, %mul3A_808 : vector<16xi32>
      %add3A_810 = arith.constant 2 : i32
      %add3A_811 = vector.broadcast %add3A_810 : i32 to vector<16xi32>
      %add3A_812 = arith.addi %mul3A_809, %add3A_811 : vector<16xi32>
      %gather3A_813 = tpu.vector_load_idx %arg6[%add3A_812] : memref<12288xf32, #tpu.memory_space<vmem>>[vector<16xi32>], vector<16xf32>,
      %mul3A_814 = arith.constant 4 : i32
      %mul3A_815 = vector.broadcast %mul3A_814 : i32 to vector<16xi32>
      %mul3A_816 = arith.muli %get3A_780, %mul3A_815 : vector<16xi32>
      %add3A_817 = arith.constant 2 : i32
      %add3A_818 = vector.broadcast %add3A_817 : i32 to vector<16xi32>
      %add3A_819 = arith.addi %mul3A_816, %add3A_818 : vector<16xi32>
      tpu.vector_store_idx %arg7[%add3A_819], %gather3A_813 {add = true} : memref<40960xf32, #tpu.memory_space<vmem>>[vector<16xi32>], vector<16xf32>,
      %mul3A_820 = arith.constant 16 : i32
      %mul3A_821 = vector.broadcast %mul3A_820 : i32 to vector<16xi32>
      %mul3A_822 = arith.muli %add3A_778, %mul3A_821 : vector<16xi32>
      %add3A_823 = arith.constant 3 : i32
      %add3A_824 = vector.broadcast %add3A_823 : i32 to vector<16xi32>
      %add3A_825 = arith.addi %mul3A_822, %add3A_824 : vector<16xi32>
      %gather3A_826 = tpu.vector_load_idx %arg6[%add3A_825] : memref<12288xf32, #tpu.memory_space<vmem>>[vector<16xi32>], vector<16xf32>,
      %mul3A_827 = arith.constant 4 : i32
      %mul3A_828 = vector.broadcast %mul3A_827 : i32 to vector<16xi32>
      %mul3A_829 = arith.muli %get3A_780, %mul3A_828 : vector<16xi32>
      %add3A_830 = arith.constant 3 : i32
      %add3A_831 = vector.broadcast %add3A_830 : i32 to vector<16xi32>
      %add3A_832 = arith.addi %mul3A_829, %add3A_831 : vector<16xi32>
      tpu.vector_store_idx %arg7[%add3A_832], %gather3A_826 {add = true} : memref<40960xf32, #tpu.memory_space<vmem>>[vector<16xi32>], vector<16xf32>,
      %iota3A_833 = tpu.iota {dimensions = array<i32: 0>} : vector<16xi32>
      %add3A_834 = arith.constant 208 : i32
      %add3A_835 = vector.broadcast %add3A_834 : i32 to vector<16xi32>
      %add3A_836 = arith.addi %iota3A_833, %add3A_835 : vector<16xi32>
      %get3A_837 = arith.constant 208 : index
      %get3A_838 = tpu.vector_load %arg5[%get3A_837] {strides = array<i32>} : memref<768xi32, #tpu.memory_space<vmem>>, vector<16xi32>,
      %mul3A_839 = arith.constant 16 : i32
      %mul3A_840 = vector.broadcast %mul3A_839 : i32 to vector<16xi32>
      %mul3A_841 = arith.muli %add3A_836, %mul3A_840 : vector<16xi32>
      %add3A_842 = arith.constant 0 : i32
      %add3A_843 = vector.broadcast %add3A_842 : i32 to vector<16xi32>
      %add3A_844 = arith.addi %mul3A_841, %add3A_843 : vector<16xi32>
      %gather3A_845 = tpu.vector_load_idx %arg6[%add3A_844] : memref<12288xf32, #tpu.memory_space<vmem>>[vector<16xi32>], vector<16xf32>,
      %mul3A_846 = arith.constant 4 : i32
      %mul3A_847 = vector.broadcast %mul3A_846 : i32 to vector<16xi32>
      %mul3A_848 = arith.muli %get3A_838, %mul3A_847 : vector<16xi32>
      %add3A_849 = arith.constant 0 : i32
      %add3A_850 = vector.broadcast %add3A_849 : i32 to vector<16xi32>
      %add3A_851 = arith.addi %mul3A_848, %add3A_850 : vector<16xi32>
      tpu.vector_store_idx %arg7[%add3A_851], %gather3A_845 {add = true} : memref<40960xf32, #tpu.memory_space<vmem>>[vector<16xi32>], vector<16xf32>,
      %mul3A_852 = arith.constant 16 : i32
      %mul3A_853 = vector.broadcast %mul3A_852 : i32 to vector<16xi32>
      %mul3A_854 = arith.muli %add3A_836, %mul3A_853 : vector<16xi32>
      %add3A_855 = arith.constant 1 : i32
      %add3A_856 = vector.broadcast %add3A_855 : i32 to vector<16xi32>
      %add3A_857 = arith.addi %mul3A_854, %add3A_856 : vector<16xi32>
      %gather3A_858 = tpu.vector_load_idx %arg6[%add3A_857] : memref<12288xf32, #tpu.memory_space<vmem>>[vector<16xi32>], vector<16xf32>,
      %mul3A_859 = arith.constant 4 : i32
      %mul3A_860 = vector.broadcast %mul3A_859 : i32 to vector<16xi32>
      %mul3A_861 = arith.muli %get3A_838, %mul3A_860 : vector<16xi32>
      %add3A_862 = arith.constant 1 : i32
      %add3A_863 = vector.broadcast %add3A_862 : i32 to vector<16xi32>
      %add3A_864 = arith.addi %mul3A_861, %add3A_863 : vector<16xi32>
      tpu.vector_store_idx %arg7[%add3A_864], %gather3A_858 {add = true} : memref<40960xf32, #tpu.memory_space<vmem>>[vector<16xi32>], vector<16xf32>,
      %mul3A_865 = arith.constant 16 : i32
      %mul3A_866 = vector.broadcast %mul3A_865 : i32 to vector<16xi32>
      %mul3A_867 = arith.muli %add3A_836, %mul3A_866 : vector<16xi32>
      %add3A_868 = arith.constant 2 : i32
      %add3A_869 = vector.broadcast %add3A_868 : i32 to vector<16xi32>
      %add3A_870 = arith.addi %mul3A_867, %add3A_869 : vector<16xi32>
      %gather3A_871 = tpu.vector_load_idx %arg6[%add3A_870] : memref<12288xf32, #tpu.memory_space<vmem>>[vector<16xi32>], vector<16xf32>,
      %mul3A_872 = arith.constant 4 : i32
      %mul3A_873 = vector.broadcast %mul3A_872 : i32 to vector<16xi32>
      %mul3A_874 = arith.muli %get3A_838, %mul3A_873 : vector<16xi32>
      %add3A_875 = arith.constant 2 : i32
      %add3A_876 = vector.broadcast %add3A_875 : i32 to vector<16xi32>
      %add3A_877 = arith.addi %mul3A_874, %add3A_876 : vector<16xi32>
      tpu.vector_store_idx %arg7[%add3A_877], %gather3A_871 {add = true} : memref<40960xf32, #tpu.memory_space<vmem>>[vector<16xi32>], vector<16xf32>,
      %mul3A_878 = arith.constant 16 : i32
      %mul3A_879 = vector.broadcast %mul3A_878 : i32 to vector<16xi32>
      %mul3A_880 = arith.muli %add3A_836, %mul3A_879 : vector<16xi32>
      %add3A_881 = arith.constant 3 : i32
      %add3A_882 = vector.broadcast %add3A_881 : i32 to vector<16xi32>
      %add3A_883 = arith.addi %mul3A_880, %add3A_882 : vector<16xi32>
      %gather3A_884 = tpu.vector_load_idx %arg6[%add3A_883] : memref<12288xf32, #tpu.memory_space<vmem>>[vector<16xi32>], vector<16xf32>,
      %mul3A_885 = arith.constant 4 : i32
      %mul3A_886 = vector.broadcast %mul3A_885 : i32 to vector<16xi32>
      %mul3A_887 = arith.muli %get3A_838, %mul3A_886 : vector<16xi32>
      %add3A_888 = arith.constant 3 : i32
      %add3A_889 = vector.broadcast %add3A_888 : i32 to vector<16xi32>
      %add3A_890 = arith.addi %mul3A_887, %add3A_889 : vector<16xi32>
      tpu.vector_store_idx %arg7[%add3A_890], %gather3A_884 {add = true} : memref<40960xf32, #tpu.memory_space<vmem>>[vector<16xi32>], vector<16xf32>,
      %iota3A_891 = tpu.iota {dimensions = array<i32: 0>} : vector<16xi32>
      %add3A_892 = arith.constant 224 : i32
      %add3A_893 = vector.broadcast %add3A_892 : i32 to vector<16xi32>
      %add3A_894 = arith.addi %iota3A_891, %add3A_893 : vector<16xi32>
      %get3A_895 = arith.constant 224 : index
      %get3A_896 = tpu.vector_load %arg5[%get3A_895] {strides = array<i32>} : memref<768xi32, #tpu.memory_space<vmem>>, vector<16xi32>,
      %mul3A_897 = arith.constant 16 : i32
      %mul3A_898 = vector.broadcast %mul3A_897 : i32 to vector<16xi32>
      %mul3A_899 = arith.muli %add3A_894, %mul3A_898 : vector<16xi32>
      %add3A_900 = arith.constant 0 : i32
      %add3A_901 = vector.broadcast %add3A_900 : i32 to vector<16xi32>
      %add3A_902 = arith.addi %mul3A_899, %add3A_901 : vector<16xi32>
      %gather3A_903 = tpu.vector_load_idx %arg6[%add3A_902] : memref<12288xf32, #tpu.memory_space<vmem>>[vector<16xi32>], vector<16xf32>,
      %mul3A_904 = arith.constant 4 : i32
      %mul3A_905 = vector.broadcast %mul3A_904 : i32 to vector<16xi32>
      %mul3A_906 = arith.muli %get3A_896, %mul3A_905 : vector<16xi32>
      %add3A_907 = arith.constant 0 : i32
      %add3A_908 = vector.broadcast %add3A_907 : i32 to vector<16xi32>
      %add3A_909 = arith.addi %mul3A_906, %add3A_908 : vector<16xi32>
      tpu.vector_store_idx %arg7[%add3A_909], %gather3A_903 {add = true} : memref<40960xf32, #tpu.memory_space<vmem>>[vector<16xi32>], vector<16xf32>,
      %mul3A_910 = arith.constant 16 : i32
      %mul3A_911 = vector.broadcast %mul3A_910 : i32 to vector<16xi32>
      %mul3A_912 = arith.muli %add3A_894, %mul3A_911 : vector<16xi32>
      %add3A_913 = arith.constant 1 : i32
      %add3A_914 = vector.broadcast %add3A_913 : i32 to vector<16xi32>
      %add3A_915 = arith.addi %mul3A_912, %add3A_914 : vector<16xi32>
      %gather3A_916 = tpu.vector_load_idx %arg6[%add3A_915] : memref<12288xf32, #tpu.memory_space<vmem>>[vector<16xi32>], vector<16xf32>,
      %mul3A_917 = arith.constant 4 : i32
      %mul3A_918 = vector.broadcast %mul3A_917 : i32 to vector<16xi32>
      %mul3A_919 = arith.muli %get3A_896, %mul3A_918 : vector<16xi32>
      %add3A_920 = arith.constant 1 : i32
      %add3A_921 = vector.broadcast %add3A_920 : i32 to vector<16xi32>
      %add3A_922 = arith.addi %mul3A_919, %add3A_921 : vector<16xi32>
      tpu.vector_store_idx %arg7[%add3A_922], %gather3A_916 {add = true} : memref<40960xf32, #tpu.memory_space<vmem>>[vector<16xi32>], vector<16xf32>,
      %mul3A_923 = arith.constant 16 : i32
      %mul3A_924 = vector.broadcast %mul3A_923 : i32 to vector<16xi32>
      %mul3A_925 = arith.muli %add3A_894, %mul3A_924 : vector<16xi32>
      %add3A_926 = arith.constant 2 : i32
      %add3A_927 = vector.broadcast %add3A_926 : i32 to vector<16xi32>
      %add3A_928 = arith.addi %mul3A_925, %add3A_927 : vector<16xi32>
      %gather3A_929 = tpu.vector_load_idx %arg6[%add3A_928] : memref<12288xf32, #tpu.memory_space<vmem>>[vector<16xi32>], vector<16xf32>,
      %mul3A_930 = arith.constant 4 : i32
      %mul3A_931 = vector.broadcast %mul3A_930 : i32 to vector<16xi32>
      %mul3A_932 = arith.muli %get3A_896, %mul3A_931 : vector<16xi32>
      %add3A_933 = arith.constant 2 : i32
      %add3A_934 = vector.broadcast %add3A_933 : i32 to vector<16xi32>
      %add3A_935 = arith.addi %mul3A_932, %add3A_934 : vector<16xi32>
      tpu.vector_store_idx %arg7[%add3A_935], %gather3A_929 {add = true} : memref<40960xf32, #tpu.memory_space<vmem>>[vector<16xi32>], vector<16xf32>,
      %mul3A_936 = arith.constant 16 : i32
      %mul3A_937 = vector.broadcast %mul3A_936 : i32 to vector<16xi32>
      %mul3A_938 = arith.muli %add3A_894, %mul3A_937 : vector<16xi32>
      %add3A_939 = arith.constant 3 : i32
      %add3A_940 = vector.broadcast %add3A_939 : i32 to vector<16xi32>
      %add3A_941 = arith.addi %mul3A_938, %add3A_940 : vector<16xi32>
      %gather3A_942 = tpu.vector_load_idx %arg6[%add3A_941] : memref<12288xf32, #tpu.memory_space<vmem>>[vector<16xi32>], vector<16xf32>,
      %mul3A_943 = arith.constant 4 : i32
      %mul3A_944 = vector.broadcast %mul3A_943 : i32 to vector<16xi32>
      %mul3A_945 = arith.muli %get3A_896, %mul3A_944 : vector<16xi32>
      %add3A_946 = arith.constant 3 : i32
      %add3A_947 = vector.broadcast %add3A_946 : i32 to vector<16xi32>
      %add3A_948 = arith.addi %mul3A_945, %add3A_947 : vector<16xi32>
      tpu.vector_store_idx %arg7[%add3A_948], %gather3A_942 {add = true} : memref<40960xf32, #tpu.memory_space<vmem>>[vector<16xi32>], vector<16xf32>,
      %iota3A_949 = tpu.iota {dimensions = array<i32: 0>} : vector<16xi32>
      %add3A_950 = arith.constant 240 : i32
      %add3A_951 = vector.broadcast %add3A_950 : i32 to vector<16xi32>
      %add3A_952 = arith.addi %iota3A_949, %add3A_951 : vector<16xi32>
      %get3A_953 = arith.constant 240 : index
      %get3A_954 = tpu.vector_load %arg5[%get3A_953] {strides = array<i32>} : memref<768xi32, #tpu.memory_space<vmem>>, vector<16xi32>,
      %mul3A_955 = arith.constant 16 : i32
      %mul3A_956 = vector.broadcast %mul3A_955 : i32 to vector<16xi32>
      %mul3A_957 = arith.muli %add3A_952, %mul3A_956 : vector<16xi32>
      %add3A_958 = arith.constant 0 : i32
      %add3A_959 = vector.broadcast %add3A_958 : i32 to vector<16xi32>
      %add3A_960 = arith.addi %mul3A_957, %add3A_959 : vector<16xi32>
      %gather3A_961 = tpu.vector_load_idx %arg6[%add3A_960] : memref<12288xf32, #tpu.memory_space<vmem>>[vector<16xi32>], vector<16xf32>,
      %mul3A_962 = arith.constant 4 : i32
      %mul3A_963 = vector.broadcast %mul3A_962 : i32 to vector<16xi32>
      %mul3A_964 = arith.muli %get3A_954, %mul3A_963 : vector<16xi32>
      %add3A_965 = arith.constant 0 : i32
      %add3A_966 = vector.broadcast %add3A_965 : i32 to vector<16xi32>
      %add3A_967 = arith.addi %mul3A_964, %add3A_966 : vector<16xi32>
      tpu.vector_store_idx %arg7[%add3A_967], %gather3A_961 {add = true} : memref<40960xf32, #tpu.memory_space<vmem>>[vector<16xi32>], vector<16xf32>,
      %mul3A_968 = arith.constant 16 : i32
      %mul3A_969 = vector.broadcast %mul3A_968 : i32 to vector<16xi32>
      %mul3A_970 = arith.muli %add3A_952, %mul3A_969 : vector<16xi32>
      %add3A_971 = arith.constant 1 : i32
      %add3A_972 = vector.broadcast %add3A_971 : i32 to vector<16xi32>
      %add3A_973 = arith.addi %mul3A_970, %add3A_972 : vector<16xi32>
      %gather3A_974 = tpu.vector_load_idx %arg6[%add3A_973] : memref<12288xf32, #tpu.memory_space<vmem>>[vector<16xi32>], vector<16xf32>,
      %mul3A_975 = arith.constant 4 : i32
      %mul3A_976 = vector.broadcast %mul3A_975 : i32 to vector<16xi32>
      %mul3A_977 = arith.muli %get3A_954, %mul3A_976 : vector<16xi32>
      %add3A_978 = arith.constant 1 : i32
      %add3A_979 = vector.broadcast %add3A_978 : i32 to vector<16xi32>
      %add3A_980 = arith.addi %mul3A_977, %add3A_979 : vector<16xi32>
      tpu.vector_store_idx %arg7[%add3A_980], %gather3A_974 {add = true} : memref<40960xf32, #tpu.memory_space<vmem>>[vector<16xi32>], vector<16xf32>,
      %mul3A_981 = arith.constant 16 : i32
      %mul3A_982 = vector.broadcast %mul3A_981 : i32 to vector<16xi32>
      %mul3A_983 = arith.muli %add3A_952, %mul3A_982 : vector<16xi32>
      %add3A_984 = arith.constant 2 : i32
      %add3A_985 = vector.broadcast %add3A_984 : i32 to vector<16xi32>
      %add3A_986 = arith.addi %mul3A_983, %add3A_985 : vector<16xi32>
      %gather3A_987 = tpu.vector_load_idx %arg6[%add3A_986] : memref<12288xf32, #tpu.memory_space<vmem>>[vector<16xi32>], vector<16xf32>,
      %mul3A_988 = arith.constant 4 : i32
      %mul3A_989 = vector.broadcast %mul3A_988 : i32 to vector<16xi32>
      %mul3A_990 = arith.muli %get3A_954, %mul3A_989 : vector<16xi32>
      %add3A_991 = arith.constant 2 : i32
      %add3A_992 = vector.broadcast %add3A_991 : i32 to vector<16xi32>
      %add3A_993 = arith.addi %mul3A_990, %add3A_992 : vector<16xi32>
      tpu.vector_store_idx %arg7[%add3A_993], %gather3A_987 {add = true} : memref<40960xf32, #tpu.memory_space<vmem>>[vector<16xi32>], vector<16xf32>,
      %mul3A_994 = arith.constant 16 : i32
      %mul3A_995 = vector.broadcast %mul3A_994 : i32 to vector<16xi32>
      %mul3A_996 = arith.muli %add3A_952, %mul3A_995 : vector<16xi32>
      %add3A_997 = arith.constant 3 : i32
      %add3A_998 = vector.broadcast %add3A_997 : i32 to vector<16xi32>
      %add3A_999 = arith.addi %mul3A_996, %add3A_998 : vector<16xi32>
      %gather3A_1000 = tpu.vector_load_idx %arg6[%add3A_999] : memref<12288xf32, #tpu.memory_space<vmem>>[vector<16xi32>], vector<16xf32>,
      %mul3A_1001 = arith.constant 4 : i32
      %mul3A_1002 = vector.broadcast %mul3A_1001 : i32 to vector<16xi32>
      %mul3A_1003 = arith.muli %get3A_954, %mul3A_1002 : vector<16xi32>
      %add3A_1004 = arith.constant 3 : i32
      %add3A_1005 = vector.broadcast %add3A_1004 : i32 to vector<16xi32>
      %add3A_1006 = arith.addi %mul3A_1003, %add3A_1005 : vector<16xi32>
      tpu.vector_store_idx %arg7[%add3A_1006], %gather3A_1000 {add = true} : memref<40960xf32, #tpu.memory_space<vmem>>[vector<16xi32>], vector<16xf32>,
      %iota3A_1007 = tpu.iota {dimensions = array<i32: 0>} : vector<16xi32>
      %add3A_1008 = arith.constant 256 : i32
      %add3A_1009 = vector.broadcast %add3A_1008 : i32 to vector<16xi32>
      %add3A_1010 = arith.addi %iota3A_1007, %add3A_1009 : vector<16xi32>
      %get3A_1011 = arith.constant 256 : index
      %get3A_1012 = tpu.vector_load %arg5[%get3A_1011] {strides = array<i32>} : memref<768xi32, #tpu.memory_space<vmem>>, vector<16xi32>,
      %mul3A_1013 = arith.constant 16 : i32
      %mul3A_1014 = vector.broadcast %mul3A_1013 : i32 to vector<16xi32>
      %mul3A_1015 = arith.muli %add3A_1010, %mul3A_1014 : vector<16xi32>
      %add3A_1016 = arith.constant 0 : i32
      %add3A_1017 = vector.broadcast %add3A_1016 : i32 to vector<16xi32>
      %add3A_1018 = arith.addi %mul3A_1015, %add3A_1017 : vector<16xi32>
      %gather3A_1019 = tpu.vector_load_idx %arg6[%add3A_1018] : memref<12288xf32, #tpu.memory_space<vmem>>[vector<16xi32>], vector<16xf32>,
      %mul3A_1020 = arith.constant 4 : i32
      %mul3A_1021 = vector.broadcast %mul3A_1020 : i32 to vector<16xi32>
      %mul3A_1022 = arith.muli %get3A_1012, %mul3A_1021 : vector<16xi32>
      %add3A_1023 = arith.constant 0 : i32
      %add3A_1024 = vector.broadcast %add3A_1023 : i32 to vector<16xi32>
      %add3A_1025 = arith.addi %mul3A_1022, %add3A_1024 : vector<16xi32>
      tpu.vector_store_idx %arg7[%add3A_1025], %gather3A_1019 {add = true} : memref<40960xf32, #tpu.memory_space<vmem>>[vector<16xi32>], vector<16xf32>,
      %mul3A_1026 = arith.constant 16 : i32
      %mul3A_1027 = vector.broadcast %mul3A_1026 : i32 to vector<16xi32>
      %mul3A_1028 = arith.muli %add3A_1010, %mul3A_1027 : vector<16xi32>
      %add3A_1029 = arith.constant 1 : i32
      %add3A_1030 = vector.broadcast %add3A_1029 : i32 to vector<16xi32>
      %add3A_1031 = arith.addi %mul3A_1028, %add3A_1030 : vector<16xi32>
      %gather3A_1032 = tpu.vector_load_idx %arg6[%add3A_1031] : memref<12288xf32, #tpu.memory_space<vmem>>[vector<16xi32>], vector<16xf32>,
      %mul3A_1033 = arith.constant 4 : i32
      %mul3A_1034 = vector.broadcast %mul3A_1033 : i32 to vector<16xi32>
      %mul3A_1035 = arith.muli %get3A_1012, %mul3A_1034 : vector<16xi32>
      %add3A_1036 = arith.constant 1 : i32
      %add3A_1037 = vector.broadcast %add3A_1036 : i32 to vector<16xi32>
      %add3A_1038 = arith.addi %mul3A_1035, %add3A_1037 : vector<16xi32>
      tpu.vector_store_idx %arg7[%add3A_1038], %gather3A_1032 {add = true} : memref<40960xf32, #tpu.memory_space<vmem>>[vector<16xi32>], vector<16xf32>,
      %mul3A_1039 = arith.constant 16 : i32
      %mul3A_1040 = vector.broadcast %mul3A_1039 : i32 to vector<16xi32>
      %mul3A_1041 = arith.muli %add3A_1010, %mul3A_1040 : vector<16xi32>
      %add3A_1042 = arith.constant 2 : i32
      %add3A_1043 = vector.broadcast %add3A_1042 : i32 to vector<16xi32>
      %add3A_1044 = arith.addi %mul3A_1041, %add3A_1043 : vector<16xi32>
      %gather3A_1045 = tpu.vector_load_idx %arg6[%add3A_1044] : memref<12288xf32, #tpu.memory_space<vmem>>[vector<16xi32>], vector<16xf32>,
      %mul3A_1046 = arith.constant 4 : i32
      %mul3A_1047 = vector.broadcast %mul3A_1046 : i32 to vector<16xi32>
      %mul3A_1048 = arith.muli %get3A_1012, %mul3A_1047 : vector<16xi32>
      %add3A_1049 = arith.constant 2 : i32
      %add3A_1050 = vector.broadcast %add3A_1049 : i32 to vector<16xi32>
      %add3A_1051 = arith.addi %mul3A_1048, %add3A_1050 : vector<16xi32>
      tpu.vector_store_idx %arg7[%add3A_1051], %gather3A_1045 {add = true} : memref<40960xf32, #tpu.memory_space<vmem>>[vector<16xi32>], vector<16xf32>,
      %mul3A_1052 = arith.constant 16 : i32
      %mul3A_1053 = vector.broadcast %mul3A_1052 : i32 to vector<16xi32>
      %mul3A_1054 = arith.muli %add3A_1010, %mul3A_1053 : vector<16xi32>
      %add3A_1055 = arith.constant 3 : i32
      %add3A_1056 = vector.broadcast %add3A_1055 : i32 to vector<16xi32>
      %add3A_1057 = arith.addi %mul3A_1054, %add3A_1056 : vector<16xi32>
      %gather3A_1058 = tpu.vector_load_idx %arg6[%add3A_1057] : memref<12288xf32, #tpu.memory_space<vmem>>[vector<16xi32>], vector<16xf32>,
      %mul3A_1059 = arith.constant 4 : i32
      %mul3A_1060 = vector.broadcast %mul3A_1059 : i32 to vector<16xi32>
      %mul3A_1061 = arith.muli %get3A_1012, %mul3A_1060 : vector<16xi32>
      %add3A_1062 = arith.constant 3 : i32
      %add3A_1063 = vector.broadcast %add3A_1062 : i32 to vector<16xi32>
      %add3A_1064 = arith.addi %mul3A_1061, %add3A_1063 : vector<16xi32>
      tpu.vector_store_idx %arg7[%add3A_1064], %gather3A_1058 {add = true} : memref<40960xf32, #tpu.memory_space<vmem>>[vector<16xi32>], vector<16xf32>,
      %iota3A_1065 = tpu.iota {dimensions = array<i32: 0>} : vector<16xi32>
      %add3A_1066 = arith.constant 272 : i32
      %add3A_1067 = vector.broadcast %add3A_1066 : i32 to vector<16xi32>
      %add3A_1068 = arith.addi %iota3A_1065, %add3A_1067 : vector<16xi32>
      %get3A_1069 = arith.constant 272 : index
      %get3A_1070 = tpu.vector_load %arg5[%get3A_1069] {strides = array<i32>} : memref<768xi32, #tpu.memory_space<vmem>>, vector<16xi32>,
      %mul3A_1071 = arith.constant 16 : i32
      %mul3A_1072 = vector.broadcast %mul3A_1071 : i32 to vector<16xi32>
      %mul3A_1073 = arith.muli %add3A_1068, %mul3A_1072 : vector<16xi32>
      %add3A_1074 = arith.constant 0 : i32
      %add3A_1075 = vector.broadcast %add3A_1074 : i32 to vector<16xi32>
      %add3A_1076 = arith.addi %mul3A_1073, %add3A_1075 : vector<16xi32>
      %gather3A_1077 = tpu.vector_load_idx %arg6[%add3A_1076] : memref<12288xf32, #tpu.memory_space<vmem>>[vector<16xi32>], vector<16xf32>,
      %mul3A_1078 = arith.constant 4 : i32
      %mul3A_1079 = vector.broadcast %mul3A_1078 : i32 to vector<16xi32>
      %mul3A_1080 = arith.muli %get3A_1070, %mul3A_1079 : vector<16xi32>
      %add3A_1081 = arith.constant 0 : i32
      %add3A_1082 = vector.broadcast %add3A_1081 : i32 to vector<16xi32>
      %add3A_1083 = arith.addi %mul3A_1080, %add3A_1082 : vector<16xi32>
      tpu.vector_store_idx %arg7[%add3A_1083], %gather3A_1077 {add = true} : memref<40960xf32, #tpu.memory_space<vmem>>[vector<16xi32>], vector<16xf32>,
      %mul3A_1084 = arith.constant 16 : i32
      %mul3A_1085 = vector.broadcast %mul3A_1084 : i32 to vector<16xi32>
      %mul3A_1086 = arith.muli %add3A_1068, %mul3A_1085 : vector<16xi32>
      %add3A_1087 = arith.constant 1 : i32
      %add3A_1088 = vector.broadcast %add3A_1087 : i32 to vector<16xi32>
      %add3A_1089 = arith.addi %mul3A_1086, %add3A_1088 : vector<16xi32>
      %gather3A_1090 = tpu.vector_load_idx %arg6[%add3A_1089] : memref<12288xf32, #tpu.memory_space<vmem>>[vector<16xi32>], vector<16xf32>,
      %mul3A_1091 = arith.constant 4 : i32
      %mul3A_1092 = vector.broadcast %mul3A_1091 : i32 to vector<16xi32>
      %mul3A_1093 = arith.muli %get3A_1070, %mul3A_1092 : vector<16xi32>
      %add3A_1094 = arith.constant 1 : i32
      %add3A_1095 = vector.broadcast %add3A_1094 : i32 to vector<16xi32>
      %add3A_1096 = arith.addi %mul3A_1093, %add3A_1095 : vector<16xi32>
      tpu.vector_store_idx %arg7[%add3A_1096], %gather3A_1090 {add = true} : memref<40960xf32, #tpu.memory_space<vmem>>[vector<16xi32>], vector<16xf32>,
      %mul3A_1097 = arith.constant 16 : i32
      %mul3A_1098 = vector.broadcast %mul3A_1097 : i32 to vector<16xi32>
      %mul3A_1099 = arith.muli %add3A_1068, %mul3A_1098 : vector<16xi32>
      %add3A_1100 = arith.constant 2 : i32
      %add3A_1101 = vector.broadcast %add3A_1100 : i32 to vector<16xi32>
      %add3A_1102 = arith.addi %mul3A_1099, %add3A_1101 : vector<16xi32>
      %gather3A_1103 = tpu.vector_load_idx %arg6[%add3A_1102] : memref<12288xf32, #tpu.memory_space<vmem>>[vector<16xi32>], vector<16xf32>,
      %mul3A_1104 = arith.constant 4 : i32
      %mul3A_1105 = vector.broadcast %mul3A_1104 : i32 to vector<16xi32>
      %mul3A_1106 = arith.muli %get3A_1070, %mul3A_1105 : vector<16xi32>
      %add3A_1107 = arith.constant 2 : i32
      %add3A_1108 = vector.broadcast %add3A_1107 : i32 to vector<16xi32>
      %add3A_1109 = arith.addi %mul3A_1106, %add3A_1108 : vector<16xi32>
      tpu.vector_store_idx %arg7[%add3A_1109], %gather3A_1103 {add = true} : memref<40960xf32, #tpu.memory_space<vmem>>[vector<16xi32>], vector<16xf32>,
      %mul3A_1110 = arith.constant 16 : i32
      %mul3A_1111 = vector.broadcast %mul3A_1110 : i32 to vector<16xi32>
      %mul3A_1112 = arith.muli %add3A_1068, %mul3A_1111 : vector<16xi32>
      %add3A_1113 = arith.constant 3 : i32
      %add3A_1114 = vector.broadcast %add3A_1113 : i32 to vector<16xi32>
      %add3A_1115 = arith.addi %mul3A_1112, %add3A_1114 : vector<16xi32>
      %gather3A_1116 = tpu.vector_load_idx %arg6[%add3A_1115] : memref<12288xf32, #tpu.memory_space<vmem>>[vector<16xi32>], vector<16xf32>,
      %mul3A_1117 = arith.constant 4 : i32
      %mul3A_1118 = vector.broadcast %mul3A_1117 : i32 to vector<16xi32>
      %mul3A_1119 = arith.muli %get3A_1070, %mul3A_1118 : vector<16xi32>
      %add3A_1120 = arith.constant 3 : i32
      %add3A_1121 = vector.broadcast %add3A_1120 : i32 to vector<16xi32>
      %add3A_1122 = arith.addi %mul3A_1119, %add3A_1121 : vector<16xi32>
      tpu.vector_store_idx %arg7[%add3A_1122], %gather3A_1116 {add = true} : memref<40960xf32, #tpu.memory_space<vmem>>[vector<16xi32>], vector<16xf32>,
      %iota3A_1123 = tpu.iota {dimensions = array<i32: 0>} : vector<16xi32>
      %add3A_1124 = arith.constant 288 : i32
      %add3A_1125 = vector.broadcast %add3A_1124 : i32 to vector<16xi32>
      %add3A_1126 = arith.addi %iota3A_1123, %add3A_1125 : vector<16xi32>
      %get3A_1127 = arith.constant 288 : index
      %get3A_1128 = tpu.vector_load %arg5[%get3A_1127] {strides = array<i32>} : memref<768xi32, #tpu.memory_space<vmem>>, vector<16xi32>,
      %mul3A_1129 = arith.constant 16 : i32
      %mul3A_1130 = vector.broadcast %mul3A_1129 : i32 to vector<16xi32>
      %mul3A_1131 = arith.muli %add3A_1126, %mul3A_1130 : vector<16xi32>
      %add3A_1132 = arith.constant 0 : i32
      %add3A_1133 = vector.broadcast %add3A_1132 : i32 to vector<16xi32>
      %add3A_1134 = arith.addi %mul3A_1131, %add3A_1133 : vector<16xi32>
      %gather3A_1135 = tpu.vector_load_idx %arg6[%add3A_1134] : memref<12288xf32, #tpu.memory_space<vmem>>[vector<16xi32>], vector<16xf32>,
      %mul3A_1136 = arith.constant 4 : i32
      %mul3A_1137 = vector.broadcast %mul3A_1136 : i32 to vector<16xi32>
      %mul3A_1138 = arith.muli %get3A_1128, %mul3A_1137 : vector<16xi32>
      %add3A_1139 = arith.constant 0 : i32
      %add3A_1140 = vector.broadcast %add3A_1139 : i32 to vector<16xi32>
      %add3A_1141 = arith.addi %mul3A_1138, %add3A_1140 : vector<16xi32>
      tpu.vector_store_idx %arg7[%add3A_1141], %gather3A_1135 {add = true} : memref<40960xf32, #tpu.memory_space<vmem>>[vector<16xi32>], vector<16xf32>,
      %mul3A_1142 = arith.constant 16 : i32
      %mul3A_1143 = vector.broadcast %mul3A_1142 : i32 to vector<16xi32>
      %mul3A_1144 = arith.muli %add3A_1126, %mul3A_1143 : vector<16xi32>
      %add3A_1145 = arith.constant 1 : i32
      %add3A_1146 = vector.broadcast %add3A_1145 : i32 to vector<16xi32>
      %add3A_1147 = arith.addi %mul3A_1144, %add3A_1146 : vector<16xi32>
      %gather3A_1148 = tpu.vector_load_idx %arg6[%add3A_1147] : memref<12288xf32, #tpu.memory_space<vmem>>[vector<16xi32>], vector<16xf32>,
      %mul3A_1149 = arith.constant 4 : i32
      %mul3A_1150 = vector.broadcast %mul3A_1149 : i32 to vector<16xi32>
      %mul3A_1151 = arith.muli %get3A_1128, %mul3A_1150 : vector<16xi32>
      %add3A_1152 = arith.constant 1 : i32
      %add3A_1153 = vector.broadcast %add3A_1152 : i32 to vector<16xi32>
      %add3A_1154 = arith.addi %mul3A_1151, %add3A_1153 : vector<16xi32>
      tpu.vector_store_idx %arg7[%add3A_1154], %gather3A_1148 {add = true} : memref<40960xf32, #tpu.memory_space<vmem>>[vector<16xi32>], vector<16xf32>,
      %mul3A_1155 = arith.constant 16 : i32
      %mul3A_1156 = vector.broadcast %mul3A_1155 : i32 to vector<16xi32>
      %mul3A_1157 = arith.muli %add3A_1126, %mul3A_1156 : vector<16xi32>
      %add3A_1158 = arith.constant 2 : i32
      %add3A_1159 = vector.broadcast %add3A_1158 : i32 to vector<16xi32>
      %add3A_1160 = arith.addi %mul3A_1157, %add3A_1159 : vector<16xi32>
      %gather3A_1161 = tpu.vector_load_idx %arg6[%add3A_1160] : memref<12288xf32, #tpu.memory_space<vmem>>[vector<16xi32>], vector<16xf32>,
      %mul3A_1162 = arith.constant 4 : i32
      %mul3A_1163 = vector.broadcast %mul3A_1162 : i32 to vector<16xi32>
      %mul3A_1164 = arith.muli %get3A_1128, %mul3A_1163 : vector<16xi32>
      %add3A_1165 = arith.constant 2 : i32
      %add3A_1166 = vector.broadcast %add3A_1165 : i32 to vector<16xi32>
      %add3A_1167 = arith.addi %mul3A_1164, %add3A_1166 : vector<16xi32>
      tpu.vector_store_idx %arg7[%add3A_1167], %gather3A_1161 {add = true} : memref<40960xf32, #tpu.memory_space<vmem>>[vector<16xi32>], vector<16xf32>,
      %mul3A_1168 = arith.constant 16 : i32
      %mul3A_1169 = vector.broadcast %mul3A_1168 : i32 to vector<16xi32>
      %mul3A_1170 = arith.muli %add3A_1126, %mul3A_1169 : vector<16xi32>
      %add3A_1171 = arith.constant 3 : i32
      %add3A_1172 = vector.broadcast %add3A_1171 : i32 to vector<16xi32>
      %add3A_1173 = arith.addi %mul3A_1170, %add3A_1172 : vector<16xi32>
      %gather3A_1174 = tpu.vector_load_idx %arg6[%add3A_1173] : memref<12288xf32, #tpu.memory_space<vmem>>[vector<16xi32>], vector<16xf32>,
      %mul3A_1175 = arith.constant 4 : i32
      %mul3A_1176 = vector.broadcast %mul3A_1175 : i32 to vector<16xi32>
      %mul3A_1177 = arith.muli %get3A_1128, %mul3A_1176 : vector<16xi32>
      %add3A_1178 = arith.constant 3 : i32
      %add3A_1179 = vector.broadcast %add3A_1178 : i32 to vector<16xi32>
      %add3A_1180 = arith.addi %mul3A_1177, %add3A_1179 : vector<16xi32>
      tpu.vector_store_idx %arg7[%add3A_1180], %gather3A_1174 {add = true} : memref<40960xf32, #tpu.memory_space<vmem>>[vector<16xi32>], vector<16xf32>,
      %iota3A_1181 = tpu.iota {dimensions = array<i32: 0>} : vector<16xi32>
      %add3A_1182 = arith.constant 304 : i32
      %add3A_1183 = vector.broadcast %add3A_1182 : i32 to vector<16xi32>
      %add3A_1184 = arith.addi %iota3A_1181, %add3A_1183 : vector<16xi32>
      %get3A_1185 = arith.constant 304 : index
      %get3A_1186 = tpu.vector_load %arg5[%get3A_1185] {strides = array<i32>} : memref<768xi32, #tpu.memory_space<vmem>>, vector<16xi32>,
      %mul3A_1187 = arith.constant 16 : i32
      %mul3A_1188 = vector.broadcast %mul3A_1187 : i32 to vector<16xi32>
      %mul3A_1189 = arith.muli %add3A_1184, %mul3A_1188 : vector<16xi32>
      %add3A_1190 = arith.constant 0 : i32
      %add3A_1191 = vector.broadcast %add3A_1190 : i32 to vector<16xi32>
      %add3A_1192 = arith.addi %mul3A_1189, %add3A_1191 : vector<16xi32>
      %gather3A_1193 = tpu.vector_load_idx %arg6[%add3A_1192] : memref<12288xf32, #tpu.memory_space<vmem>>[vector<16xi32>], vector<16xf32>,
      %mul3A_1194 = arith.constant 4 : i32
      %mul3A_1195 = vector.broadcast %mul3A_1194 : i32 to vector<16xi32>
      %mul3A_1196 = arith.muli %get3A_1186, %mul3A_1195 : vector<16xi32>
      %add3A_1197 = arith.constant 0 : i32
      %add3A_1198 = vector.broadcast %add3A_1197 : i32 to vector<16xi32>
      %add3A_1199 = arith.addi %mul3A_1196, %add3A_1198 : vector<16xi32>
      tpu.vector_store_idx %arg7[%add3A_1199], %gather3A_1193 {add = true} : memref<40960xf32, #tpu.memory_space<vmem>>[vector<16xi32>], vector<16xf32>,
      %mul3A_1200 = arith.constant 16 : i32
      %mul3A_1201 = vector.broadcast %mul3A_1200 : i32 to vector<16xi32>
      %mul3A_1202 = arith.muli %add3A_1184, %mul3A_1201 : vector<16xi32>
      %add3A_1203 = arith.constant 1 : i32
      %add3A_1204 = vector.broadcast %add3A_1203 : i32 to vector<16xi32>
      %add3A_1205 = arith.addi %mul3A_1202, %add3A_1204 : vector<16xi32>
      %gather3A_1206 = tpu.vector_load_idx %arg6[%add3A_1205] : memref<12288xf32, #tpu.memory_space<vmem>>[vector<16xi32>], vector<16xf32>,
      %mul3A_1207 = arith.constant 4 : i32
      %mul3A_1208 = vector.broadcast %mul3A_1207 : i32 to vector<16xi32>
      %mul3A_1209 = arith.muli %get3A_1186, %mul3A_1208 : vector<16xi32>
      %add3A_1210 = arith.constant 1 : i32
      %add3A_1211 = vector.broadcast %add3A_1210 : i32 to vector<16xi32>
      %add3A_1212 = arith.addi %mul3A_1209, %add3A_1211 : vector<16xi32>
      tpu.vector_store_idx %arg7[%add3A_1212], %gather3A_1206 {add = true} : memref<40960xf32, #tpu.memory_space<vmem>>[vector<16xi32>], vector<16xf32>,
      %mul3A_1213 = arith.constant 16 : i32
      %mul3A_1214 = vector.broadcast %mul3A_1213 : i32 to vector<16xi32>
      %mul3A_1215 = arith.muli %add3A_1184, %mul3A_1214 : vector<16xi32>
      %add3A_1216 = arith.constant 2 : i32
      %add3A_1217 = vector.broadcast %add3A_1216 : i32 to vector<16xi32>
      %add3A_1218 = arith.addi %mul3A_1215, %add3A_1217 : vector<16xi32>
      %gather3A_1219 = tpu.vector_load_idx %arg6[%add3A_1218] : memref<12288xf32, #tpu.memory_space<vmem>>[vector<16xi32>], vector<16xf32>,
      %mul3A_1220 = arith.constant 4 : i32
      %mul3A_1221 = vector.broadcast %mul3A_1220 : i32 to vector<16xi32>
      %mul3A_1222 = arith.muli %get3A_1186, %mul3A_1221 : vector<16xi32>
      %add3A_1223 = arith.constant 2 : i32
      %add3A_1224 = vector.broadcast %add3A_1223 : i32 to vector<16xi32>
      %add3A_1225 = arith.addi %mul3A_1222, %add3A_1224 : vector<16xi32>
      tpu.vector_store_idx %arg7[%add3A_1225], %gather3A_1219 {add = true} : memref<40960xf32, #tpu.memory_space<vmem>>[vector<16xi32>], vector<16xf32>,
      %mul3A_1226 = arith.constant 16 : i32
      %mul3A_1227 = vector.broadcast %mul3A_1226 : i32 to vector<16xi32>
      %mul3A_1228 = arith.muli %add3A_1184, %mul3A_1227 : vector<16xi32>
      %add3A_1229 = arith.constant 3 : i32
      %add3A_1230 = vector.broadcast %add3A_1229 : i32 to vector<16xi32>
      %add3A_1231 = arith.addi %mul3A_1228, %add3A_1230 : vector<16xi32>
      %gather3A_1232 = tpu.vector_load_idx %arg6[%add3A_1231] : memref<12288xf32, #tpu.memory_space<vmem>>[vector<16xi32>], vector<16xf32>,
      %mul3A_1233 = arith.constant 4 : i32
      %mul3A_1234 = vector.broadcast %mul3A_1233 : i32 to vector<16xi32>
      %mul3A_1235 = arith.muli %get3A_1186, %mul3A_1234 : vector<16xi32>
      %add3A_1236 = arith.constant 3 : i32
      %add3A_1237 = vector.broadcast %add3A_1236 : i32 to vector<16xi32>
      %add3A_1238 = arith.addi %mul3A_1235, %add3A_1237 : vector<16xi32>
      tpu.vector_store_idx %arg7[%add3A_1238], %gather3A_1232 {add = true} : memref<40960xf32, #tpu.memory_space<vmem>>[vector<16xi32>], vector<16xf32>,
      %iota3A_1239 = tpu.iota {dimensions = array<i32: 0>} : vector<16xi32>
      %add3A_1240 = arith.constant 320 : i32
      %add3A_1241 = vector.broadcast %add3A_1240 : i32 to vector<16xi32>
      %add3A_1242 = arith.addi %iota3A_1239, %add3A_1241 : vector<16xi32>
      %get3A_1243 = arith.constant 320 : index
      %get3A_1244 = tpu.vector_load %arg5[%get3A_1243] {strides = array<i32>} : memref<768xi32, #tpu.memory_space<vmem>>, vector<16xi32>,
      %mul3A_1245 = arith.constant 16 : i32
      %mul3A_1246 = vector.broadcast %mul3A_1245 : i32 to vector<16xi32>
      %mul3A_1247 = arith.muli %add3A_1242, %mul3A_1246 : vector<16xi32>
      %add3A_1248 = arith.constant 0 : i32
      %add3A_1249 = vector.broadcast %add3A_1248 : i32 to vector<16xi32>
      %add3A_1250 = arith.addi %mul3A_1247, %add3A_1249 : vector<16xi32>
      %gather3A_1251 = tpu.vector_load_idx %arg6[%add3A_1250] : memref<12288xf32, #tpu.memory_space<vmem>>[vector<16xi32>], vector<16xf32>,
      %mul3A_1252 = arith.constant 4 : i32
      %mul3A_1253 = vector.broadcast %mul3A_1252 : i32 to vector<16xi32>
      %mul3A_1254 = arith.muli %get3A_1244, %mul3A_1253 : vector<16xi32>
      %add3A_1255 = arith.constant 0 : i32
      %add3A_1256 = vector.broadcast %add3A_1255 : i32 to vector<16xi32>
      %add3A_1257 = arith.addi %mul3A_1254, %add3A_1256 : vector<16xi32>
      tpu.vector_store_idx %arg7[%add3A_1257], %gather3A_1251 {add = true} : memref<40960xf32, #tpu.memory_space<vmem>>[vector<16xi32>], vector<16xf32>,
      %mul3A_1258 = arith.constant 16 : i32
      %mul3A_1259 = vector.broadcast %mul3A_1258 : i32 to vector<16xi32>
      %mul3A_1260 = arith.muli %add3A_1242, %mul3A_1259 : vector<16xi32>
      %add3A_1261 = arith.constant 1 : i32
      %add3A_1262 = vector.broadcast %add3A_1261 : i32 to vector<16xi32>
      %add3A_1263 = arith.addi %mul3A_1260, %add3A_1262 : vector<16xi32>
      %gather3A_1264 = tpu.vector_load_idx %arg6[%add3A_1263] : memref<12288xf32, #tpu.memory_space<vmem>>[vector<16xi32>], vector<16xf32>,
      %mul3A_1265 = arith.constant 4 : i32
      %mul3A_1266 = vector.broadcast %mul3A_1265 : i32 to vector<16xi32>
      %mul3A_1267 = arith.muli %get3A_1244, %mul3A_1266 : vector<16xi32>
      %add3A_1268 = arith.constant 1 : i32
      %add3A_1269 = vector.broadcast %add3A_1268 : i32 to vector<16xi32>
      %add3A_1270 = arith.addi %mul3A_1267, %add3A_1269 : vector<16xi32>
      tpu.vector_store_idx %arg7[%add3A_1270], %gather3A_1264 {add = true} : memref<40960xf32, #tpu.memory_space<vmem>>[vector<16xi32>], vector<16xf32>,
      %mul3A_1271 = arith.constant 16 : i32
      %mul3A_1272 = vector.broadcast %mul3A_1271 : i32 to vector<16xi32>
      %mul3A_1273 = arith.muli %add3A_1242, %mul3A_1272 : vector<16xi32>
      %add3A_1274 = arith.constant 2 : i32
      %add3A_1275 = vector.broadcast %add3A_1274 : i32 to vector<16xi32>
      %add3A_1276 = arith.addi %mul3A_1273, %add3A_1275 : vector<16xi32>
      %gather3A_1277 = tpu.vector_load_idx %arg6[%add3A_1276] : memref<12288xf32, #tpu.memory_space<vmem>>[vector<16xi32>], vector<16xf32>,
      %mul3A_1278 = arith.constant 4 : i32
      %mul3A_1279 = vector.broadcast %mul3A_1278 : i32 to vector<16xi32>
      %mul3A_1280 = arith.muli %get3A_1244, %mul3A_1279 : vector<16xi32>
      %add3A_1281 = arith.constant 2 : i32
      %add3A_1282 = vector.broadcast %add3A_1281 : i32 to vector<16xi32>
      %add3A_1283 = arith.addi %mul3A_1280, %add3A_1282 : vector<16xi32>
      tpu.vector_store_idx %arg7[%add3A_1283], %gather3A_1277 {add = true} : memref<40960xf32, #tpu.memory_space<vmem>>[vector<16xi32>], vector<16xf32>,
      %mul3A_1284 = arith.constant 16 : i32
      %mul3A_1285 = vector.broadcast %mul3A_1284 : i32 to vector<16xi32>
      %mul3A_1286 = arith.muli %add3A_1242, %mul3A_1285 : vector<16xi32>
      %add3A_1287 = arith.constant 3 : i32
      %add3A_1288 = vector.broadcast %add3A_1287 : i32 to vector<16xi32>
      %add3A_1289 = arith.addi %mul3A_1286, %add3A_1288 : vector<16xi32>
      %gather3A_1290 = tpu.vector_load_idx %arg6[%add3A_1289] : memref<12288xf32, #tpu.memory_space<vmem>>[vector<16xi32>], vector<16xf32>,
      %mul3A_1291 = arith.constant 4 : i32
      %mul3A_1292 = vector.broadcast %mul3A_1291 : i32 to vector<16xi32>
      %mul3A_1293 = arith.muli %get3A_1244, %mul3A_1292 : vector<16xi32>
      %add3A_1294 = arith.constant 3 : i32
      %add3A_1295 = vector.broadcast %add3A_1294 : i32 to vector<16xi32>
      %add3A_1296 = arith.addi %mul3A_1293, %add3A_1295 : vector<16xi32>
      tpu.vector_store_idx %arg7[%add3A_1296], %gather3A_1290 {add = true} : memref<40960xf32, #tpu.memory_space<vmem>>[vector<16xi32>], vector<16xf32>,
      %iota3A_1297 = tpu.iota {dimensions = array<i32: 0>} : vector<16xi32>
      %add3A_1298 = arith.constant 336 : i32
      %add3A_1299 = vector.broadcast %add3A_1298 : i32 to vector<16xi32>
      %add3A_1300 = arith.addi %iota3A_1297, %add3A_1299 : vector<16xi32>
      %get3A_1301 = arith.constant 336 : index
      %get3A_1302 = tpu.vector_load %arg5[%get3A_1301] {strides = array<i32>} : memref<768xi32, #tpu.memory_space<vmem>>, vector<16xi32>,
      %mul3A_1303 = arith.constant 16 : i32
      %mul3A_1304 = vector.broadcast %mul3A_1303 : i32 to vector<16xi32>
      %mul3A_1305 = arith.muli %add3A_1300, %mul3A_1304 : vector<16xi32>
      %add3A_1306 = arith.constant 0 : i32
      %add3A_1307 = vector.broadcast %add3A_1306 : i32 to vector<16xi32>
      %add3A_1308 = arith.addi %mul3A_1305, %add3A_1307 : vector<16xi32>
      %gather3A_1309 = tpu.vector_load_idx %arg6[%add3A_1308] : memref<12288xf32, #tpu.memory_space<vmem>>[vector<16xi32>], vector<16xf32>,
      %mul3A_1310 = arith.constant 4 : i32
      %mul3A_1311 = vector.broadcast %mul3A_1310 : i32 to vector<16xi32>
      %mul3A_1312 = arith.muli %get3A_1302, %mul3A_1311 : vector<16xi32>
      %add3A_1313 = arith.constant 0 : i32
      %add3A_1314 = vector.broadcast %add3A_1313 : i32 to vector<16xi32>
      %add3A_1315 = arith.addi %mul3A_1312, %add3A_1314 : vector<16xi32>
      tpu.vector_store_idx %arg7[%add3A_1315], %gather3A_1309 {add = true} : memref<40960xf32, #tpu.memory_space<vmem>>[vector<16xi32>], vector<16xf32>,
      %mul3A_1316 = arith.constant 16 : i32
      %mul3A_1317 = vector.broadcast %mul3A_1316 : i32 to vector<16xi32>
      %mul3A_1318 = arith.muli %add3A_1300, %mul3A_1317 : vector<16xi32>
      %add3A_1319 = arith.constant 1 : i32
      %add3A_1320 = vector.broadcast %add3A_1319 : i32 to vector<16xi32>
      %add3A_1321 = arith.addi %mul3A_1318, %add3A_1320 : vector<16xi32>
      %gather3A_1322 = tpu.vector_load_idx %arg6[%add3A_1321] : memref<12288xf32, #tpu.memory_space<vmem>>[vector<16xi32>], vector<16xf32>,
      %mul3A_1323 = arith.constant 4 : i32
      %mul3A_1324 = vector.broadcast %mul3A_1323 : i32 to vector<16xi32>
      %mul3A_1325 = arith.muli %get3A_1302, %mul3A_1324 : vector<16xi32>
      %add3A_1326 = arith.constant 1 : i32
      %add3A_1327 = vector.broadcast %add3A_1326 : i32 to vector<16xi32>
      %add3A_1328 = arith.addi %mul3A_1325, %add3A_1327 : vector<16xi32>
      tpu.vector_store_idx %arg7[%add3A_1328], %gather3A_1322 {add = true} : memref<40960xf32, #tpu.memory_space<vmem>>[vector<16xi32>], vector<16xf32>,
      %mul3A_1329 = arith.constant 16 : i32
      %mul3A_1330 = vector.broadcast %mul3A_1329 : i32 to vector<16xi32>
      %mul3A_1331 = arith.muli %add3A_1300, %mul3A_1330 : vector<16xi32>
      %add3A_1332 = arith.constant 2 : i32
      %add3A_1333 = vector.broadcast %add3A_1332 : i32 to vector<16xi32>
      %add3A_1334 = arith.addi %mul3A_1331, %add3A_1333 : vector<16xi32>
      %gather3A_1335 = tpu.vector_load_idx %arg6[%add3A_1334] : memref<12288xf32, #tpu.memory_space<vmem>>[vector<16xi32>], vector<16xf32>,
      %mul3A_1336 = arith.constant 4 : i32
      %mul3A_1337 = vector.broadcast %mul3A_1336 : i32 to vector<16xi32>
      %mul3A_1338 = arith.muli %get3A_1302, %mul3A_1337 : vector<16xi32>
      %add3A_1339 = arith.constant 2 : i32
      %add3A_1340 = vector.broadcast %add3A_1339 : i32 to vector<16xi32>
      %add3A_1341 = arith.addi %mul3A_1338, %add3A_1340 : vector<16xi32>
      tpu.vector_store_idx %arg7[%add3A_1341], %gather3A_1335 {add = true} : memref<40960xf32, #tpu.memory_space<vmem>>[vector<16xi32>], vector<16xf32>,
      %mul3A_1342 = arith.constant 16 : i32
      %mul3A_1343 = vector.broadcast %mul3A_1342 : i32 to vector<16xi32>
      %mul3A_1344 = arith.muli %add3A_1300, %mul3A_1343 : vector<16xi32>
      %add3A_1345 = arith.constant 3 : i32
      %add3A_1346 = vector.broadcast %add3A_1345 : i32 to vector<16xi32>
      %add3A_1347 = arith.addi %mul3A_1344, %add3A_1346 : vector<16xi32>
      %gather3A_1348 = tpu.vector_load_idx %arg6[%add3A_1347] : memref<12288xf32, #tpu.memory_space<vmem>>[vector<16xi32>], vector<16xf32>,
      %mul3A_1349 = arith.constant 4 : i32
      %mul3A_1350 = vector.broadcast %mul3A_1349 : i32 to vector<16xi32>
      %mul3A_1351 = arith.muli %get3A_1302, %mul3A_1350 : vector<16xi32>
      %add3A_1352 = arith.constant 3 : i32
      %add3A_1353 = vector.broadcast %add3A_1352 : i32 to vector<16xi32>
      %add3A_1354 = arith.addi %mul3A_1351, %add3A_1353 : vector<16xi32>
      tpu.vector_store_idx %arg7[%add3A_1354], %gather3A_1348 {add = true} : memref<40960xf32, #tpu.memory_space<vmem>>[vector<16xi32>], vector<16xf32>,
      %iota3A_1355 = tpu.iota {dimensions = array<i32: 0>} : vector<16xi32>
      %add3A_1356 = arith.constant 352 : i32
      %add3A_1357 = vector.broadcast %add3A_1356 : i32 to vector<16xi32>
      %add3A_1358 = arith.addi %iota3A_1355, %add3A_1357 : vector<16xi32>
      %get3A_1359 = arith.constant 352 : index
      %get3A_1360 = tpu.vector_load %arg5[%get3A_1359] {strides = array<i32>} : memref<768xi32, #tpu.memory_space<vmem>>, vector<16xi32>,
      %mul3A_1361 = arith.constant 16 : i32
      %mul3A_1362 = vector.broadcast %mul3A_1361 : i32 to vector<16xi32>
      %mul3A_1363 = arith.muli %add3A_1358, %mul3A_1362 : vector<16xi32>
      %add3A_1364 = arith.constant 0 : i32
      %add3A_1365 = vector.broadcast %add3A_1364 : i32 to vector<16xi32>
      %add3A_1366 = arith.addi %mul3A_1363, %add3A_1365 : vector<16xi32>
      %gather3A_1367 = tpu.vector_load_idx %arg6[%add3A_1366] : memref<12288xf32, #tpu.memory_space<vmem>>[vector<16xi32>], vector<16xf32>,
      %mul3A_1368 = arith.constant 4 : i32
      %mul3A_1369 = vector.broadcast %mul3A_1368 : i32 to vector<16xi32>
      %mul3A_1370 = arith.muli %get3A_1360, %mul3A_1369 : vector<16xi32>
      %add3A_1371 = arith.constant 0 : i32
      %add3A_1372 = vector.broadcast %add3A_1371 : i32 to vector<16xi32>
      %add3A_1373 = arith.addi %mul3A_1370, %add3A_1372 : vector<16xi32>
      tpu.vector_store_idx %arg7[%add3A_1373], %gather3A_1367 {add = true} : memref<40960xf32, #tpu.memory_space<vmem>>[vector<16xi32>], vector<16xf32>,
      %mul3A_1374 = arith.constant 16 : i32
      %mul3A_1375 = vector.broadcast %mul3A_1374 : i32 to vector<16xi32>
      %mul3A_1376 = arith.muli %add3A_1358, %mul3A_1375 : vector<16xi32>
      %add3A_1377 = arith.constant 1 : i32
      %add3A_1378 = vector.broadcast %add3A_1377 : i32 to vector<16xi32>
      %add3A_1379 = arith.addi %mul3A_1376, %add3A_1378 : vector<16xi32>
      %gather3A_1380 = tpu.vector_load_idx %arg6[%add3A_1379] : memref<12288xf32, #tpu.memory_space<vmem>>[vector<16xi32>], vector<16xf32>,
      %mul3A_1381 = arith.constant 4 : i32
      %mul3A_1382 = vector.broadcast %mul3A_1381 : i32 to vector<16xi32>
      %mul3A_1383 = arith.muli %get3A_1360, %mul3A_1382 : vector<16xi32>
      %add3A_1384 = arith.constant 1 : i32
      %add3A_1385 = vector.broadcast %add3A_1384 : i32 to vector<16xi32>
      %add3A_1386 = arith.addi %mul3A_1383, %add3A_1385 : vector<16xi32>
      tpu.vector_store_idx %arg7[%add3A_1386], %gather3A_1380 {add = true} : memref<40960xf32, #tpu.memory_space<vmem>>[vector<16xi32>], vector<16xf32>,
      %mul3A_1387 = arith.constant 16 : i32
      %mul3A_1388 = vector.broadcast %mul3A_1387 : i32 to vector<16xi32>
      %mul3A_1389 = arith.muli %add3A_1358, %mul3A_1388 : vector<16xi32>
      %add3A_1390 = arith.constant 2 : i32
      %add3A_1391 = vector.broadcast %add3A_1390 : i32 to vector<16xi32>
      %add3A_1392 = arith.addi %mul3A_1389, %add3A_1391 : vector<16xi32>
      %gather3A_1393 = tpu.vector_load_idx %arg6[%add3A_1392] : memref<12288xf32, #tpu.memory_space<vmem>>[vector<16xi32>], vector<16xf32>,
      %mul3A_1394 = arith.constant 4 : i32
      %mul3A_1395 = vector.broadcast %mul3A_1394 : i32 to vector<16xi32>
      %mul3A_1396 = arith.muli %get3A_1360, %mul3A_1395 : vector<16xi32>
      %add3A_1397 = arith.constant 2 : i32
      %add3A_1398 = vector.broadcast %add3A_1397 : i32 to vector<16xi32>
      %add3A_1399 = arith.addi %mul3A_1396, %add3A_1398 : vector<16xi32>
      tpu.vector_store_idx %arg7[%add3A_1399], %gather3A_1393 {add = true} : memref<40960xf32, #tpu.memory_space<vmem>>[vector<16xi32>], vector<16xf32>,
      %mul3A_1400 = arith.constant 16 : i32
      %mul3A_1401 = vector.broadcast %mul3A_1400 : i32 to vector<16xi32>
      %mul3A_1402 = arith.muli %add3A_1358, %mul3A_1401 : vector<16xi32>
      %add3A_1403 = arith.constant 3 : i32
      %add3A_1404 = vector.broadcast %add3A_1403 : i32 to vector<16xi32>
      %add3A_1405 = arith.addi %mul3A_1402, %add3A_1404 : vector<16xi32>
      %gather3A_1406 = tpu.vector_load_idx %arg6[%add3A_1405] : memref<12288xf32, #tpu.memory_space<vmem>>[vector<16xi32>], vector<16xf32>,
      %mul3A_1407 = arith.constant 4 : i32
      %mul3A_1408 = vector.broadcast %mul3A_1407 : i32 to vector<16xi32>
      %mul3A_1409 = arith.muli %get3A_1360, %mul3A_1408 : vector<16xi32>
      %add3A_1410 = arith.constant 3 : i32
      %add3A_1411 = vector.broadcast %add3A_1410 : i32 to vector<16xi32>
      %add3A_1412 = arith.addi %mul3A_1409, %add3A_1411 : vector<16xi32>
      tpu.vector_store_idx %arg7[%add3A_1412], %gather3A_1406 {add = true} : memref<40960xf32, #tpu.memory_space<vmem>>[vector<16xi32>], vector<16xf32>,
      %iota3A_1413 = tpu.iota {dimensions = array<i32: 0>} : vector<16xi32>
      %add3A_1414 = arith.constant 368 : i32
      %add3A_1415 = vector.broadcast %add3A_1414 : i32 to vector<16xi32>
      %add3A_1416 = arith.addi %iota3A_1413, %add3A_1415 : vector<16xi32>
      %get3A_1417 = arith.constant 368 : index
      %get3A_1418 = tpu.vector_load %arg5[%get3A_1417] {strides = array<i32>} : memref<768xi32, #tpu.memory_space<vmem>>, vector<16xi32>,
      %mul3A_1419 = arith.constant 16 : i32
      %mul3A_1420 = vector.broadcast %mul3A_1419 : i32 to vector<16xi32>
      %mul3A_1421 = arith.muli %add3A_1416, %mul3A_1420 : vector<16xi32>
      %add3A_1422 = arith.constant 0 : i32
      %add3A_1423 = vector.broadcast %add3A_1422 : i32 to vector<16xi32>
      %add3A_1424 = arith.addi %mul3A_1421, %add3A_1423 : vector<16xi32>
      %gather3A_1425 = tpu.vector_load_idx %arg6[%add3A_1424] : memref<12288xf32, #tpu.memory_space<vmem>>[vector<16xi32>], vector<16xf32>,
      %mul3A_1426 = arith.constant 4 : i32
      %mul3A_1427 = vector.broadcast %mul3A_1426 : i32 to vector<16xi32>
      %mul3A_1428 = arith.muli %get3A_1418, %mul3A_1427 : vector<16xi32>
      %add3A_1429 = arith.constant 0 : i32
      %add3A_1430 = vector.broadcast %add3A_1429 : i32 to vector<16xi32>
      %add3A_1431 = arith.addi %mul3A_1428, %add3A_1430 : vector<16xi32>
      tpu.vector_store_idx %arg7[%add3A_1431], %gather3A_1425 {add = true} : memref<40960xf32, #tpu.memory_space<vmem>>[vector<16xi32>], vector<16xf32>,
      %mul3A_1432 = arith.constant 16 : i32
      %mul3A_1433 = vector.broadcast %mul3A_1432 : i32 to vector<16xi32>
      %mul3A_1434 = arith.muli %add3A_1416, %mul3A_1433 : vector<16xi32>
      %add3A_1435 = arith.constant 1 : i32
      %add3A_1436 = vector.broadcast %add3A_1435 : i32 to vector<16xi32>
      %add3A_1437 = arith.addi %mul3A_1434, %add3A_1436 : vector<16xi32>
      %gather3A_1438 = tpu.vector_load_idx %arg6[%add3A_1437] : memref<12288xf32, #tpu.memory_space<vmem>>[vector<16xi32>], vector<16xf32>,
      %mul3A_1439 = arith.constant 4 : i32
      %mul3A_1440 = vector.broadcast %mul3A_1439 : i32 to vector<16xi32>
      %mul3A_1441 = arith.muli %get3A_1418, %mul3A_1440 : vector<16xi32>
      %add3A_1442 = arith.constant 1 : i32
      %add3A_1443 = vector.broadcast %add3A_1442 : i32 to vector<16xi32>
      %add3A_1444 = arith.addi %mul3A_1441, %add3A_1443 : vector<16xi32>
      tpu.vector_store_idx %arg7[%add3A_1444], %gather3A_1438 {add = true} : memref<40960xf32, #tpu.memory_space<vmem>>[vector<16xi32>], vector<16xf32>,
      %mul3A_1445 = arith.constant 16 : i32
      %mul3A_1446 = vector.broadcast %mul3A_1445 : i32 to vector<16xi32>
      %mul3A_1447 = arith.muli %add3A_1416, %mul3A_1446 : vector<16xi32>
      %add3A_1448 = arith.constant 2 : i32
      %add3A_1449 = vector.broadcast %add3A_1448 : i32 to vector<16xi32>
      %add3A_1450 = arith.addi %mul3A_1447, %add3A_1449 : vector<16xi32>
      %gather3A_1451 = tpu.vector_load_idx %arg6[%add3A_1450] : memref<12288xf32, #tpu.memory_space<vmem>>[vector<16xi32>], vector<16xf32>,
      %mul3A_1452 = arith.constant 4 : i32
      %mul3A_1453 = vector.broadcast %mul3A_1452 : i32 to vector<16xi32>
      %mul3A_1454 = arith.muli %get3A_1418, %mul3A_1453 : vector<16xi32>
      %add3A_1455 = arith.constant 2 : i32
      %add3A_1456 = vector.broadcast %add3A_1455 : i32 to vector<16xi32>
      %add3A_1457 = arith.addi %mul3A_1454, %add3A_1456 : vector<16xi32>
      tpu.vector_store_idx %arg7[%add3A_1457], %gather3A_1451 {add = true} : memref<40960xf32, #tpu.memory_space<vmem>>[vector<16xi32>], vector<16xf32>,
      %mul3A_1458 = arith.constant 16 : i32
      %mul3A_1459 = vector.broadcast %mul3A_1458 : i32 to vector<16xi32>
      %mul3A_1460 = arith.muli %add3A_1416, %mul3A_1459 : vector<16xi32>
      %add3A_1461 = arith.constant 3 : i32
      %add3A_1462 = vector.broadcast %add3A_1461 : i32 to vector<16xi32>
      %add3A_1463 = arith.addi %mul3A_1460, %add3A_1462 : vector<16xi32>
      %gather3A_1464 = tpu.vector_load_idx %arg6[%add3A_1463] : memref<12288xf32, #tpu.memory_space<vmem>>[vector<16xi32>], vector<16xf32>,
      %mul3A_1465 = arith.constant 4 : i32
      %mul3A_1466 = vector.broadcast %mul3A_1465 : i32 to vector<16xi32>
      %mul3A_1467 = arith.muli %get3A_1418, %mul3A_1466 : vector<16xi32>
      %add3A_1468 = arith.constant 3 : i32
      %add3A_1469 = vector.broadcast %add3A_1468 : i32 to vector<16xi32>
      %add3A_1470 = arith.addi %mul3A_1467, %add3A_1469 : vector<16xi32>
      tpu.vector_store_idx %arg7[%add3A_1470], %gather3A_1464 {add = true} : memref<40960xf32, #tpu.memory_space<vmem>>[vector<16xi32>], vector<16xf32>,
      %iota3A_1471 = tpu.iota {dimensions = array<i32: 0>} : vector<16xi32>
      %add3A_1472 = arith.constant 384 : i32
      %add3A_1473 = vector.broadcast %add3A_1472 : i32 to vector<16xi32>
      %add3A_1474 = arith.addi %iota3A_1471, %add3A_1473 : vector<16xi32>
      %get3A_1475 = arith.constant 384 : index
      %get3A_1476 = tpu.vector_load %arg5[%get3A_1475] {strides = array<i32>} : memref<768xi32, #tpu.memory_space<vmem>>, vector<16xi32>,
      %mul3A_1477 = arith.constant 16 : i32
      %mul3A_1478 = vector.broadcast %mul3A_1477 : i32 to vector<16xi32>
      %mul3A_1479 = arith.muli %add3A_1474, %mul3A_1478 : vector<16xi32>
      %add3A_1480 = arith.constant 0 : i32
      %add3A_1481 = vector.broadcast %add3A_1480 : i32 to vector<16xi32>
      %add3A_1482 = arith.addi %mul3A_1479, %add3A_1481 : vector<16xi32>
      %gather3A_1483 = tpu.vector_load_idx %arg6[%add3A_1482] : memref<12288xf32, #tpu.memory_space<vmem>>[vector<16xi32>], vector<16xf32>,
      %mul3A_1484 = arith.constant 4 : i32
      %mul3A_1485 = vector.broadcast %mul3A_1484 : i32 to vector<16xi32>
      %mul3A_1486 = arith.muli %get3A_1476, %mul3A_1485 : vector<16xi32>
      %add3A_1487 = arith.constant 0 : i32
      %add3A_1488 = vector.broadcast %add3A_1487 : i32 to vector<16xi32>
      %add3A_1489 = arith.addi %mul3A_1486, %add3A_1488 : vector<16xi32>
      tpu.vector_store_idx %arg7[%add3A_1489], %gather3A_1483 {add = true} : memref<40960xf32, #tpu.memory_space<vmem>>[vector<16xi32>], vector<16xf32>,
      %mul3A_1490 = arith.constant 16 : i32
      %mul3A_1491 = vector.broadcast %mul3A_1490 : i32 to vector<16xi32>
      %mul3A_1492 = arith.muli %add3A_1474, %mul3A_1491 : vector<16xi32>
      %add3A_1493 = arith.constant 1 : i32
      %add3A_1494 = vector.broadcast %add3A_1493 : i32 to vector<16xi32>
      %add3A_1495 = arith.addi %mul3A_1492, %add3A_1494 : vector<16xi32>
      %gather3A_1496 = tpu.vector_load_idx %arg6[%add3A_1495] : memref<12288xf32, #tpu.memory_space<vmem>>[vector<16xi32>], vector<16xf32>,
      %mul3A_1497 = arith.constant 4 : i32
      %mul3A_1498 = vector.broadcast %mul3A_1497 : i32 to vector<16xi32>
      %mul3A_1499 = arith.muli %get3A_1476, %mul3A_1498 : vector<16xi32>
      %add3A_1500 = arith.constant 1 : i32
      %add3A_1501 = vector.broadcast %add3A_1500 : i32 to vector<16xi32>
      %add3A_1502 = arith.addi %mul3A_1499, %add3A_1501 : vector<16xi32>
      tpu.vector_store_idx %arg7[%add3A_1502], %gather3A_1496 {add = true} : memref<40960xf32, #tpu.memory_space<vmem>>[vector<16xi32>], vector<16xf32>,
      %mul3A_1503 = arith.constant 16 : i32
      %mul3A_1504 = vector.broadcast %mul3A_1503 : i32 to vector<16xi32>
      %mul3A_1505 = arith.muli %add3A_1474, %mul3A_1504 : vector<16xi32>
      %add3A_1506 = arith.constant 2 : i32
      %add3A_1507 = vector.broadcast %add3A_1506 : i32 to vector<16xi32>
      %add3A_1508 = arith.addi %mul3A_1505, %add3A_1507 : vector<16xi32>
      %gather3A_1509 = tpu.vector_load_idx %arg6[%add3A_1508] : memref<12288xf32, #tpu.memory_space<vmem>>[vector<16xi32>], vector<16xf32>,
      %mul3A_1510 = arith.constant 4 : i32
      %mul3A_1511 = vector.broadcast %mul3A_1510 : i32 to vector<16xi32>
      %mul3A_1512 = arith.muli %get3A_1476, %mul3A_1511 : vector<16xi32>
      %add3A_1513 = arith.constant 2 : i32
      %add3A_1514 = vector.broadcast %add3A_1513 : i32 to vector<16xi32>
      %add3A_1515 = arith.addi %mul3A_1512, %add3A_1514 : vector<16xi32>
      tpu.vector_store_idx %arg7[%add3A_1515], %gather3A_1509 {add = true} : memref<40960xf32, #tpu.memory_space<vmem>>[vector<16xi32>], vector<16xf32>,
      %mul3A_1516 = arith.constant 16 : i32
      %mul3A_1517 = vector.broadcast %mul3A_1516 : i32 to vector<16xi32>
      %mul3A_1518 = arith.muli %add3A_1474, %mul3A_1517 : vector<16xi32>
      %add3A_1519 = arith.constant 3 : i32
      %add3A_1520 = vector.broadcast %add3A_1519 : i32 to vector<16xi32>
      %add3A_1521 = arith.addi %mul3A_1518, %add3A_1520 : vector<16xi32>
      %gather3A_1522 = tpu.vector_load_idx %arg6[%add3A_1521] : memref<12288xf32, #tpu.memory_space<vmem>>[vector<16xi32>], vector<16xf32>,
      %mul3A_1523 = arith.constant 4 : i32
      %mul3A_1524 = vector.broadcast %mul3A_1523 : i32 to vector<16xi32>
      %mul3A_1525 = arith.muli %get3A_1476, %mul3A_1524 : vector<16xi32>
      %add3A_1526 = arith.constant 3 : i32
      %add3A_1527 = vector.broadcast %add3A_1526 : i32 to vector<16xi32>
      %add3A_1528 = arith.addi %mul3A_1525, %add3A_1527 : vector<16xi32>
      tpu.vector_store_idx %arg7[%add3A_1528], %gather3A_1522 {add = true} : memref<40960xf32, #tpu.memory_space<vmem>>[vector<16xi32>], vector<16xf32>,
      %iota3A_1529 = tpu.iota {dimensions = array<i32: 0>} : vector<16xi32>
      %add3A_1530 = arith.constant 400 : i32
      %add3A_1531 = vector.broadcast %add3A_1530 : i32 to vector<16xi32>
      %add3A_1532 = arith.addi %iota3A_1529, %add3A_1531 : vector<16xi32>
      %get3A_1533 = arith.constant 400 : index
      %get3A_1534 = tpu.vector_load %arg5[%get3A_1533] {strides = array<i32>} : memref<768xi32, #tpu.memory_space<vmem>>, vector<16xi32>,
      %mul3A_1535 = arith.constant 16 : i32
      %mul3A_1536 = vector.broadcast %mul3A_1535 : i32 to vector<16xi32>
      %mul3A_1537 = arith.muli %add3A_1532, %mul3A_1536 : vector<16xi32>
      %add3A_1538 = arith.constant 0 : i32
      %add3A_1539 = vector.broadcast %add3A_1538 : i32 to vector<16xi32>
      %add3A_1540 = arith.addi %mul3A_1537, %add3A_1539 : vector<16xi32>
      %gather3A_1541 = tpu.vector_load_idx %arg6[%add3A_1540] : memref<12288xf32, #tpu.memory_space<vmem>>[vector<16xi32>], vector<16xf32>,
      %mul3A_1542 = arith.constant 4 : i32
      %mul3A_1543 = vector.broadcast %mul3A_1542 : i32 to vector<16xi32>
      %mul3A_1544 = arith.muli %get3A_1534, %mul3A_1543 : vector<16xi32>
      %add3A_1545 = arith.constant 0 : i32
      %add3A_1546 = vector.broadcast %add3A_1545 : i32 to vector<16xi32>
      %add3A_1547 = arith.addi %mul3A_1544, %add3A_1546 : vector<16xi32>
      tpu.vector_store_idx %arg7[%add3A_1547], %gather3A_1541 {add = true} : memref<40960xf32, #tpu.memory_space<vmem>>[vector<16xi32>], vector<16xf32>,
      %mul3A_1548 = arith.constant 16 : i32
      %mul3A_1549 = vector.broadcast %mul3A_1548 : i32 to vector<16xi32>
      %mul3A_1550 = arith.muli %add3A_1532, %mul3A_1549 : vector<16xi32>
      %add3A_1551 = arith.constant 1 : i32
      %add3A_1552 = vector.broadcast %add3A_1551 : i32 to vector<16xi32>
      %add3A_1553 = arith.addi %mul3A_1550, %add3A_1552 : vector<16xi32>
      %gather3A_1554 = tpu.vector_load_idx %arg6[%add3A_1553] : memref<12288xf32, #tpu.memory_space<vmem>>[vector<16xi32>], vector<16xf32>,
      %mul3A_1555 = arith.constant 4 : i32
      %mul3A_1556 = vector.broadcast %mul3A_1555 : i32 to vector<16xi32>
      %mul3A_1557 = arith.muli %get3A_1534, %mul3A_1556 : vector<16xi32>
      %add3A_1558 = arith.constant 1 : i32
      %add3A_1559 = vector.broadcast %add3A_1558 : i32 to vector<16xi32>
      %add3A_1560 = arith.addi %mul3A_1557, %add3A_1559 : vector<16xi32>
      tpu.vector_store_idx %arg7[%add3A_1560], %gather3A_1554 {add = true} : memref<40960xf32, #tpu.memory_space<vmem>>[vector<16xi32>], vector<16xf32>,
      %mul3A_1561 = arith.constant 16 : i32
      %mul3A_1562 = vector.broadcast %mul3A_1561 : i32 to vector<16xi32>
      %mul3A_1563 = arith.muli %add3A_1532, %mul3A_1562 : vector<16xi32>
      %add3A_1564 = arith.constant 2 : i32
      %add3A_1565 = vector.broadcast %add3A_1564 : i32 to vector<16xi32>
      %add3A_1566 = arith.addi %mul3A_1563, %add3A_1565 : vector<16xi32>
      %gather3A_1567 = tpu.vector_load_idx %arg6[%add3A_1566] : memref<12288xf32, #tpu.memory_space<vmem>>[vector<16xi32>], vector<16xf32>,
      %mul3A_1568 = arith.constant 4 : i32
      %mul3A_1569 = vector.broadcast %mul3A_1568 : i32 to vector<16xi32>
      %mul3A_1570 = arith.muli %get3A_1534, %mul3A_1569 : vector<16xi32>
      %add3A_1571 = arith.constant 2 : i32
      %add3A_1572 = vector.broadcast %add3A_1571 : i32 to vector<16xi32>
      %add3A_1573 = arith.addi %mul3A_1570, %add3A_1572 : vector<16xi32>
      tpu.vector_store_idx %arg7[%add3A_1573], %gather3A_1567 {add = true} : memref<40960xf32, #tpu.memory_space<vmem>>[vector<16xi32>], vector<16xf32>,
      %mul3A_1574 = arith.constant 16 : i32
      %mul3A_1575 = vector.broadcast %mul3A_1574 : i32 to vector<16xi32>
      %mul3A_1576 = arith.muli %add3A_1532, %mul3A_1575 : vector<16xi32>
      %add3A_1577 = arith.constant 3 : i32
      %add3A_1578 = vector.broadcast %add3A_1577 : i32 to vector<16xi32>
      %add3A_1579 = arith.addi %mul3A_1576, %add3A_1578 : vector<16xi32>
      %gather3A_1580 = tpu.vector_load_idx %arg6[%add3A_1579] : memref<12288xf32, #tpu.memory_space<vmem>>[vector<16xi32>], vector<16xf32>,
      %mul3A_1581 = arith.constant 4 : i32
      %mul3A_1582 = vector.broadcast %mul3A_1581 : i32 to vector<16xi32>
      %mul3A_1583 = arith.muli %get3A_1534, %mul3A_1582 : vector<16xi32>
      %add3A_1584 = arith.constant 3 : i32
      %add3A_1585 = vector.broadcast %add3A_1584 : i32 to vector<16xi32>
      %add3A_1586 = arith.addi %mul3A_1583, %add3A_1585 : vector<16xi32>
      tpu.vector_store_idx %arg7[%add3A_1586], %gather3A_1580 {add = true} : memref<40960xf32, #tpu.memory_space<vmem>>[vector<16xi32>], vector<16xf32>,
      %iota3A_1587 = tpu.iota {dimensions = array<i32: 0>} : vector<16xi32>
      %add3A_1588 = arith.constant 416 : i32
      %add3A_1589 = vector.broadcast %add3A_1588 : i32 to vector<16xi32>
      %add3A_1590 = arith.addi %iota3A_1587, %add3A_1589 : vector<16xi32>
      %get3A_1591 = arith.constant 416 : index
      %get3A_1592 = tpu.vector_load %arg5[%get3A_1591] {strides = array<i32>} : memref<768xi32, #tpu.memory_space<vmem>>, vector<16xi32>,
      %mul3A_1593 = arith.constant 16 : i32
      %mul3A_1594 = vector.broadcast %mul3A_1593 : i32 to vector<16xi32>
      %mul3A_1595 = arith.muli %add3A_1590, %mul3A_1594 : vector<16xi32>
      %add3A_1596 = arith.constant 0 : i32
      %add3A_1597 = vector.broadcast %add3A_1596 : i32 to vector<16xi32>
      %add3A_1598 = arith.addi %mul3A_1595, %add3A_1597 : vector<16xi32>
      %gather3A_1599 = tpu.vector_load_idx %arg6[%add3A_1598] : memref<12288xf32, #tpu.memory_space<vmem>>[vector<16xi32>], vector<16xf32>,
      %mul3A_1600 = arith.constant 4 : i32
      %mul3A_1601 = vector.broadcast %mul3A_1600 : i32 to vector<16xi32>
      %mul3A_1602 = arith.muli %get3A_1592, %mul3A_1601 : vector<16xi32>
      %add3A_1603 = arith.constant 0 : i32
      %add3A_1604 = vector.broadcast %add3A_1603 : i32 to vector<16xi32>
      %add3A_1605 = arith.addi %mul3A_1602, %add3A_1604 : vector<16xi32>
      tpu.vector_store_idx %arg7[%add3A_1605], %gather3A_1599 {add = true} : memref<40960xf32, #tpu.memory_space<vmem>>[vector<16xi32>], vector<16xf32>,
      %mul3A_1606 = arith.constant 16 : i32
      %mul3A_1607 = vector.broadcast %mul3A_1606 : i32 to vector<16xi32>
      %mul3A_1608 = arith.muli %add3A_1590, %mul3A_1607 : vector<16xi32>
      %add3A_1609 = arith.constant 1 : i32
      %add3A_1610 = vector.broadcast %add3A_1609 : i32 to vector<16xi32>
      %add3A_1611 = arith.addi %mul3A_1608, %add3A_1610 : vector<16xi32>
      %gather3A_1612 = tpu.vector_load_idx %arg6[%add3A_1611] : memref<12288xf32, #tpu.memory_space<vmem>>[vector<16xi32>], vector<16xf32>,
      %mul3A_1613 = arith.constant 4 : i32
      %mul3A_1614 = vector.broadcast %mul3A_1613 : i32 to vector<16xi32>
      %mul3A_1615 = arith.muli %get3A_1592, %mul3A_1614 : vector<16xi32>
      %add3A_1616 = arith.constant 1 : i32
      %add3A_1617 = vector.broadcast %add3A_1616 : i32 to vector<16xi32>
      %add3A_1618 = arith.addi %mul3A_1615, %add3A_1617 : vector<16xi32>
      tpu.vector_store_idx %arg7[%add3A_1618], %gather3A_1612 {add = true} : memref<40960xf32, #tpu.memory_space<vmem>>[vector<16xi32>], vector<16xf32>,
      %mul3A_1619 = arith.constant 16 : i32
      %mul3A_1620 = vector.broadcast %mul3A_1619 : i32 to vector<16xi32>
      %mul3A_1621 = arith.muli %add3A_1590, %mul3A_1620 : vector<16xi32>
      %add3A_1622 = arith.constant 2 : i32
      %add3A_1623 = vector.broadcast %add3A_1622 : i32 to vector<16xi32>
      %add3A_1624 = arith.addi %mul3A_1621, %add3A_1623 : vector<16xi32>
      %gather3A_1625 = tpu.vector_load_idx %arg6[%add3A_1624] : memref<12288xf32, #tpu.memory_space<vmem>>[vector<16xi32>], vector<16xf32>,
      %mul3A_1626 = arith.constant 4 : i32
      %mul3A_1627 = vector.broadcast %mul3A_1626 : i32 to vector<16xi32>
      %mul3A_1628 = arith.muli %get3A_1592, %mul3A_1627 : vector<16xi32>
      %add3A_1629 = arith.constant 2 : i32
      %add3A_1630 = vector.broadcast %add3A_1629 : i32 to vector<16xi32>
      %add3A_1631 = arith.addi %mul3A_1628, %add3A_1630 : vector<16xi32>
      tpu.vector_store_idx %arg7[%add3A_1631], %gather3A_1625 {add = true} : memref<40960xf32, #tpu.memory_space<vmem>>[vector<16xi32>], vector<16xf32>,
      %mul3A_1632 = arith.constant 16 : i32
      %mul3A_1633 = vector.broadcast %mul3A_1632 : i32 to vector<16xi32>
      %mul3A_1634 = arith.muli %add3A_1590, %mul3A_1633 : vector<16xi32>
      %add3A_1635 = arith.constant 3 : i32
      %add3A_1636 = vector.broadcast %add3A_1635 : i32 to vector<16xi32>
      %add3A_1637 = arith.addi %mul3A_1634, %add3A_1636 : vector<16xi32>
      %gather3A_1638 = tpu.vector_load_idx %arg6[%add3A_1637] : memref<12288xf32, #tpu.memory_space<vmem>>[vector<16xi32>], vector<16xf32>,
      %mul3A_1639 = arith.constant 4 : i32
      %mul3A_1640 = vector.broadcast %mul3A_1639 : i32 to vector<16xi32>
      %mul3A_1641 = arith.muli %get3A_1592, %mul3A_1640 : vector<16xi32>
      %add3A_1642 = arith.constant 3 : i32
      %add3A_1643 = vector.broadcast %add3A_1642 : i32 to vector<16xi32>
      %add3A_1644 = arith.addi %mul3A_1641, %add3A_1643 : vector<16xi32>
      tpu.vector_store_idx %arg7[%add3A_1644], %gather3A_1638 {add = true} : memref<40960xf32, #tpu.memory_space<vmem>>[vector<16xi32>], vector<16xf32>,
      %iota3A_1645 = tpu.iota {dimensions = array<i32: 0>} : vector<16xi32>
      %add3A_1646 = arith.constant 432 : i32
      %add3A_1647 = vector.broadcast %add3A_1646 : i32 to vector<16xi32>
      %add3A_1648 = arith.addi %iota3A_1645, %add3A_1647 : vector<16xi32>
      %get3A_1649 = arith.constant 432 : index
      %get3A_1650 = tpu.vector_load %arg5[%get3A_1649] {strides = array<i32>} : memref<768xi32, #tpu.memory_space<vmem>>, vector<16xi32>,
      %mul3A_1651 = arith.constant 16 : i32
      %mul3A_1652 = vector.broadcast %mul3A_1651 : i32 to vector<16xi32>
      %mul3A_1653 = arith.muli %add3A_1648, %mul3A_1652 : vector<16xi32>
      %add3A_1654 = arith.constant 0 : i32
      %add3A_1655 = vector.broadcast %add3A_1654 : i32 to vector<16xi32>
      %add3A_1656 = arith.addi %mul3A_1653, %add3A_1655 : vector<16xi32>
      %gather3A_1657 = tpu.vector_load_idx %arg6[%add3A_1656] : memref<12288xf32, #tpu.memory_space<vmem>>[vector<16xi32>], vector<16xf32>,
      %mul3A_1658 = arith.constant 4 : i32
      %mul3A_1659 = vector.broadcast %mul3A_1658 : i32 to vector<16xi32>
      %mul3A_1660 = arith.muli %get3A_1650, %mul3A_1659 : vector<16xi32>
      %add3A_1661 = arith.constant 0 : i32
      %add3A_1662 = vector.broadcast %add3A_1661 : i32 to vector<16xi32>
      %add3A_1663 = arith.addi %mul3A_1660, %add3A_1662 : vector<16xi32>
      tpu.vector_store_idx %arg7[%add3A_1663], %gather3A_1657 {add = true} : memref<40960xf32, #tpu.memory_space<vmem>>[vector<16xi32>], vector<16xf32>,
      %mul3A_1664 = arith.constant 16 : i32
      %mul3A_1665 = vector.broadcast %mul3A_1664 : i32 to vector<16xi32>
      %mul3A_1666 = arith.muli %add3A_1648, %mul3A_1665 : vector<16xi32>
      %add3A_1667 = arith.constant 1 : i32
      %add3A_1668 = vector.broadcast %add3A_1667 : i32 to vector<16xi32>
      %add3A_1669 = arith.addi %mul3A_1666, %add3A_1668 : vector<16xi32>
      %gather3A_1670 = tpu.vector_load_idx %arg6[%add3A_1669] : memref<12288xf32, #tpu.memory_space<vmem>>[vector<16xi32>], vector<16xf32>,
      %mul3A_1671 = arith.constant 4 : i32
      %mul3A_1672 = vector.broadcast %mul3A_1671 : i32 to vector<16xi32>
      %mul3A_1673 = arith.muli %get3A_1650, %mul3A_1672 : vector<16xi32>
      %add3A_1674 = arith.constant 1 : i32
      %add3A_1675 = vector.broadcast %add3A_1674 : i32 to vector<16xi32>
      %add3A_1676 = arith.addi %mul3A_1673, %add3A_1675 : vector<16xi32>
      tpu.vector_store_idx %arg7[%add3A_1676], %gather3A_1670 {add = true} : memref<40960xf32, #tpu.memory_space<vmem>>[vector<16xi32>], vector<16xf32>,
      %mul3A_1677 = arith.constant 16 : i32
      %mul3A_1678 = vector.broadcast %mul3A_1677 : i32 to vector<16xi32>
      %mul3A_1679 = arith.muli %add3A_1648, %mul3A_1678 : vector<16xi32>
      %add3A_1680 = arith.constant 2 : i32
      %add3A_1681 = vector.broadcast %add3A_1680 : i32 to vector<16xi32>
      %add3A_1682 = arith.addi %mul3A_1679, %add3A_1681 : vector<16xi32>
      %gather3A_1683 = tpu.vector_load_idx %arg6[%add3A_1682] : memref<12288xf32, #tpu.memory_space<vmem>>[vector<16xi32>], vector<16xf32>,
      %mul3A_1684 = arith.constant 4 : i32
      %mul3A_1685 = vector.broadcast %mul3A_1684 : i32 to vector<16xi32>
      %mul3A_1686 = arith.muli %get3A_1650, %mul3A_1685 : vector<16xi32>
      %add3A_1687 = arith.constant 2 : i32
      %add3A_1688 = vector.broadcast %add3A_1687 : i32 to vector<16xi32>
      %add3A_1689 = arith.addi %mul3A_1686, %add3A_1688 : vector<16xi32>
      tpu.vector_store_idx %arg7[%add3A_1689], %gather3A_1683 {add = true} : memref<40960xf32, #tpu.memory_space<vmem>>[vector<16xi32>], vector<16xf32>,
      %mul3A_1690 = arith.constant 16 : i32
      %mul3A_1691 = vector.broadcast %mul3A_1690 : i32 to vector<16xi32>
      %mul3A_1692 = arith.muli %add3A_1648, %mul3A_1691 : vector<16xi32>
      %add3A_1693 = arith.constant 3 : i32
      %add3A_1694 = vector.broadcast %add3A_1693 : i32 to vector<16xi32>
      %add3A_1695 = arith.addi %mul3A_1692, %add3A_1694 : vector<16xi32>
      %gather3A_1696 = tpu.vector_load_idx %arg6[%add3A_1695] : memref<12288xf32, #tpu.memory_space<vmem>>[vector<16xi32>], vector<16xf32>,
      %mul3A_1697 = arith.constant 4 : i32
      %mul3A_1698 = vector.broadcast %mul3A_1697 : i32 to vector<16xi32>
      %mul3A_1699 = arith.muli %get3A_1650, %mul3A_1698 : vector<16xi32>
      %add3A_1700 = arith.constant 3 : i32
      %add3A_1701 = vector.broadcast %add3A_1700 : i32 to vector<16xi32>
      %add3A_1702 = arith.addi %mul3A_1699, %add3A_1701 : vector<16xi32>
      tpu.vector_store_idx %arg7[%add3A_1702], %gather3A_1696 {add = true} : memref<40960xf32, #tpu.memory_space<vmem>>[vector<16xi32>], vector<16xf32>,
      %iota3A_1703 = tpu.iota {dimensions = array<i32: 0>} : vector<16xi32>
      %add3A_1704 = arith.constant 448 : i32
      %add3A_1705 = vector.broadcast %add3A_1704 : i32 to vector<16xi32>
      %add3A_1706 = arith.addi %iota3A_1703, %add3A_1705 : vector<16xi32>
      %get3A_1707 = arith.constant 448 : index
      %get3A_1708 = tpu.vector_load %arg5[%get3A_1707] {strides = array<i32>} : memref<768xi32, #tpu.memory_space<vmem>>, vector<16xi32>,
      %mul3A_1709 = arith.constant 16 : i32
      %mul3A_1710 = vector.broadcast %mul3A_1709 : i32 to vector<16xi32>
      %mul3A_1711 = arith.muli %add3A_1706, %mul3A_1710 : vector<16xi32>
      %add3A_1712 = arith.constant 0 : i32
      %add3A_1713 = vector.broadcast %add3A_1712 : i32 to vector<16xi32>
      %add3A_1714 = arith.addi %mul3A_1711, %add3A_1713 : vector<16xi32>
      %gather3A_1715 = tpu.vector_load_idx %arg6[%add3A_1714] : memref<12288xf32, #tpu.memory_space<vmem>>[vector<16xi32>], vector<16xf32>,
      %mul3A_1716 = arith.constant 4 : i32
      %mul3A_1717 = vector.broadcast %mul3A_1716 : i32 to vector<16xi32>
      %mul3A_1718 = arith.muli %get3A_1708, %mul3A_1717 : vector<16xi32>
      %add3A_1719 = arith.constant 0 : i32
      %add3A_1720 = vector.broadcast %add3A_1719 : i32 to vector<16xi32>
      %add3A_1721 = arith.addi %mul3A_1718, %add3A_1720 : vector<16xi32>
      tpu.vector_store_idx %arg7[%add3A_1721], %gather3A_1715 {add = true} : memref<40960xf32, #tpu.memory_space<vmem>>[vector<16xi32>], vector<16xf32>,
      %mul3A_1722 = arith.constant 16 : i32
      %mul3A_1723 = vector.broadcast %mul3A_1722 : i32 to vector<16xi32>
      %mul3A_1724 = arith.muli %add3A_1706, %mul3A_1723 : vector<16xi32>
      %add3A_1725 = arith.constant 1 : i32
      %add3A_1726 = vector.broadcast %add3A_1725 : i32 to vector<16xi32>
      %add3A_1727 = arith.addi %mul3A_1724, %add3A_1726 : vector<16xi32>
      %gather3A_1728 = tpu.vector_load_idx %arg6[%add3A_1727] : memref<12288xf32, #tpu.memory_space<vmem>>[vector<16xi32>], vector<16xf32>,
      %mul3A_1729 = arith.constant 4 : i32
      %mul3A_1730 = vector.broadcast %mul3A_1729 : i32 to vector<16xi32>
      %mul3A_1731 = arith.muli %get3A_1708, %mul3A_1730 : vector<16xi32>
      %add3A_1732 = arith.constant 1 : i32
      %add3A_1733 = vector.broadcast %add3A_1732 : i32 to vector<16xi32>
      %add3A_1734 = arith.addi %mul3A_1731, %add3A_1733 : vector<16xi32>
      tpu.vector_store_idx %arg7[%add3A_1734], %gather3A_1728 {add = true} : memref<40960xf32, #tpu.memory_space<vmem>>[vector<16xi32>], vector<16xf32>,
      %mul3A_1735 = arith.constant 16 : i32
      %mul3A_1736 = vector.broadcast %mul3A_1735 : i32 to vector<16xi32>
      %mul3A_1737 = arith.muli %add3A_1706, %mul3A_1736 : vector<16xi32>
      %add3A_1738 = arith.constant 2 : i32
      %add3A_1739 = vector.broadcast %add3A_1738 : i32 to vector<16xi32>
      %add3A_1740 = arith.addi %mul3A_1737, %add3A_1739 : vector<16xi32>
      %gather3A_1741 = tpu.vector_load_idx %arg6[%add3A_1740] : memref<12288xf32, #tpu.memory_space<vmem>>[vector<16xi32>], vector<16xf32>,
      %mul3A_1742 = arith.constant 4 : i32
      %mul3A_1743 = vector.broadcast %mul3A_1742 : i32 to vector<16xi32>
      %mul3A_1744 = arith.muli %get3A_1708, %mul3A_1743 : vector<16xi32>
      %add3A_1745 = arith.constant 2 : i32
      %add3A_1746 = vector.broadcast %add3A_1745 : i32 to vector<16xi32>
      %add3A_1747 = arith.addi %mul3A_1744, %add3A_1746 : vector<16xi32>
      tpu.vector_store_idx %arg7[%add3A_1747], %gather3A_1741 {add = true} : memref<40960xf32, #tpu.memory_space<vmem>>[vector<16xi32>], vector<16xf32>,
      %mul3A_1748 = arith.constant 16 : i32
      %mul3A_1749 = vector.broadcast %mul3A_1748 : i32 to vector<16xi32>
      %mul3A_1750 = arith.muli %add3A_1706, %mul3A_1749 : vector<16xi32>
      %add3A_1751 = arith.constant 3 : i32
      %add3A_1752 = vector.broadcast %add3A_1751 : i32 to vector<16xi32>
      %add3A_1753 = arith.addi %mul3A_1750, %add3A_1752 : vector<16xi32>
      %gather3A_1754 = tpu.vector_load_idx %arg6[%add3A_1753] : memref<12288xf32, #tpu.memory_space<vmem>>[vector<16xi32>], vector<16xf32>,
      %mul3A_1755 = arith.constant 4 : i32
      %mul3A_1756 = vector.broadcast %mul3A_1755 : i32 to vector<16xi32>
      %mul3A_1757 = arith.muli %get3A_1708, %mul3A_1756 : vector<16xi32>
      %add3A_1758 = arith.constant 3 : i32
      %add3A_1759 = vector.broadcast %add3A_1758 : i32 to vector<16xi32>
      %add3A_1760 = arith.addi %mul3A_1757, %add3A_1759 : vector<16xi32>
      tpu.vector_store_idx %arg7[%add3A_1760], %gather3A_1754 {add = true} : memref<40960xf32, #tpu.memory_space<vmem>>[vector<16xi32>], vector<16xf32>,
      %iota3A_1761 = tpu.iota {dimensions = array<i32: 0>} : vector<16xi32>
      %add3A_1762 = arith.constant 464 : i32
      %add3A_1763 = vector.broadcast %add3A_1762 : i32 to vector<16xi32>
      %add3A_1764 = arith.addi %iota3A_1761, %add3A_1763 : vector<16xi32>
      %get3A_1765 = arith.constant 464 : index
      %get3A_1766 = tpu.vector_load %arg5[%get3A_1765] {strides = array<i32>} : memref<768xi32, #tpu.memory_space<vmem>>, vector<16xi32>,
      %mul3A_1767 = arith.constant 16 : i32
      %mul3A_1768 = vector.broadcast %mul3A_1767 : i32 to vector<16xi32>
      %mul3A_1769 = arith.muli %add3A_1764, %mul3A_1768 : vector<16xi32>
      %add3A_1770 = arith.constant 0 : i32
      %add3A_1771 = vector.broadcast %add3A_1770 : i32 to vector<16xi32>
      %add3A_1772 = arith.addi %mul3A_1769, %add3A_1771 : vector<16xi32>
      %gather3A_1773 = tpu.vector_load_idx %arg6[%add3A_1772] : memref<12288xf32, #tpu.memory_space<vmem>>[vector<16xi32>], vector<16xf32>,
      %mul3A_1774 = arith.constant 4 : i32
      %mul3A_1775 = vector.broadcast %mul3A_1774 : i32 to vector<16xi32>
      %mul3A_1776 = arith.muli %get3A_1766, %mul3A_1775 : vector<16xi32>
      %add3A_1777 = arith.constant 0 : i32
      %add3A_1778 = vector.broadcast %add3A_1777 : i32 to vector<16xi32>
      %add3A_1779 = arith.addi %mul3A_1776, %add3A_1778 : vector<16xi32>
      tpu.vector_store_idx %arg7[%add3A_1779], %gather3A_1773 {add = true} : memref<40960xf32, #tpu.memory_space<vmem>>[vector<16xi32>], vector<16xf32>,
      %mul3A_1780 = arith.constant 16 : i32
      %mul3A_1781 = vector.broadcast %mul3A_1780 : i32 to vector<16xi32>
      %mul3A_1782 = arith.muli %add3A_1764, %mul3A_1781 : vector<16xi32>
      %add3A_1783 = arith.constant 1 : i32
      %add3A_1784 = vector.broadcast %add3A_1783 : i32 to vector<16xi32>
      %add3A_1785 = arith.addi %mul3A_1782, %add3A_1784 : vector<16xi32>
      %gather3A_1786 = tpu.vector_load_idx %arg6[%add3A_1785] : memref<12288xf32, #tpu.memory_space<vmem>>[vector<16xi32>], vector<16xf32>,
      %mul3A_1787 = arith.constant 4 : i32
      %mul3A_1788 = vector.broadcast %mul3A_1787 : i32 to vector<16xi32>
      %mul3A_1789 = arith.muli %get3A_1766, %mul3A_1788 : vector<16xi32>
      %add3A_1790 = arith.constant 1 : i32
      %add3A_1791 = vector.broadcast %add3A_1790 : i32 to vector<16xi32>
      %add3A_1792 = arith.addi %mul3A_1789, %add3A_1791 : vector<16xi32>
      tpu.vector_store_idx %arg7[%add3A_1792], %gather3A_1786 {add = true} : memref<40960xf32, #tpu.memory_space<vmem>>[vector<16xi32>], vector<16xf32>,
      %mul3A_1793 = arith.constant 16 : i32
      %mul3A_1794 = vector.broadcast %mul3A_1793 : i32 to vector<16xi32>
      %mul3A_1795 = arith.muli %add3A_1764, %mul3A_1794 : vector<16xi32>
      %add3A_1796 = arith.constant 2 : i32
      %add3A_1797 = vector.broadcast %add3A_1796 : i32 to vector<16xi32>
      %add3A_1798 = arith.addi %mul3A_1795, %add3A_1797 : vector<16xi32>
      %gather3A_1799 = tpu.vector_load_idx %arg6[%add3A_1798] : memref<12288xf32, #tpu.memory_space<vmem>>[vector<16xi32>], vector<16xf32>,
      %mul3A_1800 = arith.constant 4 : i32
      %mul3A_1801 = vector.broadcast %mul3A_1800 : i32 to vector<16xi32>
      %mul3A_1802 = arith.muli %get3A_1766, %mul3A_1801 : vector<16xi32>
      %add3A_1803 = arith.constant 2 : i32
      %add3A_1804 = vector.broadcast %add3A_1803 : i32 to vector<16xi32>
      %add3A_1805 = arith.addi %mul3A_1802, %add3A_1804 : vector<16xi32>
      tpu.vector_store_idx %arg7[%add3A_1805], %gather3A_1799 {add = true} : memref<40960xf32, #tpu.memory_space<vmem>>[vector<16xi32>], vector<16xf32>,
      %mul3A_1806 = arith.constant 16 : i32
      %mul3A_1807 = vector.broadcast %mul3A_1806 : i32 to vector<16xi32>
      %mul3A_1808 = arith.muli %add3A_1764, %mul3A_1807 : vector<16xi32>
      %add3A_1809 = arith.constant 3 : i32
      %add3A_1810 = vector.broadcast %add3A_1809 : i32 to vector<16xi32>
      %add3A_1811 = arith.addi %mul3A_1808, %add3A_1810 : vector<16xi32>
      %gather3A_1812 = tpu.vector_load_idx %arg6[%add3A_1811] : memref<12288xf32, #tpu.memory_space<vmem>>[vector<16xi32>], vector<16xf32>,
      %mul3A_1813 = arith.constant 4 : i32
      %mul3A_1814 = vector.broadcast %mul3A_1813 : i32 to vector<16xi32>
      %mul3A_1815 = arith.muli %get3A_1766, %mul3A_1814 : vector<16xi32>
      %add3A_1816 = arith.constant 3 : i32
      %add3A_1817 = vector.broadcast %add3A_1816 : i32 to vector<16xi32>
      %add3A_1818 = arith.addi %mul3A_1815, %add3A_1817 : vector<16xi32>
      tpu.vector_store_idx %arg7[%add3A_1818], %gather3A_1812 {add = true} : memref<40960xf32, #tpu.memory_space<vmem>>[vector<16xi32>], vector<16xf32>,
      %iota3A_1819 = tpu.iota {dimensions = array<i32: 0>} : vector<16xi32>
      %add3A_1820 = arith.constant 480 : i32
      %add3A_1821 = vector.broadcast %add3A_1820 : i32 to vector<16xi32>
      %add3A_1822 = arith.addi %iota3A_1819, %add3A_1821 : vector<16xi32>
      %get3A_1823 = arith.constant 480 : index
      %get3A_1824 = tpu.vector_load %arg5[%get3A_1823] {strides = array<i32>} : memref<768xi32, #tpu.memory_space<vmem>>, vector<16xi32>,
      %mul3A_1825 = arith.constant 16 : i32
      %mul3A_1826 = vector.broadcast %mul3A_1825 : i32 to vector<16xi32>
      %mul3A_1827 = arith.muli %add3A_1822, %mul3A_1826 : vector<16xi32>
      %add3A_1828 = arith.constant 0 : i32
      %add3A_1829 = vector.broadcast %add3A_1828 : i32 to vector<16xi32>
      %add3A_1830 = arith.addi %mul3A_1827, %add3A_1829 : vector<16xi32>
      %gather3A_1831 = tpu.vector_load_idx %arg6[%add3A_1830] : memref<12288xf32, #tpu.memory_space<vmem>>[vector<16xi32>], vector<16xf32>,
      %mul3A_1832 = arith.constant 4 : i32
      %mul3A_1833 = vector.broadcast %mul3A_1832 : i32 to vector<16xi32>
      %mul3A_1834 = arith.muli %get3A_1824, %mul3A_1833 : vector<16xi32>
      %add3A_1835 = arith.constant 0 : i32
      %add3A_1836 = vector.broadcast %add3A_1835 : i32 to vector<16xi32>
      %add3A_1837 = arith.addi %mul3A_1834, %add3A_1836 : vector<16xi32>
      tpu.vector_store_idx %arg7[%add3A_1837], %gather3A_1831 {add = true} : memref<40960xf32, #tpu.memory_space<vmem>>[vector<16xi32>], vector<16xf32>,
      %mul3A_1838 = arith.constant 16 : i32
      %mul3A_1839 = vector.broadcast %mul3A_1838 : i32 to vector<16xi32>
      %mul3A_1840 = arith.muli %add3A_1822, %mul3A_1839 : vector<16xi32>
      %add3A_1841 = arith.constant 1 : i32
      %add3A_1842 = vector.broadcast %add3A_1841 : i32 to vector<16xi32>
      %add3A_1843 = arith.addi %mul3A_1840, %add3A_1842 : vector<16xi32>
      %gather3A_1844 = tpu.vector_load_idx %arg6[%add3A_1843] : memref<12288xf32, #tpu.memory_space<vmem>>[vector<16xi32>], vector<16xf32>,
      %mul3A_1845 = arith.constant 4 : i32
      %mul3A_1846 = vector.broadcast %mul3A_1845 : i32 to vector<16xi32>
      %mul3A_1847 = arith.muli %get3A_1824, %mul3A_1846 : vector<16xi32>
      %add3A_1848 = arith.constant 1 : i32
      %add3A_1849 = vector.broadcast %add3A_1848 : i32 to vector<16xi32>
      %add3A_1850 = arith.addi %mul3A_1847, %add3A_1849 : vector<16xi32>
      tpu.vector_store_idx %arg7[%add3A_1850], %gather3A_1844 {add = true} : memref<40960xf32, #tpu.memory_space<vmem>>[vector<16xi32>], vector<16xf32>,
      %mul3A_1851 = arith.constant 16 : i32
      %mul3A_1852 = vector.broadcast %mul3A_1851 : i32 to vector<16xi32>
      %mul3A_1853 = arith.muli %add3A_1822, %mul3A_1852 : vector<16xi32>
      %add3A_1854 = arith.constant 2 : i32
      %add3A_1855 = vector.broadcast %add3A_1854 : i32 to vector<16xi32>
      %add3A_1856 = arith.addi %mul3A_1853, %add3A_1855 : vector<16xi32>
      %gather3A_1857 = tpu.vector_load_idx %arg6[%add3A_1856] : memref<12288xf32, #tpu.memory_space<vmem>>[vector<16xi32>], vector<16xf32>,
      %mul3A_1858 = arith.constant 4 : i32
      %mul3A_1859 = vector.broadcast %mul3A_1858 : i32 to vector<16xi32>
      %mul3A_1860 = arith.muli %get3A_1824, %mul3A_1859 : vector<16xi32>
      %add3A_1861 = arith.constant 2 : i32
      %add3A_1862 = vector.broadcast %add3A_1861 : i32 to vector<16xi32>
      %add3A_1863 = arith.addi %mul3A_1860, %add3A_1862 : vector<16xi32>
      tpu.vector_store_idx %arg7[%add3A_1863], %gather3A_1857 {add = true} : memref<40960xf32, #tpu.memory_space<vmem>>[vector<16xi32>], vector<16xf32>,
      %mul3A_1864 = arith.constant 16 : i32
      %mul3A_1865 = vector.broadcast %mul3A_1864 : i32 to vector<16xi32>
      %mul3A_1866 = arith.muli %add3A_1822, %mul3A_1865 : vector<16xi32>
      %add3A_1867 = arith.constant 3 : i32
      %add3A_1868 = vector.broadcast %add3A_1867 : i32 to vector<16xi32>
      %add3A_1869 = arith.addi %mul3A_1866, %add3A_1868 : vector<16xi32>
      %gather3A_1870 = tpu.vector_load_idx %arg6[%add3A_1869] : memref<12288xf32, #tpu.memory_space<vmem>>[vector<16xi32>], vector<16xf32>,
      %mul3A_1871 = arith.constant 4 : i32
      %mul3A_1872 = vector.broadcast %mul3A_1871 : i32 to vector<16xi32>
      %mul3A_1873 = arith.muli %get3A_1824, %mul3A_1872 : vector<16xi32>
      %add3A_1874 = arith.constant 3 : i32
      %add3A_1875 = vector.broadcast %add3A_1874 : i32 to vector<16xi32>
      %add3A_1876 = arith.addi %mul3A_1873, %add3A_1875 : vector<16xi32>
      tpu.vector_store_idx %arg7[%add3A_1876], %gather3A_1870 {add = true} : memref<40960xf32, #tpu.memory_space<vmem>>[vector<16xi32>], vector<16xf32>,
      %iota3A_1877 = tpu.iota {dimensions = array<i32: 0>} : vector<16xi32>
      %add3A_1878 = arith.constant 496 : i32
      %add3A_1879 = vector.broadcast %add3A_1878 : i32 to vector<16xi32>
      %add3A_1880 = arith.addi %iota3A_1877, %add3A_1879 : vector<16xi32>
      %get3A_1881 = arith.constant 496 : index
      %get3A_1882 = tpu.vector_load %arg5[%get3A_1881] {strides = array<i32>} : memref<768xi32, #tpu.memory_space<vmem>>, vector<16xi32>,
      %mul3A_1883 = arith.constant 16 : i32
      %mul3A_1884 = vector.broadcast %mul3A_1883 : i32 to vector<16xi32>
      %mul3A_1885 = arith.muli %add3A_1880, %mul3A_1884 : vector<16xi32>
      %add3A_1886 = arith.constant 0 : i32
      %add3A_1887 = vector.broadcast %add3A_1886 : i32 to vector<16xi32>
      %add3A_1888 = arith.addi %mul3A_1885, %add3A_1887 : vector<16xi32>
      %gather3A_1889 = tpu.vector_load_idx %arg6[%add3A_1888] : memref<12288xf32, #tpu.memory_space<vmem>>[vector<16xi32>], vector<16xf32>,
      %mul3A_1890 = arith.constant 4 : i32
      %mul3A_1891 = vector.broadcast %mul3A_1890 : i32 to vector<16xi32>
      %mul3A_1892 = arith.muli %get3A_1882, %mul3A_1891 : vector<16xi32>
      %add3A_1893 = arith.constant 0 : i32
      %add3A_1894 = vector.broadcast %add3A_1893 : i32 to vector<16xi32>
      %add3A_1895 = arith.addi %mul3A_1892, %add3A_1894 : vector<16xi32>
      tpu.vector_store_idx %arg7[%add3A_1895], %gather3A_1889 {add = true} : memref<40960xf32, #tpu.memory_space<vmem>>[vector<16xi32>], vector<16xf32>,
      %mul3A_1896 = arith.constant 16 : i32
      %mul3A_1897 = vector.broadcast %mul3A_1896 : i32 to vector<16xi32>
      %mul3A_1898 = arith.muli %add3A_1880, %mul3A_1897 : vector<16xi32>
      %add3A_1899 = arith.constant 1 : i32
      %add3A_1900 = vector.broadcast %add3A_1899 : i32 to vector<16xi32>
      %add3A_1901 = arith.addi %mul3A_1898, %add3A_1900 : vector<16xi32>
      %gather3A_1902 = tpu.vector_load_idx %arg6[%add3A_1901] : memref<12288xf32, #tpu.memory_space<vmem>>[vector<16xi32>], vector<16xf32>,
      %mul3A_1903 = arith.constant 4 : i32
      %mul3A_1904 = vector.broadcast %mul3A_1903 : i32 to vector<16xi32>
      %mul3A_1905 = arith.muli %get3A_1882, %mul3A_1904 : vector<16xi32>
      %add3A_1906 = arith.constant 1 : i32
      %add3A_1907 = vector.broadcast %add3A_1906 : i32 to vector<16xi32>
      %add3A_1908 = arith.addi %mul3A_1905, %add3A_1907 : vector<16xi32>
      tpu.vector_store_idx %arg7[%add3A_1908], %gather3A_1902 {add = true} : memref<40960xf32, #tpu.memory_space<vmem>>[vector<16xi32>], vector<16xf32>,
      %mul3A_1909 = arith.constant 16 : i32
      %mul3A_1910 = vector.broadcast %mul3A_1909 : i32 to vector<16xi32>
      %mul3A_1911 = arith.muli %add3A_1880, %mul3A_1910 : vector<16xi32>
      %add3A_1912 = arith.constant 2 : i32
      %add3A_1913 = vector.broadcast %add3A_1912 : i32 to vector<16xi32>
      %add3A_1914 = arith.addi %mul3A_1911, %add3A_1913 : vector<16xi32>
      %gather3A_1915 = tpu.vector_load_idx %arg6[%add3A_1914] : memref<12288xf32, #tpu.memory_space<vmem>>[vector<16xi32>], vector<16xf32>,
      %mul3A_1916 = arith.constant 4 : i32
      %mul3A_1917 = vector.broadcast %mul3A_1916 : i32 to vector<16xi32>
      %mul3A_1918 = arith.muli %get3A_1882, %mul3A_1917 : vector<16xi32>
      %add3A_1919 = arith.constant 2 : i32
      %add3A_1920 = vector.broadcast %add3A_1919 : i32 to vector<16xi32>
      %add3A_1921 = arith.addi %mul3A_1918, %add3A_1920 : vector<16xi32>
      tpu.vector_store_idx %arg7[%add3A_1921], %gather3A_1915 {add = true} : memref<40960xf32, #tpu.memory_space<vmem>>[vector<16xi32>], vector<16xf32>,
      %mul3A_1922 = arith.constant 16 : i32
      %mul3A_1923 = vector.broadcast %mul3A_1922 : i32 to vector<16xi32>
      %mul3A_1924 = arith.muli %add3A_1880, %mul3A_1923 : vector<16xi32>
      %add3A_1925 = arith.constant 3 : i32
      %add3A_1926 = vector.broadcast %add3A_1925 : i32 to vector<16xi32>
      %add3A_1927 = arith.addi %mul3A_1924, %add3A_1926 : vector<16xi32>
      %gather3A_1928 = tpu.vector_load_idx %arg6[%add3A_1927] : memref<12288xf32, #tpu.memory_space<vmem>>[vector<16xi32>], vector<16xf32>,
      %mul3A_1929 = arith.constant 4 : i32
      %mul3A_1930 = vector.broadcast %mul3A_1929 : i32 to vector<16xi32>
      %mul3A_1931 = arith.muli %get3A_1882, %mul3A_1930 : vector<16xi32>
      %add3A_1932 = arith.constant 3 : i32
      %add3A_1933 = vector.broadcast %add3A_1932 : i32 to vector<16xi32>
      %add3A_1934 = arith.addi %mul3A_1931, %add3A_1933 : vector<16xi32>
      tpu.vector_store_idx %arg7[%add3A_1934], %gather3A_1928 {add = true} : memref<40960xf32, #tpu.memory_space<vmem>>[vector<16xi32>], vector<16xf32>,
      %iota3A_1935 = tpu.iota {dimensions = array<i32: 0>} : vector<16xi32>
      %add3A_1936 = arith.constant 512 : i32
      %add3A_1937 = vector.broadcast %add3A_1936 : i32 to vector<16xi32>
      %add3A_1938 = arith.addi %iota3A_1935, %add3A_1937 : vector<16xi32>
      %get3A_1939 = arith.constant 512 : index
      %get3A_1940 = tpu.vector_load %arg5[%get3A_1939] {strides = array<i32>} : memref<768xi32, #tpu.memory_space<vmem>>, vector<16xi32>,
      %mul3A_1941 = arith.constant 16 : i32
      %mul3A_1942 = vector.broadcast %mul3A_1941 : i32 to vector<16xi32>
      %mul3A_1943 = arith.muli %add3A_1938, %mul3A_1942 : vector<16xi32>
      %add3A_1944 = arith.constant 0 : i32
      %add3A_1945 = vector.broadcast %add3A_1944 : i32 to vector<16xi32>
      %add3A_1946 = arith.addi %mul3A_1943, %add3A_1945 : vector<16xi32>
      %gather3A_1947 = tpu.vector_load_idx %arg6[%add3A_1946] : memref<12288xf32, #tpu.memory_space<vmem>>[vector<16xi32>], vector<16xf32>,
      %mul3A_1948 = arith.constant 4 : i32
      %mul3A_1949 = vector.broadcast %mul3A_1948 : i32 to vector<16xi32>
      %mul3A_1950 = arith.muli %get3A_1940, %mul3A_1949 : vector<16xi32>
      %add3A_1951 = arith.constant 0 : i32
      %add3A_1952 = vector.broadcast %add3A_1951 : i32 to vector<16xi32>
      %add3A_1953 = arith.addi %mul3A_1950, %add3A_1952 : vector<16xi32>
      tpu.vector_store_idx %arg7[%add3A_1953], %gather3A_1947 {add = true} : memref<40960xf32, #tpu.memory_space<vmem>>[vector<16xi32>], vector<16xf32>,
      %mul3A_1954 = arith.constant 16 : i32
      %mul3A_1955 = vector.broadcast %mul3A_1954 : i32 to vector<16xi32>
      %mul3A_1956 = arith.muli %add3A_1938, %mul3A_1955 : vector<16xi32>
      %add3A_1957 = arith.constant 1 : i32
      %add3A_1958 = vector.broadcast %add3A_1957 : i32 to vector<16xi32>
      %add3A_1959 = arith.addi %mul3A_1956, %add3A_1958 : vector<16xi32>
      %gather3A_1960 = tpu.vector_load_idx %arg6[%add3A_1959] : memref<12288xf32, #tpu.memory_space<vmem>>[vector<16xi32>], vector<16xf32>,
      %mul3A_1961 = arith.constant 4 : i32
      %mul3A_1962 = vector.broadcast %mul3A_1961 : i32 to vector<16xi32>
      %mul3A_1963 = arith.muli %get3A_1940, %mul3A_1962 : vector<16xi32>
      %add3A_1964 = arith.constant 1 : i32
      %add3A_1965 = vector.broadcast %add3A_1964 : i32 to vector<16xi32>
      %add3A_1966 = arith.addi %mul3A_1963, %add3A_1965 : vector<16xi32>
      tpu.vector_store_idx %arg7[%add3A_1966], %gather3A_1960 {add = true} : memref<40960xf32, #tpu.memory_space<vmem>>[vector<16xi32>], vector<16xf32>,
      %mul3A_1967 = arith.constant 16 : i32
      %mul3A_1968 = vector.broadcast %mul3A_1967 : i32 to vector<16xi32>
      %mul3A_1969 = arith.muli %add3A_1938, %mul3A_1968 : vector<16xi32>
      %add3A_1970 = arith.constant 2 : i32
      %add3A_1971 = vector.broadcast %add3A_1970 : i32 to vector<16xi32>
      %add3A_1972 = arith.addi %mul3A_1969, %add3A_1971 : vector<16xi32>
      %gather3A_1973 = tpu.vector_load_idx %arg6[%add3A_1972] : memref<12288xf32, #tpu.memory_space<vmem>>[vector<16xi32>], vector<16xf32>,
      %mul3A_1974 = arith.constant 4 : i32
      %mul3A_1975 = vector.broadcast %mul3A_1974 : i32 to vector<16xi32>
      %mul3A_1976 = arith.muli %get3A_1940, %mul3A_1975 : vector<16xi32>
      %add3A_1977 = arith.constant 2 : i32
      %add3A_1978 = vector.broadcast %add3A_1977 : i32 to vector<16xi32>
      %add3A_1979 = arith.addi %mul3A_1976, %add3A_1978 : vector<16xi32>
      tpu.vector_store_idx %arg7[%add3A_1979], %gather3A_1973 {add = true} : memref<40960xf32, #tpu.memory_space<vmem>>[vector<16xi32>], vector<16xf32>,
      %mul3A_1980 = arith.constant 16 : i32
      %mul3A_1981 = vector.broadcast %mul3A_1980 : i32 to vector<16xi32>
      %mul3A_1982 = arith.muli %add3A_1938, %mul3A_1981 : vector<16xi32>
      %add3A_1983 = arith.constant 3 : i32
      %add3A_1984 = vector.broadcast %add3A_1983 : i32 to vector<16xi32>
      %add3A_1985 = arith.addi %mul3A_1982, %add3A_1984 : vector<16xi32>
      %gather3A_1986 = tpu.vector_load_idx %arg6[%add3A_1985] : memref<12288xf32, #tpu.memory_space<vmem>>[vector<16xi32>], vector<16xf32>,
      %mul3A_1987 = arith.constant 4 : i32
      %mul3A_1988 = vector.broadcast %mul3A_1987 : i32 to vector<16xi32>
      %mul3A_1989 = arith.muli %get3A_1940, %mul3A_1988 : vector<16xi32>
      %add3A_1990 = arith.constant 3 : i32
      %add3A_1991 = vector.broadcast %add3A_1990 : i32 to vector<16xi32>
      %add3A_1992 = arith.addi %mul3A_1989, %add3A_1991 : vector<16xi32>
      tpu.vector_store_idx %arg7[%add3A_1992], %gather3A_1986 {add = true} : memref<40960xf32, #tpu.memory_space<vmem>>[vector<16xi32>], vector<16xf32>,
      %iota3A_1993 = tpu.iota {dimensions = array<i32: 0>} : vector<16xi32>
      %add3A_1994 = arith.constant 528 : i32
      %add3A_1995 = vector.broadcast %add3A_1994 : i32 to vector<16xi32>
      %add3A_1996 = arith.addi %iota3A_1993, %add3A_1995 : vector<16xi32>
      %get3A_1997 = arith.constant 528 : index
      %get3A_1998 = tpu.vector_load %arg5[%get3A_1997] {strides = array<i32>} : memref<768xi32, #tpu.memory_space<vmem>>, vector<16xi32>,
      %mul3A_1999 = arith.constant 16 : i32
      %mul3A_2000 = vector.broadcast %mul3A_1999 : i32 to vector<16xi32>
      %mul3A_2001 = arith.muli %add3A_1996, %mul3A_2000 : vector<16xi32>
      %add3A_2002 = arith.constant 0 : i32
      %add3A_2003 = vector.broadcast %add3A_2002 : i32 to vector<16xi32>
      %add3A_2004 = arith.addi %mul3A_2001, %add3A_2003 : vector<16xi32>
      %gather3A_2005 = tpu.vector_load_idx %arg6[%add3A_2004] : memref<12288xf32, #tpu.memory_space<vmem>>[vector<16xi32>], vector<16xf32>,
      %mul3A_2006 = arith.constant 4 : i32
      %mul3A_2007 = vector.broadcast %mul3A_2006 : i32 to vector<16xi32>
      %mul3A_2008 = arith.muli %get3A_1998, %mul3A_2007 : vector<16xi32>
      %add3A_2009 = arith.constant 0 : i32
      %add3A_2010 = vector.broadcast %add3A_2009 : i32 to vector<16xi32>
      %add3A_2011 = arith.addi %mul3A_2008, %add3A_2010 : vector<16xi32>
      tpu.vector_store_idx %arg7[%add3A_2011], %gather3A_2005 {add = true} : memref<40960xf32, #tpu.memory_space<vmem>>[vector<16xi32>], vector<16xf32>,
      %mul3A_2012 = arith.constant 16 : i32
      %mul3A_2013 = vector.broadcast %mul3A_2012 : i32 to vector<16xi32>
      %mul3A_2014 = arith.muli %add3A_1996, %mul3A_2013 : vector<16xi32>
      %add3A_2015 = arith.constant 1 : i32
      %add3A_2016 = vector.broadcast %add3A_2015 : i32 to vector<16xi32>
      %add3A_2017 = arith.addi %mul3A_2014, %add3A_2016 : vector<16xi32>
      %gather3A_2018 = tpu.vector_load_idx %arg6[%add3A_2017] : memref<12288xf32, #tpu.memory_space<vmem>>[vector<16xi32>], vector<16xf32>,
      %mul3A_2019 = arith.constant 4 : i32
      %mul3A_2020 = vector.broadcast %mul3A_2019 : i32 to vector<16xi32>
      %mul3A_2021 = arith.muli %get3A_1998, %mul3A_2020 : vector<16xi32>
      %add3A_2022 = arith.constant 1 : i32
      %add3A_2023 = vector.broadcast %add3A_2022 : i32 to vector<16xi32>
      %add3A_2024 = arith.addi %mul3A_2021, %add3A_2023 : vector<16xi32>
      tpu.vector_store_idx %arg7[%add3A_2024], %gather3A_2018 {add = true} : memref<40960xf32, #tpu.memory_space<vmem>>[vector<16xi32>], vector<16xf32>,
      %mul3A_2025 = arith.constant 16 : i32
      %mul3A_2026 = vector.broadcast %mul3A_2025 : i32 to vector<16xi32>
      %mul3A_2027 = arith.muli %add3A_1996, %mul3A_2026 : vector<16xi32>
      %add3A_2028 = arith.constant 2 : i32
      %add3A_2029 = vector.broadcast %add3A_2028 : i32 to vector<16xi32>
      %add3A_2030 = arith.addi %mul3A_2027, %add3A_2029 : vector<16xi32>
      %gather3A_2031 = tpu.vector_load_idx %arg6[%add3A_2030] : memref<12288xf32, #tpu.memory_space<vmem>>[vector<16xi32>], vector<16xf32>,
      %mul3A_2032 = arith.constant 4 : i32
      %mul3A_2033 = vector.broadcast %mul3A_2032 : i32 to vector<16xi32>
      %mul3A_2034 = arith.muli %get3A_1998, %mul3A_2033 : vector<16xi32>
      %add3A_2035 = arith.constant 2 : i32
      %add3A_2036 = vector.broadcast %add3A_2035 : i32 to vector<16xi32>
      %add3A_2037 = arith.addi %mul3A_2034, %add3A_2036 : vector<16xi32>
      tpu.vector_store_idx %arg7[%add3A_2037], %gather3A_2031 {add = true} : memref<40960xf32, #tpu.memory_space<vmem>>[vector<16xi32>], vector<16xf32>,
      %mul3A_2038 = arith.constant 16 : i32
      %mul3A_2039 = vector.broadcast %mul3A_2038 : i32 to vector<16xi32>
      %mul3A_2040 = arith.muli %add3A_1996, %mul3A_2039 : vector<16xi32>
      %add3A_2041 = arith.constant 3 : i32
      %add3A_2042 = vector.broadcast %add3A_2041 : i32 to vector<16xi32>
      %add3A_2043 = arith.addi %mul3A_2040, %add3A_2042 : vector<16xi32>
      %gather3A_2044 = tpu.vector_load_idx %arg6[%add3A_2043] : memref<12288xf32, #tpu.memory_space<vmem>>[vector<16xi32>], vector<16xf32>,
      %mul3A_2045 = arith.constant 4 : i32
      %mul3A_2046 = vector.broadcast %mul3A_2045 : i32 to vector<16xi32>
      %mul3A_2047 = arith.muli %get3A_1998, %mul3A_2046 : vector<16xi32>
      %add3A_2048 = arith.constant 3 : i32
      %add3A_2049 = vector.broadcast %add3A_2048 : i32 to vector<16xi32>
      %add3A_2050 = arith.addi %mul3A_2047, %add3A_2049 : vector<16xi32>
      tpu.vector_store_idx %arg7[%add3A_2050], %gather3A_2044 {add = true} : memref<40960xf32, #tpu.memory_space<vmem>>[vector<16xi32>], vector<16xf32>,
      %iota3A_2051 = tpu.iota {dimensions = array<i32: 0>} : vector<16xi32>
      %add3A_2052 = arith.constant 544 : i32
      %add3A_2053 = vector.broadcast %add3A_2052 : i32 to vector<16xi32>
      %add3A_2054 = arith.addi %iota3A_2051, %add3A_2053 : vector<16xi32>
      %get3A_2055 = arith.constant 544 : index
      %get3A_2056 = tpu.vector_load %arg5[%get3A_2055] {strides = array<i32>} : memref<768xi32, #tpu.memory_space<vmem>>, vector<16xi32>,
      %mul3A_2057 = arith.constant 16 : i32
      %mul3A_2058 = vector.broadcast %mul3A_2057 : i32 to vector<16xi32>
      %mul3A_2059 = arith.muli %add3A_2054, %mul3A_2058 : vector<16xi32>
      %add3A_2060 = arith.constant 0 : i32
      %add3A_2061 = vector.broadcast %add3A_2060 : i32 to vector<16xi32>
      %add3A_2062 = arith.addi %mul3A_2059, %add3A_2061 : vector<16xi32>
      %gather3A_2063 = tpu.vector_load_idx %arg6[%add3A_2062] : memref<12288xf32, #tpu.memory_space<vmem>>[vector<16xi32>], vector<16xf32>,
      %mul3A_2064 = arith.constant 4 : i32
      %mul3A_2065 = vector.broadcast %mul3A_2064 : i32 to vector<16xi32>
      %mul3A_2066 = arith.muli %get3A_2056, %mul3A_2065 : vector<16xi32>
      %add3A_2067 = arith.constant 0 : i32
      %add3A_2068 = vector.broadcast %add3A_2067 : i32 to vector<16xi32>
      %add3A_2069 = arith.addi %mul3A_2066, %add3A_2068 : vector<16xi32>
      tpu.vector_store_idx %arg7[%add3A_2069], %gather3A_2063 {add = true} : memref<40960xf32, #tpu.memory_space<vmem>>[vector<16xi32>], vector<16xf32>,
      %mul3A_2070 = arith.constant 16 : i32
      %mul3A_2071 = vector.broadcast %mul3A_2070 : i32 to vector<16xi32>
      %mul3A_2072 = arith.muli %add3A_2054, %mul3A_2071 : vector<16xi32>
      %add3A_2073 = arith.constant 1 : i32
      %add3A_2074 = vector.broadcast %add3A_2073 : i32 to vector<16xi32>
      %add3A_2075 = arith.addi %mul3A_2072, %add3A_2074 : vector<16xi32>
      %gather3A_2076 = tpu.vector_load_idx %arg6[%add3A_2075] : memref<12288xf32, #tpu.memory_space<vmem>>[vector<16xi32>], vector<16xf32>,
      %mul3A_2077 = arith.constant 4 : i32
      %mul3A_2078 = vector.broadcast %mul3A_2077 : i32 to vector<16xi32>
      %mul3A_2079 = arith.muli %get3A_2056, %mul3A_2078 : vector<16xi32>
      %add3A_2080 = arith.constant 1 : i32
      %add3A_2081 = vector.broadcast %add3A_2080 : i32 to vector<16xi32>
      %add3A_2082 = arith.addi %mul3A_2079, %add3A_2081 : vector<16xi32>
      tpu.vector_store_idx %arg7[%add3A_2082], %gather3A_2076 {add = true} : memref<40960xf32, #tpu.memory_space<vmem>>[vector<16xi32>], vector<16xf32>,
      %mul3A_2083 = arith.constant 16 : i32
      %mul3A_2084 = vector.broadcast %mul3A_2083 : i32 to vector<16xi32>
      %mul3A_2085 = arith.muli %add3A_2054, %mul3A_2084 : vector<16xi32>
      %add3A_2086 = arith.constant 2 : i32
      %add3A_2087 = vector.broadcast %add3A_2086 : i32 to vector<16xi32>
      %add3A_2088 = arith.addi %mul3A_2085, %add3A_2087 : vector<16xi32>
      %gather3A_2089 = tpu.vector_load_idx %arg6[%add3A_2088] : memref<12288xf32, #tpu.memory_space<vmem>>[vector<16xi32>], vector<16xf32>,
      %mul3A_2090 = arith.constant 4 : i32
      %mul3A_2091 = vector.broadcast %mul3A_2090 : i32 to vector<16xi32>
      %mul3A_2092 = arith.muli %get3A_2056, %mul3A_2091 : vector<16xi32>
      %add3A_2093 = arith.constant 2 : i32
      %add3A_2094 = vector.broadcast %add3A_2093 : i32 to vector<16xi32>
      %add3A_2095 = arith.addi %mul3A_2092, %add3A_2094 : vector<16xi32>
      tpu.vector_store_idx %arg7[%add3A_2095], %gather3A_2089 {add = true} : memref<40960xf32, #tpu.memory_space<vmem>>[vector<16xi32>], vector<16xf32>,
      %mul3A_2096 = arith.constant 16 : i32
      %mul3A_2097 = vector.broadcast %mul3A_2096 : i32 to vector<16xi32>
      %mul3A_2098 = arith.muli %add3A_2054, %mul3A_2097 : vector<16xi32>
      %add3A_2099 = arith.constant 3 : i32
      %add3A_2100 = vector.broadcast %add3A_2099 : i32 to vector<16xi32>
      %add3A_2101 = arith.addi %mul3A_2098, %add3A_2100 : vector<16xi32>
      %gather3A_2102 = tpu.vector_load_idx %arg6[%add3A_2101] : memref<12288xf32, #tpu.memory_space<vmem>>[vector<16xi32>], vector<16xf32>,
      %mul3A_2103 = arith.constant 4 : i32
      %mul3A_2104 = vector.broadcast %mul3A_2103 : i32 to vector<16xi32>
      %mul3A_2105 = arith.muli %get3A_2056, %mul3A_2104 : vector<16xi32>
      %add3A_2106 = arith.constant 3 : i32
      %add3A_2107 = vector.broadcast %add3A_2106 : i32 to vector<16xi32>
      %add3A_2108 = arith.addi %mul3A_2105, %add3A_2107 : vector<16xi32>
      tpu.vector_store_idx %arg7[%add3A_2108], %gather3A_2102 {add = true} : memref<40960xf32, #tpu.memory_space<vmem>>[vector<16xi32>], vector<16xf32>,
      %iota3A_2109 = tpu.iota {dimensions = array<i32: 0>} : vector<16xi32>
      %add3A_2110 = arith.constant 560 : i32
      %add3A_2111 = vector.broadcast %add3A_2110 : i32 to vector<16xi32>
      %add3A_2112 = arith.addi %iota3A_2109, %add3A_2111 : vector<16xi32>
      %get3A_2113 = arith.constant 560 : index
      %get3A_2114 = tpu.vector_load %arg5[%get3A_2113] {strides = array<i32>} : memref<768xi32, #tpu.memory_space<vmem>>, vector<16xi32>,
      %mul3A_2115 = arith.constant 16 : i32
      %mul3A_2116 = vector.broadcast %mul3A_2115 : i32 to vector<16xi32>
      %mul3A_2117 = arith.muli %add3A_2112, %mul3A_2116 : vector<16xi32>
      %add3A_2118 = arith.constant 0 : i32
      %add3A_2119 = vector.broadcast %add3A_2118 : i32 to vector<16xi32>
      %add3A_2120 = arith.addi %mul3A_2117, %add3A_2119 : vector<16xi32>
      %gather3A_2121 = tpu.vector_load_idx %arg6[%add3A_2120] : memref<12288xf32, #tpu.memory_space<vmem>>[vector<16xi32>], vector<16xf32>,
      %mul3A_2122 = arith.constant 4 : i32
      %mul3A_2123 = vector.broadcast %mul3A_2122 : i32 to vector<16xi32>
      %mul3A_2124 = arith.muli %get3A_2114, %mul3A_2123 : vector<16xi32>
      %add3A_2125 = arith.constant 0 : i32
      %add3A_2126 = vector.broadcast %add3A_2125 : i32 to vector<16xi32>
      %add3A_2127 = arith.addi %mul3A_2124, %add3A_2126 : vector<16xi32>
      tpu.vector_store_idx %arg7[%add3A_2127], %gather3A_2121 {add = true} : memref<40960xf32, #tpu.memory_space<vmem>>[vector<16xi32>], vector<16xf32>,
      %mul3A_2128 = arith.constant 16 : i32
      %mul3A_2129 = vector.broadcast %mul3A_2128 : i32 to vector<16xi32>
      %mul3A_2130 = arith.muli %add3A_2112, %mul3A_2129 : vector<16xi32>
      %add3A_2131 = arith.constant 1 : i32
      %add3A_2132 = vector.broadcast %add3A_2131 : i32 to vector<16xi32>
      %add3A_2133 = arith.addi %mul3A_2130, %add3A_2132 : vector<16xi32>
      %gather3A_2134 = tpu.vector_load_idx %arg6[%add3A_2133] : memref<12288xf32, #tpu.memory_space<vmem>>[vector<16xi32>], vector<16xf32>,
      %mul3A_2135 = arith.constant 4 : i32
      %mul3A_2136 = vector.broadcast %mul3A_2135 : i32 to vector<16xi32>
      %mul3A_2137 = arith.muli %get3A_2114, %mul3A_2136 : vector<16xi32>
      %add3A_2138 = arith.constant 1 : i32
      %add3A_2139 = vector.broadcast %add3A_2138 : i32 to vector<16xi32>
      %add3A_2140 = arith.addi %mul3A_2137, %add3A_2139 : vector<16xi32>
      tpu.vector_store_idx %arg7[%add3A_2140], %gather3A_2134 {add = true} : memref<40960xf32, #tpu.memory_space<vmem>>[vector<16xi32>], vector<16xf32>,
      %mul3A_2141 = arith.constant 16 : i32
      %mul3A_2142 = vector.broadcast %mul3A_2141 : i32 to vector<16xi32>
      %mul3A_2143 = arith.muli %add3A_2112, %mul3A_2142 : vector<16xi32>
      %add3A_2144 = arith.constant 2 : i32
      %add3A_2145 = vector.broadcast %add3A_2144 : i32 to vector<16xi32>
      %add3A_2146 = arith.addi %mul3A_2143, %add3A_2145 : vector<16xi32>
      %gather3A_2147 = tpu.vector_load_idx %arg6[%add3A_2146] : memref<12288xf32, #tpu.memory_space<vmem>>[vector<16xi32>], vector<16xf32>,
      %mul3A_2148 = arith.constant 4 : i32
      %mul3A_2149 = vector.broadcast %mul3A_2148 : i32 to vector<16xi32>
      %mul3A_2150 = arith.muli %get3A_2114, %mul3A_2149 : vector<16xi32>
      %add3A_2151 = arith.constant 2 : i32
      %add3A_2152 = vector.broadcast %add3A_2151 : i32 to vector<16xi32>
      %add3A_2153 = arith.addi %mul3A_2150, %add3A_2152 : vector<16xi32>
      tpu.vector_store_idx %arg7[%add3A_2153], %gather3A_2147 {add = true} : memref<40960xf32, #tpu.memory_space<vmem>>[vector<16xi32>], vector<16xf32>,
      %mul3A_2154 = arith.constant 16 : i32
      %mul3A_2155 = vector.broadcast %mul3A_2154 : i32 to vector<16xi32>
      %mul3A_2156 = arith.muli %add3A_2112, %mul3A_2155 : vector<16xi32>
      %add3A_2157 = arith.constant 3 : i32
      %add3A_2158 = vector.broadcast %add3A_2157 : i32 to vector<16xi32>
      %add3A_2159 = arith.addi %mul3A_2156, %add3A_2158 : vector<16xi32>
      %gather3A_2160 = tpu.vector_load_idx %arg6[%add3A_2159] : memref<12288xf32, #tpu.memory_space<vmem>>[vector<16xi32>], vector<16xf32>,
      %mul3A_2161 = arith.constant 4 : i32
      %mul3A_2162 = vector.broadcast %mul3A_2161 : i32 to vector<16xi32>
      %mul3A_2163 = arith.muli %get3A_2114, %mul3A_2162 : vector<16xi32>
      %add3A_2164 = arith.constant 3 : i32
      %add3A_2165 = vector.broadcast %add3A_2164 : i32 to vector<16xi32>
      %add3A_2166 = arith.addi %mul3A_2163, %add3A_2165 : vector<16xi32>
      tpu.vector_store_idx %arg7[%add3A_2166], %gather3A_2160 {add = true} : memref<40960xf32, #tpu.memory_space<vmem>>[vector<16xi32>], vector<16xf32>,
      %iota3A_2167 = tpu.iota {dimensions = array<i32: 0>} : vector<16xi32>
      %add3A_2168 = arith.constant 576 : i32
      %add3A_2169 = vector.broadcast %add3A_2168 : i32 to vector<16xi32>
      %add3A_2170 = arith.addi %iota3A_2167, %add3A_2169 : vector<16xi32>
      %get3A_2171 = arith.constant 576 : index
      %get3A_2172 = tpu.vector_load %arg5[%get3A_2171] {strides = array<i32>} : memref<768xi32, #tpu.memory_space<vmem>>, vector<16xi32>,
      %mul3A_2173 = arith.constant 16 : i32
      %mul3A_2174 = vector.broadcast %mul3A_2173 : i32 to vector<16xi32>
      %mul3A_2175 = arith.muli %add3A_2170, %mul3A_2174 : vector<16xi32>
      %add3A_2176 = arith.constant 0 : i32
      %add3A_2177 = vector.broadcast %add3A_2176 : i32 to vector<16xi32>
      %add3A_2178 = arith.addi %mul3A_2175, %add3A_2177 : vector<16xi32>
      %gather3A_2179 = tpu.vector_load_idx %arg6[%add3A_2178] : memref<12288xf32, #tpu.memory_space<vmem>>[vector<16xi32>], vector<16xf32>,
      %mul3A_2180 = arith.constant 4 : i32
      %mul3A_2181 = vector.broadcast %mul3A_2180 : i32 to vector<16xi32>
      %mul3A_2182 = arith.muli %get3A_2172, %mul3A_2181 : vector<16xi32>
      %add3A_2183 = arith.constant 0 : i32
      %add3A_2184 = vector.broadcast %add3A_2183 : i32 to vector<16xi32>
      %add3A_2185 = arith.addi %mul3A_2182, %add3A_2184 : vector<16xi32>
      tpu.vector_store_idx %arg7[%add3A_2185], %gather3A_2179 {add = true} : memref<40960xf32, #tpu.memory_space<vmem>>[vector<16xi32>], vector<16xf32>,
      %mul3A_2186 = arith.constant 16 : i32
      %mul3A_2187 = vector.broadcast %mul3A_2186 : i32 to vector<16xi32>
      %mul3A_2188 = arith.muli %add3A_2170, %mul3A_2187 : vector<16xi32>
      %add3A_2189 = arith.constant 1 : i32
      %add3A_2190 = vector.broadcast %add3A_2189 : i32 to vector<16xi32>
      %add3A_2191 = arith.addi %mul3A_2188, %add3A_2190 : vector<16xi32>
      %gather3A_2192 = tpu.vector_load_idx %arg6[%add3A_2191] : memref<12288xf32, #tpu.memory_space<vmem>>[vector<16xi32>], vector<16xf32>,
      %mul3A_2193 = arith.constant 4 : i32
      %mul3A_2194 = vector.broadcast %mul3A_2193 : i32 to vector<16xi32>
      %mul3A_2195 = arith.muli %get3A_2172, %mul3A_2194 : vector<16xi32>
      %add3A_2196 = arith.constant 1 : i32
      %add3A_2197 = vector.broadcast %add3A_2196 : i32 to vector<16xi32>
      %add3A_2198 = arith.addi %mul3A_2195, %add3A_2197 : vector<16xi32>
      tpu.vector_store_idx %arg7[%add3A_2198], %gather3A_2192 {add = true} : memref<40960xf32, #tpu.memory_space<vmem>>[vector<16xi32>], vector<16xf32>,
      %mul3A_2199 = arith.constant 16 : i32
      %mul3A_2200 = vector.broadcast %mul3A_2199 : i32 to vector<16xi32>
      %mul3A_2201 = arith.muli %add3A_2170, %mul3A_2200 : vector<16xi32>
      %add3A_2202 = arith.constant 2 : i32
      %add3A_2203 = vector.broadcast %add3A_2202 : i32 to vector<16xi32>
      %add3A_2204 = arith.addi %mul3A_2201, %add3A_2203 : vector<16xi32>
      %gather3A_2205 = tpu.vector_load_idx %arg6[%add3A_2204] : memref<12288xf32, #tpu.memory_space<vmem>>[vector<16xi32>], vector<16xf32>,
      %mul3A_2206 = arith.constant 4 : i32
      %mul3A_2207 = vector.broadcast %mul3A_2206 : i32 to vector<16xi32>
      %mul3A_2208 = arith.muli %get3A_2172, %mul3A_2207 : vector<16xi32>
      %add3A_2209 = arith.constant 2 : i32
      %add3A_2210 = vector.broadcast %add3A_2209 : i32 to vector<16xi32>
      %add3A_2211 = arith.addi %mul3A_2208, %add3A_2210 : vector<16xi32>
      tpu.vector_store_idx %arg7[%add3A_2211], %gather3A_2205 {add = true} : memref<40960xf32, #tpu.memory_space<vmem>>[vector<16xi32>], vector<16xf32>,
      %mul3A_2212 = arith.constant 16 : i32
      %mul3A_2213 = vector.broadcast %mul3A_2212 : i32 to vector<16xi32>
      %mul3A_2214 = arith.muli %add3A_2170, %mul3A_2213 : vector<16xi32>
      %add3A_2215 = arith.constant 3 : i32
      %add3A_2216 = vector.broadcast %add3A_2215 : i32 to vector<16xi32>
      %add3A_2217 = arith.addi %mul3A_2214, %add3A_2216 : vector<16xi32>
      %gather3A_2218 = tpu.vector_load_idx %arg6[%add3A_2217] : memref<12288xf32, #tpu.memory_space<vmem>>[vector<16xi32>], vector<16xf32>,
      %mul3A_2219 = arith.constant 4 : i32
      %mul3A_2220 = vector.broadcast %mul3A_2219 : i32 to vector<16xi32>
      %mul3A_2221 = arith.muli %get3A_2172, %mul3A_2220 : vector<16xi32>
      %add3A_2222 = arith.constant 3 : i32
      %add3A_2223 = vector.broadcast %add3A_2222 : i32 to vector<16xi32>
      %add3A_2224 = arith.addi %mul3A_2221, %add3A_2223 : vector<16xi32>
      tpu.vector_store_idx %arg7[%add3A_2224], %gather3A_2218 {add = true} : memref<40960xf32, #tpu.memory_space<vmem>>[vector<16xi32>], vector<16xf32>,
      %iota3A_2225 = tpu.iota {dimensions = array<i32: 0>} : vector<16xi32>
      %add3A_2226 = arith.constant 592 : i32
      %add3A_2227 = vector.broadcast %add3A_2226 : i32 to vector<16xi32>
      %add3A_2228 = arith.addi %iota3A_2225, %add3A_2227 : vector<16xi32>
      %get3A_2229 = arith.constant 592 : index
      %get3A_2230 = tpu.vector_load %arg5[%get3A_2229] {strides = array<i32>} : memref<768xi32, #tpu.memory_space<vmem>>, vector<16xi32>,
      %mul3A_2231 = arith.constant 16 : i32
      %mul3A_2232 = vector.broadcast %mul3A_2231 : i32 to vector<16xi32>
      %mul3A_2233 = arith.muli %add3A_2228, %mul3A_2232 : vector<16xi32>
      %add3A_2234 = arith.constant 0 : i32
      %add3A_2235 = vector.broadcast %add3A_2234 : i32 to vector<16xi32>
      %add3A_2236 = arith.addi %mul3A_2233, %add3A_2235 : vector<16xi32>
      %gather3A_2237 = tpu.vector_load_idx %arg6[%add3A_2236] : memref<12288xf32, #tpu.memory_space<vmem>>[vector<16xi32>], vector<16xf32>,
      %mul3A_2238 = arith.constant 4 : i32
      %mul3A_2239 = vector.broadcast %mul3A_2238 : i32 to vector<16xi32>
      %mul3A_2240 = arith.muli %get3A_2230, %mul3A_2239 : vector<16xi32>
      %add3A_2241 = arith.constant 0 : i32
      %add3A_2242 = vector.broadcast %add3A_2241 : i32 to vector<16xi32>
      %add3A_2243 = arith.addi %mul3A_2240, %add3A_2242 : vector<16xi32>
      tpu.vector_store_idx %arg7[%add3A_2243], %gather3A_2237 {add = true} : memref<40960xf32, #tpu.memory_space<vmem>>[vector<16xi32>], vector<16xf32>,
      %mul3A_2244 = arith.constant 16 : i32
      %mul3A_2245 = vector.broadcast %mul3A_2244 : i32 to vector<16xi32>
      %mul3A_2246 = arith.muli %add3A_2228, %mul3A_2245 : vector<16xi32>
      %add3A_2247 = arith.constant 1 : i32
      %add3A_2248 = vector.broadcast %add3A_2247 : i32 to vector<16xi32>
      %add3A_2249 = arith.addi %mul3A_2246, %add3A_2248 : vector<16xi32>
      %gather3A_2250 = tpu.vector_load_idx %arg6[%add3A_2249] : memref<12288xf32, #tpu.memory_space<vmem>>[vector<16xi32>], vector<16xf32>,
      %mul3A_2251 = arith.constant 4 : i32
      %mul3A_2252 = vector.broadcast %mul3A_2251 : i32 to vector<16xi32>
      %mul3A_2253 = arith.muli %get3A_2230, %mul3A_2252 : vector<16xi32>
      %add3A_2254 = arith.constant 1 : i32
      %add3A_2255 = vector.broadcast %add3A_2254 : i32 to vector<16xi32>
      %add3A_2256 = arith.addi %mul3A_2253, %add3A_2255 : vector<16xi32>
      tpu.vector_store_idx %arg7[%add3A_2256], %gather3A_2250 {add = true} : memref<40960xf32, #tpu.memory_space<vmem>>[vector<16xi32>], vector<16xf32>,
      %mul3A_2257 = arith.constant 16 : i32
      %mul3A_2258 = vector.broadcast %mul3A_2257 : i32 to vector<16xi32>
      %mul3A_2259 = arith.muli %add3A_2228, %mul3A_2258 : vector<16xi32>
      %add3A_2260 = arith.constant 2 : i32
      %add3A_2261 = vector.broadcast %add3A_2260 : i32 to vector<16xi32>
      %add3A_2262 = arith.addi %mul3A_2259, %add3A_2261 : vector<16xi32>
      %gather3A_2263 = tpu.vector_load_idx %arg6[%add3A_2262] : memref<12288xf32, #tpu.memory_space<vmem>>[vector<16xi32>], vector<16xf32>,
      %mul3A_2264 = arith.constant 4 : i32
      %mul3A_2265 = vector.broadcast %mul3A_2264 : i32 to vector<16xi32>
      %mul3A_2266 = arith.muli %get3A_2230, %mul3A_2265 : vector<16xi32>
      %add3A_2267 = arith.constant 2 : i32
      %add3A_2268 = vector.broadcast %add3A_2267 : i32 to vector<16xi32>
      %add3A_2269 = arith.addi %mul3A_2266, %add3A_2268 : vector<16xi32>
      tpu.vector_store_idx %arg7[%add3A_2269], %gather3A_2263 {add = true} : memref<40960xf32, #tpu.memory_space<vmem>>[vector<16xi32>], vector<16xf32>,
      %mul3A_2270 = arith.constant 16 : i32
      %mul3A_2271 = vector.broadcast %mul3A_2270 : i32 to vector<16xi32>
      %mul3A_2272 = arith.muli %add3A_2228, %mul3A_2271 : vector<16xi32>
      %add3A_2273 = arith.constant 3 : i32
      %add3A_2274 = vector.broadcast %add3A_2273 : i32 to vector<16xi32>
      %add3A_2275 = arith.addi %mul3A_2272, %add3A_2274 : vector<16xi32>
      %gather3A_2276 = tpu.vector_load_idx %arg6[%add3A_2275] : memref<12288xf32, #tpu.memory_space<vmem>>[vector<16xi32>], vector<16xf32>,
      %mul3A_2277 = arith.constant 4 : i32
      %mul3A_2278 = vector.broadcast %mul3A_2277 : i32 to vector<16xi32>
      %mul3A_2279 = arith.muli %get3A_2230, %mul3A_2278 : vector<16xi32>
      %add3A_2280 = arith.constant 3 : i32
      %add3A_2281 = vector.broadcast %add3A_2280 : i32 to vector<16xi32>
      %add3A_2282 = arith.addi %mul3A_2279, %add3A_2281 : vector<16xi32>
      tpu.vector_store_idx %arg7[%add3A_2282], %gather3A_2276 {add = true} : memref<40960xf32, #tpu.memory_space<vmem>>[vector<16xi32>], vector<16xf32>,
      %iota3A_2283 = tpu.iota {dimensions = array<i32: 0>} : vector<16xi32>
      %add3A_2284 = arith.constant 608 : i32
      %add3A_2285 = vector.broadcast %add3A_2284 : i32 to vector<16xi32>
      %add3A_2286 = arith.addi %iota3A_2283, %add3A_2285 : vector<16xi32>
      %get3A_2287 = arith.constant 608 : index
      %get3A_2288 = tpu.vector_load %arg5[%get3A_2287] {strides = array<i32>} : memref<768xi32, #tpu.memory_space<vmem>>, vector<16xi32>,
      %mul3A_2289 = arith.constant 16 : i32
      %mul3A_2290 = vector.broadcast %mul3A_2289 : i32 to vector<16xi32>
      %mul3A_2291 = arith.muli %add3A_2286, %mul3A_2290 : vector<16xi32>
      %add3A_2292 = arith.constant 0 : i32
      %add3A_2293 = vector.broadcast %add3A_2292 : i32 to vector<16xi32>
      %add3A_2294 = arith.addi %mul3A_2291, %add3A_2293 : vector<16xi32>
      %gather3A_2295 = tpu.vector_load_idx %arg6[%add3A_2294] : memref<12288xf32, #tpu.memory_space<vmem>>[vector<16xi32>], vector<16xf32>,
      %mul3A_2296 = arith.constant 4 : i32
      %mul3A_2297 = vector.broadcast %mul3A_2296 : i32 to vector<16xi32>
      %mul3A_2298 = arith.muli %get3A_2288, %mul3A_2297 : vector<16xi32>
      %add3A_2299 = arith.constant 0 : i32
      %add3A_2300 = vector.broadcast %add3A_2299 : i32 to vector<16xi32>
      %add3A_2301 = arith.addi %mul3A_2298, %add3A_2300 : vector<16xi32>
      tpu.vector_store_idx %arg7[%add3A_2301], %gather3A_2295 {add = true} : memref<40960xf32, #tpu.memory_space<vmem>>[vector<16xi32>], vector<16xf32>,
      %mul3A_2302 = arith.constant 16 : i32
      %mul3A_2303 = vector.broadcast %mul3A_2302 : i32 to vector<16xi32>
      %mul3A_2304 = arith.muli %add3A_2286, %mul3A_2303 : vector<16xi32>
      %add3A_2305 = arith.constant 1 : i32
      %add3A_2306 = vector.broadcast %add3A_2305 : i32 to vector<16xi32>
      %add3A_2307 = arith.addi %mul3A_2304, %add3A_2306 : vector<16xi32>
      %gather3A_2308 = tpu.vector_load_idx %arg6[%add3A_2307] : memref<12288xf32, #tpu.memory_space<vmem>>[vector<16xi32>], vector<16xf32>,
      %mul3A_2309 = arith.constant 4 : i32
      %mul3A_2310 = vector.broadcast %mul3A_2309 : i32 to vector<16xi32>
      %mul3A_2311 = arith.muli %get3A_2288, %mul3A_2310 : vector<16xi32>
      %add3A_2312 = arith.constant 1 : i32
      %add3A_2313 = vector.broadcast %add3A_2312 : i32 to vector<16xi32>
      %add3A_2314 = arith.addi %mul3A_2311, %add3A_2313 : vector<16xi32>
      tpu.vector_store_idx %arg7[%add3A_2314], %gather3A_2308 {add = true} : memref<40960xf32, #tpu.memory_space<vmem>>[vector<16xi32>], vector<16xf32>,
      %mul3A_2315 = arith.constant 16 : i32
      %mul3A_2316 = vector.broadcast %mul3A_2315 : i32 to vector<16xi32>
      %mul3A_2317 = arith.muli %add3A_2286, %mul3A_2316 : vector<16xi32>
      %add3A_2318 = arith.constant 2 : i32
      %add3A_2319 = vector.broadcast %add3A_2318 : i32 to vector<16xi32>
      %add3A_2320 = arith.addi %mul3A_2317, %add3A_2319 : vector<16xi32>
      %gather3A_2321 = tpu.vector_load_idx %arg6[%add3A_2320] : memref<12288xf32, #tpu.memory_space<vmem>>[vector<16xi32>], vector<16xf32>,
      %mul3A_2322 = arith.constant 4 : i32
      %mul3A_2323 = vector.broadcast %mul3A_2322 : i32 to vector<16xi32>
      %mul3A_2324 = arith.muli %get3A_2288, %mul3A_2323 : vector<16xi32>
      %add3A_2325 = arith.constant 2 : i32
      %add3A_2326 = vector.broadcast %add3A_2325 : i32 to vector<16xi32>
      %add3A_2327 = arith.addi %mul3A_2324, %add3A_2326 : vector<16xi32>
      tpu.vector_store_idx %arg7[%add3A_2327], %gather3A_2321 {add = true} : memref<40960xf32, #tpu.memory_space<vmem>>[vector<16xi32>], vector<16xf32>,
      %mul3A_2328 = arith.constant 16 : i32
      %mul3A_2329 = vector.broadcast %mul3A_2328 : i32 to vector<16xi32>
      %mul3A_2330 = arith.muli %add3A_2286, %mul3A_2329 : vector<16xi32>
      %add3A_2331 = arith.constant 3 : i32
      %add3A_2332 = vector.broadcast %add3A_2331 : i32 to vector<16xi32>
      %add3A_2333 = arith.addi %mul3A_2330, %add3A_2332 : vector<16xi32>
      %gather3A_2334 = tpu.vector_load_idx %arg6[%add3A_2333] : memref<12288xf32, #tpu.memory_space<vmem>>[vector<16xi32>], vector<16xf32>,
      %mul3A_2335 = arith.constant 4 : i32
      %mul3A_2336 = vector.broadcast %mul3A_2335 : i32 to vector<16xi32>
      %mul3A_2337 = arith.muli %get3A_2288, %mul3A_2336 : vector<16xi32>
      %add3A_2338 = arith.constant 3 : i32
      %add3A_2339 = vector.broadcast %add3A_2338 : i32 to vector<16xi32>
      %add3A_2340 = arith.addi %mul3A_2337, %add3A_2339 : vector<16xi32>
      tpu.vector_store_idx %arg7[%add3A_2340], %gather3A_2334 {add = true} : memref<40960xf32, #tpu.memory_space<vmem>>[vector<16xi32>], vector<16xf32>,
      %iota3A_2341 = tpu.iota {dimensions = array<i32: 0>} : vector<16xi32>
      %add3A_2342 = arith.constant 624 : i32
      %add3A_2343 = vector.broadcast %add3A_2342 : i32 to vector<16xi32>
      %add3A_2344 = arith.addi %iota3A_2341, %add3A_2343 : vector<16xi32>
      %get3A_2345 = arith.constant 624 : index
      %get3A_2346 = tpu.vector_load %arg5[%get3A_2345] {strides = array<i32>} : memref<768xi32, #tpu.memory_space<vmem>>, vector<16xi32>,
      %mul3A_2347 = arith.constant 16 : i32
      %mul3A_2348 = vector.broadcast %mul3A_2347 : i32 to vector<16xi32>
      %mul3A_2349 = arith.muli %add3A_2344, %mul3A_2348 : vector<16xi32>
      %add3A_2350 = arith.constant 0 : i32
      %add3A_2351 = vector.broadcast %add3A_2350 : i32 to vector<16xi32>
      %add3A_2352 = arith.addi %mul3A_2349, %add3A_2351 : vector<16xi32>
      %gather3A_2353 = tpu.vector_load_idx %arg6[%add3A_2352] : memref<12288xf32, #tpu.memory_space<vmem>>[vector<16xi32>], vector<16xf32>,
      %mul3A_2354 = arith.constant 4 : i32
      %mul3A_2355 = vector.broadcast %mul3A_2354 : i32 to vector<16xi32>
      %mul3A_2356 = arith.muli %get3A_2346, %mul3A_2355 : vector<16xi32>
      %add3A_2357 = arith.constant 0 : i32
      %add3A_2358 = vector.broadcast %add3A_2357 : i32 to vector<16xi32>
      %add3A_2359 = arith.addi %mul3A_2356, %add3A_2358 : vector<16xi32>
      tpu.vector_store_idx %arg7[%add3A_2359], %gather3A_2353 {add = true} : memref<40960xf32, #tpu.memory_space<vmem>>[vector<16xi32>], vector<16xf32>,
      %mul3A_2360 = arith.constant 16 : i32
      %mul3A_2361 = vector.broadcast %mul3A_2360 : i32 to vector<16xi32>
      %mul3A_2362 = arith.muli %add3A_2344, %mul3A_2361 : vector<16xi32>
      %add3A_2363 = arith.constant 1 : i32
      %add3A_2364 = vector.broadcast %add3A_2363 : i32 to vector<16xi32>
      %add3A_2365 = arith.addi %mul3A_2362, %add3A_2364 : vector<16xi32>
      %gather3A_2366 = tpu.vector_load_idx %arg6[%add3A_2365] : memref<12288xf32, #tpu.memory_space<vmem>>[vector<16xi32>], vector<16xf32>,
      %mul3A_2367 = arith.constant 4 : i32
      %mul3A_2368 = vector.broadcast %mul3A_2367 : i32 to vector<16xi32>
      %mul3A_2369 = arith.muli %get3A_2346, %mul3A_2368 : vector<16xi32>
      %add3A_2370 = arith.constant 1 : i32
      %add3A_2371 = vector.broadcast %add3A_2370 : i32 to vector<16xi32>
      %add3A_2372 = arith.addi %mul3A_2369, %add3A_2371 : vector<16xi32>
      tpu.vector_store_idx %arg7[%add3A_2372], %gather3A_2366 {add = true} : memref<40960xf32, #tpu.memory_space<vmem>>[vector<16xi32>], vector<16xf32>,
      %mul3A_2373 = arith.constant 16 : i32
      %mul3A_2374 = vector.broadcast %mul3A_2373 : i32 to vector<16xi32>
      %mul3A_2375 = arith.muli %add3A_2344, %mul3A_2374 : vector<16xi32>
      %add3A_2376 = arith.constant 2 : i32
      %add3A_2377 = vector.broadcast %add3A_2376 : i32 to vector<16xi32>
      %add3A_2378 = arith.addi %mul3A_2375, %add3A_2377 : vector<16xi32>
      %gather3A_2379 = tpu.vector_load_idx %arg6[%add3A_2378] : memref<12288xf32, #tpu.memory_space<vmem>>[vector<16xi32>], vector<16xf32>,
      %mul3A_2380 = arith.constant 4 : i32
      %mul3A_2381 = vector.broadcast %mul3A_2380 : i32 to vector<16xi32>
      %mul3A_2382 = arith.muli %get3A_2346, %mul3A_2381 : vector<16xi32>
      %add3A_2383 = arith.constant 2 : i32
      %add3A_2384 = vector.broadcast %add3A_2383 : i32 to vector<16xi32>
      %add3A_2385 = arith.addi %mul3A_2382, %add3A_2384 : vector<16xi32>
      tpu.vector_store_idx %arg7[%add3A_2385], %gather3A_2379 {add = true} : memref<40960xf32, #tpu.memory_space<vmem>>[vector<16xi32>], vector<16xf32>,
      %mul3A_2386 = arith.constant 16 : i32
      %mul3A_2387 = vector.broadcast %mul3A_2386 : i32 to vector<16xi32>
      %mul3A_2388 = arith.muli %add3A_2344, %mul3A_2387 : vector<16xi32>
      %add3A_2389 = arith.constant 3 : i32
      %add3A_2390 = vector.broadcast %add3A_2389 : i32 to vector<16xi32>
      %add3A_2391 = arith.addi %mul3A_2388, %add3A_2390 : vector<16xi32>
      %gather3A_2392 = tpu.vector_load_idx %arg6[%add3A_2391] : memref<12288xf32, #tpu.memory_space<vmem>>[vector<16xi32>], vector<16xf32>,
      %mul3A_2393 = arith.constant 4 : i32
      %mul3A_2394 = vector.broadcast %mul3A_2393 : i32 to vector<16xi32>
      %mul3A_2395 = arith.muli %get3A_2346, %mul3A_2394 : vector<16xi32>
      %add3A_2396 = arith.constant 3 : i32
      %add3A_2397 = vector.broadcast %add3A_2396 : i32 to vector<16xi32>
      %add3A_2398 = arith.addi %mul3A_2395, %add3A_2397 : vector<16xi32>
      tpu.vector_store_idx %arg7[%add3A_2398], %gather3A_2392 {add = true} : memref<40960xf32, #tpu.memory_space<vmem>>[vector<16xi32>], vector<16xf32>,
      %iota3A_2399 = tpu.iota {dimensions = array<i32: 0>} : vector<16xi32>
      %add3A_2400 = arith.constant 640 : i32
      %add3A_2401 = vector.broadcast %add3A_2400 : i32 to vector<16xi32>
      %add3A_2402 = arith.addi %iota3A_2399, %add3A_2401 : vector<16xi32>
      %get3A_2403 = arith.constant 640 : index
      %get3A_2404 = tpu.vector_load %arg5[%get3A_2403] {strides = array<i32>} : memref<768xi32, #tpu.memory_space<vmem>>, vector<16xi32>,
      %mul3A_2405 = arith.constant 16 : i32
      %mul3A_2406 = vector.broadcast %mul3A_2405 : i32 to vector<16xi32>
      %mul3A_2407 = arith.muli %add3A_2402, %mul3A_2406 : vector<16xi32>
      %add3A_2408 = arith.constant 0 : i32
      %add3A_2409 = vector.broadcast %add3A_2408 : i32 to vector<16xi32>
      %add3A_2410 = arith.addi %mul3A_2407, %add3A_2409 : vector<16xi32>
      %gather3A_2411 = tpu.vector_load_idx %arg6[%add3A_2410] : memref<12288xf32, #tpu.memory_space<vmem>>[vector<16xi32>], vector<16xf32>,
      %mul3A_2412 = arith.constant 4 : i32
      %mul3A_2413 = vector.broadcast %mul3A_2412 : i32 to vector<16xi32>
      %mul3A_2414 = arith.muli %get3A_2404, %mul3A_2413 : vector<16xi32>
      %add3A_2415 = arith.constant 0 : i32
      %add3A_2416 = vector.broadcast %add3A_2415 : i32 to vector<16xi32>
      %add3A_2417 = arith.addi %mul3A_2414, %add3A_2416 : vector<16xi32>
      tpu.vector_store_idx %arg7[%add3A_2417], %gather3A_2411 {add = true} : memref<40960xf32, #tpu.memory_space<vmem>>[vector<16xi32>], vector<16xf32>,
      %mul3A_2418 = arith.constant 16 : i32
      %mul3A_2419 = vector.broadcast %mul3A_2418 : i32 to vector<16xi32>
      %mul3A_2420 = arith.muli %add3A_2402, %mul3A_2419 : vector<16xi32>
      %add3A_2421 = arith.constant 1 : i32
      %add3A_2422 = vector.broadcast %add3A_2421 : i32 to vector<16xi32>
      %add3A_2423 = arith.addi %mul3A_2420, %add3A_2422 : vector<16xi32>
      %gather3A_2424 = tpu.vector_load_idx %arg6[%add3A_2423] : memref<12288xf32, #tpu.memory_space<vmem>>[vector<16xi32>], vector<16xf32>,
      %mul3A_2425 = arith.constant 4 : i32
      %mul3A_2426 = vector.broadcast %mul3A_2425 : i32 to vector<16xi32>
      %mul3A_2427 = arith.muli %get3A_2404, %mul3A_2426 : vector<16xi32>
      %add3A_2428 = arith.constant 1 : i32
      %add3A_2429 = vector.broadcast %add3A_2428 : i32 to vector<16xi32>
      %add3A_2430 = arith.addi %mul3A_2427, %add3A_2429 : vector<16xi32>
      tpu.vector_store_idx %arg7[%add3A_2430], %gather3A_2424 {add = true} : memref<40960xf32, #tpu.memory_space<vmem>>[vector<16xi32>], vector<16xf32>,
      %mul3A_2431 = arith.constant 16 : i32
      %mul3A_2432 = vector.broadcast %mul3A_2431 : i32 to vector<16xi32>
      %mul3A_2433 = arith.muli %add3A_2402, %mul3A_2432 : vector<16xi32>
      %add3A_2434 = arith.constant 2 : i32
      %add3A_2435 = vector.broadcast %add3A_2434 : i32 to vector<16xi32>
      %add3A_2436 = arith.addi %mul3A_2433, %add3A_2435 : vector<16xi32>
      %gather3A_2437 = tpu.vector_load_idx %arg6[%add3A_2436] : memref<12288xf32, #tpu.memory_space<vmem>>[vector<16xi32>], vector<16xf32>,
      %mul3A_2438 = arith.constant 4 : i32
      %mul3A_2439 = vector.broadcast %mul3A_2438 : i32 to vector<16xi32>
      %mul3A_2440 = arith.muli %get3A_2404, %mul3A_2439 : vector<16xi32>
      %add3A_2441 = arith.constant 2 : i32
      %add3A_2442 = vector.broadcast %add3A_2441 : i32 to vector<16xi32>
      %add3A_2443 = arith.addi %mul3A_2440, %add3A_2442 : vector<16xi32>
      tpu.vector_store_idx %arg7[%add3A_2443], %gather3A_2437 {add = true} : memref<40960xf32, #tpu.memory_space<vmem>>[vector<16xi32>], vector<16xf32>,
      %mul3A_2444 = arith.constant 16 : i32
      %mul3A_2445 = vector.broadcast %mul3A_2444 : i32 to vector<16xi32>
      %mul3A_2446 = arith.muli %add3A_2402, %mul3A_2445 : vector<16xi32>
      %add3A_2447 = arith.constant 3 : i32
      %add3A_2448 = vector.broadcast %add3A_2447 : i32 to vector<16xi32>
      %add3A_2449 = arith.addi %mul3A_2446, %add3A_2448 : vector<16xi32>
      %gather3A_2450 = tpu.vector_load_idx %arg6[%add3A_2449] : memref<12288xf32, #tpu.memory_space<vmem>>[vector<16xi32>], vector<16xf32>,
      %mul3A_2451 = arith.constant 4 : i32
      %mul3A_2452 = vector.broadcast %mul3A_2451 : i32 to vector<16xi32>
      %mul3A_2453 = arith.muli %get3A_2404, %mul3A_2452 : vector<16xi32>
      %add3A_2454 = arith.constant 3 : i32
      %add3A_2455 = vector.broadcast %add3A_2454 : i32 to vector<16xi32>
      %add3A_2456 = arith.addi %mul3A_2453, %add3A_2455 : vector<16xi32>
      tpu.vector_store_idx %arg7[%add3A_2456], %gather3A_2450 {add = true} : memref<40960xf32, #tpu.memory_space<vmem>>[vector<16xi32>], vector<16xf32>,
      %iota3A_2457 = tpu.iota {dimensions = array<i32: 0>} : vector<16xi32>
      %add3A_2458 = arith.constant 656 : i32
      %add3A_2459 = vector.broadcast %add3A_2458 : i32 to vector<16xi32>
      %add3A_2460 = arith.addi %iota3A_2457, %add3A_2459 : vector<16xi32>
      %get3A_2461 = arith.constant 656 : index
      %get3A_2462 = tpu.vector_load %arg5[%get3A_2461] {strides = array<i32>} : memref<768xi32, #tpu.memory_space<vmem>>, vector<16xi32>,
      %mul3A_2463 = arith.constant 16 : i32
      %mul3A_2464 = vector.broadcast %mul3A_2463 : i32 to vector<16xi32>
      %mul3A_2465 = arith.muli %add3A_2460, %mul3A_2464 : vector<16xi32>
      %add3A_2466 = arith.constant 0 : i32
      %add3A_2467 = vector.broadcast %add3A_2466 : i32 to vector<16xi32>
      %add3A_2468 = arith.addi %mul3A_2465, %add3A_2467 : vector<16xi32>
      %gather3A_2469 = tpu.vector_load_idx %arg6[%add3A_2468] : memref<12288xf32, #tpu.memory_space<vmem>>[vector<16xi32>], vector<16xf32>,
      %mul3A_2470 = arith.constant 4 : i32
      %mul3A_2471 = vector.broadcast %mul3A_2470 : i32 to vector<16xi32>
      %mul3A_2472 = arith.muli %get3A_2462, %mul3A_2471 : vector<16xi32>
      %add3A_2473 = arith.constant 0 : i32
      %add3A_2474 = vector.broadcast %add3A_2473 : i32 to vector<16xi32>
      %add3A_2475 = arith.addi %mul3A_2472, %add3A_2474 : vector<16xi32>
      tpu.vector_store_idx %arg7[%add3A_2475], %gather3A_2469 {add = true} : memref<40960xf32, #tpu.memory_space<vmem>>[vector<16xi32>], vector<16xf32>,
      %mul3A_2476 = arith.constant 16 : i32
      %mul3A_2477 = vector.broadcast %mul3A_2476 : i32 to vector<16xi32>
      %mul3A_2478 = arith.muli %add3A_2460, %mul3A_2477 : vector<16xi32>
      %add3A_2479 = arith.constant 1 : i32
      %add3A_2480 = vector.broadcast %add3A_2479 : i32 to vector<16xi32>
      %add3A_2481 = arith.addi %mul3A_2478, %add3A_2480 : vector<16xi32>
      %gather3A_2482 = tpu.vector_load_idx %arg6[%add3A_2481] : memref<12288xf32, #tpu.memory_space<vmem>>[vector<16xi32>], vector<16xf32>,
      %mul3A_2483 = arith.constant 4 : i32
      %mul3A_2484 = vector.broadcast %mul3A_2483 : i32 to vector<16xi32>
      %mul3A_2485 = arith.muli %get3A_2462, %mul3A_2484 : vector<16xi32>
      %add3A_2486 = arith.constant 1 : i32
      %add3A_2487 = vector.broadcast %add3A_2486 : i32 to vector<16xi32>
      %add3A_2488 = arith.addi %mul3A_2485, %add3A_2487 : vector<16xi32>
      tpu.vector_store_idx %arg7[%add3A_2488], %gather3A_2482 {add = true} : memref<40960xf32, #tpu.memory_space<vmem>>[vector<16xi32>], vector<16xf32>,
      %mul3A_2489 = arith.constant 16 : i32
      %mul3A_2490 = vector.broadcast %mul3A_2489 : i32 to vector<16xi32>
      %mul3A_2491 = arith.muli %add3A_2460, %mul3A_2490 : vector<16xi32>
      %add3A_2492 = arith.constant 2 : i32
      %add3A_2493 = vector.broadcast %add3A_2492 : i32 to vector<16xi32>
      %add3A_2494 = arith.addi %mul3A_2491, %add3A_2493 : vector<16xi32>
      %gather3A_2495 = tpu.vector_load_idx %arg6[%add3A_2494] : memref<12288xf32, #tpu.memory_space<vmem>>[vector<16xi32>], vector<16xf32>,
      %mul3A_2496 = arith.constant 4 : i32
      %mul3A_2497 = vector.broadcast %mul3A_2496 : i32 to vector<16xi32>
      %mul3A_2498 = arith.muli %get3A_2462, %mul3A_2497 : vector<16xi32>
      %add3A_2499 = arith.constant 2 : i32
      %add3A_2500 = vector.broadcast %add3A_2499 : i32 to vector<16xi32>
      %add3A_2501 = arith.addi %mul3A_2498, %add3A_2500 : vector<16xi32>
      tpu.vector_store_idx %arg7[%add3A_2501], %gather3A_2495 {add = true} : memref<40960xf32, #tpu.memory_space<vmem>>[vector<16xi32>], vector<16xf32>,
      %mul3A_2502 = arith.constant 16 : i32
      %mul3A_2503 = vector.broadcast %mul3A_2502 : i32 to vector<16xi32>
      %mul3A_2504 = arith.muli %add3A_2460, %mul3A_2503 : vector<16xi32>
      %add3A_2505 = arith.constant 3 : i32
      %add3A_2506 = vector.broadcast %add3A_2505 : i32 to vector<16xi32>
      %add3A_2507 = arith.addi %mul3A_2504, %add3A_2506 : vector<16xi32>
      %gather3A_2508 = tpu.vector_load_idx %arg6[%add3A_2507] : memref<12288xf32, #tpu.memory_space<vmem>>[vector<16xi32>], vector<16xf32>,
      %mul3A_2509 = arith.constant 4 : i32
      %mul3A_2510 = vector.broadcast %mul3A_2509 : i32 to vector<16xi32>
      %mul3A_2511 = arith.muli %get3A_2462, %mul3A_2510 : vector<16xi32>
      %add3A_2512 = arith.constant 3 : i32
      %add3A_2513 = vector.broadcast %add3A_2512 : i32 to vector<16xi32>
      %add3A_2514 = arith.addi %mul3A_2511, %add3A_2513 : vector<16xi32>
      tpu.vector_store_idx %arg7[%add3A_2514], %gather3A_2508 {add = true} : memref<40960xf32, #tpu.memory_space<vmem>>[vector<16xi32>], vector<16xf32>,
      %iota3A_2515 = tpu.iota {dimensions = array<i32: 0>} : vector<16xi32>
      %add3A_2516 = arith.constant 672 : i32
      %add3A_2517 = vector.broadcast %add3A_2516 : i32 to vector<16xi32>
      %add3A_2518 = arith.addi %iota3A_2515, %add3A_2517 : vector<16xi32>
      %get3A_2519 = arith.constant 672 : index
      %get3A_2520 = tpu.vector_load %arg5[%get3A_2519] {strides = array<i32>} : memref<768xi32, #tpu.memory_space<vmem>>, vector<16xi32>,
      %mul3A_2521 = arith.constant 16 : i32
      %mul3A_2522 = vector.broadcast %mul3A_2521 : i32 to vector<16xi32>
      %mul3A_2523 = arith.muli %add3A_2518, %mul3A_2522 : vector<16xi32>
      %add3A_2524 = arith.constant 0 : i32
      %add3A_2525 = vector.broadcast %add3A_2524 : i32 to vector<16xi32>
      %add3A_2526 = arith.addi %mul3A_2523, %add3A_2525 : vector<16xi32>
      %gather3A_2527 = tpu.vector_load_idx %arg6[%add3A_2526] : memref<12288xf32, #tpu.memory_space<vmem>>[vector<16xi32>], vector<16xf32>,
      %mul3A_2528 = arith.constant 4 : i32
      %mul3A_2529 = vector.broadcast %mul3A_2528 : i32 to vector<16xi32>
      %mul3A_2530 = arith.muli %get3A_2520, %mul3A_2529 : vector<16xi32>
      %add3A_2531 = arith.constant 0 : i32
      %add3A_2532 = vector.broadcast %add3A_2531 : i32 to vector<16xi32>
      %add3A_2533 = arith.addi %mul3A_2530, %add3A_2532 : vector<16xi32>
      tpu.vector_store_idx %arg7[%add3A_2533], %gather3A_2527 {add = true} : memref<40960xf32, #tpu.memory_space<vmem>>[vector<16xi32>], vector<16xf32>,
      %mul3A_2534 = arith.constant 16 : i32
      %mul3A_2535 = vector.broadcast %mul3A_2534 : i32 to vector<16xi32>
      %mul3A_2536 = arith.muli %add3A_2518, %mul3A_2535 : vector<16xi32>
      %add3A_2537 = arith.constant 1 : i32
      %add3A_2538 = vector.broadcast %add3A_2537 : i32 to vector<16xi32>
      %add3A_2539 = arith.addi %mul3A_2536, %add3A_2538 : vector<16xi32>
      %gather3A_2540 = tpu.vector_load_idx %arg6[%add3A_2539] : memref<12288xf32, #tpu.memory_space<vmem>>[vector<16xi32>], vector<16xf32>,
      %mul3A_2541 = arith.constant 4 : i32
      %mul3A_2542 = vector.broadcast %mul3A_2541 : i32 to vector<16xi32>
      %mul3A_2543 = arith.muli %get3A_2520, %mul3A_2542 : vector<16xi32>
      %add3A_2544 = arith.constant 1 : i32
      %add3A_2545 = vector.broadcast %add3A_2544 : i32 to vector<16xi32>
      %add3A_2546 = arith.addi %mul3A_2543, %add3A_2545 : vector<16xi32>
      tpu.vector_store_idx %arg7[%add3A_2546], %gather3A_2540 {add = true} : memref<40960xf32, #tpu.memory_space<vmem>>[vector<16xi32>], vector<16xf32>,
      %mul3A_2547 = arith.constant 16 : i32
      %mul3A_2548 = vector.broadcast %mul3A_2547 : i32 to vector<16xi32>
      %mul3A_2549 = arith.muli %add3A_2518, %mul3A_2548 : vector<16xi32>
      %add3A_2550 = arith.constant 2 : i32
      %add3A_2551 = vector.broadcast %add3A_2550 : i32 to vector<16xi32>
      %add3A_2552 = arith.addi %mul3A_2549, %add3A_2551 : vector<16xi32>
      %gather3A_2553 = tpu.vector_load_idx %arg6[%add3A_2552] : memref<12288xf32, #tpu.memory_space<vmem>>[vector<16xi32>], vector<16xf32>,
      %mul3A_2554 = arith.constant 4 : i32
      %mul3A_2555 = vector.broadcast %mul3A_2554 : i32 to vector<16xi32>
      %mul3A_2556 = arith.muli %get3A_2520, %mul3A_2555 : vector<16xi32>
      %add3A_2557 = arith.constant 2 : i32
      %add3A_2558 = vector.broadcast %add3A_2557 : i32 to vector<16xi32>
      %add3A_2559 = arith.addi %mul3A_2556, %add3A_2558 : vector<16xi32>
      tpu.vector_store_idx %arg7[%add3A_2559], %gather3A_2553 {add = true} : memref<40960xf32, #tpu.memory_space<vmem>>[vector<16xi32>], vector<16xf32>,
      %mul3A_2560 = arith.constant 16 : i32
      %mul3A_2561 = vector.broadcast %mul3A_2560 : i32 to vector<16xi32>
      %mul3A_2562 = arith.muli %add3A_2518, %mul3A_2561 : vector<16xi32>
      %add3A_2563 = arith.constant 3 : i32
      %add3A_2564 = vector.broadcast %add3A_2563 : i32 to vector<16xi32>
      %add3A_2565 = arith.addi %mul3A_2562, %add3A_2564 : vector<16xi32>
      %gather3A_2566 = tpu.vector_load_idx %arg6[%add3A_2565] : memref<12288xf32, #tpu.memory_space<vmem>>[vector<16xi32>], vector<16xf32>,
      %mul3A_2567 = arith.constant 4 : i32
      %mul3A_2568 = vector.broadcast %mul3A_2567 : i32 to vector<16xi32>
      %mul3A_2569 = arith.muli %get3A_2520, %mul3A_2568 : vector<16xi32>
      %add3A_2570 = arith.constant 3 : i32
      %add3A_2571 = vector.broadcast %add3A_2570 : i32 to vector<16xi32>
      %add3A_2572 = arith.addi %mul3A_2569, %add3A_2571 : vector<16xi32>
      tpu.vector_store_idx %arg7[%add3A_2572], %gather3A_2566 {add = true} : memref<40960xf32, #tpu.memory_space<vmem>>[vector<16xi32>], vector<16xf32>,
      %iota3A_2573 = tpu.iota {dimensions = array<i32: 0>} : vector<16xi32>
      %add3A_2574 = arith.constant 688 : i32
      %add3A_2575 = vector.broadcast %add3A_2574 : i32 to vector<16xi32>
      %add3A_2576 = arith.addi %iota3A_2573, %add3A_2575 : vector<16xi32>
      %get3A_2577 = arith.constant 688 : index
      %get3A_2578 = tpu.vector_load %arg5[%get3A_2577] {strides = array<i32>} : memref<768xi32, #tpu.memory_space<vmem>>, vector<16xi32>,
      %mul3A_2579 = arith.constant 16 : i32
      %mul3A_2580 = vector.broadcast %mul3A_2579 : i32 to vector<16xi32>
      %mul3A_2581 = arith.muli %add3A_2576, %mul3A_2580 : vector<16xi32>
      %add3A_2582 = arith.constant 0 : i32
      %add3A_2583 = vector.broadcast %add3A_2582 : i32 to vector<16xi32>
      %add3A_2584 = arith.addi %mul3A_2581, %add3A_2583 : vector<16xi32>
      %gather3A_2585 = tpu.vector_load_idx %arg6[%add3A_2584] : memref<12288xf32, #tpu.memory_space<vmem>>[vector<16xi32>], vector<16xf32>,
      %mul3A_2586 = arith.constant 4 : i32
      %mul3A_2587 = vector.broadcast %mul3A_2586 : i32 to vector<16xi32>
      %mul3A_2588 = arith.muli %get3A_2578, %mul3A_2587 : vector<16xi32>
      %add3A_2589 = arith.constant 0 : i32
      %add3A_2590 = vector.broadcast %add3A_2589 : i32 to vector<16xi32>
      %add3A_2591 = arith.addi %mul3A_2588, %add3A_2590 : vector<16xi32>
      tpu.vector_store_idx %arg7[%add3A_2591], %gather3A_2585 {add = true} : memref<40960xf32, #tpu.memory_space<vmem>>[vector<16xi32>], vector<16xf32>,
      %mul3A_2592 = arith.constant 16 : i32
      %mul3A_2593 = vector.broadcast %mul3A_2592 : i32 to vector<16xi32>
      %mul3A_2594 = arith.muli %add3A_2576, %mul3A_2593 : vector<16xi32>
      %add3A_2595 = arith.constant 1 : i32
      %add3A_2596 = vector.broadcast %add3A_2595 : i32 to vector<16xi32>
      %add3A_2597 = arith.addi %mul3A_2594, %add3A_2596 : vector<16xi32>
      %gather3A_2598 = tpu.vector_load_idx %arg6[%add3A_2597] : memref<12288xf32, #tpu.memory_space<vmem>>[vector<16xi32>], vector<16xf32>,
      %mul3A_2599 = arith.constant 4 : i32
      %mul3A_2600 = vector.broadcast %mul3A_2599 : i32 to vector<16xi32>
      %mul3A_2601 = arith.muli %get3A_2578, %mul3A_2600 : vector<16xi32>
      %add3A_2602 = arith.constant 1 : i32
      %add3A_2603 = vector.broadcast %add3A_2602 : i32 to vector<16xi32>
      %add3A_2604 = arith.addi %mul3A_2601, %add3A_2603 : vector<16xi32>
      tpu.vector_store_idx %arg7[%add3A_2604], %gather3A_2598 {add = true} : memref<40960xf32, #tpu.memory_space<vmem>>[vector<16xi32>], vector<16xf32>,
      %mul3A_2605 = arith.constant 16 : i32
      %mul3A_2606 = vector.broadcast %mul3A_2605 : i32 to vector<16xi32>
      %mul3A_2607 = arith.muli %add3A_2576, %mul3A_2606 : vector<16xi32>
      %add3A_2608 = arith.constant 2 : i32
      %add3A_2609 = vector.broadcast %add3A_2608 : i32 to vector<16xi32>
      %add3A_2610 = arith.addi %mul3A_2607, %add3A_2609 : vector<16xi32>
      %gather3A_2611 = tpu.vector_load_idx %arg6[%add3A_2610] : memref<12288xf32, #tpu.memory_space<vmem>>[vector<16xi32>], vector<16xf32>,
      %mul3A_2612 = arith.constant 4 : i32
      %mul3A_2613 = vector.broadcast %mul3A_2612 : i32 to vector<16xi32>
      %mul3A_2614 = arith.muli %get3A_2578, %mul3A_2613 : vector<16xi32>
      %add3A_2615 = arith.constant 2 : i32
      %add3A_2616 = vector.broadcast %add3A_2615 : i32 to vector<16xi32>
      %add3A_2617 = arith.addi %mul3A_2614, %add3A_2616 : vector<16xi32>
      tpu.vector_store_idx %arg7[%add3A_2617], %gather3A_2611 {add = true} : memref<40960xf32, #tpu.memory_space<vmem>>[vector<16xi32>], vector<16xf32>,
      %mul3A_2618 = arith.constant 16 : i32
      %mul3A_2619 = vector.broadcast %mul3A_2618 : i32 to vector<16xi32>
      %mul3A_2620 = arith.muli %add3A_2576, %mul3A_2619 : vector<16xi32>
      %add3A_2621 = arith.constant 3 : i32
      %add3A_2622 = vector.broadcast %add3A_2621 : i32 to vector<16xi32>
      %add3A_2623 = arith.addi %mul3A_2620, %add3A_2622 : vector<16xi32>
      %gather3A_2624 = tpu.vector_load_idx %arg6[%add3A_2623] : memref<12288xf32, #tpu.memory_space<vmem>>[vector<16xi32>], vector<16xf32>,
      %mul3A_2625 = arith.constant 4 : i32
      %mul3A_2626 = vector.broadcast %mul3A_2625 : i32 to vector<16xi32>
      %mul3A_2627 = arith.muli %get3A_2578, %mul3A_2626 : vector<16xi32>
      %add3A_2628 = arith.constant 3 : i32
      %add3A_2629 = vector.broadcast %add3A_2628 : i32 to vector<16xi32>
      %add3A_2630 = arith.addi %mul3A_2627, %add3A_2629 : vector<16xi32>
      tpu.vector_store_idx %arg7[%add3A_2630], %gather3A_2624 {add = true} : memref<40960xf32, #tpu.memory_space<vmem>>[vector<16xi32>], vector<16xf32>,
      %iota3A_2631 = tpu.iota {dimensions = array<i32: 0>} : vector<16xi32>
      %add3A_2632 = arith.constant 704 : i32
      %add3A_2633 = vector.broadcast %add3A_2632 : i32 to vector<16xi32>
      %add3A_2634 = arith.addi %iota3A_2631, %add3A_2633 : vector<16xi32>
      %get3A_2635 = arith.constant 704 : index
      %get3A_2636 = tpu.vector_load %arg5[%get3A_2635] {strides = array<i32>} : memref<768xi32, #tpu.memory_space<vmem>>, vector<16xi32>,
      %mul3A_2637 = arith.constant 16 : i32
      %mul3A_2638 = vector.broadcast %mul3A_2637 : i32 to vector<16xi32>
      %mul3A_2639 = arith.muli %add3A_2634, %mul3A_2638 : vector<16xi32>
      %add3A_2640 = arith.constant 0 : i32
      %add3A_2641 = vector.broadcast %add3A_2640 : i32 to vector<16xi32>
      %add3A_2642 = arith.addi %mul3A_2639, %add3A_2641 : vector<16xi32>
      %gather3A_2643 = tpu.vector_load_idx %arg6[%add3A_2642] : memref<12288xf32, #tpu.memory_space<vmem>>[vector<16xi32>], vector<16xf32>,
      %mul3A_2644 = arith.constant 4 : i32
      %mul3A_2645 = vector.broadcast %mul3A_2644 : i32 to vector<16xi32>
      %mul3A_2646 = arith.muli %get3A_2636, %mul3A_2645 : vector<16xi32>
      %add3A_2647 = arith.constant 0 : i32
      %add3A_2648 = vector.broadcast %add3A_2647 : i32 to vector<16xi32>
      %add3A_2649 = arith.addi %mul3A_2646, %add3A_2648 : vector<16xi32>
      tpu.vector_store_idx %arg7[%add3A_2649], %gather3A_2643 {add = true} : memref<40960xf32, #tpu.memory_space<vmem>>[vector<16xi32>], vector<16xf32>,
      %mul3A_2650 = arith.constant 16 : i32
      %mul3A_2651 = vector.broadcast %mul3A_2650 : i32 to vector<16xi32>
      %mul3A_2652 = arith.muli %add3A_2634, %mul3A_2651 : vector<16xi32>
      %add3A_2653 = arith.constant 1 : i32
      %add3A_2654 = vector.broadcast %add3A_2653 : i32 to vector<16xi32>
      %add3A_2655 = arith.addi %mul3A_2652, %add3A_2654 : vector<16xi32>
      %gather3A_2656 = tpu.vector_load_idx %arg6[%add3A_2655] : memref<12288xf32, #tpu.memory_space<vmem>>[vector<16xi32>], vector<16xf32>,
      %mul3A_2657 = arith.constant 4 : i32
      %mul3A_2658 = vector.broadcast %mul3A_2657 : i32 to vector<16xi32>
      %mul3A_2659 = arith.muli %get3A_2636, %mul3A_2658 : vector<16xi32>
      %add3A_2660 = arith.constant 1 : i32
      %add3A_2661 = vector.broadcast %add3A_2660 : i32 to vector<16xi32>
      %add3A_2662 = arith.addi %mul3A_2659, %add3A_2661 : vector<16xi32>
      tpu.vector_store_idx %arg7[%add3A_2662], %gather3A_2656 {add = true} : memref<40960xf32, #tpu.memory_space<vmem>>[vector<16xi32>], vector<16xf32>,
      %mul3A_2663 = arith.constant 16 : i32
      %mul3A_2664 = vector.broadcast %mul3A_2663 : i32 to vector<16xi32>
      %mul3A_2665 = arith.muli %add3A_2634, %mul3A_2664 : vector<16xi32>
      %add3A_2666 = arith.constant 2 : i32
      %add3A_2667 = vector.broadcast %add3A_2666 : i32 to vector<16xi32>
      %add3A_2668 = arith.addi %mul3A_2665, %add3A_2667 : vector<16xi32>
      %gather3A_2669 = tpu.vector_load_idx %arg6[%add3A_2668] : memref<12288xf32, #tpu.memory_space<vmem>>[vector<16xi32>], vector<16xf32>,
      %mul3A_2670 = arith.constant 4 : i32
      %mul3A_2671 = vector.broadcast %mul3A_2670 : i32 to vector<16xi32>
      %mul3A_2672 = arith.muli %get3A_2636, %mul3A_2671 : vector<16xi32>
      %add3A_2673 = arith.constant 2 : i32
      %add3A_2674 = vector.broadcast %add3A_2673 : i32 to vector<16xi32>
      %add3A_2675 = arith.addi %mul3A_2672, %add3A_2674 : vector<16xi32>
      tpu.vector_store_idx %arg7[%add3A_2675], %gather3A_2669 {add = true} : memref<40960xf32, #tpu.memory_space<vmem>>[vector<16xi32>], vector<16xf32>,
      %mul3A_2676 = arith.constant 16 : i32
      %mul3A_2677 = vector.broadcast %mul3A_2676 : i32 to vector<16xi32>
      %mul3A_2678 = arith.muli %add3A_2634, %mul3A_2677 : vector<16xi32>
      %add3A_2679 = arith.constant 3 : i32
      %add3A_2680 = vector.broadcast %add3A_2679 : i32 to vector<16xi32>
      %add3A_2681 = arith.addi %mul3A_2678, %add3A_2680 : vector<16xi32>
      %gather3A_2682 = tpu.vector_load_idx %arg6[%add3A_2681] : memref<12288xf32, #tpu.memory_space<vmem>>[vector<16xi32>], vector<16xf32>,
      %mul3A_2683 = arith.constant 4 : i32
      %mul3A_2684 = vector.broadcast %mul3A_2683 : i32 to vector<16xi32>
      %mul3A_2685 = arith.muli %get3A_2636, %mul3A_2684 : vector<16xi32>
      %add3A_2686 = arith.constant 3 : i32
      %add3A_2687 = vector.broadcast %add3A_2686 : i32 to vector<16xi32>
      %add3A_2688 = arith.addi %mul3A_2685, %add3A_2687 : vector<16xi32>
      tpu.vector_store_idx %arg7[%add3A_2688], %gather3A_2682 {add = true} : memref<40960xf32, #tpu.memory_space<vmem>>[vector<16xi32>], vector<16xf32>,
      %iota3A_2689 = tpu.iota {dimensions = array<i32: 0>} : vector<16xi32>
      %add3A_2690 = arith.constant 720 : i32
      %add3A_2691 = vector.broadcast %add3A_2690 : i32 to vector<16xi32>
      %add3A_2692 = arith.addi %iota3A_2689, %add3A_2691 : vector<16xi32>
      %get3A_2693 = arith.constant 720 : index
      %get3A_2694 = tpu.vector_load %arg5[%get3A_2693] {strides = array<i32>} : memref<768xi32, #tpu.memory_space<vmem>>, vector<16xi32>,
      %mul3A_2695 = arith.constant 16 : i32
      %mul3A_2696 = vector.broadcast %mul3A_2695 : i32 to vector<16xi32>
      %mul3A_2697 = arith.muli %add3A_2692, %mul3A_2696 : vector<16xi32>
      %add3A_2698 = arith.constant 0 : i32
      %add3A_2699 = vector.broadcast %add3A_2698 : i32 to vector<16xi32>
      %add3A_2700 = arith.addi %mul3A_2697, %add3A_2699 : vector<16xi32>
      %gather3A_2701 = tpu.vector_load_idx %arg6[%add3A_2700] : memref<12288xf32, #tpu.memory_space<vmem>>[vector<16xi32>], vector<16xf32>,
      %mul3A_2702 = arith.constant 4 : i32
      %mul3A_2703 = vector.broadcast %mul3A_2702 : i32 to vector<16xi32>
      %mul3A_2704 = arith.muli %get3A_2694, %mul3A_2703 : vector<16xi32>
      %add3A_2705 = arith.constant 0 : i32
      %add3A_2706 = vector.broadcast %add3A_2705 : i32 to vector<16xi32>
      %add3A_2707 = arith.addi %mul3A_2704, %add3A_2706 : vector<16xi32>
      tpu.vector_store_idx %arg7[%add3A_2707], %gather3A_2701 {add = true} : memref<40960xf32, #tpu.memory_space<vmem>>[vector<16xi32>], vector<16xf32>,
      %mul3A_2708 = arith.constant 16 : i32
      %mul3A_2709 = vector.broadcast %mul3A_2708 : i32 to vector<16xi32>
      %mul3A_2710 = arith.muli %add3A_2692, %mul3A_2709 : vector<16xi32>
      %add3A_2711 = arith.constant 1 : i32
      %add3A_2712 = vector.broadcast %add3A_2711 : i32 to vector<16xi32>
      %add3A_2713 = arith.addi %mul3A_2710, %add3A_2712 : vector<16xi32>
      %gather3A_2714 = tpu.vector_load_idx %arg6[%add3A_2713] : memref<12288xf32, #tpu.memory_space<vmem>>[vector<16xi32>], vector<16xf32>,
      %mul3A_2715 = arith.constant 4 : i32
      %mul3A_2716 = vector.broadcast %mul3A_2715 : i32 to vector<16xi32>
      %mul3A_2717 = arith.muli %get3A_2694, %mul3A_2716 : vector<16xi32>
      %add3A_2718 = arith.constant 1 : i32
      %add3A_2719 = vector.broadcast %add3A_2718 : i32 to vector<16xi32>
      %add3A_2720 = arith.addi %mul3A_2717, %add3A_2719 : vector<16xi32>
      tpu.vector_store_idx %arg7[%add3A_2720], %gather3A_2714 {add = true} : memref<40960xf32, #tpu.memory_space<vmem>>[vector<16xi32>], vector<16xf32>,
      %mul3A_2721 = arith.constant 16 : i32
      %mul3A_2722 = vector.broadcast %mul3A_2721 : i32 to vector<16xi32>
      %mul3A_2723 = arith.muli %add3A_2692, %mul3A_2722 : vector<16xi32>
      %add3A_2724 = arith.constant 2 : i32
      %add3A_2725 = vector.broadcast %add3A_2724 : i32 to vector<16xi32>
      %add3A_2726 = arith.addi %mul3A_2723, %add3A_2725 : vector<16xi32>
      %gather3A_2727 = tpu.vector_load_idx %arg6[%add3A_2726] : memref<12288xf32, #tpu.memory_space<vmem>>[vector<16xi32>], vector<16xf32>,
      %mul3A_2728 = arith.constant 4 : i32
      %mul3A_2729 = vector.broadcast %mul3A_2728 : i32 to vector<16xi32>
      %mul3A_2730 = arith.muli %get3A_2694, %mul3A_2729 : vector<16xi32>
      %add3A_2731 = arith.constant 2 : i32
      %add3A_2732 = vector.broadcast %add3A_2731 : i32 to vector<16xi32>
      %add3A_2733 = arith.addi %mul3A_2730, %add3A_2732 : vector<16xi32>
      tpu.vector_store_idx %arg7[%add3A_2733], %gather3A_2727 {add = true} : memref<40960xf32, #tpu.memory_space<vmem>>[vector<16xi32>], vector<16xf32>,
      %mul3A_2734 = arith.constant 16 : i32
      %mul3A_2735 = vector.broadcast %mul3A_2734 : i32 to vector<16xi32>
      %mul3A_2736 = arith.muli %add3A_2692, %mul3A_2735 : vector<16xi32>
      %add3A_2737 = arith.constant 3 : i32
      %add3A_2738 = vector.broadcast %add3A_2737 : i32 to vector<16xi32>
      %add3A_2739 = arith.addi %mul3A_2736, %add3A_2738 : vector<16xi32>
      %gather3A_2740 = tpu.vector_load_idx %arg6[%add3A_2739] : memref<12288xf32, #tpu.memory_space<vmem>>[vector<16xi32>], vector<16xf32>,
      %mul3A_2741 = arith.constant 4 : i32
      %mul3A_2742 = vector.broadcast %mul3A_2741 : i32 to vector<16xi32>
      %mul3A_2743 = arith.muli %get3A_2694, %mul3A_2742 : vector<16xi32>
      %add3A_2744 = arith.constant 3 : i32
      %add3A_2745 = vector.broadcast %add3A_2744 : i32 to vector<16xi32>
      %add3A_2746 = arith.addi %mul3A_2743, %add3A_2745 : vector<16xi32>
      tpu.vector_store_idx %arg7[%add3A_2746], %gather3A_2740 {add = true} : memref<40960xf32, #tpu.memory_space<vmem>>[vector<16xi32>], vector<16xf32>,
      %iota3A_2747 = tpu.iota {dimensions = array<i32: 0>} : vector<16xi32>
      %add3A_2748 = arith.constant 736 : i32
      %add3A_2749 = vector.broadcast %add3A_2748 : i32 to vector<16xi32>
      %add3A_2750 = arith.addi %iota3A_2747, %add3A_2749 : vector<16xi32>
      %get3A_2751 = arith.constant 736 : index
      %get3A_2752 = tpu.vector_load %arg5[%get3A_2751] {strides = array<i32>} : memref<768xi32, #tpu.memory_space<vmem>>, vector<16xi32>,
      %mul3A_2753 = arith.constant 16 : i32
      %mul3A_2754 = vector.broadcast %mul3A_2753 : i32 to vector<16xi32>
      %mul3A_2755 = arith.muli %add3A_2750, %mul3A_2754 : vector<16xi32>
      %add3A_2756 = arith.constant 0 : i32
      %add3A_2757 = vector.broadcast %add3A_2756 : i32 to vector<16xi32>
      %add3A_2758 = arith.addi %mul3A_2755, %add3A_2757 : vector<16xi32>
      %gather3A_2759 = tpu.vector_load_idx %arg6[%add3A_2758] : memref<12288xf32, #tpu.memory_space<vmem>>[vector<16xi32>], vector<16xf32>,
      %mul3A_2760 = arith.constant 4 : i32
      %mul3A_2761 = vector.broadcast %mul3A_2760 : i32 to vector<16xi32>
      %mul3A_2762 = arith.muli %get3A_2752, %mul3A_2761 : vector<16xi32>
      %add3A_2763 = arith.constant 0 : i32
      %add3A_2764 = vector.broadcast %add3A_2763 : i32 to vector<16xi32>
      %add3A_2765 = arith.addi %mul3A_2762, %add3A_2764 : vector<16xi32>
      tpu.vector_store_idx %arg7[%add3A_2765], %gather3A_2759 {add = true} : memref<40960xf32, #tpu.memory_space<vmem>>[vector<16xi32>], vector<16xf32>,
      %mul3A_2766 = arith.constant 16 : i32
      %mul3A_2767 = vector.broadcast %mul3A_2766 : i32 to vector<16xi32>
      %mul3A_2768 = arith.muli %add3A_2750, %mul3A_2767 : vector<16xi32>
      %add3A_2769 = arith.constant 1 : i32
      %add3A_2770 = vector.broadcast %add3A_2769 : i32 to vector<16xi32>
      %add3A_2771 = arith.addi %mul3A_2768, %add3A_2770 : vector<16xi32>
      %gather3A_2772 = tpu.vector_load_idx %arg6[%add3A_2771] : memref<12288xf32, #tpu.memory_space<vmem>>[vector<16xi32>], vector<16xf32>,
      %mul3A_2773 = arith.constant 4 : i32
      %mul3A_2774 = vector.broadcast %mul3A_2773 : i32 to vector<16xi32>
      %mul3A_2775 = arith.muli %get3A_2752, %mul3A_2774 : vector<16xi32>
      %add3A_2776 = arith.constant 1 : i32
      %add3A_2777 = vector.broadcast %add3A_2776 : i32 to vector<16xi32>
      %add3A_2778 = arith.addi %mul3A_2775, %add3A_2777 : vector<16xi32>
      tpu.vector_store_idx %arg7[%add3A_2778], %gather3A_2772 {add = true} : memref<40960xf32, #tpu.memory_space<vmem>>[vector<16xi32>], vector<16xf32>,
      %mul3A_2779 = arith.constant 16 : i32
      %mul3A_2780 = vector.broadcast %mul3A_2779 : i32 to vector<16xi32>
      %mul3A_2781 = arith.muli %add3A_2750, %mul3A_2780 : vector<16xi32>
      %add3A_2782 = arith.constant 2 : i32
      %add3A_2783 = vector.broadcast %add3A_2782 : i32 to vector<16xi32>
      %add3A_2784 = arith.addi %mul3A_2781, %add3A_2783 : vector<16xi32>
      %gather3A_2785 = tpu.vector_load_idx %arg6[%add3A_2784] : memref<12288xf32, #tpu.memory_space<vmem>>[vector<16xi32>], vector<16xf32>,
      %mul3A_2786 = arith.constant 4 : i32
      %mul3A_2787 = vector.broadcast %mul3A_2786 : i32 to vector<16xi32>
      %mul3A_2788 = arith.muli %get3A_2752, %mul3A_2787 : vector<16xi32>
      %add3A_2789 = arith.constant 2 : i32
      %add3A_2790 = vector.broadcast %add3A_2789 : i32 to vector<16xi32>
      %add3A_2791 = arith.addi %mul3A_2788, %add3A_2790 : vector<16xi32>
      tpu.vector_store_idx %arg7[%add3A_2791], %gather3A_2785 {add = true} : memref<40960xf32, #tpu.memory_space<vmem>>[vector<16xi32>], vector<16xf32>,
      %mul3A_2792 = arith.constant 16 : i32
      %mul3A_2793 = vector.broadcast %mul3A_2792 : i32 to vector<16xi32>
      %mul3A_2794 = arith.muli %add3A_2750, %mul3A_2793 : vector<16xi32>
      %add3A_2795 = arith.constant 3 : i32
      %add3A_2796 = vector.broadcast %add3A_2795 : i32 to vector<16xi32>
      %add3A_2797 = arith.addi %mul3A_2794, %add3A_2796 : vector<16xi32>
      %gather3A_2798 = tpu.vector_load_idx %arg6[%add3A_2797] : memref<12288xf32, #tpu.memory_space<vmem>>[vector<16xi32>], vector<16xf32>,
      %mul3A_2799 = arith.constant 4 : i32
      %mul3A_2800 = vector.broadcast %mul3A_2799 : i32 to vector<16xi32>
      %mul3A_2801 = arith.muli %get3A_2752, %mul3A_2800 : vector<16xi32>
      %add3A_2802 = arith.constant 3 : i32
      %add3A_2803 = vector.broadcast %add3A_2802 : i32 to vector<16xi32>
      %add3A_2804 = arith.addi %mul3A_2801, %add3A_2803 : vector<16xi32>
      tpu.vector_store_idx %arg7[%add3A_2804], %gather3A_2798 {add = true} : memref<40960xf32, #tpu.memory_space<vmem>>[vector<16xi32>], vector<16xf32>,
      %iota3A_2805 = tpu.iota {dimensions = array<i32: 0>} : vector<16xi32>
      %add3A_2806 = arith.constant 752 : i32
      %add3A_2807 = vector.broadcast %add3A_2806 : i32 to vector<16xi32>
      %add3A_2808 = arith.addi %iota3A_2805, %add3A_2807 : vector<16xi32>
      %get3A_2809 = arith.constant 752 : index
      %get3A_2810 = tpu.vector_load %arg5[%get3A_2809] {strides = array<i32>} : memref<768xi32, #tpu.memory_space<vmem>>, vector<16xi32>,
      %mul3A_2811 = arith.constant 16 : i32
      %mul3A_2812 = vector.broadcast %mul3A_2811 : i32 to vector<16xi32>
      %mul3A_2813 = arith.muli %add3A_2808, %mul3A_2812 : vector<16xi32>
      %add3A_2814 = arith.constant 0 : i32
      %add3A_2815 = vector.broadcast %add3A_2814 : i32 to vector<16xi32>
      %add3A_2816 = arith.addi %mul3A_2813, %add3A_2815 : vector<16xi32>
      %gather3A_2817 = tpu.vector_load_idx %arg6[%add3A_2816] : memref<12288xf32, #tpu.memory_space<vmem>>[vector<16xi32>], vector<16xf32>,
      %mul3A_2818 = arith.constant 4 : i32
      %mul3A_2819 = vector.broadcast %mul3A_2818 : i32 to vector<16xi32>
      %mul3A_2820 = arith.muli %get3A_2810, %mul3A_2819 : vector<16xi32>
      %add3A_2821 = arith.constant 0 : i32
      %add3A_2822 = vector.broadcast %add3A_2821 : i32 to vector<16xi32>
      %add3A_2823 = arith.addi %mul3A_2820, %add3A_2822 : vector<16xi32>
      tpu.vector_store_idx %arg7[%add3A_2823], %gather3A_2817 {add = true} : memref<40960xf32, #tpu.memory_space<vmem>>[vector<16xi32>], vector<16xf32>,
      %mul3A_2824 = arith.constant 16 : i32
      %mul3A_2825 = vector.broadcast %mul3A_2824 : i32 to vector<16xi32>
      %mul3A_2826 = arith.muli %add3A_2808, %mul3A_2825 : vector<16xi32>
      %add3A_2827 = arith.constant 1 : i32
      %add3A_2828 = vector.broadcast %add3A_2827 : i32 to vector<16xi32>
      %add3A_2829 = arith.addi %mul3A_2826, %add3A_2828 : vector<16xi32>
      %gather3A_2830 = tpu.vector_load_idx %arg6[%add3A_2829] : memref<12288xf32, #tpu.memory_space<vmem>>[vector<16xi32>], vector<16xf32>,
      %mul3A_2831 = arith.constant 4 : i32
      %mul3A_2832 = vector.broadcast %mul3A_2831 : i32 to vector<16xi32>
      %mul3A_2833 = arith.muli %get3A_2810, %mul3A_2832 : vector<16xi32>
      %add3A_2834 = arith.constant 1 : i32
      %add3A_2835 = vector.broadcast %add3A_2834 : i32 to vector<16xi32>
      %add3A_2836 = arith.addi %mul3A_2833, %add3A_2835 : vector<16xi32>
      tpu.vector_store_idx %arg7[%add3A_2836], %gather3A_2830 {add = true} : memref<40960xf32, #tpu.memory_space<vmem>>[vector<16xi32>], vector<16xf32>,
      %mul3A_2837 = arith.constant 16 : i32
      %mul3A_2838 = vector.broadcast %mul3A_2837 : i32 to vector<16xi32>
      %mul3A_2839 = arith.muli %add3A_2808, %mul3A_2838 : vector<16xi32>
      %add3A_2840 = arith.constant 2 : i32
      %add3A_2841 = vector.broadcast %add3A_2840 : i32 to vector<16xi32>
      %add3A_2842 = arith.addi %mul3A_2839, %add3A_2841 : vector<16xi32>
      %gather3A_2843 = tpu.vector_load_idx %arg6[%add3A_2842] : memref<12288xf32, #tpu.memory_space<vmem>>[vector<16xi32>], vector<16xf32>,
      %mul3A_2844 = arith.constant 4 : i32
      %mul3A_2845 = vector.broadcast %mul3A_2844 : i32 to vector<16xi32>
      %mul3A_2846 = arith.muli %get3A_2810, %mul3A_2845 : vector<16xi32>
      %add3A_2847 = arith.constant 2 : i32
      %add3A_2848 = vector.broadcast %add3A_2847 : i32 to vector<16xi32>
      %add3A_2849 = arith.addi %mul3A_2846, %add3A_2848 : vector<16xi32>
      tpu.vector_store_idx %arg7[%add3A_2849], %gather3A_2843 {add = true} : memref<40960xf32, #tpu.memory_space<vmem>>[vector<16xi32>], vector<16xf32>,
      %mul3A_2850 = arith.constant 16 : i32
      %mul3A_2851 = vector.broadcast %mul3A_2850 : i32 to vector<16xi32>
      %mul3A_2852 = arith.muli %add3A_2808, %mul3A_2851 : vector<16xi32>
      %add3A_2853 = arith.constant 3 : i32
      %add3A_2854 = vector.broadcast %add3A_2853 : i32 to vector<16xi32>
      %add3A_2855 = arith.addi %mul3A_2852, %add3A_2854 : vector<16xi32>
      %gather3A_2856 = tpu.vector_load_idx %arg6[%add3A_2855] : memref<12288xf32, #tpu.memory_space<vmem>>[vector<16xi32>], vector<16xf32>,
      %mul3A_2857 = arith.constant 4 : i32
      %mul3A_2858 = vector.broadcast %mul3A_2857 : i32 to vector<16xi32>
      %mul3A_2859 = arith.muli %get3A_2810, %mul3A_2858 : vector<16xi32>
      %add3A_2860 = arith.constant 3 : i32
      %add3A_2861 = vector.broadcast %add3A_2860 : i32 to vector<16xi32>
      %add3A_2862 = arith.addi %mul3A_2859, %add3A_2861 : vector<16xi32>
      tpu.vector_store_idx %arg7[%add3A_2862], %gather3A_2856 {add = true} : memref<40960xf32, #tpu.memory_space<vmem>>[vector<16xi32>], vector<16xf32>,
    }
    %scan3A_13 = arith.constant 13 : i32
    %add3A_14 = arith.constant 9984 : i32
    %add3A_15 = arith.addi %mul3A_2, %add3A_14 : i32
    "tpu.region"() ({
      %run_scoped3A = tpu.sem_alloc : memref<!tpu.dma_semaphore, #tpu.memory_space<semaphore_mem>>
      %dma_start3A = arith.constant 0 : i32
      %dma_start3A_73 = tpu.memref_slice %arg5[%dma_start3A] : memref<768xi32, #tpu.memory_space<vmem>> -> memref<16xi32, #tpu.memory_space<vmem>>
      %dma_start3A_74 = tpu.memref_slice %arg3[%add3A_15] : memref<320000xi32, #tpu.memory_space<hbm>> -> memref<16xi32, #tpu.memory_space<hbm>>
      %dma_start3A_75 = arith.constant 0 : i32
      %dma_start3A_76 = tpu.memref_slice %arg5[%dma_start3A_75] : memref<768xi32, #tpu.memory_space<vmem>> -> memref<16xi32, #tpu.memory_space<vmem>>
      %dma_start3A_77 = tpu.memref_slice %arg3[%add3A_15] : memref<320000xi32, #tpu.memory_space<hbm>> -> memref<16xi32, #tpu.memory_space<hbm>>
      tpu.enqueue_dma source(%dma_start3A_77 : memref<16xi32, #tpu.memory_space<hbm>>) target(%dma_start3A_76 : memref<16xi32, #tpu.memory_space<vmem>>) target_semaphore(%run_scoped3A : memref<!tpu.dma_semaphore, #tpu.memory_space<semaphore_mem>>)
      %dma_wait3A = arith.constant 0 : i32
      %dma_wait3A_78 = tpu.memref_slice %arg5[%dma_wait3A] : memref<768xi32, #tpu.memory_space<vmem>> -> memref<16xi32, #tpu.memory_space<vmem>>
      %dma_wait3A_79 = tpu.memref_slice %arg3[%add3A_15] : memref<320000xi32, #tpu.memory_space<hbm>> -> memref<16xi32, #tpu.memory_space<hbm>>
      %dma_wait3A_80 = arith.constant 0 : i32
      %dma_wait3A_81 = tpu.memref_slice %arg5[%dma_wait3A_80] : memref<768xi32, #tpu.memory_space<vmem>> -> memref<16xi32, #tpu.memory_space<vmem>>
      %dma_wait3A_82 = tpu.memref_slice %arg3[%add3A_15] : memref<320000xi32, #tpu.memory_space<hbm>> -> memref<16xi32, #tpu.memory_space<hbm>>
      tpu.wait_dma2 semaphore(%run_scoped3A : memref<!tpu.dma_semaphore, #tpu.memory_space<semaphore_mem>>) src(%dma_wait3A_82 : memref<16xi32, #tpu.memory_space<hbm>>) dst(%dma_wait3A_81 : memref<16xi32, #tpu.memory_space<vmem>>)
      tpu.yield
    }) : () -> ()
    %mul3A_16 = arith.constant 16 : i32
    %mul3A_17 = arith.muli %add3A_15, %mul3A_16 : i32
    "tpu.region"() ({
      %run_scoped3A = tpu.sem_alloc : memref<!tpu.dma_semaphore, #tpu.memory_space<semaphore_mem>>
      %dma_start3A = arith.constant 0 : i32
      %dma_start3A_73 = tpu.memref_slice %arg6[%dma_start3A] : memref<12288xf32, #tpu.memory_space<vmem>> -> memref<256xf32, #tpu.memory_space<vmem>>
      %dma_start3A_74 = tpu.memref_slice %arg2[%mul3A_17] : memref<5120000xf32, #tpu.memory_space<hbm>> -> memref<256xf32, #tpu.memory_space<hbm>>
      %dma_start3A_75 = arith.constant 0 : i32
      %dma_start3A_76 = tpu.memref_slice %arg6[%dma_start3A_75] : memref<12288xf32, #tpu.memory_space<vmem>> -> memref<256xf32, #tpu.memory_space<vmem>>
      %dma_start3A_77 = tpu.memref_slice %arg2[%mul3A_17] : memref<5120000xf32, #tpu.memory_space<hbm>> -> memref<256xf32, #tpu.memory_space<hbm>>
      tpu.enqueue_dma source(%dma_start3A_77 : memref<256xf32, #tpu.memory_space<hbm>>) target(%dma_start3A_76 : memref<256xf32, #tpu.memory_space<vmem>>) target_semaphore(%run_scoped3A : memref<!tpu.dma_semaphore, #tpu.memory_space<semaphore_mem>>)
      %dma_wait3A = arith.constant 0 : i32
      %dma_wait3A_78 = tpu.memref_slice %arg6[%dma_wait3A] : memref<12288xf32, #tpu.memory_space<vmem>> -> memref<256xf32, #tpu.memory_space<vmem>>
      %dma_wait3A_79 = tpu.memref_slice %arg2[%mul3A_17] : memref<5120000xf32, #tpu.memory_space<hbm>> -> memref<256xf32, #tpu.memory_space<hbm>>
      %dma_wait3A_80 = arith.constant 0 : i32
      %dma_wait3A_81 = tpu.memref_slice %arg6[%dma_wait3A_80] : memref<12288xf32, #tpu.memory_space<vmem>> -> memref<256xf32, #tpu.memory_space<vmem>>
      %dma_wait3A_82 = tpu.memref_slice %arg2[%mul3A_17] : memref<5120000xf32, #tpu.memory_space<hbm>> -> memref<256xf32, #tpu.memory_space<hbm>>
      tpu.wait_dma2 semaphore(%run_scoped3A : memref<!tpu.dma_semaphore, #tpu.memory_space<semaphore_mem>>) src(%dma_wait3A_82 : memref<256xf32, #tpu.memory_space<hbm>>) dst(%dma_wait3A_81 : memref<256xf32, #tpu.memory_space<vmem>>)
      tpu.yield
    }) : () -> ()
    %iota3A = tpu.iota {dimensions = array<i32: 0>} : vector<16xi32>
    %add3A_18 = arith.constant 0 : i32
    %add3A_19 = vector.broadcast %add3A_18 : i32 to vector<16xi32>
    %add3A_20 = arith.addi %iota3A, %add3A_19 : vector<16xi32>
    %get3A = arith.constant 0 : index
    %get3A_21 = tpu.vector_load %arg5[%get3A] {strides = array<i32>} : memref<768xi32, #tpu.memory_space<vmem>>, vector<16xi32>,
    %mul3A_22 = arith.constant 16 : i32
    %mul3A_23 = vector.broadcast %mul3A_22 : i32 to vector<16xi32>
    %mul3A_24 = arith.muli %add3A_20, %mul3A_23 : vector<16xi32>
    %add3A_25 = arith.constant 0 : i32
    %add3A_26 = vector.broadcast %add3A_25 : i32 to vector<16xi32>
    %add3A_27 = arith.addi %mul3A_24, %add3A_26 : vector<16xi32>
    %gather3A = tpu.vector_load_idx %arg6[%add3A_27] : memref<12288xf32, #tpu.memory_space<vmem>>[vector<16xi32>], vector<16xf32>,
    %mul3A_28 = arith.constant 4 : i32
    %mul3A_29 = vector.broadcast %mul3A_28 : i32 to vector<16xi32>
    %mul3A_30 = arith.muli %get3A_21, %mul3A_29 : vector<16xi32>
    %add3A_31 = arith.constant 0 : i32
    %add3A_32 = vector.broadcast %add3A_31 : i32 to vector<16xi32>
    %add3A_33 = arith.addi %mul3A_30, %add3A_32 : vector<16xi32>
    tpu.vector_store_idx %arg7[%add3A_33], %gather3A {add = true} : memref<40960xf32, #tpu.memory_space<vmem>>[vector<16xi32>], vector<16xf32>,
    %mul3A_34 = arith.constant 16 : i32
    %mul3A_35 = vector.broadcast %mul3A_34 : i32 to vector<16xi32>
    %mul3A_36 = arith.muli %add3A_20, %mul3A_35 : vector<16xi32>
    %add3A_37 = arith.constant 1 : i32
    %add3A_38 = vector.broadcast %add3A_37 : i32 to vector<16xi32>
    %add3A_39 = arith.addi %mul3A_36, %add3A_38 : vector<16xi32>
    %gather3A_40 = tpu.vector_load_idx %arg6[%add3A_39] : memref<12288xf32, #tpu.memory_space<vmem>>[vector<16xi32>], vector<16xf32>,
    %mul3A_41 = arith.constant 4 : i32
    %mul3A_42 = vector.broadcast %mul3A_41 : i32 to vector<16xi32>
    %mul3A_43 = arith.muli %get3A_21, %mul3A_42 : vector<16xi32>
    %add3A_44 = arith.constant 1 : i32
    %add3A_45 = vector.broadcast %add3A_44 : i32 to vector<16xi32>
    %add3A_46 = arith.addi %mul3A_43, %add3A_45 : vector<16xi32>
    tpu.vector_store_idx %arg7[%add3A_46], %gather3A_40 {add = true} : memref<40960xf32, #tpu.memory_space<vmem>>[vector<16xi32>], vector<16xf32>,
    %mul3A_47 = arith.constant 16 : i32
    %mul3A_48 = vector.broadcast %mul3A_47 : i32 to vector<16xi32>
    %mul3A_49 = arith.muli %add3A_20, %mul3A_48 : vector<16xi32>
    %add3A_50 = arith.constant 2 : i32
    %add3A_51 = vector.broadcast %add3A_50 : i32 to vector<16xi32>
    %add3A_52 = arith.addi %mul3A_49, %add3A_51 : vector<16xi32>
    %gather3A_53 = tpu.vector_load_idx %arg6[%add3A_52] : memref<12288xf32, #tpu.memory_space<vmem>>[vector<16xi32>], vector<16xf32>,
    %mul3A_54 = arith.constant 4 : i32
    %mul3A_55 = vector.broadcast %mul3A_54 : i32 to vector<16xi32>
    %mul3A_56 = arith.muli %get3A_21, %mul3A_55 : vector<16xi32>
    %add3A_57 = arith.constant 2 : i32
    %add3A_58 = vector.broadcast %add3A_57 : i32 to vector<16xi32>
    %add3A_59 = arith.addi %mul3A_56, %add3A_58 : vector<16xi32>
    tpu.vector_store_idx %arg7[%add3A_59], %gather3A_53 {add = true} : memref<40960xf32, #tpu.memory_space<vmem>>[vector<16xi32>], vector<16xf32>,
    %mul3A_60 = arith.constant 16 : i32
    %mul3A_61 = vector.broadcast %mul3A_60 : i32 to vector<16xi32>
    %mul3A_62 = arith.muli %add3A_20, %mul3A_61 : vector<16xi32>
    %add3A_63 = arith.constant 3 : i32
    %add3A_64 = vector.broadcast %add3A_63 : i32 to vector<16xi32>
    %add3A_65 = arith.addi %mul3A_62, %add3A_64 : vector<16xi32>
    %gather3A_66 = tpu.vector_load_idx %arg6[%add3A_65] : memref<12288xf32, #tpu.memory_space<vmem>>[vector<16xi32>], vector<16xf32>,
    %mul3A_67 = arith.constant 4 : i32
    %mul3A_68 = vector.broadcast %mul3A_67 : i32 to vector<16xi32>
    %mul3A_69 = arith.muli %get3A_21, %mul3A_68 : vector<16xi32>
    %add3A_70 = arith.constant 3 : i32
    %add3A_71 = vector.broadcast %add3A_70 : i32 to vector<16xi32>
    %add3A_72 = arith.addi %mul3A_69, %add3A_71 : vector<16xi32>
    tpu.vector_store_idx %arg7[%add3A_72], %gather3A_66 {add = true} : memref<40960xf32, #tpu.memory_space<vmem>>[vector<16xi32>], vector<16xf32>,
    "tpu.region"() ({
      %run_scoped3A = tpu.sem_alloc : memref<!tpu.dma_semaphore, #tpu.memory_space<semaphore_mem>>
      %dma_start3A = arith.constant 0 : i32
      %dma_start3A_73 = tpu.memref_slice %arg4[%add3A, %dma_start3A] : memref<32x40960xf32, #tpu.memory_space<hbm>> -> memref<1x40960xf32, #tpu.memory_space<hbm>>
      %dma_start3A_74 = tpu.memref_squeeze %dma_start3A_73 : memref<1x40960xf32, #tpu.memory_space<hbm>> -> memref<40960xf32, #tpu.memory_space<hbm>>
      %dma_start3A_75 = arith.constant 0 : i32
      %dma_start3A_76 = tpu.memref_slice %arg4[%add3A, %dma_start3A_75] : memref<32x40960xf32, #tpu.memory_space<hbm>> -> memref<1x40960xf32, #tpu.memory_space<hbm>>
      %dma_start3A_77 = tpu.memref_squeeze %dma_start3A_76 : memref<1x40960xf32, #tpu.memory_space<hbm>> -> memref<40960xf32, #tpu.memory_space<hbm>>
      tpu.enqueue_dma source(%arg7 : memref<40960xf32, #tpu.memory_space<vmem>>) target(%dma_start3A_77 : memref<40960xf32, #tpu.memory_space<hbm>>) target_semaphore(%run_scoped3A : memref<!tpu.dma_semaphore, #tpu.memory_space<semaphore_mem>>)
      %dma_wait3A = arith.constant 0 : i32
      %dma_wait3A_78 = tpu.memref_slice %arg4[%add3A, %dma_wait3A] : memref<32x40960xf32, #tpu.memory_space<hbm>> -> memref<1x40960xf32, #tpu.memory_space<hbm>>
      %dma_wait3A_79 = tpu.memref_squeeze %dma_wait3A_78 : memref<1x40960xf32, #tpu.memory_space<hbm>> -> memref<40960xf32, #tpu.memory_space<hbm>>
      %dma_wait3A_80 = arith.constant 0 : i32
      %dma_wait3A_81 = tpu.memref_slice %arg4[%add3A, %dma_wait3A_80] : memref<32x40960xf32, #tpu.memory_space<hbm>> -> memref<1x40960xf32, #tpu.memory_space<hbm>>
      %dma_wait3A_82 = tpu.memref_squeeze %dma_wait3A_81 : memref<1x40960xf32, #tpu.memory_space<hbm>> -> memref<40960xf32, #tpu.memory_space<hbm>>
      tpu.wait_dma2 semaphore(%run_scoped3A : memref<!tpu.dma_semaphore, #tpu.memory_space<semaphore_mem>>) src(%arg7 : memref<40960xf32, #tpu.memory_space<vmem>>) dst(%dma_wait3A_82 : memref<40960xf32, #tpu.memory_space<hbm>>)
      tpu.yield
    }) : () -> ()
    return
  }
}

#map = affine_map<(d0, d1) -> (0, 0)>
#map1 = affine_map<(d0, d1) -> (0)>
#map2 = affine_map<(d0, d1) -> (0, 0, 0)>
module attributes {stable_mosaic.version = 14 : i64} {
  func.func @_scatter_agg_body(%arg0: i32, %arg1: i32, %arg2: memref<320000x128xf32, #tpu.memory_space<hbm>>, %arg3: memref<320000xi32, #tpu.memory_space<hbm>>, %arg4: memref<128x128xf32, #tpu.memory_space<hbm>>, %arg5: memref<2x10240x128xf32, #tpu.memory_space<hbm>>, %arg6: memref<128xi32, #tpu.memory_space<vmem>>, %arg7: memref<128xi32, #tpu.memory_space<vmem>>, %arg8: memref<128x128xf32, #tpu.memory_space<vmem>>, %arg9: memref<128x128xf32, #tpu.memory_space<vmem>>, %arg10: memref<16xi32, #tpu.memory_space<vmem>>, %arg11: memref<16x128xf32, #tpu.memory_space<vmem>>, %arg12: memref<10240x128xf32, #tpu.memory_space<vmem_shared>>, %arg13: memref<!tpu.dma_semaphore, #tpu.memory_space<semaphore_mem>>, %arg14: memref<!tpu.dma_semaphore, #tpu.memory_space<semaphore_mem>>, %arg15: memref<!tpu.dma_semaphore, #tpu.memory_space<semaphore_mem>>, %arg16: memref<!tpu.dma_semaphore, #tpu.memory_space<semaphore_mem>>, %arg17: memref<!tpu.dma_semaphore, #tpu.memory_space<semaphore_mem>>, %arg18: memref<!tpu.dma_semaphore, #tpu.memory_space<semaphore_mem>>) attributes {dimension_semantics = [#tpu.dimension_semantics<core_parallel>, #tpu.dimension_semantics<subcore_parallel>], iteration_bounds = array<i64: 2, 16>, scalar_prefetch = 0 : i64, scratch_operands = 13 : i64, tpu.core_type = #tpu.core_type<sc_vector_subcore>, window_params = [{transform_indices = #map}, {transform_indices = #map1}, {transform_indices = #map}, {transform_indices = #map2}]} {
    %mul3A = arith.constant 2 : i32
    %mul3A_0 = arith.muli %arg1, %mul3A : i32
    %add3A = arith.addi %mul3A_0, %arg0 : i32
    %mul3A_1 = arith.constant 10000 : i32
    %mul3A_2 = arith.muli %add3A, %mul3A_1 : i32
    %mul3A_3 = arith.constant 640 : i32
    %mul3A_4 = arith.muli %arg1, %mul3A_3 : i32
    %add3A_5 = arith.constant 0 : i32
    %add3A_6 = arith.addi %mul3A_4, %add3A_5 : i32
    "tpu.region"() ({
      %run_scoped3A = tpu.sem_alloc : memref<!tpu.dma_semaphore, #tpu.memory_space<semaphore_mem>>
      %dma_start3A = arith.constant 0 : i32
      %dma_start3A_23 = tpu.memref_slice %arg12[%add3A_6, %dma_start3A] : memref<10240x128xf32, #tpu.memory_space<vmem_shared>> -> memref<128x128xf32, #tpu.memory_space<vmem_shared>>
      tpu.enqueue_dma source(%arg4 : memref<128x128xf32, #tpu.memory_space<hbm>>) target(%dma_start3A_23 : memref<128x128xf32, #tpu.memory_space<vmem_shared>>) target_semaphore(%run_scoped3A : memref<!tpu.dma_semaphore, #tpu.memory_space<semaphore_mem>>)
      %dma_wait3A = arith.constant 0 : i32
      %dma_wait3A_24 = tpu.memref_slice %arg12[%add3A_6, %dma_wait3A] : memref<10240x128xf32, #tpu.memory_space<vmem_shared>> -> memref<128x128xf32, #tpu.memory_space<vmem_shared>>
      tpu.wait_dma2 semaphore(%run_scoped3A : memref<!tpu.dma_semaphore, #tpu.memory_space<semaphore_mem>>) src(%arg4 : memref<128x128xf32, #tpu.memory_space<hbm>>) dst(%dma_wait3A_24 : memref<128x128xf32, #tpu.memory_space<vmem_shared>>)
      tpu.yield
    }) : () -> ()
    %add3A_7 = arith.constant 128 : i32
    %add3A_8 = arith.addi %mul3A_4, %add3A_7 : i32
    "tpu.region"() ({
      %run_scoped3A = tpu.sem_alloc : memref<!tpu.dma_semaphore, #tpu.memory_space<semaphore_mem>>
      %dma_start3A = arith.constant 0 : i32
      %dma_start3A_23 = tpu.memref_slice %arg12[%add3A_8, %dma_start3A] : memref<10240x128xf32, #tpu.memory_space<vmem_shared>> -> memref<128x128xf32, #tpu.memory_space<vmem_shared>>
      tpu.enqueue_dma source(%arg4 : memref<128x128xf32, #tpu.memory_space<hbm>>) target(%dma_start3A_23 : memref<128x128xf32, #tpu.memory_space<vmem_shared>>) target_semaphore(%run_scoped3A : memref<!tpu.dma_semaphore, #tpu.memory_space<semaphore_mem>>)
      %dma_wait3A = arith.constant 0 : i32
      %dma_wait3A_24 = tpu.memref_slice %arg12[%add3A_8, %dma_wait3A] : memref<10240x128xf32, #tpu.memory_space<vmem_shared>> -> memref<128x128xf32, #tpu.memory_space<vmem_shared>>
      tpu.wait_dma2 semaphore(%run_scoped3A : memref<!tpu.dma_semaphore, #tpu.memory_space<semaphore_mem>>) src(%arg4 : memref<128x128xf32, #tpu.memory_space<hbm>>) dst(%dma_wait3A_24 : memref<128x128xf32, #tpu.memory_space<vmem_shared>>)
      tpu.yield
    }) : () -> ()
    %add3A_9 = arith.constant 256 : i32
    %add3A_10 = arith.addi %mul3A_4, %add3A_9 : i32
    "tpu.region"() ({
      %run_scoped3A = tpu.sem_alloc : memref<!tpu.dma_semaphore, #tpu.memory_space<semaphore_mem>>
      %dma_start3A = arith.constant 0 : i32
      %dma_start3A_23 = tpu.memref_slice %arg12[%add3A_10, %dma_start3A] : memref<10240x128xf32, #tpu.memory_space<vmem_shared>> -> memref<128x128xf32, #tpu.memory_space<vmem_shared>>
      tpu.enqueue_dma source(%arg4 : memref<128x128xf32, #tpu.memory_space<hbm>>) target(%dma_start3A_23 : memref<128x128xf32, #tpu.memory_space<vmem_shared>>) target_semaphore(%run_scoped3A : memref<!tpu.dma_semaphore, #tpu.memory_space<semaphore_mem>>)
      %dma_wait3A = arith.constant 0 : i32
      %dma_wait3A_24 = tpu.memref_slice %arg12[%add3A_10, %dma_wait3A] : memref<10240x128xf32, #tpu.memory_space<vmem_shared>> -> memref<128x128xf32, #tpu.memory_space<vmem_shared>>
      tpu.wait_dma2 semaphore(%run_scoped3A : memref<!tpu.dma_semaphore, #tpu.memory_space<semaphore_mem>>) src(%arg4 : memref<128x128xf32, #tpu.memory_space<hbm>>) dst(%dma_wait3A_24 : memref<128x128xf32, #tpu.memory_space<vmem_shared>>)
      tpu.yield
    }) : () -> ()
    %add3A_11 = arith.constant 384 : i32
    %add3A_12 = arith.addi %mul3A_4, %add3A_11 : i32
    "tpu.region"() ({
      %run_scoped3A = tpu.sem_alloc : memref<!tpu.dma_semaphore, #tpu.memory_space<semaphore_mem>>
      %dma_start3A = arith.constant 0 : i32
      %dma_start3A_23 = tpu.memref_slice %arg12[%add3A_12, %dma_start3A] : memref<10240x128xf32, #tpu.memory_space<vmem_shared>> -> memref<128x128xf32, #tpu.memory_space<vmem_shared>>
      tpu.enqueue_dma source(%arg4 : memref<128x128xf32, #tpu.memory_space<hbm>>) target(%dma_start3A_23 : memref<128x128xf32, #tpu.memory_space<vmem_shared>>) target_semaphore(%run_scoped3A : memref<!tpu.dma_semaphore, #tpu.memory_space<semaphore_mem>>)
      %dma_wait3A = arith.constant 0 : i32
      %dma_wait3A_24 = tpu.memref_slice %arg12[%add3A_12, %dma_wait3A] : memref<10240x128xf32, #tpu.memory_space<vmem_shared>> -> memref<128x128xf32, #tpu.memory_space<vmem_shared>>
      tpu.wait_dma2 semaphore(%run_scoped3A : memref<!tpu.dma_semaphore, #tpu.memory_space<semaphore_mem>>) src(%arg4 : memref<128x128xf32, #tpu.memory_space<hbm>>) dst(%dma_wait3A_24 : memref<128x128xf32, #tpu.memory_space<vmem_shared>>)
      tpu.yield
    }) : () -> ()
    %add3A_13 = arith.constant 512 : i32
    %add3A_14 = arith.addi %mul3A_4, %add3A_13 : i32
    "tpu.region"() ({
      %run_scoped3A = tpu.sem_alloc : memref<!tpu.dma_semaphore, #tpu.memory_space<semaphore_mem>>
      %dma_start3A = arith.constant 0 : i32
      %dma_start3A_23 = tpu.memref_slice %arg12[%add3A_14, %dma_start3A] : memref<10240x128xf32, #tpu.memory_space<vmem_shared>> -> memref<128x128xf32, #tpu.memory_space<vmem_shared>>
      tpu.enqueue_dma source(%arg4 : memref<128x128xf32, #tpu.memory_space<hbm>>) target(%dma_start3A_23 : memref<128x128xf32, #tpu.memory_space<vmem_shared>>) target_semaphore(%run_scoped3A : memref<!tpu.dma_semaphore, #tpu.memory_space<semaphore_mem>>)
      %dma_wait3A = arith.constant 0 : i32
      %dma_wait3A_24 = tpu.memref_slice %arg12[%add3A_14, %dma_wait3A] : memref<10240x128xf32, #tpu.memory_space<vmem_shared>> -> memref<128x128xf32, #tpu.memory_space<vmem_shared>>
      tpu.wait_dma2 semaphore(%run_scoped3A : memref<!tpu.dma_semaphore, #tpu.memory_space<semaphore_mem>>) src(%arg4 : memref<128x128xf32, #tpu.memory_space<hbm>>) dst(%dma_wait3A_24 : memref<128x128xf32, #tpu.memory_space<vmem_shared>>)
      tpu.yield
    }) : () -> ()
    %barrier3A = arith.constant 0 : index
    tpu.barrier barrier_id(%barrier3A)
    %scan3A = arith.constant 0 : i32
    %scan3A_15 = arith.constant 0 : i32
    %scan3A_16 = arith.constant 39 : i32
    %scan3A_17 = arith.addi %scan3A_15, %scan3A_16 : i32
    %scan3A_18 = arith.constant 1 : i32
    scf.for %scan3A_23 = %scan3A_15 to %scan3A_17 step %scan3A_18  : i32 {
      %mul3A_24 = arith.constant 2 : i32
      %mul3A_25 = arith.muli %mul3A_24, %scan3A_23 : i32
      %mul3A_26 = arith.constant 128 : i32
      %mul3A_27 = arith.muli %mul3A_25, %mul3A_26 : i32
      %add3A_28 = arith.addi %mul3A_2, %mul3A_27 : i32
      %add3A_29 = arith.constant 128 : i32
      %add3A_30 = arith.addi %add3A_28, %add3A_29 : i32
      %dma_start3A = tpu.memref_slice %arg3[%add3A_28] : memref<320000xi32, #tpu.memory_space<hbm>> -> memref<128xi32, #tpu.memory_space<hbm>>
      %dma_start3A_31 = tpu.memref_slice %arg3[%add3A_28] : memref<320000xi32, #tpu.memory_space<hbm>> -> memref<128xi32, #tpu.memory_space<hbm>>
      tpu.enqueue_dma source(%dma_start3A_31 : memref<128xi32, #tpu.memory_space<hbm>>) target(%arg6 : memref<128xi32, #tpu.memory_space<vmem>>) target_semaphore(%arg13 : memref<!tpu.dma_semaphore, #tpu.memory_space<semaphore_mem>>)
      %dma_start3A_32 = tpu.memref_slice %arg3[%add3A_30] : memref<320000xi32, #tpu.memory_space<hbm>> -> memref<128xi32, #tpu.memory_space<hbm>>
      %dma_start3A_33 = tpu.memref_slice %arg3[%add3A_30] : memref<320000xi32, #tpu.memory_space<hbm>> -> memref<128xi32, #tpu.memory_space<hbm>>
      tpu.enqueue_dma source(%dma_start3A_33 : memref<128xi32, #tpu.memory_space<hbm>>) target(%arg7 : memref<128xi32, #tpu.memory_space<vmem>>) target_semaphore(%arg14 : memref<!tpu.dma_semaphore, #tpu.memory_space<semaphore_mem>>)
      %dma_start3A_34 = arith.constant 0 : i32
      %dma_start3A_35 = tpu.memref_slice %arg2[%add3A_28, %dma_start3A_34] : memref<320000x128xf32, #tpu.memory_space<hbm>> -> memref<128x128xf32, #tpu.memory_space<hbm>>
      %dma_start3A_36 = arith.constant 0 : i32
      %dma_start3A_37 = tpu.memref_slice %arg2[%add3A_28, %dma_start3A_36] : memref<320000x128xf32, #tpu.memory_space<hbm>> -> memref<128x128xf32, #tpu.memory_space<hbm>>
      tpu.enqueue_dma source(%dma_start3A_37 : memref<128x128xf32, #tpu.memory_space<hbm>>) target(%arg8 : memref<128x128xf32, #tpu.memory_space<vmem>>) target_semaphore(%arg15 : memref<!tpu.dma_semaphore, #tpu.memory_space<semaphore_mem>>)
      %dma_start3A_38 = arith.constant 0 : i32
      %dma_start3A_39 = tpu.memref_slice %arg2[%add3A_30, %dma_start3A_38] : memref<320000x128xf32, #tpu.memory_space<hbm>> -> memref<128x128xf32, #tpu.memory_space<hbm>>
      %dma_start3A_40 = arith.constant 0 : i32
      %dma_start3A_41 = tpu.memref_slice %arg2[%add3A_30, %dma_start3A_40] : memref<320000x128xf32, #tpu.memory_space<hbm>> -> memref<128x128xf32, #tpu.memory_space<hbm>>
      tpu.enqueue_dma source(%dma_start3A_41 : memref<128x128xf32, #tpu.memory_space<hbm>>) target(%arg9 : memref<128x128xf32, #tpu.memory_space<vmem>>) target_semaphore(%arg16 : memref<!tpu.dma_semaphore, #tpu.memory_space<semaphore_mem>>)
      %dma_wait3A = tpu.memref_slice %arg3[%add3A_28] : memref<320000xi32, #tpu.memory_space<hbm>> -> memref<128xi32, #tpu.memory_space<hbm>>
      %dma_wait3A_42 = tpu.memref_slice %arg3[%add3A_28] : memref<320000xi32, #tpu.memory_space<hbm>> -> memref<128xi32, #tpu.memory_space<hbm>>
      tpu.wait_dma2 semaphore(%arg13 : memref<!tpu.dma_semaphore, #tpu.memory_space<semaphore_mem>>) src(%dma_wait3A_42 : memref<128xi32, #tpu.memory_space<hbm>>) dst(%arg6 : memref<128xi32, #tpu.memory_space<vmem>>)
      %dma_wait3A_43 = arith.constant 0 : i32
      %dma_wait3A_44 = tpu.memref_slice %arg2[%add3A_28, %dma_wait3A_43] : memref<320000x128xf32, #tpu.memory_space<hbm>> -> memref<128x128xf32, #tpu.memory_space<hbm>>
      %dma_wait3A_45 = arith.constant 0 : i32
      %dma_wait3A_46 = tpu.memref_slice %arg2[%add3A_28, %dma_wait3A_45] : memref<320000x128xf32, #tpu.memory_space<hbm>> -> memref<128x128xf32, #tpu.memory_space<hbm>>
      tpu.wait_dma2 semaphore(%arg15 : memref<!tpu.dma_semaphore, #tpu.memory_space<semaphore_mem>>) src(%dma_wait3A_46 : memref<128x128xf32, #tpu.memory_space<hbm>>) dst(%arg8 : memref<128x128xf32, #tpu.memory_space<vmem>>)
      %dma_start3A_47 = arith.constant 0 : i32
      %dma_start3A_48 = arith.constant 0 : i32
      %dma_start3A_49 = tpu.memref_slice %arg12[%dma_start3A_47, %dma_start3A_48] : memref<10240x128xf32, #tpu.memory_space<vmem_shared>> -> memref<10240x128xf32, #tpu.memory_space<vmem_shared>>
      tpu.enqueue_indirect_dma source(%arg8 : memref<128x128xf32, #tpu.memory_space<vmem>>) target(%dma_start3A_49 : memref<10240x128xf32, #tpu.memory_space<vmem_shared>>) offsets(%arg6 : memref<128xi32, #tpu.memory_space<vmem>>) semaphore(%arg17 : memref<!tpu.dma_semaphore, #tpu.memory_space<semaphore_mem>>) {add = true}
      %dma_wait3A_50 = tpu.memref_slice %arg3[%add3A_30] : memref<320000xi32, #tpu.memory_space<hbm>> -> memref<128xi32, #tpu.memory_space<hbm>>
      %dma_wait3A_51 = tpu.memref_slice %arg3[%add3A_30] : memref<320000xi32, #tpu.memory_space<hbm>> -> memref<128xi32, #tpu.memory_space<hbm>>
      tpu.wait_dma2 semaphore(%arg14 : memref<!tpu.dma_semaphore, #tpu.memory_space<semaphore_mem>>) src(%dma_wait3A_51 : memref<128xi32, #tpu.memory_space<hbm>>) dst(%arg7 : memref<128xi32, #tpu.memory_space<vmem>>)
      %dma_wait3A_52 = arith.constant 0 : i32
      %dma_wait3A_53 = tpu.memref_slice %arg2[%add3A_30, %dma_wait3A_52] : memref<320000x128xf32, #tpu.memory_space<hbm>> -> memref<128x128xf32, #tpu.memory_space<hbm>>
      %dma_wait3A_54 = arith.constant 0 : i32
      %dma_wait3A_55 = tpu.memref_slice %arg2[%add3A_30, %dma_wait3A_54] : memref<320000x128xf32, #tpu.memory_space<hbm>> -> memref<128x128xf32, #tpu.memory_space<hbm>>
      tpu.wait_dma2 semaphore(%arg16 : memref<!tpu.dma_semaphore, #tpu.memory_space<semaphore_mem>>) src(%dma_wait3A_55 : memref<128x128xf32, #tpu.memory_space<hbm>>) dst(%arg9 : memref<128x128xf32, #tpu.memory_space<vmem>>)
      %dma_start3A_56 = arith.constant 0 : i32
      %dma_start3A_57 = arith.constant 0 : i32
      %dma_start3A_58 = tpu.memref_slice %arg12[%dma_start3A_56, %dma_start3A_57] : memref<10240x128xf32, #tpu.memory_space<vmem_shared>> -> memref<10240x128xf32, #tpu.memory_space<vmem_shared>>
      tpu.enqueue_indirect_dma source(%arg9 : memref<128x128xf32, #tpu.memory_space<vmem>>) target(%dma_start3A_58 : memref<10240x128xf32, #tpu.memory_space<vmem_shared>>) offsets(%arg7 : memref<128xi32, #tpu.memory_space<vmem>>) semaphore(%arg18 : memref<!tpu.dma_semaphore, #tpu.memory_space<semaphore_mem>>) {add = true}
      %dma_wait3A_59 = arith.constant 0 : i32
      %dma_wait3A_60 = arith.constant 0 : i32
      %dma_wait3A_61 = tpu.memref_slice %arg12[%dma_wait3A_59, %dma_wait3A_60] : memref<10240x128xf32, #tpu.memory_space<vmem_shared>> -> memref<10240x128xf32, #tpu.memory_space<vmem_shared>>
      tpu.wait_indirect_dma semaphore(%arg17 : memref<!tpu.dma_semaphore, #tpu.memory_space<semaphore_mem>>) src(%arg8 : memref<128x128xf32, #tpu.memory_space<vmem>>) dst(%dma_wait3A_61 : memref<10240x128xf32, #tpu.memory_space<vmem_shared>>)
      %dma_wait3A_62 = arith.constant 0 : i32
      %dma_wait3A_63 = arith.constant 0 : i32
      %dma_wait3A_64 = tpu.memref_slice %arg12[%dma_wait3A_62, %dma_wait3A_63] : memref<10240x128xf32, #tpu.memory_space<vmem_shared>> -> memref<10240x128xf32, #tpu.memory_space<vmem_shared>>
      tpu.wait_indirect_dma semaphore(%arg18 : memref<!tpu.dma_semaphore, #tpu.memory_space<semaphore_mem>>) src(%arg9 : memref<128x128xf32, #tpu.memory_space<vmem>>) dst(%dma_wait3A_64 : memref<10240x128xf32, #tpu.memory_space<vmem_shared>>)
    }
    %scan3A_19 = arith.constant 39 : i32
    %add3A_20 = arith.constant 9984 : i32
    %add3A_21 = arith.addi %mul3A_2, %add3A_20 : i32
    "tpu.region"() ({
      %run_scoped3A = tpu.sem_alloc : memref<!tpu.dma_semaphore, #tpu.memory_space<semaphore_mem>>
      %dma_start3A = tpu.memref_slice %arg3[%add3A_21] : memref<320000xi32, #tpu.memory_space<hbm>> -> memref<16xi32, #tpu.memory_space<hbm>>
      %dma_start3A_23 = tpu.memref_slice %arg3[%add3A_21] : memref<320000xi32, #tpu.memory_space<hbm>> -> memref<16xi32, #tpu.memory_space<hbm>>
      tpu.enqueue_dma source(%dma_start3A_23 : memref<16xi32, #tpu.memory_space<hbm>>) target(%arg10 : memref<16xi32, #tpu.memory_space<vmem>>) target_semaphore(%run_scoped3A : memref<!tpu.dma_semaphore, #tpu.memory_space<semaphore_mem>>)
      %dma_wait3A = tpu.memref_slice %arg3[%add3A_21] : memref<320000xi32, #tpu.memory_space<hbm>> -> memref<16xi32, #tpu.memory_space<hbm>>
      %dma_wait3A_24 = tpu.memref_slice %arg3[%add3A_21] : memref<320000xi32, #tpu.memory_space<hbm>> -> memref<16xi32, #tpu.memory_space<hbm>>
      tpu.wait_dma2 semaphore(%run_scoped3A : memref<!tpu.dma_semaphore, #tpu.memory_space<semaphore_mem>>) src(%dma_wait3A_24 : memref<16xi32, #tpu.memory_space<hbm>>) dst(%arg10 : memref<16xi32, #tpu.memory_space<vmem>>)
      tpu.yield
    }) : () -> ()
    "tpu.region"() ({
      %run_scoped3A = tpu.sem_alloc : memref<!tpu.dma_semaphore, #tpu.memory_space<semaphore_mem>>
      %dma_start3A = arith.constant 0 : i32
      %dma_start3A_23 = tpu.memref_slice %arg2[%add3A_21, %dma_start3A] : memref<320000x128xf32, #tpu.memory_space<hbm>> -> memref<16x128xf32, #tpu.memory_space<hbm>>
      %dma_start3A_24 = arith.constant 0 : i32
      %dma_start3A_25 = tpu.memref_slice %arg2[%add3A_21, %dma_start3A_24] : memref<320000x128xf32, #tpu.memory_space<hbm>> -> memref<16x128xf32, #tpu.memory_space<hbm>>
      tpu.enqueue_dma source(%dma_start3A_25 : memref<16x128xf32, #tpu.memory_space<hbm>>) target(%arg11 : memref<16x128xf32, #tpu.memory_space<vmem>>) target_semaphore(%run_scoped3A : memref<!tpu.dma_semaphore, #tpu.memory_space<semaphore_mem>>)
      %dma_wait3A = arith.constant 0 : i32
      %dma_wait3A_26 = tpu.memref_slice %arg2[%add3A_21, %dma_wait3A] : memref<320000x128xf32, #tpu.memory_space<hbm>> -> memref<16x128xf32, #tpu.memory_space<hbm>>
      %dma_wait3A_27 = arith.constant 0 : i32
      %dma_wait3A_28 = tpu.memref_slice %arg2[%add3A_21, %dma_wait3A_27] : memref<320000x128xf32, #tpu.memory_space<hbm>> -> memref<16x128xf32, #tpu.memory_space<hbm>>
      tpu.wait_dma2 semaphore(%run_scoped3A : memref<!tpu.dma_semaphore, #tpu.memory_space<semaphore_mem>>) src(%dma_wait3A_28 : memref<16x128xf32, #tpu.memory_space<hbm>>) dst(%arg11 : memref<16x128xf32, #tpu.memory_space<vmem>>)
      tpu.yield
    }) : () -> ()
    "tpu.region"() ({
      %run_scoped3A = tpu.sem_alloc : memref<!tpu.dma_semaphore, #tpu.memory_space<semaphore_mem>>
      %dma_start3A = arith.constant 0 : i32
      %dma_start3A_23 = arith.constant 0 : i32
      %dma_start3A_24 = tpu.memref_slice %arg12[%dma_start3A, %dma_start3A_23] : memref<10240x128xf32, #tpu.memory_space<vmem_shared>> -> memref<10240x128xf32, #tpu.memory_space<vmem_shared>>
      tpu.enqueue_indirect_dma source(%arg11 : memref<16x128xf32, #tpu.memory_space<vmem>>) target(%dma_start3A_24 : memref<10240x128xf32, #tpu.memory_space<vmem_shared>>) offsets(%arg10 : memref<16xi32, #tpu.memory_space<vmem>>) semaphore(%run_scoped3A : memref<!tpu.dma_semaphore, #tpu.memory_space<semaphore_mem>>) {add = true}
      %dma_wait3A = arith.constant 0 : i32
      %dma_wait3A_25 = arith.constant 0 : i32
      %dma_wait3A_26 = tpu.memref_slice %arg12[%dma_wait3A, %dma_wait3A_25] : memref<10240x128xf32, #tpu.memory_space<vmem_shared>> -> memref<10240x128xf32, #tpu.memory_space<vmem_shared>>
      tpu.wait_indirect_dma semaphore(%run_scoped3A : memref<!tpu.dma_semaphore, #tpu.memory_space<semaphore_mem>>) src(%arg11 : memref<16x128xf32, #tpu.memory_space<vmem>>) dst(%dma_wait3A_26 : memref<10240x128xf32, #tpu.memory_space<vmem_shared>>)
      tpu.yield
    }) : () -> ()
    %barrier3A_22 = arith.constant 0 : index
    tpu.barrier barrier_id(%barrier3A_22)
    "tpu.region"() ({
      %run_scoped3A = tpu.sem_alloc : memref<!tpu.dma_semaphore, #tpu.memory_space<semaphore_mem>>
      %dma_start3A = arith.constant 0 : i32
      %dma_start3A_23 = tpu.memref_slice %arg5[%arg0, %mul3A_4, %dma_start3A] : memref<2x10240x128xf32, #tpu.memory_space<hbm>> -> memref<1x640x128xf32, #tpu.memory_space<hbm>>
      %dma_start3A_24 = tpu.memref_squeeze %dma_start3A_23 : memref<1x640x128xf32, #tpu.memory_space<hbm>> -> memref<640x128xf32, #tpu.memory_space<hbm>>
      %dma_start3A_25 = arith.constant 0 : i32
      %dma_start3A_26 = tpu.memref_slice %arg12[%mul3A_4, %dma_start3A_25] : memref<10240x128xf32, #tpu.memory_space<vmem_shared>> -> memref<640x128xf32, #tpu.memory_space<vmem_shared>>
      tpu.enqueue_dma source(%dma_start3A_26 : memref<640x128xf32, #tpu.memory_space<vmem_shared>>) target(%dma_start3A_24 : memref<640x128xf32, #tpu.memory_space<hbm>>) target_semaphore(%run_scoped3A : memref<!tpu.dma_semaphore, #tpu.memory_space<semaphore_mem>>)
      %dma_wait3A = arith.constant 0 : i32
      %dma_wait3A_27 = tpu.memref_slice %arg5[%arg0, %mul3A_4, %dma_wait3A] : memref<2x10240x128xf32, #tpu.memory_space<hbm>> -> memref<1x640x128xf32, #tpu.memory_space<hbm>>
      %dma_wait3A_28 = tpu.memref_squeeze %dma_wait3A_27 : memref<1x640x128xf32, #tpu.memory_space<hbm>> -> memref<640x128xf32, #tpu.memory_space<hbm>>
      %dma_wait3A_29 = arith.constant 0 : i32
      %dma_wait3A_30 = tpu.memref_slice %arg12[%mul3A_4, %dma_wait3A_29] : memref<10240x128xf32, #tpu.memory_space<vmem_shared>> -> memref<640x128xf32, #tpu.memory_space<vmem_shared>>
      tpu.wait_dma2 semaphore(%run_scoped3A : memref<!tpu.dma_semaphore, #tpu.memory_space<semaphore_mem>>) src(%dma_wait3A_30 : memref<640x128xf32, #tpu.memory_space<vmem_shared>>) dst(%dma_wait3A_28 : memref<640x128xf32, #tpu.memory_space<hbm>>)
      tpu.yield
    }) : () -> ()
    return
  }
}

#map = affine_map<(d0, d1) -> (0, 0)>
#map1 = affine_map<(d0, d1) -> (0)>
module attributes {stable_mosaic.version = 14 : i64} {
  func.func @_gather_body(%arg0: i32, %arg1: i32, %arg2: memref<10000x128xf32, #tpu.memory_space<hbm>>, %arg3: memref<320000xi32, #tpu.memory_space<hbm>>, %arg4: memref<320000x128xf32, #tpu.memory_space<hbm>>, %arg5: memref<128xi32, #tpu.memory_space<vmem>>, %arg6: memref<128xi32, #tpu.memory_space<vmem>>, %arg7: memref<128x128xf32, #tpu.memory_space<vmem>>, %arg8: memref<128x128xf32, #tpu.memory_space<vmem>>, %arg9: memref<16xi32, #tpu.memory_space<vmem>>, %arg10: memref<16x128xf32, #tpu.memory_space<vmem>>, %arg11: memref<!tpu.dma_semaphore, #tpu.memory_space<semaphore_mem>>, %arg12: memref<!tpu.dma_semaphore, #tpu.memory_space<semaphore_mem>>, %arg13: memref<!tpu.dma_semaphore, #tpu.memory_space<semaphore_mem>>, %arg14: memref<!tpu.dma_semaphore, #tpu.memory_space<semaphore_mem>>, %arg15: memref<!tpu.dma_semaphore, #tpu.memory_space<semaphore_mem>>, %arg16: memref<!tpu.dma_semaphore, #tpu.memory_space<semaphore_mem>>) attributes {dimension_semantics = [#tpu.dimension_semantics<core_parallel>, #tpu.dimension_semantics<subcore_parallel>], iteration_bounds = array<i64: 2, 16>, scalar_prefetch = 0 : i64, scratch_operands = 12 : i64, tpu.core_type = #tpu.core_type<sc_vector_subcore>, window_params = [{transform_indices = #map}, {transform_indices = #map1}, {transform_indices = #map}]} {
    %mul3A = arith.constant 2 : i32
    %mul3A_0 = arith.muli %arg1, %mul3A : i32
    %add3A = arith.addi %mul3A_0, %arg0 : i32
    %mul3A_1 = arith.constant 10000 : i32
    %mul3A_2 = arith.muli %add3A, %mul3A_1 : i32
    %scan3A = arith.constant 0 : i32
    %scan3A_3 = arith.constant 0 : i32
    %scan3A_4 = arith.constant 39 : i32
    %scan3A_5 = arith.addi %scan3A_3, %scan3A_4 : i32
    %scan3A_6 = arith.constant 1 : i32
    scf.for %scan3A_14 = %scan3A_3 to %scan3A_5 step %scan3A_6  : i32 {
      %mul3A_15 = arith.constant 2 : i32
      %mul3A_16 = arith.muli %mul3A_15, %scan3A_14 : i32
      %mul3A_17 = arith.constant 128 : i32
      %mul3A_18 = arith.muli %mul3A_16, %mul3A_17 : i32
      %add3A_19 = arith.addi %mul3A_2, %mul3A_18 : i32
      %add3A_20 = arith.constant 128 : i32
      %add3A_21 = arith.addi %add3A_19, %add3A_20 : i32
      %dma_start3A_22 = tpu.memref_slice %arg3[%add3A_19] : memref<320000xi32, #tpu.memory_space<hbm>> -> memref<128xi32, #tpu.memory_space<hbm>>
      %dma_start3A_23 = tpu.memref_slice %arg3[%add3A_19] : memref<320000xi32, #tpu.memory_space<hbm>> -> memref<128xi32, #tpu.memory_space<hbm>>
      tpu.enqueue_dma source(%dma_start3A_23 : memref<128xi32, #tpu.memory_space<hbm>>) target(%arg5 : memref<128xi32, #tpu.memory_space<vmem>>) target_semaphore(%arg11 : memref<!tpu.dma_semaphore, #tpu.memory_space<semaphore_mem>>)
      %dma_start3A_24 = tpu.memref_slice %arg3[%add3A_21] : memref<320000xi32, #tpu.memory_space<hbm>> -> memref<128xi32, #tpu.memory_space<hbm>>
      %dma_start3A_25 = tpu.memref_slice %arg3[%add3A_21] : memref<320000xi32, #tpu.memory_space<hbm>> -> memref<128xi32, #tpu.memory_space<hbm>>
      tpu.enqueue_dma source(%dma_start3A_25 : memref<128xi32, #tpu.memory_space<hbm>>) target(%arg6 : memref<128xi32, #tpu.memory_space<vmem>>) target_semaphore(%arg12 : memref<!tpu.dma_semaphore, #tpu.memory_space<semaphore_mem>>)
      %dma_wait3A_26 = tpu.memref_slice %arg3[%add3A_19] : memref<320000xi32, #tpu.memory_space<hbm>> -> memref<128xi32, #tpu.memory_space<hbm>>
      %dma_wait3A_27 = tpu.memref_slice %arg3[%add3A_19] : memref<320000xi32, #tpu.memory_space<hbm>> -> memref<128xi32, #tpu.memory_space<hbm>>
      tpu.wait_dma2 semaphore(%arg11 : memref<!tpu.dma_semaphore, #tpu.memory_space<semaphore_mem>>) src(%dma_wait3A_27 : memref<128xi32, #tpu.memory_space<hbm>>) dst(%arg5 : memref<128xi32, #tpu.memory_space<vmem>>)
      %dma_start3A_28 = arith.constant 0 : i32
      %dma_start3A_29 = arith.constant 0 : i32
      %dma_start3A_30 = tpu.memref_slice %arg2[%dma_start3A_28, %dma_start3A_29] : memref<10000x128xf32, #tpu.memory_space<hbm>> -> memref<10000x128xf32, #tpu.memory_space<hbm>>
      tpu.enqueue_indirect_dma source(%dma_start3A_30 : memref<10000x128xf32, #tpu.memory_space<hbm>>) target(%arg7 : memref<128x128xf32, #tpu.memory_space<vmem>>) offsets(%arg5 : memref<128xi32, #tpu.memory_space<vmem>>) semaphore(%arg13 : memref<!tpu.dma_semaphore, #tpu.memory_space<semaphore_mem>>)
      %dma_wait3A_31 = tpu.memref_slice %arg3[%add3A_21] : memref<320000xi32, #tpu.memory_space<hbm>> -> memref<128xi32, #tpu.memory_space<hbm>>
      %dma_wait3A_32 = tpu.memref_slice %arg3[%add3A_21] : memref<320000xi32, #tpu.memory_space<hbm>> -> memref<128xi32, #tpu.memory_space<hbm>>
      tpu.wait_dma2 semaphore(%arg12 : memref<!tpu.dma_semaphore, #tpu.memory_space<semaphore_mem>>) src(%dma_wait3A_32 : memref<128xi32, #tpu.memory_space<hbm>>) dst(%arg6 : memref<128xi32, #tpu.memory_space<vmem>>)
      %dma_start3A_33 = arith.constant 0 : i32
      %dma_start3A_34 = arith.constant 0 : i32
      %dma_start3A_35 = tpu.memref_slice %arg2[%dma_start3A_33, %dma_start3A_34] : memref<10000x128xf32, #tpu.memory_space<hbm>> -> memref<10000x128xf32, #tpu.memory_space<hbm>>
      tpu.enqueue_indirect_dma source(%dma_start3A_35 : memref<10000x128xf32, #tpu.memory_space<hbm>>) target(%arg8 : memref<128x128xf32, #tpu.memory_space<vmem>>) offsets(%arg6 : memref<128xi32, #tpu.memory_space<vmem>>) semaphore(%arg14 : memref<!tpu.dma_semaphore, #tpu.memory_space<semaphore_mem>>)
      %dma_wait3A_36 = arith.constant 0 : i32
      %dma_wait3A_37 = arith.constant 0 : i32
      %dma_wait3A_38 = tpu.memref_slice %arg2[%dma_wait3A_36, %dma_wait3A_37] : memref<10000x128xf32, #tpu.memory_space<hbm>> -> memref<10000x128xf32, #tpu.memory_space<hbm>>
      tpu.wait_indirect_dma semaphore(%arg13 : memref<!tpu.dma_semaphore, #tpu.memory_space<semaphore_mem>>) src(%dma_wait3A_38 : memref<10000x128xf32, #tpu.memory_space<hbm>>) dst(%arg7 : memref<128x128xf32, #tpu.memory_space<vmem>>)
      %dma_start3A_39 = arith.constant 0 : i32
      %dma_start3A_40 = tpu.memref_slice %arg4[%add3A_19, %dma_start3A_39] : memref<320000x128xf32, #tpu.memory_space<hbm>> -> memref<128x128xf32, #tpu.memory_space<hbm>>
      %dma_start3A_41 = arith.constant 0 : i32
      %dma_start3A_42 = tpu.memref_slice %arg4[%add3A_19, %dma_start3A_41] : memref<320000x128xf32, #tpu.memory_space<hbm>> -> memref<128x128xf32, #tpu.memory_space<hbm>>
      tpu.enqueue_dma source(%arg7 : memref<128x128xf32, #tpu.memory_space<vmem>>) target(%dma_start3A_42 : memref<128x128xf32, #tpu.memory_space<hbm>>) target_semaphore(%arg15 : memref<!tpu.dma_semaphore, #tpu.memory_space<semaphore_mem>>)
      %dma_wait3A_43 = arith.constant 0 : i32
      %dma_wait3A_44 = arith.constant 0 : i32
      %dma_wait3A_45 = tpu.memref_slice %arg2[%dma_wait3A_43, %dma_wait3A_44] : memref<10000x128xf32, #tpu.memory_space<hbm>> -> memref<10000x128xf32, #tpu.memory_space<hbm>>
      tpu.wait_indirect_dma semaphore(%arg14 : memref<!tpu.dma_semaphore, #tpu.memory_space<semaphore_mem>>) src(%dma_wait3A_45 : memref<10000x128xf32, #tpu.memory_space<hbm>>) dst(%arg8 : memref<128x128xf32, #tpu.memory_space<vmem>>)
      %dma_start3A_46 = arith.constant 0 : i32
      %dma_start3A_47 = tpu.memref_slice %arg4[%add3A_21, %dma_start3A_46] : memref<320000x128xf32, #tpu.memory_space<hbm>> -> memref<128x128xf32, #tpu.memory_space<hbm>>
      %dma_start3A_48 = arith.constant 0 : i32
      %dma_start3A_49 = tpu.memref_slice %arg4[%add3A_21, %dma_start3A_48] : memref<320000x128xf32, #tpu.memory_space<hbm>> -> memref<128x128xf32, #tpu.memory_space<hbm>>
      tpu.enqueue_dma source(%arg8 : memref<128x128xf32, #tpu.memory_space<vmem>>) target(%dma_start3A_49 : memref<128x128xf32, #tpu.memory_space<hbm>>) target_semaphore(%arg16 : memref<!tpu.dma_semaphore, #tpu.memory_space<semaphore_mem>>)
      %dma_wait3A_50 = arith.constant 0 : i32
      %dma_wait3A_51 = tpu.memref_slice %arg4[%add3A_19, %dma_wait3A_50] : memref<320000x128xf32, #tpu.memory_space<hbm>> -> memref<128x128xf32, #tpu.memory_space<hbm>>
      %dma_wait3A_52 = arith.constant 0 : i32
      %dma_wait3A_53 = tpu.memref_slice %arg4[%add3A_19, %dma_wait3A_52] : memref<320000x128xf32, #tpu.memory_space<hbm>> -> memref<128x128xf32, #tpu.memory_space<hbm>>
      tpu.wait_dma2 semaphore(%arg15 : memref<!tpu.dma_semaphore, #tpu.memory_space<semaphore_mem>>) src(%arg7 : memref<128x128xf32, #tpu.memory_space<vmem>>) dst(%dma_wait3A_53 : memref<128x128xf32, #tpu.memory_space<hbm>>)
      %dma_wait3A_54 = arith.constant 0 : i32
      %dma_wait3A_55 = tpu.memref_slice %arg4[%add3A_21, %dma_wait3A_54] : memref<320000x128xf32, #tpu.memory_space<hbm>> -> memref<128x128xf32, #tpu.memory_space<hbm>>
      %dma_wait3A_56 = arith.constant 0 : i32
      %dma_wait3A_57 = tpu.memref_slice %arg4[%add3A_21, %dma_wait3A_56] : memref<320000x128xf32, #tpu.memory_space<hbm>> -> memref<128x128xf32, #tpu.memory_space<hbm>>
      tpu.wait_dma2 semaphore(%arg16 : memref<!tpu.dma_semaphore, #tpu.memory_space<semaphore_mem>>) src(%arg8 : memref<128x128xf32, #tpu.memory_space<vmem>>) dst(%dma_wait3A_57 : memref<128x128xf32, #tpu.memory_space<hbm>>)
    }
    %scan3A_7 = arith.constant 39 : i32
    %add3A_8 = arith.constant 9984 : i32
    %add3A_9 = arith.addi %mul3A_2, %add3A_8 : i32
    "tpu.region"() ({
      %run_scoped3A = tpu.sem_alloc : memref<!tpu.dma_semaphore, #tpu.memory_space<semaphore_mem>>
      %dma_start3A_14 = tpu.memref_slice %arg3[%add3A_9] : memref<320000xi32, #tpu.memory_space<hbm>> -> memref<16xi32, #tpu.memory_space<hbm>>
      %dma_start3A_15 = tpu.memref_slice %arg3[%add3A_9] : memref<320000xi32, #tpu.memory_space<hbm>> -> memref<16xi32, #tpu.memory_space<hbm>>
      tpu.enqueue_dma source(%dma_start3A_15 : memref<16xi32, #tpu.memory_space<hbm>>) target(%arg9 : memref<16xi32, #tpu.memory_space<vmem>>) target_semaphore(%run_scoped3A : memref<!tpu.dma_semaphore, #tpu.memory_space<semaphore_mem>>)
      %dma_wait3A_16 = tpu.memref_slice %arg3[%add3A_9] : memref<320000xi32, #tpu.memory_space<hbm>> -> memref<16xi32, #tpu.memory_space<hbm>>
      %dma_wait3A_17 = tpu.memref_slice %arg3[%add3A_9] : memref<320000xi32, #tpu.memory_space<hbm>> -> memref<16xi32, #tpu.memory_space<hbm>>
      tpu.wait_dma2 semaphore(%run_scoped3A : memref<!tpu.dma_semaphore, #tpu.memory_space<semaphore_mem>>) src(%dma_wait3A_17 : memref<16xi32, #tpu.memory_space<hbm>>) dst(%arg9 : memref<16xi32, #tpu.memory_space<vmem>>)
      tpu.yield
    }) : () -> ()
    %dma_start3A = arith.constant 0 : i32
    %dma_start3A_10 = arith.constant 0 : i32
    %dma_start3A_11 = tpu.memref_slice %arg2[%dma_start3A, %dma_start3A_10] : memref<10000x128xf32, #tpu.memory_space<hbm>> -> memref<10000x128xf32, #tpu.memory_space<hbm>>
    tpu.enqueue_indirect_dma source(%dma_start3A_11 : memref<10000x128xf32, #tpu.memory_space<hbm>>) target(%arg10 : memref<16x128xf32, #tpu.memory_space<vmem>>) offsets(%arg9 : memref<16xi32, #tpu.memory_space<vmem>>) semaphore(%arg11 : memref<!tpu.dma_semaphore, #tpu.memory_space<semaphore_mem>>)
    %dma_wait3A = arith.constant 0 : i32
    %dma_wait3A_12 = arith.constant 0 : i32
    %dma_wait3A_13 = tpu.memref_slice %arg2[%dma_wait3A, %dma_wait3A_12] : memref<10000x128xf32, #tpu.memory_space<hbm>> -> memref<10000x128xf32, #tpu.memory_space<hbm>>
    tpu.wait_indirect_dma semaphore(%arg11 : memref<!tpu.dma_semaphore, #tpu.memory_space<semaphore_mem>>) src(%dma_wait3A_13 : memref<10000x128xf32, #tpu.memory_space<hbm>>) dst(%arg10 : memref<16x128xf32, #tpu.memory_space<vmem>>)
    "tpu.region"() ({
      %run_scoped3A = tpu.sem_alloc : memref<!tpu.dma_semaphore, #tpu.memory_space<semaphore_mem>>
      %dma_start3A_14 = arith.constant 0 : i32
      %dma_start3A_15 = tpu.memref_slice %arg4[%add3A_9, %dma_start3A_14] : memref<320000x128xf32, #tpu.memory_space<hbm>> -> memref<16x128xf32, #tpu.memory_space<hbm>>
      %dma_start3A_16 = arith.constant 0 : i32
      %dma_start3A_17 = tpu.memref_slice %arg4[%add3A_9, %dma_start3A_16] : memref<320000x128xf32, #tpu.memory_space<hbm>> -> memref<16x128xf32, #tpu.memory_space<hbm>>
      tpu.enqueue_dma source(%arg10 : memref<16x128xf32, #tpu.memory_space<vmem>>) target(%dma_start3A_17 : memref<16x128xf32, #tpu.memory_space<hbm>>) target_semaphore(%run_scoped3A : memref<!tpu.dma_semaphore, #tpu.memory_space<semaphore_mem>>)
      %dma_wait3A_18 = arith.constant 0 : i32
      %dma_wait3A_19 = tpu.memref_slice %arg4[%add3A_9, %dma_wait3A_18] : memref<320000x128xf32, #tpu.memory_space<hbm>> -> memref<16x128xf32, #tpu.memory_space<hbm>>
      %dma_wait3A_20 = arith.constant 0 : i32
      %dma_wait3A_21 = tpu.memref_slice %arg4[%add3A_9, %dma_wait3A_20] : memref<320000x128xf32, #tpu.memory_space<hbm>> -> memref<16x128xf32, #tpu.memory_space<hbm>>
      tpu.wait_dma2 semaphore(%run_scoped3A : memref<!tpu.dma_semaphore, #tpu.memory_space<semaphore_mem>>) src(%arg10 : memref<16x128xf32, #tpu.memory_space<vmem>>) dst(%dma_wait3A_21 : memref<16x128xf32, #tpu.memory_space<hbm>>)
      tpu.yield
    }) : () -> ()
    return
  }
}

module attributes {stable_mosaic.version = 14 : i64} {
  func.func @_proj_body(%arg0: i32, %arg1: memref<1000x128xf32, #tpu.memory_space<vmem>>, %arg2: memref<128x128xf32, #tpu.memory_space<vmem>>, %arg3: memref<1x128xf32, #tpu.memory_space<vmem>>, %arg4: memref<1000x128xf32, #tpu.memory_space<vmem>>) attributes {dimension_semantics = [#tpu.dimension_semantics<arbitrary>], iteration_bounds = array<i64: 10>, scalar_prefetch = 0 : i64, scratch_operands = 0 : i64, tpu.core_type = #tpu.core_type<tc>, window_params = [{transform_indices = @transform_0, window_bounds = array<i64: 1000, 128>}, {pipeline_mode = #tpu.pipeline_mode<synchronous>, transform_indices = @transform_1, window_bounds = array<i64: 128, 128>}, {pipeline_mode = #tpu.pipeline_mode<synchronous>, transform_indices = @transform_2, window_bounds = array<i64: 1, 128>}, {transform_indices = @transform_3, window_bounds = array<i64: 1000, 128>}]} {
    %get3A = arith.constant 0 : index
    %get3A_0 = arith.constant 0 : index
    %get3A_1 = vector.load %arg1[%get3A, %get3A_0] : memref<1000x128xf32, #tpu.memory_space<vmem>>, vector<1000x128xf32>
    %get3A_2 = arith.constant 0 : index
    %get3A_3 = arith.constant 0 : index
    %get3A_4 = vector.load %arg2[%get3A_2, %get3A_3] : memref<128x128xf32, #tpu.memory_space<vmem>>, vector<128x128xf32>
    %dot_general3A = arith.constant dense<0.000000e+00> : vector<1000x128xf32>
    %dot_general3A_5 = tpu.matmul %get3A_1, %get3A_4, %dot_general3A {dimension_numbers = #tpu.dot_dimension_numbers<[1], [0], [0], [1], [0, 0, 1, 1], [], []>, precision = #tpu.contract_precision<fp32>, transpose_lhs_hint = false} : vector<1000x128xf32>, vector<128x128xf32>, vector<1000x128xf32> -> vector<1000x128xf32>
    %get3A_6 = arith.constant 0 : index
    %get3A_7 = arith.constant 0 : index
    %get3A_8 = vector.load %arg3[%get3A_6, %get3A_7] : memref<1x128xf32, #tpu.memory_space<vmem>>, vector<1x128xf32>
    %add3A = vector.broadcast %get3A_8 : vector<1x128xf32> to vector<1000x128xf32>
    %add3A_9 = arith.addf %dot_general3A_5, %add3A : vector<1000x128xf32>
    %swap3A = arith.constant 0 : index
    %swap3A_10 = arith.constant 0 : index
    %swap3A_11 = vector.load %arg4[%swap3A, %swap3A_10] : memref<1000x128xf32, #tpu.memory_space<vmem>>, vector<1000x128xf32>
    tpu.vector_store %arg4[%swap3A, %swap3A_10], %add3A_9 {strides = array<i32>} : memref<1000x128xf32, #tpu.memory_space<vmem>>, vector<1000x128xf32>,
    return
  }
  func.func @transform_0(%arg0: i32) -> (i32, i32) {
    %c0_i32 = arith.constant 0 : i32
    %c0_i32_0 = arith.constant 0 : i32
    return %arg0, %c0_i32 : i32, i32
  }
  func.func @transform_1(%arg0: i32) -> (i32, i32) {
    %c0_i32 = arith.constant 0 : i32
    %c0_i32_0 = arith.constant 0 : i32
    %c0_i32_1 = arith.constant 0 : i32
    return %c0_i32, %c0_i32_0 : i32, i32
  }
  func.func @transform_2(%arg0: i32) -> (i32, i32) {
    %c0_i32 = arith.constant 0 : i32
    %c0_i32_0 = arith.constant 0 : i32
    %c0_i32_1 = arith.constant 0 : i32
    return %c0_i32, %c0_i32_0 : i32, i32
  }
  func.func @transform_3(%arg0: i32) -> (i32, i32) {
    %c0_i32 = arith.constant 0 : i32
    %c0_i32_0 = arith.constant 0 : i32
    return %arg0, %c0_i32 : i32, i32
  }
}

module attributes {stable_mosaic.version = 14 : i64} {
  func.func @_edge_body(%arg0: i32, %arg1: memref<512x128xf32, #tpu.memory_space<vmem>>, %arg2: memref<512x128xf32, #tpu.memory_space<vmem>>, %arg3: memref<512x128xf32, #tpu.memory_space<vmem>>, %arg4: memref<128x128xf32, #tpu.memory_space<vmem>>, %arg5: memref<1x128xf32, #tpu.memory_space<vmem>>, %arg6: memref<128x128xf32, #tpu.memory_space<vmem>>, %arg7: memref<1x128xf32, #tpu.memory_space<vmem>>, %arg8: memref<512x128xf32, #tpu.memory_space<vmem>>, %arg9: memref<512x16xf32, #tpu.memory_space<vmem>>) attributes {dimension_semantics = [#tpu.dimension_semantics<arbitrary>], iteration_bounds = array<i64: 625>, scalar_prefetch = 0 : i64, scratch_operands = 0 : i64, tpu.core_type = #tpu.core_type<tc>, window_params = [{transform_indices = @transform_0, window_bounds = array<i64: 512, 128>}, {transform_indices = @transform_1, window_bounds = array<i64: 512, 128>}, {transform_indices = @transform_2, window_bounds = array<i64: 512, 128>}, {pipeline_mode = #tpu.pipeline_mode<synchronous>, transform_indices = @transform_3, window_bounds = array<i64: 128, 128>}, {pipeline_mode = #tpu.pipeline_mode<synchronous>, transform_indices = @transform_4, window_bounds = array<i64: 1, 128>}, {pipeline_mode = #tpu.pipeline_mode<synchronous>, transform_indices = @transform_5, window_bounds = array<i64: 128, 128>}, {pipeline_mode = #tpu.pipeline_mode<synchronous>, transform_indices = @transform_6, window_bounds = array<i64: 1, 128>}, {transform_indices = @transform_7, window_bounds = array<i64: 512, 128>}, {transform_indices = @transform_8, window_bounds = array<i64: 512, 16>}]} {
    %get3A = arith.constant 0 : index
    %get3A_0 = arith.constant 0 : index
    %get3A_1 = vector.load %arg1[%get3A, %get3A_0] : memref<512x128xf32, #tpu.memory_space<vmem>>, vector<512x128xf32>
    %get3A_2 = arith.constant 0 : index
    %get3A_3 = arith.constant 0 : index
    %get3A_4 = vector.load %arg4[%get3A_2, %get3A_3] : memref<128x128xf32, #tpu.memory_space<vmem>>, vector<128x128xf32>
    %dot_general3A = arith.constant dense<0.000000e+00> : vector<512x128xf32>
    %dot_general3A_5 = tpu.matmul %get3A_1, %get3A_4, %dot_general3A {dimension_numbers = #tpu.dot_dimension_numbers<[1], [0], [0], [1], [0, 0, 1, 1], [], []>, transpose_lhs_hint = false} : vector<512x128xf32>, vector<128x128xf32>, vector<512x128xf32> -> vector<512x128xf32>
    %get3A_6 = arith.constant 0 : index
    %get3A_7 = arith.constant 0 : index
    %get3A_8 = vector.load %arg5[%get3A_6, %get3A_7] : memref<1x128xf32, #tpu.memory_space<vmem>>, vector<1x128xf32>
    %add3A = vector.broadcast %get3A_8 : vector<1x128xf32> to vector<512x128xf32>
    %add3A_9 = arith.addf %dot_general3A_5, %add3A : vector<512x128xf32>
    %get3A_10 = arith.constant 0 : index
    %get3A_11 = arith.constant 0 : index
    %get3A_12 = vector.load %arg2[%get3A_10, %get3A_11] : memref<512x128xf32, #tpu.memory_space<vmem>>, vector<512x128xf32>
    %get3A_13 = arith.constant 0 : index
    %get3A_14 = arith.constant 0 : index
    %get3A_15 = vector.load %arg6[%get3A_13, %get3A_14] : memref<128x128xf32, #tpu.memory_space<vmem>>, vector<128x128xf32>
    %dot_general3A_16 = arith.constant dense<0.000000e+00> : vector<512x128xf32>
    %dot_general3A_17 = tpu.matmul %get3A_12, %get3A_15, %dot_general3A_16 {dimension_numbers = #tpu.dot_dimension_numbers<[1], [0], [0], [1], [0, 0, 1, 1], [], []>, transpose_lhs_hint = false} : vector<512x128xf32>, vector<128x128xf32>, vector<512x128xf32> -> vector<512x128xf32>
    %get3A_18 = arith.constant 0 : index
    %get3A_19 = arith.constant 0 : index
    %get3A_20 = vector.load %arg7[%get3A_18, %get3A_19] : memref<1x128xf32, #tpu.memory_space<vmem>>, vector<1x128xf32>
    %add3A_21 = vector.broadcast %get3A_20 : vector<1x128xf32> to vector<512x128xf32>
    %add3A_22 = arith.addf %dot_general3A_17, %add3A_21 : vector<512x128xf32>
    %get3A_23 = arith.constant 0 : index
    %get3A_24 = arith.constant 0 : index
    %get3A_25 = vector.load %arg3[%get3A_23, %get3A_24] : memref<512x128xf32, #tpu.memory_space<vmem>>, vector<512x128xf32>
    %mul3A = arith.mulf %get3A_25, %add3A_9 : vector<512x128xf32>
    %iota3A = tpu.iota {dimensions = array<i32: 0>} : vector<128x16xi32>
    %jit3A = arith.constant 32 : i32
    %div3A = vector.broadcast %jit3A : i32 to vector<128x16xi32>
    %div3A_26 = arith.divsi %iota3A, %div3A : vector<128x16xi32>
    %sign3A = arith.constant 0 : i32
    %sign3A_27 = vector.broadcast %sign3A : i32 to vector<128x16xi32>
    %sign3A_28 = arith.cmpi sgt, %iota3A, %sign3A_27 : vector<128x16xi32>
    %sign3A_29 = arith.extui %sign3A_28 : vector<128x16xi1> to vector<128x16xi32>
    %sign3A_30 = arith.constant 0 : i32
    %sign3A_31 = vector.broadcast %sign3A_30 : i32 to vector<128x16xi32>
    %sign3A_32 = arith.cmpi slt, %iota3A, %sign3A_31 : vector<128x16xi32>
    %sign3A_33 = arith.extui %sign3A_32 : vector<128x16xi1> to vector<128x16xi32>
    %sign3A_34 = arith.subi %sign3A_29, %sign3A_33 : vector<128x16xi32>
    %sign3A_35 = arith.constant 0 : i32
    %sign3A_36 = arith.cmpi sgt, %jit3A, %sign3A_35 : i32
    %sign3A_37 = arith.extui %sign3A_36 : i1 to i32
    %sign3A_38 = arith.constant 0 : i32
    %sign3A_39 = arith.cmpi slt, %jit3A, %sign3A_38 : i32
    %sign3A_40 = arith.extui %sign3A_39 : i1 to i32
    %sign3A_41 = arith.subi %sign3A_37, %sign3A_40 : i32
    %ne3A = vector.broadcast %sign3A_41 : i32 to vector<128x16xi32>
    %ne3A_42 = arith.cmpi ne, %sign3A_34, %ne3A : vector<128x16xi32>
    %rem3A = vector.broadcast %jit3A : i32 to vector<128x16xi32>
    %rem3A_43 = arith.remsi %iota3A, %rem3A : vector<128x16xi32>
    %ne3A_44 = arith.constant 0 : i32
    %ne3A_45 = vector.broadcast %ne3A_44 : i32 to vector<128x16xi32>
    %ne3A_46 = arith.cmpi ne, %rem3A_43, %ne3A_45 : vector<128x16xi32>
    %and3A = arith.andi %ne3A_42, %ne3A_46 : vector<128x16xi1>
    %sub3A = arith.constant 1 : i32
    %sub3A_47 = vector.broadcast %sub3A : i32 to vector<128x16xi32>
    %sub3A_48 = arith.subi %div3A_26, %sub3A_47 : vector<128x16xi32>
    %select_n3A = arith.select %and3A, %sub3A_48, %div3A_26 : vector<128x16xi1>, vector<128x16xi32>
    %iota3A_49 = tpu.iota {dimensions = array<i32: 1>} : vector<128x16xi32>
    %eq3A = arith.cmpi eq, %select_n3A, %iota3A_49 : vector<128x16xi32>
    %jit3A_50 = arith.constant 1.000000e+00 : f32
    %jit3A_51 = arith.constant 0.000000e+00 : f32
    %broadcast_in_dim3A = vector.broadcast %jit3A_50 : f32 to vector<128x16xf32>
    %broadcast_in_dim3A_52 = vector.broadcast %jit3A_51 : f32 to vector<128x16xf32>
    %select_n3A_53 = arith.select %eq3A, %broadcast_in_dim3A, %broadcast_in_dim3A_52 : vector<128x16xi1>, vector<128x16xf32>
    %dot_general3A_54 = arith.constant dense<0.000000e+00> : vector<512x16xf32>
    %dot_general3A_55 = tpu.matmul %mul3A, %select_n3A_53, %dot_general3A_54 {dimension_numbers = #tpu.dot_dimension_numbers<[1], [0], [0], [1], [0, 0, 1, 1], [], []>, precision = #tpu.contract_precision<fp32>, transpose_lhs_hint = false} : vector<512x128xf32>, vector<128x16xf32>, vector<512x16xf32> -> vector<512x16xf32>
    %mul3A_56 = arith.constant 0.176776692 : f32
    %mul3A_57 = vector.broadcast %mul3A_56 : f32 to vector<512x16xf32>
    %mul3A_58 = arith.mulf %dot_general3A_55, %mul3A_57 : vector<512x16xf32>
    %iota3A_59 = tpu.iota {dimensions = array<i32: 1>} : vector<512x16xi32>
    %lt3A = arith.constant 4 : i32
    %lt3A_60 = vector.broadcast %lt3A : i32 to vector<512x16xi32>
    %lt3A_61 = arith.cmpi slt, %iota3A_59, %lt3A_60 : vector<512x16xi32>
    %exp3A = math.exp %mul3A_58 : vector<512x16xf32>
    %jit3A_62 = arith.constant 0.000000e+00 : f32
    %broadcast_in_dim3A_63 = vector.broadcast %jit3A_62 : f32 to vector<512x16xf32>
    %select_n3A_64 = arith.select %lt3A_61, %exp3A, %broadcast_in_dim3A_63 : vector<512x16xi1>, vector<512x16xf32>
    %swap3A = arith.constant 0 : index
    %swap3A_65 = arith.constant 0 : index
    %swap3A_66 = vector.load %arg9[%swap3A, %swap3A_65] : memref<512x16xf32, #tpu.memory_space<vmem>>, vector<512x16xf32>
    tpu.vector_store %arg9[%swap3A, %swap3A_65], %select_n3A_64 {strides = array<i32>} : memref<512x16xf32, #tpu.memory_space<vmem>>, vector<512x16xf32>,
    %iota3A_67 = tpu.iota {dimensions = array<i32: 0>} : vector<16x128xi32>
    %iota3A_68 = tpu.iota {dimensions = array<i32: 1>} : vector<16x128xi32>
    %jit3A_69 = arith.constant 32 : i32
    %div3A_70 = vector.broadcast %jit3A_69 : i32 to vector<16x128xi32>
    %div3A_71 = arith.divsi %iota3A_68, %div3A_70 : vector<16x128xi32>
    %sign3A_72 = arith.constant 0 : i32
    %sign3A_73 = vector.broadcast %sign3A_72 : i32 to vector<16x128xi32>
    %sign3A_74 = arith.cmpi sgt, %iota3A_68, %sign3A_73 : vector<16x128xi32>
    %sign3A_75 = arith.extui %sign3A_74 : vector<16x128xi1> to vector<16x128xi32>
    %sign3A_76 = arith.constant 0 : i32
    %sign3A_77 = vector.broadcast %sign3A_76 : i32 to vector<16x128xi32>
    %sign3A_78 = arith.cmpi slt, %iota3A_68, %sign3A_77 : vector<16x128xi32>
    %sign3A_79 = arith.extui %sign3A_78 : vector<16x128xi1> to vector<16x128xi32>
    %sign3A_80 = arith.subi %sign3A_75, %sign3A_79 : vector<16x128xi32>
    %sign3A_81 = arith.constant 0 : i32
    %sign3A_82 = arith.cmpi sgt, %jit3A_69, %sign3A_81 : i32
    %sign3A_83 = arith.extui %sign3A_82 : i1 to i32
    %sign3A_84 = arith.constant 0 : i32
    %sign3A_85 = arith.cmpi slt, %jit3A_69, %sign3A_84 : i32
    %sign3A_86 = arith.extui %sign3A_85 : i1 to i32
    %sign3A_87 = arith.subi %sign3A_83, %sign3A_86 : i32
    %ne3A_88 = vector.broadcast %sign3A_87 : i32 to vector<16x128xi32>
    %ne3A_89 = arith.cmpi ne, %sign3A_80, %ne3A_88 : vector<16x128xi32>
    %rem3A_90 = vector.broadcast %jit3A_69 : i32 to vector<16x128xi32>
    %rem3A_91 = arith.remsi %iota3A_68, %rem3A_90 : vector<16x128xi32>
    %ne3A_92 = arith.constant 0 : i32
    %ne3A_93 = vector.broadcast %ne3A_92 : i32 to vector<16x128xi32>
    %ne3A_94 = arith.cmpi ne, %rem3A_91, %ne3A_93 : vector<16x128xi32>
    %and3A_95 = arith.andi %ne3A_89, %ne3A_94 : vector<16x128xi1>
    %sub3A_96 = arith.constant 1 : i32
    %sub3A_97 = vector.broadcast %sub3A_96 : i32 to vector<16x128xi32>
    %sub3A_98 = arith.subi %div3A_71, %sub3A_97 : vector<16x128xi32>
    %select_n3A_99 = arith.select %and3A_95, %sub3A_98, %div3A_71 : vector<16x128xi1>, vector<16x128xi32>
    %eq3A_100 = arith.cmpi eq, %iota3A_67, %select_n3A_99 : vector<16x128xi32>
    %jit3A_101 = arith.constant 1.000000e+00 : f32
    %jit3A_102 = arith.constant 0.000000e+00 : f32
    %broadcast_in_dim3A_103 = vector.broadcast %jit3A_101 : f32 to vector<16x128xf32>
    %broadcast_in_dim3A_104 = vector.broadcast %jit3A_102 : f32 to vector<16x128xf32>
    %select_n3A_105 = arith.select %eq3A_100, %broadcast_in_dim3A_103, %broadcast_in_dim3A_104 : vector<16x128xi1>, vector<16x128xf32>
    %dot_general3A_106 = arith.constant dense<0.000000e+00> : vector<512x128xf32>
    %dot_general3A_107 = tpu.matmul %select_n3A_64, %select_n3A_105, %dot_general3A_106 {dimension_numbers = #tpu.dot_dimension_numbers<[1], [0], [0], [1], [0, 0, 1, 1], [], []>, precision = #tpu.contract_precision<fp32>, transpose_lhs_hint = false} : vector<512x16xf32>, vector<16x128xf32>, vector<512x128xf32> -> vector<512x128xf32>
    %mul3A_108 = arith.mulf %add3A_22, %dot_general3A_107 : vector<512x128xf32>
    %swap3A_109 = arith.constant 0 : index
    %swap3A_110 = arith.constant 0 : index
    %swap3A_111 = vector.load %arg8[%swap3A_109, %swap3A_110] : memref<512x128xf32, #tpu.memory_space<vmem>>, vector<512x128xf32>
    tpu.vector_store %arg8[%swap3A_109, %swap3A_110], %mul3A_108 {strides = array<i32>} : memref<512x128xf32, #tpu.memory_space<vmem>>, vector<512x128xf32>,
    return
  }
  func.func @transform_0(%arg0: i32) -> (i32, i32) {
    %c0_i32 = arith.constant 0 : i32
    %c0_i32_0 = arith.constant 0 : i32
    return %arg0, %c0_i32 : i32, i32
  }
  func.func @transform_1(%arg0: i32) -> (i32, i32) {
    %c0_i32 = arith.constant 0 : i32
    %c0_i32_0 = arith.constant 0 : i32
    return %arg0, %c0_i32 : i32, i32
  }
  func.func @transform_2(%arg0: i32) -> (i32, i32) {
    %c0_i32 = arith.constant 0 : i32
    %c0_i32_0 = arith.constant 0 : i32
    return %arg0, %c0_i32 : i32, i32
  }
  func.func @transform_3(%arg0: i32) -> (i32, i32) {
    %c0_i32 = arith.constant 0 : i32
    %c0_i32_0 = arith.constant 0 : i32
    %c0_i32_1 = arith.constant 0 : i32
    return %c0_i32, %c0_i32_0 : i32, i32
  }
  func.func @transform_4(%arg0: i32) -> (i32, i32) {
    %c0_i32 = arith.constant 0 : i32
    %c0_i32_0 = arith.constant 0 : i32
    %c0_i32_1 = arith.constant 0 : i32
    return %c0_i32, %c0_i32_0 : i32, i32
  }
  func.func @transform_5(%arg0: i32) -> (i32, i32) {
    %c0_i32 = arith.constant 0 : i32
    %c0_i32_0 = arith.constant 0 : i32
    %c0_i32_1 = arith.constant 0 : i32
    return %c0_i32, %c0_i32_0 : i32, i32
  }
  func.func @transform_6(%arg0: i32) -> (i32, i32) {
    %c0_i32 = arith.constant 0 : i32
    %c0_i32_0 = arith.constant 0 : i32
    %c0_i32_1 = arith.constant 0 : i32
    return %c0_i32, %c0_i32_0 : i32, i32
  }
  func.func @transform_7(%arg0: i32) -> (i32, i32) {
    %c0_i32 = arith.constant 0 : i32
    %c0_i32_0 = arith.constant 0 : i32
    return %arg0, %c0_i32 : i32, i32
  }
  func.func @transform_8(%arg0: i32) -> (i32, i32) {
    %c0_i32 = arith.constant 0 : i32
    %c0_i32_0 = arith.constant 0 : i32
    return %arg0, %c0_i32 : i32, i32
  }
}

module attributes {stable_mosaic.version = 14 : i64} {
  func.func @_rsm_body(%arg0: i32, %arg1: memref<32x8192xf32, #tpu.memory_space<vmem>>, %arg2: memref<1x8192xf32, #tpu.memory_space<vmem>>) attributes {dimension_semantics = [#tpu.dimension_semantics<arbitrary>], iteration_bounds = array<i64: 5>, scalar_prefetch = 0 : i64, scratch_operands = 0 : i64, tpu.core_type = #tpu.core_type<tc>, window_params = [{transform_indices = @transform_0, window_bounds = array<i64: 32, 8192>}, {transform_indices = @transform_1, window_bounds = array<i64: 1, 8192>}]} {
    %get3A = arith.constant 0 : index
    %get3A_0 = arith.constant 0 : index
    %get3A_1 = vector.load %arg1[%get3A, %get3A_0] : memref<32x8192xf32, #tpu.memory_space<vmem>>, vector<32x8192xf32>
    %reduce_sum3A = arith.constant dense<0.000000e+00> : vector<8192xf32>
    %reduce_sum3A_2 = vector.multi_reduction <add>, %get3A_1, %reduce_sum3A [0] : vector<32x8192xf32> to vector<8192xf32>
    %add3A = arith.constant 1.000000e-07 : f32
    %add3A_3 = vector.broadcast %add3A : f32 to vector<8192xf32>
    %add3A_4 = arith.addf %reduce_sum3A_2, %add3A_3 : vector<8192xf32>
    %div3A = arith.constant 1.000000e+00 : f32
    %div3A_5 = vector.broadcast %div3A : f32 to vector<8192xf32>
    %div3A_6 = arith.divf %div3A_5, %add3A_4 : vector<8192xf32>
    %reshape3A = vector.shape_cast %div3A_6 : vector<8192xf32> to vector<1x8192xf32>
    %swap3A = arith.constant 0 : index
    %swap3A_7 = arith.constant 0 : index
    %swap3A_8 = vector.load %arg2[%swap3A, %swap3A_7] : memref<1x8192xf32, #tpu.memory_space<vmem>>, vector<1x8192xf32>
    tpu.vector_store %arg2[%swap3A, %swap3A_7], %reshape3A {strides = array<i32>} : memref<1x8192xf32, #tpu.memory_space<vmem>>, vector<1x8192xf32>,
    return
  }
  func.func @transform_0(%arg0: i32) -> (i32, i32) {
    %c0_i32 = arith.constant 0 : i32
    %c0_i32_0 = arith.constant 0 : i32
    return %c0_i32, %arg0 : i32, i32
  }
  func.func @transform_1(%arg0: i32) -> (i32, i32) {
    %c0_i32 = arith.constant 0 : i32
    %c0_i32_0 = arith.constant 0 : i32
    return %c0_i32, %arg0 : i32, i32
  }
}

module attributes {stable_mosaic.version = 14 : i64} {
  func.func @_final_body(%arg0: i32, %arg1: memref<2x1000x128xf32, #tpu.memory_space<vmem>>, %arg2: memref<1000x4xf32, #tpu.memory_space<vmem>>, %arg3: memref<128x128xf32, #tpu.memory_space<vmem>>, %arg4: memref<1x128xf32, #tpu.memory_space<vmem>>, %arg5: memref<1x128xf32, #tpu.memory_space<vmem>>, %arg6: memref<1x128xf32, #tpu.memory_space<vmem>>, %arg7: memref<1000x128xf32, #tpu.memory_space<vmem>>) attributes {dimension_semantics = [#tpu.dimension_semantics<arbitrary>], iteration_bounds = array<i64: 10>, scalar_prefetch = 0 : i64, scratch_operands = 0 : i64, tpu.core_type = #tpu.core_type<tc>, window_params = [{transform_indices = @transform_0, window_bounds = array<i64: 2, 1000, 128>}, {transform_indices = @transform_1, window_bounds = array<i64: 1000, 4>}, {pipeline_mode = #tpu.pipeline_mode<synchronous>, transform_indices = @transform_2, window_bounds = array<i64: 128, 128>}, {pipeline_mode = #tpu.pipeline_mode<synchronous>, transform_indices = @transform_3, window_bounds = array<i64: 1, 128>}, {pipeline_mode = #tpu.pipeline_mode<synchronous>, transform_indices = @transform_4, window_bounds = array<i64: 1, 128>}, {pipeline_mode = #tpu.pipeline_mode<synchronous>, transform_indices = @transform_5, window_bounds = array<i64: 1, 128>}, {transform_indices = @transform_6, window_bounds = array<i64: 1000, 128>}]} {
    %get3A = arith.constant 0 : index
    %get3A_0 = arith.constant 0 : index
    %get3A_1 = arith.constant 0 : index
    %get3A_2 = vector.load %arg1[%get3A, %get3A_0, %get3A_1] : memref<2x1000x128xf32, #tpu.memory_space<vmem>>, vector<1x1000x128xf32>
    %get3A_3 = vector.shape_cast %get3A_2 : vector<1x1000x128xf32> to vector<1000x128xf32>
    %get3A_4 = arith.constant 1 : index
    %get3A_5 = arith.constant 0 : index
    %get3A_6 = arith.constant 0 : index
    %get3A_7 = vector.load %arg1[%get3A_4, %get3A_5, %get3A_6] : memref<2x1000x128xf32, #tpu.memory_space<vmem>>, vector<1x1000x128xf32>
    %get3A_8 = vector.shape_cast %get3A_7 : vector<1x1000x128xf32> to vector<1000x128xf32>
    %add3A = arith.addf %get3A_3, %get3A_8 : vector<1000x128xf32>
    %iota3A = tpu.iota {dimensions = array<i32: 0>} : vector<4x128xi32>
    %iota3A_9 = tpu.iota {dimensions = array<i32: 1>} : vector<4x128xi32>
    %jit3A = arith.constant 32 : i32
    %div3A = vector.broadcast %jit3A : i32 to vector<4x128xi32>
    %div3A_10 = arith.divsi %iota3A_9, %div3A : vector<4x128xi32>
    %sign3A = arith.constant 0 : i32
    %sign3A_11 = vector.broadcast %sign3A : i32 to vector<4x128xi32>
    %sign3A_12 = arith.cmpi sgt, %iota3A_9, %sign3A_11 : vector<4x128xi32>
    %sign3A_13 = arith.extui %sign3A_12 : vector<4x128xi1> to vector<4x128xi32>
    %sign3A_14 = arith.constant 0 : i32
    %sign3A_15 = vector.broadcast %sign3A_14 : i32 to vector<4x128xi32>
    %sign3A_16 = arith.cmpi slt, %iota3A_9, %sign3A_15 : vector<4x128xi32>
    %sign3A_17 = arith.extui %sign3A_16 : vector<4x128xi1> to vector<4x128xi32>
    %sign3A_18 = arith.subi %sign3A_13, %sign3A_17 : vector<4x128xi32>
    %sign3A_19 = arith.constant 0 : i32
    %sign3A_20 = arith.cmpi sgt, %jit3A, %sign3A_19 : i32
    %sign3A_21 = arith.extui %sign3A_20 : i1 to i32
    %sign3A_22 = arith.constant 0 : i32
    %sign3A_23 = arith.cmpi slt, %jit3A, %sign3A_22 : i32
    %sign3A_24 = arith.extui %sign3A_23 : i1 to i32
    %sign3A_25 = arith.subi %sign3A_21, %sign3A_24 : i32
    %ne3A = vector.broadcast %sign3A_25 : i32 to vector<4x128xi32>
    %ne3A_26 = arith.cmpi ne, %sign3A_18, %ne3A : vector<4x128xi32>
    %rem3A = vector.broadcast %jit3A : i32 to vector<4x128xi32>
    %rem3A_27 = arith.remsi %iota3A_9, %rem3A : vector<4x128xi32>
    %ne3A_28 = arith.constant 0 : i32
    %ne3A_29 = vector.broadcast %ne3A_28 : i32 to vector<4x128xi32>
    %ne3A_30 = arith.cmpi ne, %rem3A_27, %ne3A_29 : vector<4x128xi32>
    %and3A = arith.andi %ne3A_26, %ne3A_30 : vector<4x128xi1>
    %sub3A = arith.constant 1 : i32
    %sub3A_31 = vector.broadcast %sub3A : i32 to vector<4x128xi32>
    %sub3A_32 = arith.subi %div3A_10, %sub3A_31 : vector<4x128xi32>
    %select_n3A = arith.select %and3A, %sub3A_32, %div3A_10 : vector<4x128xi1>, vector<4x128xi32>
    %eq3A = arith.cmpi eq, %iota3A, %select_n3A : vector<4x128xi32>
    %jit3A_33 = arith.constant 1.000000e+00 : f32
    %jit3A_34 = arith.constant 0.000000e+00 : f32
    %broadcast_in_dim3A = vector.broadcast %jit3A_33 : f32 to vector<4x128xf32>
    %broadcast_in_dim3A_35 = vector.broadcast %jit3A_34 : f32 to vector<4x128xf32>
    %select_n3A_36 = arith.select %eq3A, %broadcast_in_dim3A, %broadcast_in_dim3A_35 : vector<4x128xi1>, vector<4x128xf32>
    %get3A_37 = arith.constant 0 : index
    %get3A_38 = arith.constant 0 : index
    %get3A_39 = vector.load %arg2[%get3A_37, %get3A_38] : memref<1000x4xf32, #tpu.memory_space<vmem>>, vector<1000x4xf32>
    %dot_general3A = arith.constant dense<0.000000e+00> : vector<1000x128xf32>
    %dot_general3A_40 = tpu.matmul %get3A_39, %select_n3A_36, %dot_general3A {dimension_numbers = #tpu.dot_dimension_numbers<[1], [0], [0], [1], [0, 0, 1, 1], [], []>, precision = #tpu.contract_precision<fp32>, transpose_lhs_hint = false} : vector<1000x4xf32>, vector<4x128xf32>, vector<1000x128xf32> -> vector<1000x128xf32>
    %mul3A = arith.mulf %add3A, %dot_general3A_40 : vector<1000x128xf32>
    %get3A_41 = arith.constant 0 : index
    %get3A_42 = arith.constant 0 : index
    %get3A_43 = vector.load %arg3[%get3A_41, %get3A_42] : memref<128x128xf32, #tpu.memory_space<vmem>>, vector<128x128xf32>
    %dot_general3A_44 = arith.constant dense<0.000000e+00> : vector<1000x128xf32>
    %dot_general3A_45 = tpu.matmul %mul3A, %get3A_43, %dot_general3A_44 {dimension_numbers = #tpu.dot_dimension_numbers<[1], [0], [0], [1], [0, 0, 1, 1], [], []>, precision = #tpu.contract_precision<fp32>, transpose_lhs_hint = false} : vector<1000x128xf32>, vector<128x128xf32>, vector<1000x128xf32> -> vector<1000x128xf32>
    %get3A_46 = arith.constant 0 : index
    %get3A_47 = arith.constant 0 : index
    %get3A_48 = vector.load %arg4[%get3A_46, %get3A_47] : memref<1x128xf32, #tpu.memory_space<vmem>>, vector<1x128xf32>
    %add3A_49 = vector.broadcast %get3A_48 : vector<1x128xf32> to vector<1000x128xf32>
    %add3A_50 = arith.addf %dot_general3A_45, %add3A_49 : vector<1000x128xf32>
    %reduce_sum3A = arith.constant dense<0.000000e+00> : vector<1000xf32>
    %reduce_sum3A_51 = vector.multi_reduction <add>, %add3A_50, %reduce_sum3A [1] : vector<1000x128xf32> to vector<1000xf32>
    %broadcast_in_dim3A_52 = vector.shape_cast %reduce_sum3A_51 : vector<1000xf32> to vector<1000x1xf32>
    %div3A_53 = arith.constant 1.280000e+02 : f32
    %div3A_54 = vector.broadcast %div3A_53 : f32 to vector<1000x1xf32>
    %div3A_55 = arith.divf %broadcast_in_dim3A_52, %div3A_54 : vector<1000x1xf32>
    %sub3A_56 = vector.broadcast %div3A_55 : vector<1000x1xf32> to vector<1000x128xf32>
    %sub3A_57 = arith.subf %add3A_50, %sub3A_56 : vector<1000x128xf32>
    %integer_pow3A = arith.mulf %sub3A_57, %sub3A_57 : vector<1000x128xf32>
    %reduce_sum3A_58 = arith.constant dense<0.000000e+00> : vector<1000xf32>
    %reduce_sum3A_59 = vector.multi_reduction <add>, %integer_pow3A, %reduce_sum3A_58 [1] : vector<1000x128xf32> to vector<1000xf32>
    %broadcast_in_dim3A_60 = vector.shape_cast %reduce_sum3A_59 : vector<1000xf32> to vector<1000x1xf32>
    %div3A_61 = arith.constant 1.280000e+02 : f32
    %div3A_62 = vector.broadcast %div3A_61 : f32 to vector<1000x1xf32>
    %div3A_63 = arith.divf %broadcast_in_dim3A_60, %div3A_62 : vector<1000x1xf32>
    %sub3A_64 = vector.broadcast %div3A_55 : vector<1000x1xf32> to vector<1000x128xf32>
    %sub3A_65 = arith.subf %add3A_50, %sub3A_64 : vector<1000x128xf32>
    %add3A_66 = arith.constant 9.99999974E-6 : f32
    %add3A_67 = vector.broadcast %add3A_66 : f32 to vector<1000x1xf32>
    %add3A_68 = arith.addf %div3A_63, %add3A_67 : vector<1000x1xf32>
    %sqrt3A = math.sqrt %add3A_68 : vector<1000x1xf32>
    %div3A_69 = vector.broadcast %sqrt3A : vector<1000x1xf32> to vector<1000x128xf32>
    %div3A_70 = arith.divf %sub3A_65, %div3A_69 : vector<1000x128xf32>
    %get3A_71 = arith.constant 0 : index
    %get3A_72 = arith.constant 0 : index
    %get3A_73 = vector.load %arg5[%get3A_71, %get3A_72] : memref<1x128xf32, #tpu.memory_space<vmem>>, vector<1x128xf32>
    %mul3A_74 = vector.broadcast %get3A_73 : vector<1x128xf32> to vector<1000x128xf32>
    %mul3A_75 = arith.mulf %div3A_70, %mul3A_74 : vector<1000x128xf32>
    %get3A_76 = arith.constant 0 : index
    %get3A_77 = arith.constant 0 : index
    %get3A_78 = vector.load %arg6[%get3A_76, %get3A_77] : memref<1x128xf32, #tpu.memory_space<vmem>>, vector<1x128xf32>
    %add3A_79 = vector.broadcast %get3A_78 : vector<1x128xf32> to vector<1000x128xf32>
    %add3A_80 = arith.addf %mul3A_75, %add3A_79 : vector<1000x128xf32>
    %swap3A = arith.constant 0 : index
    %swap3A_81 = arith.constant 0 : index
    %swap3A_82 = vector.load %arg7[%swap3A, %swap3A_81] : memref<1000x128xf32, #tpu.memory_space<vmem>>, vector<1000x128xf32>
    tpu.vector_store %arg7[%swap3A, %swap3A_81], %add3A_80 {strides = array<i32>} : memref<1000x128xf32, #tpu.memory_space<vmem>>, vector<1000x128xf32>,
    return
  }
  func.func @transform_0(%arg0: i32) -> (i32, i32, i32) {
    %c0_i32 = arith.constant 0 : i32
    %c0_i32_0 = arith.constant 0 : i32
    %c0_i32_1 = arith.constant 0 : i32
    return %c0_i32, %arg0, %c0_i32_0 : i32, i32, i32
  }
  func.func @transform_1(%arg0: i32) -> (i32, i32) {
    %c0_i32 = arith.constant 0 : i32
    %c0_i32_0 = arith.constant 0 : i32
    return %arg0, %c0_i32 : i32, i32
  }
  func.func @transform_2(%arg0: i32) -> (i32, i32) {
    %c0_i32 = arith.constant 0 : i32
    %c0_i32_0 = arith.constant 0 : i32
    %c0_i32_1 = arith.constant 0 : i32
    return %c0_i32, %c0_i32_0 : i32, i32
  }
  func.func @transform_3(%arg0: i32) -> (i32, i32) {
    %c0_i32 = arith.constant 0 : i32
    %c0_i32_0 = arith.constant 0 : i32
    %c0_i32_1 = arith.constant 0 : i32
    return %c0_i32, %c0_i32_0 : i32, i32
  }
  func.func @transform_4(%arg0: i32) -> (i32, i32) {
    %c0_i32 = arith.constant 0 : i32
    %c0_i32_0 = arith.constant 0 : i32
    %c0_i32_1 = arith.constant 0 : i32
    return %c0_i32, %c0_i32_0 : i32, i32
  }
  func.func @transform_5(%arg0: i32) -> (i32, i32) {
    %c0_i32 = arith.constant 0 : i32
    %c0_i32_0 = arith.constant 0 : i32
    %c0_i32_1 = arith.constant 0 : i32
    return %c0_i32, %c0_i32_0 : i32, i32
  }
  func.func @transform_6(%arg0: i32) -> (i32, i32) {
    %c0_i32 = arith.constant 0 : i32
    %c0_i32_0 = arith.constant 0 : i32
    return %arg0, %c0_i32 : i32, i32
  }
}

</mosaic_0001>

<sc_bundles>
// kernel: kernel.12.cloned.1.call-start
scs
__scs_entry_jumppad:
0x0: {  	(pc) =	sbr.rel $0x88, $3  }
0x1: {  	(tag) =	ssettag $0x0;
	lr =	simm.s32 $0x1  }
0x2: {  	[smem:$0x3F93] =	sst lr;
	_ =	strace $0xD0000000  }
0x3: {  	_ = 	snop  }
0x4: {  	_ = 	snop  }
0x5: {  	_ = 	snop  }
0x6: {  	_ = 	snop  }
0x7: {  	_ = 	snop  }
__scs_overlays_trampoline_lowered:
0x8: {  	[smem:$0x3FA2] =	sst s0  }
0x9: {  	[smem:$0x3FA3] =	sst s1  }
0xa: {  	[smem:$0x3FA4] =	sst s2  }
0xb: {  	[smem:$0x3FA5] =	sst s3  }
0xc: {  	[smem:$0x3FA6] =	sst s4  }
0xd: {  	[smem:$0x3FA7] =	sst s5  }
0xe: {  	[smem:$0x3FA8] =	sst s6  }
0xf: {  	[smem:$0x3FA9] =	sst s7  }
0x10: {  	[smem:$0x3FAA] =	sst s8  }
0x11: {  	[smem:$0x3FAB] =	sst s9;
	s0 =	simm.s32 @!p0 $0x0  }
0x12: {  	s1 =	sld [smem:$0x3F91];
	s0 =	simm.s32 @p0 $0x1  }
0x13: {  	[smem:$0x3FAC] =	sst s0;
	s0 =	simm.s32 @!p1 $0x0  }
0x14: {  	s2 =	sld [smem:$0x3F90];
	s0 =	simm.s32 @p1 $0x1  }
0x15: {  	[smem:$0x3FAD] =	sst s0;
	s0 =	simm.s32 @!p2 $0x0  }
0x16: {  	s3 =	sld [smem:$0x3FDB];
	s0 =	simm.s32 @p2 $0x1  }
0x17: {  	s4 =	simm.s32 $0x1BF5;
	[smem:$0x3FAF] =	sst s0  }
0x18: {  	s0 =	sld [smem:$0x3F92];
	_ =	swait.ge [sflag:s4], $0x0  }
0x19: {  	s7 =	sld [smem:$0x3F93]  }
0x1a: {  	s8 =	sadd.s32 $0xFFFFE003, lr  }
0x1b: {  	s9 =	sadd.s32 $0xFFFFFEF7, lr;
	s5 =	simm.s32 $0xFFFFFFFF;
	p2 =	slt.u32 s8, $0xFFFFF086  }
0x1c: {  	p1 =	slt.u32 s9, $0xF7A;
	s5 =	simm.s32 @!p2 $0x0  }
0x1d: {  	s5 =	simm.s32 @p1 $0x1;
	p0 =	seq.s32 s7, s2  }
0x1e: {  	s7 =	smul.u32 @!p0 $0xF7A, s2;
	p2 =	seq.s32 @!p0 s5, $0x0  }
0x1f: {  	s9 =	smul.u32 $0xF7A, s1;
	s8 =	simm.s32 @!p0 $0x1BF5;
	p2 =	por !p2, p0  }
0x20: {  	[sflag:s8] =	ssyncset.s32 @!p0 $0xFFFFF086;
	s6 =	sadd.s32 @!p0 s3, s7;
	s7 =	simm.s32 @!p0 $0x108  }
0x21: {  	s3 =	sadd.s32 s3, s9;
	s6 =	sadd.s32 @!p0 $0x88, s6;
	s7 =	simm.s32 @p2 $0x1082  }
0x22: {  	[simem:s7], [sflag:s8] =	dma.local @!p0 [hbm:s6], $0xF7A  }
0x23: {  	s9 =	sor.u32 $0xD0000000, s2;
	s6 =	simm.s32 $0x108;
	_ =	swait.ge @!p0 [sflag:s8], $0x0  }
0x24: {  	s3 =	sadd.s32 $0x88, s3;
	s6 =	simm.s32 @!p1 $0x1082;
	[sflag:s4] =	ssyncset.s32 $0xFFFFF086  }
0x25: {  	[simem:s6], [sflag:s4] =	dma.local [hbm:s3], $0xF7A  }
0x26: {  	[smem:$0x3F93] =	sst s1;
	(tag) =	ssettag s2;
	_ =	strace s9  }
0x27: {  	s1 =	sld [smem:$0x3FA3]  }
0x28: {  	s2 =	sld [smem:$0x3FA4]  }
0x29: {  	s4 =	sld [smem:$0x3FA6]  }
0x2a: {  	p0 =	seq.s32 s5, $0x0;
	s5 =	sld [smem:$0x3FA7]  }
0x2b: {  	s6 =	sld [smem:$0x3FA8]  }
0x2c: {  	s7 =	sld [smem:$0x3FA9]  }
0x2d: {  	s3 =	simm.s32 $0x108;
	s8 =	sld [smem:$0x3FAA]  }
0x2e: {  	s3 =	simm.s32 @!p0 $0x1082;
	s9 =	sld [smem:$0x3FAB]  }
0x2f: {  	lr =	sadd.s32 s0, s3;
	s0 =	sld [smem:$0x3FA2]  }
0x30: {  	s3 =	sld [smem:$0x3FA5]  }
0x31: {  	[smem:$0x3FAE] =	sst s10  }
0x32: {  	s10 =	sld [smem:$0x3FAC];
	_ =	sdelay $0x3  }
0x33: {  	p0 =	seq.s32 s10, $0x1;
	s10 =	sld [smem:$0x3FAE];
	_ =	sdelay $0x3  }
0x34: {  	[smem:$0x3FAE] =	sst s10  }
0x35: {  	s10 =	sld [smem:$0x3FAD];
	_ =	sdelay $0x3  }
0x36: {  	p1 =	seq.s32 s10, $0x1;
	s10 =	sld [smem:$0x3FAE];
	_ =	sdelay $0x3  }
0x37: {  	[smem:$0x3FAE] =	sst s10  }
0x38: {  	s10 =	sld [smem:$0x3FAF]  }
0x39: {  	_ = 	snop;
	(pc) =	sbr.ind lr, $3  }
0x3a: {  	_ = 	snop  }
0x3b: {  	_ = 	snop  }
0x3c: {  	p2 =	seq.s32 s10, $0x1;
	s10 =	sld [smem:$0x3FAE]  }
0x3d: {  	_ =	shalt  }
0x3e: {  	_ =	shalt  }
0x3f: {  	_ =	shalt  }
0x40: {  	_ =	shalt  }
0x41: {  	_ =	shalt  }
0x42: {  	_ =	shalt  }
0x43: {  	_ =	shalt  }
0x44: {  	_ =	shalt  }
0x45: {  	_ =	shalt  }
0x46: {  	_ =	shalt  }
0x47: {  	_ =	shalt  }
0x48: {  	_ =	shalt  }
0x49: {  	_ =	shalt  }
0x4a: {  	_ =	shalt  }
0x4b: {  	_ =	shalt  }
0x4c: {  	_ =	shalt  }
0x4d: {  	_ =	shalt  }
0x4e: {  	_ =	shalt  }
0x4f: {  	_ =	shalt  }
0x50: {  	_ =	shalt  }
0x51: {  	_ =	shalt  }
0x52: {  	_ =	shalt  }
0x53: {  	_ =	shalt  }
0x54: {  	_ =	shalt  }
0x55: {  	_ =	shalt  }
0x56: {  	_ =	shalt  }
0x57: {  	_ =	shalt  }
0x58: {  	_ =	shalt  }
0x59: {  	_ =	shalt  }
0x5a: {  	_ =	shalt  }
0x5b: {  	_ =	shalt  }
0x5c: {  	_ =	shalt  }
0x5d: {  	_ =	shalt  }
0x5e: {  	_ =	shalt  }
0x5f: {  	_ =	shalt  }
0x60: {  	_ =	shalt  }
0x61: {  	_ =	shalt  }
0x62: {  	_ =	shalt  }
0x63: {  	_ =	shalt  }
0x64: {  	_ =	shalt  }
0x65: {  	_ =	shalt  }
0x66: {  	_ =	shalt  }
0x67: {  	_ =	shalt  }
0x68: {  	_ =	shalt  }
0x69: {  	_ =	shalt  }
0x6a: {  	_ =	shalt  }
0x6b: {  	_ =	shalt  }
0x6c: {  	_ =	shalt  }
0x6d: {  	_ =	shalt  }
0x6e: {  	_ =	shalt  }
0x6f: {  	_ =	shalt  }
0x70: {  	_ =	shalt  }
0x71: {  	_ =	shalt  }
0x72: {  	_ =	shalt  }
0x73: {  	_ =	shalt  }
0x74: {  	_ =	shalt  }
0x75: {  	_ =	shalt  }
0x76: {  	_ =	shalt  }
0x77: {  	_ =	shalt  }
0x78: {  	_ =	shalt  }
0x79: {  	_ =	shalt  }
0x7a: {  	_ =	shalt  }
0x7b: {  	_ =	shalt  }
0x7c: {  	_ =	shalt  }
0x7d: {  	_ =	shalt  }
0x7e: {  	_ =	shalt  }
0x7f: {  	_ =	shalt  }
0x80: {  	_ =	shalt  }
0x81: {  	_ =	shalt  }
0x82: {  	_ =	shalt  }
0x83: {  	_ =	shalt  }
0x84: {  	_ =	shalt  }
0x85: {  	_ =	shalt  }
0x86: {  	_ =	shalt  }
0x87: {  	_ =	shalt  }
.Lfunc_end0:
.L_simem_size_0:
called_computation.1_lowered:
.L_overlay_start_0:
0x88: {  	s2 =	sld [smem:$0x3FD9]  }
0x89: {  	s3 =	sld [smem:$0x3FFE];
	_ =	sdelay $0x1  }
0x8a: {  	s1 =	srdreg.scid  }
0x8b: {  	s0 =	sand.u32 $0x1, s1  }
0x8c: {  	s17 =	sshll.u32 s0, $0xA;
	s2 =	sadd.s32 s3, s2  }
0x8d: {  	s2 =	sadd.s32 s2, s17  }
0x8e: {  	[smem:$0x3FBA] =	sst s2  }
0x8f: {  	_ = 	snop  }
0x90: {  	s18 =	sld [smem:$0x3FC6]  }
0x91: {  	s4 =	sld [smem:$0x3FD0];
	(tm) =	ssettm $0x1  }
0x92: {  	s19 =	sld [smem:$0x3FFB];
	_ =	sdelay $0x3  }
0x93: {  	_ =	strace s19  }
0x94: {  	s2 =	sld [smem:$0x3FFC];
	_ =	sdelay $0x3  }
0x95: {  	_ =	strace s2  }
0x96: {  	s2 =	sld [smem:$0x3FFD];
	_ =	sdelay $0x3  }
0x97: {  	_ =	strace s2  }
0x98: {  	_ =	strace $0x8FFFFFFF  }
0x99: {  	s20 =	sld [smem:$0x3FDB];
	_ =	sdelay $0x1  }
0x9a: {  	s5 =	simm.s32 $_scs_section_size  }
0x9b: {  	s6 =	simm.s32 $_size__tile_overlayer_lowered;
	s7 =	simm.s32 $_tile_overlayer_lowered  }
0x9c: {  	s8 =	simm.s32 $0x1BFF;
	s21 =	sshll.u32 s7, $0x1;
	s5 =	sadd.s32 s5, s20  }
0x9d: {  	s22 =	simm.s32 $0x0;
	s6 =	sshll.u32 s6, $0x1;
	s7 =	sadd.s32 s21, s5  }
0x9e: {  	[timem:s22], [sflag:s8] =	dma.local [hbm:s7], s6  }
0x9f: {  	_ =	swait.ge [sflag:s8], s6  }
0xa0: {  	s6 =	ssub.s32 $0x0, s6;
	[sflag:s8] =	ssyncset.done $0x0  }
0xa1: {  	[sflag:s8] =	ssyncadd.s32 s6;
	_ =	sdelay $0x1  }
0xa2: {  	s23 =	simm.s32 $0x1B8B  }
0xa3: {  	_ =	swait.ge [sflag:s23], $0x1  }
0xa4: {  	[sflag:s23] =	ssyncset.done $0x0  }
0xa5: {  	[sflag:s23] =	ssyncadd.s32 $0xFFFFFFFF  }
0xa6: {  	s6 =	sld [smem:$0x0]  }
0xa7: {  	s7 =	sand.u32 $0xFFFFFFFE, s1  }
0xa8: {  	p0 =	sne.s32 s1, s7  }
0xa9: {  	s7 =	sshll.u32 @p0 s7, $0xE  }
0xaa: {  	s7 =	sadd.s32 @p0 $0x11B8D, s7;
	s8 =	sshll.u32 @p0 s6, $0x11  }
0xab: {  	s7 =	sor.u32 @p0 s8, s7  }
0xac: {  	[sflag:s7] =	ssyncadd.remote.s32 @p0 $0x1;
	_ =	sdelay $0x1  }
0xad: {  	s7 =	simm.s32 @p0 $0x1B8D  }
0xae: {  	_ =	swait.eq @p0 [sflag:s7], $0x1  }
0xaf: {  	[sflag:s7] =	ssyncadd.s32 @p0 $0xFFFFFFFF  }
0xb0: {  	s8 =	sshll.u32 @!p0 s1, $0xE  }
0xb1: {  	s8 =	sor.u32 @!p0 $0x4000, s8;
	s7 =	simm.s32 @!p0 $0x1B8D  }
0xb2: {  	s6 =	sshll.u32 @!p0 s6, $0x11;
	s8 =	sadd.s32 @!p0 $0x11B8D, s8;
	_ =	swait.eq @!p0 [sflag:s7], $0x1  }
0xb3: {  	s6 =	sor.u32 @!p0 s6, s8;
	[sflag:s7] =	ssyncadd.s32 @!p0 $0xFFFFFFFF  }
0xb4: {  	s25 =	simm.s32 $0x1B8E;
	s24 =	sld [smem:$0x3FFE];
	[sflag:s6] =	ssyncadd.remote.s32 @!p0 $0x1  }
0xb5: {  	s26 =	simm.s32 $execute0_lowered;
	[smem:$0x3FD2] =	sst s25  }
0xb6: {  	s7 =	sshll.u32 s26, $0x1;
	_ =	strace $0x8000004C;
	[dreg:$0x1] =	wrdreg $0xFFFFFFFF  }
0xb7: {  	s28 =	simm.s32 $_size_execute0_lowered;
	s5 =	sadd.s32 s5, s7;
	[dreg:$0x0] =	wrdreg $0x0  }
0xb8: {  	s7 =	sshll.u32 s28, $0x1;
	[dreg:$0x2] =	wrdreg s5  }
0xb9: {  	[dreg:$0x3] =	wrdreg s7  }
0xba: {  	[dreg:$0x4] =	wrdreg $0xC0  }
0xbb: {  	_ =	task [dreg:s22], $0x5FFFF  }
0xbc: {  	[dreg:$0x1] =	wrdreg $0xFFFFFFFF  }
0xbd: {  	[dreg:$0x0] =	wrdreg $0x60  }
0xbe: {  	[dreg:$0x2] =	wrdreg s24  }
0xbf: {  	[dreg:$0x3] =	wrdreg s18  }
0xc0: {  	[dreg:$0x4] =	wrdreg s4  }
0xc1: {  	[dreg:$0x5] =	wrdreg $0x89800  }
0xc2: {  	[dreg:$0x6] =	wrdreg $0x9  }
0xc3: {  	_ =	task.clear_ibuf [dreg:s22], $0x7FFFF;
	_ =	strace $0x9000004C  }
0xc4: {  	s29 =	simm.s32 $0x9;
	_ =	strace $0x8000004E  }
0xc5: {  	_ =	swait.ge [sflag:s29], $0x1  }
0xc6: {  	[sflag:s29] =	ssyncadd.s32 $0xFFFFFFFF  }
0xc7: {  	_ =	strace $0x9000004E  }
0xc8: {  	_ =	sfence  }
0xc9: {  	s30 =	sld [smem:$0x0];
	_ =	sdelay $0x2  }
0xca: {  	s31 =	sshll.u32 s1, $0xD;
	s1 =	sshrl.u32 s1, $0x2  }
0xcb: {  	s4 =	sand.u32 $0x4000, s31;
	s1 =	sadd.s32 s1, s30  }
0xcc: {  	s0 =	sor.u32 s4, s0;
	s1 =	sshll.u32 s1, $0x11  }
0xcd: {  	s0 =	sor.u32 s1, s0  }
0xce: {  	s0 =	sadd.s32 $0x8F2B, s0  }
0xcf: {  	[sflag:s0] =	ssyncadd.remote.s32 $0x1  }
0xd0: {  	_ =	sfence.sel $0xFFFF  }
0xd1: {  	[dreg:$0x0] =	wrdreg $0xFFFFFFFF;
	(pc) =	sbr.abs _section_cstart, $3  }
0xd2: {  	[dreg:$0x1] =	wrdreg $0xFFFFFFFF  }
0xd3: {  	_ =	task.clear_ibuf [dreg:s22], $0x2FFFF;
	_ =	strace $0x9FFFFFFF  }
0xd4: {  	(tm) =	ssettm $0x7FFFFFFF  }
0xd5: {  	_ =	shalt  }
tec
execute0_lowered:
.L_overlay_start_1:
0x0: {  	(tag) =	ssettag $0x1  }
0x1: {  	s0 =	rddreg [dreg:$0x0]  }
0x2: {  	s3 =	rddreg [dreg:$0x1]  }
0x3: {  	s1 =	rddreg [dreg:$0x2]  }
0x4: {  	s2 =	rddreg [dreg:$0x3]  }
0x5: {  	s4 =	srdreg.scid;
	s14 =	stileid.u32  }
0x6: {  	s28 =	simm.s32 $0x6;
	s29 =	simm.s32 $0x8100;
	s7 =	smul.u32 $0x14000, s14  }
0x7: {  	s30 =	simm.s32 $0x8180;
	s6 =	sand.u32 $0x1, s4;
	s9 =	smul.u32 $0x50000, s14  }
0x8: {  	s4 =	simm.s32 $0x0;
	s10 =	sadd.s32 $0x9C6400, s0;
	s20 =	smul.u32 $0x4E20, s14  }
0x9: {  	s5 =	smul.u32 $0x140000, s6;
	[smem:$0x7FF] =	sst s4;
	s31 =	ssub.s32 $0x2, s6  }
0xa: {  	s22 =	smul.u32 $0x27100, s6;
	_ =	strace $0x8000004D;
	s8 =	sshrl.u32 s31, $0x1  }
0xb: {  	s5 =	sadd.s32 s7, s5;
	s11 =	ssub.s32 s31, s8;
	s7 =	sshll.u32 s14, $0x1  }
0xc: {  	s8 =	sshrl.u32 s9, $0x2;
	s9 =	sshll.u32 s14, $0x6;
	s14 =	smul.u32 $0x4E200, s14  }
0xd: {  	s5 =	sshrl.u32 s5, $0x3;
	s13 =	sadd.s32 s8, s2;
	s24 =	smax.u32 s11, $0x1  }
0xe: {  	s0 =	sadd.s32 s5, s0;
	s5 =	sor.u32 s6, s7;
	s15 =	sadd.s32 $0x4000, s13  }
0xf: {  	s16 =	sadd.s32 $0x8000, s13;
	s17 =	sadd.s32 $0xC000, s13;
	s18 =	sadd.s32 $0x10000, s13  }
0x10: {  	[dreg:$0x8] =	wrdreg s24;
	s13 =	sshrl.u32 s13, $0x3;
	s24 =	simm.s32 $0x2  }
0x11: {  	s12 =	smul.u32 $0x2710, s5;
	s5 =	sor.u32 $0x1C07, s9;
	s0 =	sadd.s32 $0xC6800, s0  }
0x12: {  	s15 =	sshrl.u32 s15, $0x3;
	s16 =	sshrl.u32 s16, $0x3;
	s17 =	sshrl.u32 s17, $0x3  }
0x13: {  	s18 =	sshrl.u32 s18, $0x3;
	[dreg:$0x7] =	wrdreg s0;
	s19 =	sadd.s32 $0x2700, s12  }
0x14: {  	s0 =	simm.s32 $0x0;
	s12 =	smul.u32 $0x2710, s6;
	s21 =	sshrl.u32 s19, $0x3  }
0x15: {  	s7 =	sshll.u32 s19, $0x4;
	s19 =	simm.s32 $0x80;
	s8 =	sadd.s32 s3, s21  }
0x16: {  	s7 =	sadd.s32 s10, s7;
	s23 =	sadd.s32 s12, s20;
	s10 =	sadd.s32 s14, s10  }
0x17: {  	s14 =	simm.s32 $0x7;
	s20 =	simm.s32 $0x100;
	[dreg:$0x5] =	wrdreg s8  }
0x18: {  	s21 =	simm.s32 $0x4100;
	[dreg:$0x6] =	wrdreg s7;
	s25 =	sadd.s32 $0x80, s23  }
0x19: {  	s10 =	sadd.s32 s22, s10;
	s26 =	sshrl.u32 s23, $0x3;
	s22 =	simm.s32 $0x1  }
0x1a: {  	s23 =	simm.s32 $0x3;
	s31 =	sshrl.u32 s25, $0x3;
	s11 =	sadd.s32 s26, s3  }
0x1b: {  	s25 =	simm.s32 $0x4;
	s26 =	simm.s32 $0x5;
	s12 =	sadd.s32 s31, s3  }
.LBB2_1:
0x1c: {  	[spmem:s13], [sflag:s5] =	dma.local [hbm:s1], $0x800  }
0x1d: {  	_ =	swait.ge [sflag:s14], $0x800  }
0x1e: {  	[sflag:s14] =	ssyncset.done $0x0  }
0x1f: {  	[sflag:s14] =	ssyncadd.s32 $0xFFFFF800  }
0x20: {  	[spmem:s15], [sflag:s5] =	dma.local [hbm:s1], $0x800  }
0x21: {  	_ =	swait.ge [sflag:s14], $0x800  }
0x22: {  	[sflag:s14] =	ssyncset.done $0x0  }
0x23: {  	[sflag:s14] =	ssyncadd.s32 $0xFFFFF800  }
0x24: {  	[spmem:s16], [sflag:s5] =	dma.local [hbm:s1], $0x800  }
0x25: {  	_ =	swait.ge [sflag:s14], $0x800  }
0x26: {  	[sflag:s14] =	ssyncset.done $0x0  }
0x27: {  	[sflag:s14] =	ssyncadd.s32 $0xFFFFF800  }
0x28: {  	[spmem:s17], [sflag:s5] =	dma.local [hbm:s1], $0x800  }
0x29: {  	_ =	swait.ge [sflag:s14], $0x800  }
0x2a: {  	[sflag:s14] =	ssyncset.done $0x0  }
0x2b: {  	[sflag:s14] =	ssyncadd.s32 $0xFFFFF800  }
0x2c: {  	[spmem:s18], [sflag:s5] =	dma.local [hbm:s1], $0x800  }
0x2d: {  	_ =	swait.ge [sflag:s14], $0x800  }
0x2e: {  	[sflag:s14] =	ssyncset.done $0x0  }
0x2f: {  	[sflag:s14] =	ssyncadd.s32 $0xFFFFF800  }
0x30: {  	s3 =	sadd.s32 $0x0, s11;
	[bflag:$0x0] =	sbarrier.arrive $0xFFFF  }
0x31: {  	[tilespmem:s4], [sflag:$0x1] =	stream.linear.gather [hbm4b:s3+s4], $0x80, $0x38;
	[tilespmem:$0x1C980] =	vst v63  }
0x32: {  	s8 =	sadd.s32 $0x0, s12  }
0x33: {  	[tilespmem:s19], [sflag:$0x2] =	stream.linear.gather [hbm4b:s8+s4], $0x80, $0x38;
	[tilespmem:$0x1C980] =	vst v63  }
0x34: {  	_ = 	snop  }
0x35: {  	[tilespmem:s20], [sflag:$0x3] =	stream.linear.gather [hbm4b:s10+s4], $0x4000, $0x38;
	[tilespmem:$0x1C980] =	vst v63  }
0x36: {  	s9 =	sadd.s32 $0x800, s10  }
0x37: {  	[tilespmem:s21], [sflag:$0x4] =	stream.linear.gather [hbm4b:s9+s4], $0x4000, $0x38;
	[tilespmem:$0x1C980] =	vst v63  }
0x38: {  	_ =	swait.ge [sflag:s22], $0x80  }
0x39: {  	[sflag:s22] =	ssyncset.done $0x0  }
0x3a: {  	[sflag:s22] =	ssyncadd.s32 $0xFFFFFF80  }
0x3b: {  	_ =	swait.ge [sflag:s23], $0x4000  }
0x3c: {  	[sflag:s23] =	ssyncset.done $0x0  }
0x3d: {  	[sflag:s23] =	ssyncadd.s32 $0xFFFFC000  }
0x3e: {  	[spmem:s2] =	stream.indirect.scatter.add.f32 [tilespmem:s20], [sflag:$0x5], $0x80, s4, s19, $0xb8;
	[tilespmem:$0x1C980] =	vst v63  }
0x3f: {  	_ =	swait.ge [sflag:s24], $0x80  }
0x40: {  	[sflag:s24] =	ssyncset.done $0x0  }
0x41: {  	[sflag:s24] =	ssyncadd.s32 $0xFFFFFF80  }
0x42: {  	_ =	swait.ge [sflag:s25], $0x4000  }
0x43: {  	[sflag:s25] =	ssyncset.done $0x0  }
0x44: {  	[sflag:s25] =	ssyncadd.s32 $0xFFFFC000  }
0x45: {  	[spmem:s2] =	stream.indirect.scatter.add.f32 [tilespmem:s21], [sflag:$0x6], $0x80, s19, s19, $0xb8;
	[tilespmem:$0x1C980] =	vst v63  }
0x46: {  	_ =	swait.ge [sflag:s26], $0x4000  }
0x47: {  	[sflag:s26] =	ssyncset.done $0x0  }
0x48: {  	[sflag:s26] =	ssyncadd.s32 $0xFFFFC000  }
0x49: {  	s6 =	simm.s32 $0x40;
	_ =	swait.ge [sflag:s28], $0x4000  }
0x4a: {  	s31 =	sadd.s32 $0x1000, s10;
	s3 =	simm.s32 $0x20;
	[sflag:s28] =	ssyncset.done $0x0  }
.LBB2_2:
0x4b: {  	s7 =	sadd.s32 s3, s11  }
0x4c: {  	[sflag:s28] =	ssyncadd.s32 $0xFFFFC000;
	s8 =	smov.u32 s6;
	s9 =	sadd.s32 $0x20, s6  }
0x4d: {  	[tilespmem:s4], [sflag:$0x1] =	stream.linear.gather [hbm4b:s7+s4], $0x80, $0x38;
	[tilespmem:$0x1C980] =	vst v63  }
0x4e: {  	p0 =	sne.s32 s6, $0x4C0;
	s6 =	sadd.s32 s3, s12;
	s3 =	smov.u32 s8  }
0x4f: {  	[tilespmem:s19], [sflag:$0x2] =	stream.linear.gather [hbm4b:s6+s4], $0x80, $0x38;
	[tilespmem:$0x1C980] =	vst v63  }
0x50: {  	_ = 	snop  }
0x51: {  	[tilespmem:s20], [sflag:$0x3] =	stream.linear.gather [hbm4b:s31+s4], $0x4000, $0x38;
	[tilespmem:$0x1C980] =	vst v63  }
0x52: {  	s6 =	sadd.s32 $0x800, s31  }
0x53: {  	[tilespmem:s21], [sflag:$0x4] =	stream.linear.gather [hbm4b:s6+s4], $0x4000, $0x38;
	[tilespmem:$0x1C980] =	vst v63  }
0x54: {  	_ =	swait.ge [sflag:s22], $0x80  }
0x55: {  	[sflag:s22] =	ssyncset.done $0x0  }
0x56: {  	[sflag:s22] =	ssyncadd.s32 $0xFFFFFF80  }
0x57: {  	_ =	swait.ge [sflag:s23], $0x4000  }
0x58: {  	[sflag:s23] =	ssyncset.done $0x0  }
0x59: {  	[sflag:s23] =	ssyncadd.s32 $0xFFFFC000  }
0x5a: {  	[spmem:s2] =	stream.indirect.scatter.add.f32 [tilespmem:s20], [sflag:$0x5], $0x80, s4, s19, $0xb8;
	[tilespmem:$0x1C980] =	vst v63  }
0x5b: {  	_ =	swait.ge [sflag:s24], $0x80  }
0x5c: {  	[sflag:s24] =	ssyncset.done $0x0  }
0x5d: {  	[sflag:s24] =	ssyncadd.s32 $0xFFFFFF80  }
0x5e: {  	_ =	swait.ge [sflag:s25], $0x4000  }
0x5f: {  	[sflag:s25] =	ssyncset.done $0x0  }
0x60: {  	[sflag:s25] =	ssyncadd.s32 $0xFFFFC000  }
0x61: {  	[spmem:s2] =	stream.indirect.scatter.add.f32 [tilespmem:s21], [sflag:$0x6], $0x80, s19, s19, $0xb8;
	[tilespmem:$0x1C980] =	vst v63  }
.Ltmp0:
0x62: {  	_ =	swait.ge [sflag:s26], $0x4000;
	(pc) =	sbr.rel @p0 .LBB2_2-.Ltmp0, $4  }
0x63: {  	[sflag:s26] =	ssyncset.done $0x0  }
0x64: {  	[sflag:s26] =	ssyncadd.s32 $0xFFFFC000  }
0x65: {  	_ =	swait.ge [sflag:s28], $0x4000  }
0x66: {  	s31 =	sadd.s32 $0x1000, s31;
	s6 =	smov.u32 s9;
	[sflag:s28] =	ssyncset.done $0x0  }
0x67: {  	s6 =	sadd.s32 s3, s11;
	[sflag:s28] =	ssyncadd.s32 $0xFFFFC000  }
0x68: {  	[tilespmem:s4], [sflag:$0x1] =	stream.linear.gather [hbm4b:s6+s4], $0x80, $0x38;
	[tilespmem:$0x1C980] =	vst v63  }
0x69: {  	s9 =	sadd.s32 s3, s12  }
0x6a: {  	[tilespmem:s19], [sflag:$0x2] =	stream.linear.gather [hbm4b:s9+s4], $0x80, $0x38;
	[tilespmem:$0x1C980] =	vst v63  }
0x6b: {  	_ = 	snop  }
0x6c: {  	[tilespmem:s20], [sflag:$0x3] =	stream.linear.gather [hbm4b:s31+s4], $0x4000, $0x38;
	[tilespmem:$0x1C980] =	vst v63  }
0x6d: {  	s31 =	sadd.s32 $0x800, s31  }
0x6e: {  	[tilespmem:s21], [sflag:$0x4] =	stream.linear.gather [hbm4b:s31+s4], $0x4000, $0x38;
	[tilespmem:$0x1C980] =	vst v63  }
0x6f: {  	_ =	swait.ge [sflag:s22], $0x80  }
0x70: {  	[sflag:s22] =	ssyncset.done $0x0  }
0x71: {  	[sflag:s22] =	ssyncadd.s32 $0xFFFFFF80  }
0x72: {  	_ =	swait.ge [sflag:s23], $0x4000  }
0x73: {  	[sflag:s23] =	ssyncset.done $0x0  }
0x74: {  	[sflag:s23] =	ssyncadd.s32 $0xFFFFC000  }
0x75: {  	[spmem:s2] =	stream.indirect.scatter.add.f32 [tilespmem:s20], [sflag:$0x5], $0x80, s4, s19, $0xb8;
	[tilespmem:$0x1C980] =	vst v63  }
0x76: {  	_ =	swait.ge [sflag:s24], $0x80  }
0x77: {  	[sflag:s24] =	ssyncset.done $0x0  }
0x78: {  	[sflag:s24] =	ssyncadd.s32 $0xFFFFFF80  }
0x79: {  	_ =	swait.ge [sflag:s25], $0x4000  }
0x7a: {  	[sflag:s25] =	ssyncset.done $0x0  }
0x7b: {  	[sflag:s25] =	ssyncadd.s32 $0xFFFFC000  }
0x7c: {  	[spmem:s2] =	stream.indirect.scatter.add.f32 [tilespmem:s21], [sflag:$0x6], $0x80, s19, s19, $0xb8;
	[tilespmem:$0x1C980] =	vst v63  }
0x7d: {  	_ =	swait.ge [sflag:s26], $0x4000  }
0x7e: {  	[sflag:s26] =	ssyncset.done $0x0  }
0x7f: {  	[sflag:s26] =	ssyncadd.s32 $0xFFFFC000  }
0x80: {  	_ =	swait.ge [sflag:s28], $0x4000  }
0x81: {  	[sflag:s28] =	ssyncset.done $0x0  }
0x82: {  	s6 =	rddreg [dreg:$0x5];
	[sflag:s28] =	ssyncadd.s32 $0xFFFFC000  }
0x83: {  	[tilespmem:s29], [sflag:$0x7] =	stream.linear.gather [hbm4b:s6+s4], $0x10, $0x38;
	[tilespmem:$0x1C980] =	vst v63  }
0x84: {  	_ =	swait.ge [sflag:s14], $0x10  }
0x85: {  	[sflag:s14] =	ssyncset.done $0x0  }
0x86: {  	s7 =	rddreg [dreg:$0x6];
	[sflag:s14] =	ssyncadd.s32 $0xFFFFFFF0  }
0x87: {  	[tilespmem:s30], [sflag:$0x7] =	stream.linear.gather [hbm4b:s7+s4], $0x800, $0x38;
	[tilespmem:$0x1C980] =	vst v63  }
0x88: {  	_ =	swait.ge [sflag:s14], $0x800  }
0x89: {  	[sflag:s14] =	ssyncset.done $0x0  }
0x8a: {  	s8 =	simm.s32 $0x10;
	[sflag:s14] =	ssyncadd.s32 $0xFFFFF800  }
0x8b: {  	[spmem:s2] =	stream.indirect.scatter.add.f32 [tilespmem:s30], [sflag:$0x7], $0x80, s29, s8, $0xb8;
	[tilespmem:$0x1C980] =	vst v63  }
0x8c: {  	_ =	swait.ge [sflag:s14], $0x800  }
0x8d: {  	[sflag:s14] =	ssyncset.done $0x0  }
0x8e: {  	[sflag:s14] =	ssyncadd.s32 $0xFFFFF800  }
0x8f: {  	[bflag:$0x0] =	sbarrier.arrive $0xFFFF  }
0x90: {  	s9 =	rddreg [dreg:$0x7]  }
0x91: {  	[hbm:s9], [sflag:s5] =	dma.local [spmem:s13], $0x2800  }
0x92: {  	_ =	swait.ge [sflag:s14], $0x2800  }
0x93: {  	s0 =	sadd.s32 $0x1, s0;
	s31 =	rddreg [dreg:$0x8]  }
0x94: {  	p0 =	sne.s32 s0, s31  }
.Ltmp1:
0x95: {  	_ = 	snop;
	(pc) =	sbr.rel @p0 .LBB2_1-.Ltmp1, $3  }
0x96: {  	_ =	sdelay $0x1  }
0x97: {  	[sflag:s14] =	ssyncset.done $0x0  }
0x98: {  	[sflag:s14] =	ssyncadd.s32 $0xFFFFD800  }
0x99: {  	_ =	sfence.sel $0x180000  }
0x9a: {  	[bflag:$0x0] =	sbarrier.arrive $0xFFFF  }
0x9b: {  	_ =	strace $0x9000004D  }
0x9c: {  	s0 =	stileid.u32;
	[bflag:$0x2] =	sbarrier.arrive $0xFFFF  }
0x9d: {  	p0 =	sne.s32 s0, $0x0;
	s0 =	rddreg [dreg:$0x4]  }
0x9e: {  	s0 =	sadd.s32 @!p0 $0x100000, s0  }
0x9f: {  	[sflag:s0] =	ssyncadd.tile.s32 @!p0 $0x1;
	_ =	shalt  }
.Lfunc_end2:
_tile_overlayer_lowered:
.L_overlay_start_2:
0xa0: {  	(tag) =	ssettag $0x2  }
0xa1: {  	s0 =	rddreg [dreg:$0x0];
	s2 =	stileid.u32  }
0xa2: {  	s1 =	rddreg [dreg:$0x1];
	p0 =	sne.s32 s2, $0x0  }
0xa3: {  	s3 =	rddreg [dreg:$0x2];
	[bflag:$0x3] =	sbarrier.arrive $0xFFFF;
	s2 =	simm.s32 @!p0 $0x1C07  }
0xa4: {  	[timem:s3], [sflag:s2] =	dma.local @!p0 [hbm:s0], s1  }
0xa5: {  	s0 =	simm.s32 @!p0 $0x7  }
0xa6: {  	_ =	swait.ge @!p0 [sflag:s0], s1  }
0xa7: {  	s1 =	ssub.s32 @!p0 $0x0, s1;
	[sflag:s0] =	ssyncset.done @!p0 $0x0  }
0xa8: {  	[sflag:s0] =	ssyncadd.s32 @!p0 s1  }
0xa9: {  	[bflag:$0x3] =	sbarrier.arrive $0xFFFF  }
0xaa: {  	_ =	shalt  }

// kernel: kernel.15.cloned.1.call-start
scs
__scs_entry_jumppad:
0x0: {  	(pc) =	sbr.rel $0x88, $3  }
0x1: {  	(tag) =	ssettag $0x0;
	lr =	simm.s32 $0x1  }
0x2: {  	[smem:$0x3F93] =	sst lr;
	_ =	strace $0xD0000000  }
0x3: {  	_ = 	snop  }
0x4: {  	_ = 	snop  }
0x5: {  	_ = 	snop  }
0x6: {  	_ = 	snop  }
0x7: {  	_ = 	snop  }
__scs_overlays_trampoline_lowered:
0x8: {  	[smem:$0x3FA2] =	sst s0  }
0x9: {  	[smem:$0x3FA3] =	sst s1  }
0xa: {  	[smem:$0x3FA4] =	sst s2  }
0xb: {  	[smem:$0x3FA5] =	sst s3  }
0xc: {  	[smem:$0x3FA6] =	sst s4  }
0xd: {  	[smem:$0x3FA7] =	sst s5  }
0xe: {  	[smem:$0x3FA8] =	sst s6  }
0xf: {  	[smem:$0x3FA9] =	sst s7  }
0x10: {  	[smem:$0x3FAA] =	sst s8  }
0x11: {  	[smem:$0x3FAB] =	sst s9;
	s0 =	simm.s32 @!p0 $0x0  }
0x12: {  	s1 =	sld [smem:$0x3F91];
	s0 =	simm.s32 @p0 $0x1  }
0x13: {  	[smem:$0x3FAC] =	sst s0;
	s0 =	simm.s32 @!p1 $0x0  }
0x14: {  	s2 =	sld [smem:$0x3F90];
	s0 =	simm.s32 @p1 $0x1  }
0x15: {  	[smem:$0x3FAD] =	sst s0;
	s0 =	simm.s32 @!p2 $0x0  }
0x16: {  	s3 =	sld [smem:$0x3FDB];
	s0 =	simm.s32 @p2 $0x1  }
0x17: {  	s4 =	simm.s32 $0x1BF5;
	[smem:$0x3FAF] =	sst s0  }
0x18: {  	s0 =	sld [smem:$0x3F92];
	_ =	swait.ge [sflag:s4], $0x0  }
0x19: {  	s7 =	sld [smem:$0x3F93]  }
0x1a: {  	s8 =	sadd.s32 $0xFFFFE003, lr  }
0x1b: {  	s9 =	sadd.s32 $0xFFFFFEF7, lr;
	s5 =	simm.s32 $0xFFFFFFFF;
	p2 =	slt.u32 s8, $0xFFFFF086  }
0x1c: {  	p1 =	slt.u32 s9, $0xF7A;
	s5 =	simm.s32 @!p2 $0x0  }
0x1d: {  	s5 =	simm.s32 @p1 $0x1;
	p0 =	seq.s32 s7, s2  }
0x1e: {  	s7 =	smul.u32 @!p0 $0xF7A, s2;
	p2 =	seq.s32 @!p0 s5, $0x0  }
0x1f: {  	s9 =	smul.u32 $0xF7A, s1;
	s8 =	simm.s32 @!p0 $0x1BF5;
	p2 =	por !p2, p0  }
0x20: {  	[sflag:s8] =	ssyncset.s32 @!p0 $0xFFFFF086;
	s6 =	sadd.s32 @!p0 s3, s7;
	s7 =	simm.s32 @!p0 $0x108  }
0x21: {  	s3 =	sadd.s32 s3, s9;
	s6 =	sadd.s32 @!p0 $0x88, s6;
	s7 =	simm.s32 @p2 $0x1082  }
0x22: {  	[simem:s7], [sflag:s8] =	dma.local @!p0 [hbm:s6], $0xF7A  }
0x23: {  	s9 =	sor.u32 $0xD0000000, s2;
	s6 =	simm.s32 $0x108;
	_ =	swait.ge @!p0 [sflag:s8], $0x0  }
0x24: {  	s3 =	sadd.s32 $0x88, s3;
	s6 =	simm.s32 @!p1 $0x1082;
	[sflag:s4] =	ssyncset.s32 $0xFFFFF086  }
0x25: {  	[simem:s6], [sflag:s4] =	dma.local [hbm:s3], $0xF7A  }
0x26: {  	[smem:$0x3F93] =	sst s1;
	(tag) =	ssettag s2;
	_ =	strace s9  }
0x27: {  	s1 =	sld [smem:$0x3FA3]  }
0x28: {  	s2 =	sld [smem:$0x3FA4]  }
0x29: {  	s4 =	sld [smem:$0x3FA6]  }
0x2a: {  	p0 =	seq.s32 s5, $0x0;
	s5 =	sld [smem:$0x3FA7]  }
0x2b: {  	s6 =	sld [smem:$0x3FA8]  }
0x2c: {  	s7 =	sld [smem:$0x3FA9]  }
0x2d: {  	s3 =	simm.s32 $0x108;
	s8 =	sld [smem:$0x3FAA]  }
0x2e: {  	s3 =	simm.s32 @!p0 $0x1082;
	s9 =	sld [smem:$0x3FAB]  }
0x2f: {  	lr =	sadd.s32 s0, s3;
	s0 =	sld [smem:$0x3FA2]  }
0x30: {  	s3 =	sld [smem:$0x3FA5]  }
0x31: {  	[smem:$0x3FAE] =	sst s10  }
0x32: {  	s10 =	sld [smem:$0x3FAC];
	_ =	sdelay $0x3  }
0x33: {  	p0 =	seq.s32 s10, $0x1;
	s10 =	sld [smem:$0x3FAE];
	_ =	sdelay $0x3  }
0x34: {  	[smem:$0x3FAE] =	sst s10  }
0x35: {  	s10 =	sld [smem:$0x3FAD];
	_ =	sdelay $0x3  }
0x36: {  	p1 =	seq.s32 s10, $0x1;
	s10 =	sld [smem:$0x3FAE];
	_ =	sdelay $0x3  }
0x37: {  	[smem:$0x3FAE] =	sst s10  }
0x38: {  	s10 =	sld [smem:$0x3FAF]  }
0x39: {  	_ = 	snop;
	(pc) =	sbr.ind lr, $3  }
0x3a: {  	_ = 	snop  }
0x3b: {  	_ = 	snop  }
0x3c: {  	p2 =	seq.s32 s10, $0x1;
	s10 =	sld [smem:$0x3FAE]  }
0x3d: {  	_ =	shalt  }
0x3e: {  	_ =	shalt  }
0x3f: {  	_ =	shalt  }
0x40: {  	_ =	shalt  }
0x41: {  	_ =	shalt  }
0x42: {  	_ =	shalt  }
0x43: {  	_ =	shalt  }
0x44: {  	_ =	shalt  }
0x45: {  	_ =	shalt  }
0x46: {  	_ =	shalt  }
0x47: {  	_ =	shalt  }
0x48: {  	_ =	shalt  }
0x49: {  	_ =	shalt  }
0x4a: {  	_ =	shalt  }
0x4b: {  	_ =	shalt  }
0x4c: {  	_ =	shalt  }
0x4d: {  	_ =	shalt  }
0x4e: {  	_ =	shalt  }
0x4f: {  	_ =	shalt  }
0x50: {  	_ =	shalt  }
0x51: {  	_ =	shalt  }
0x52: {  	_ =	shalt  }
0x53: {  	_ =	shalt  }
0x54: {  	_ =	shalt  }
0x55: {  	_ =	shalt  }
0x56: {  	_ =	shalt  }
0x57: {  	_ =	shalt  }
0x58: {  	_ =	shalt  }
0x59: {  	_ =	shalt  }
0x5a: {  	_ =	shalt  }
0x5b: {  	_ =	shalt  }
0x5c: {  	_ =	shalt  }
0x5d: {  	_ =	shalt  }
0x5e: {  	_ =	shalt  }
0x5f: {  	_ =	shalt  }
0x60: {  	_ =	shalt  }
0x61: {  	_ =	shalt  }
0x62: {  	_ =	shalt  }
0x63: {  	_ =	shalt  }
0x64: {  	_ =	shalt  }
0x65: {  	_ =	shalt  }
0x66: {  	_ =	shalt  }
0x67: {  	_ =	shalt  }
0x68: {  	_ =	shalt  }
0x69: {  	_ =	shalt  }
0x6a: {  	_ =	shalt  }
0x6b: {  	_ =	shalt  }
0x6c: {  	_ =	shalt  }
0x6d: {  	_ =	shalt  }
0x6e: {  	_ =	shalt  }
0x6f: {  	_ =	shalt  }
0x70: {  	_ =	shalt  }
0x71: {  	_ =	shalt  }
0x72: {  	_ =	shalt  }
0x73: {  	_ =	shalt  }
0x74: {  	_ =	shalt  }
0x75: {  	_ =	shalt  }
0x76: {  	_ =	shalt  }
0x77: {  	_ =	shalt  }
0x78: {  	_ =	shalt  }
0x79: {  	_ =	shalt  }
0x7a: {  	_ =	shalt  }
0x7b: {  	_ =	shalt  }
0x7c: {  	_ =	shalt  }
0x7d: {  	_ =	shalt  }
0x7e: {  	_ =	shalt  }
0x7f: {  	_ =	shalt  }
0x80: {  	_ =	shalt  }
0x81: {  	_ =	shalt  }
0x82: {  	_ =	shalt  }
0x83: {  	_ =	shalt  }
0x84: {  	_ =	shalt  }
0x85: {  	_ =	shalt  }
0x86: {  	_ =	shalt  }
0x87: {  	_ =	shalt  }
.Lfunc_end0:
.L_simem_size_0:
called_computation.2_lowered:
.L_overlay_start_0:
0x88: {  	s2 =	sld [smem:$0x3FD9]  }
0x89: {  	s3 =	sld [smem:$0x3FFE];
	_ =	sdelay $0x1  }
0x8a: {  	s1 =	srdreg.scid  }
0x8b: {  	s0 =	sand.u32 $0x1, s1  }
0x8c: {  	s17 =	sshll.u32 s0, $0xA;
	s2 =	sadd.s32 s3, s2  }
0x8d: {  	s2 =	sadd.s32 s2, s17  }
0x8e: {  	[smem:$0x3FBA] =	sst s2  }
0x8f: {  	_ = 	snop  }
0x90: {  	s2 =	sld [smem:$0x3FC6];
	(tm) =	ssettm $0x1  }
0x91: {  	s18 =	sld [smem:$0x3FFB];
	_ =	sdelay $0x3  }
0x92: {  	_ =	strace s18  }
0x93: {  	s3 =	sld [smem:$0x3FFC];
	_ =	sdelay $0x3  }
0x94: {  	_ =	strace s3  }
0x95: {  	s3 =	sld [smem:$0x3FFD];
	_ =	sdelay $0x3  }
0x96: {  	_ =	strace s3  }
0x97: {  	_ =	strace $0x8FFFFFFF  }
0x98: {  	s19 =	sld [smem:$0x3FDB];
	_ =	sdelay $0x1  }
0x99: {  	s4 =	simm.s32 $_scs_section_size  }
0x9a: {  	s5 =	simm.s32 $_size__tile_overlayer_lowered;
	s6 =	simm.s32 $_tile_overlayer_lowered  }
0x9b: {  	s22 =	simm.s32 $0x1BFF;
	s21 =	sshll.u32 s6, $0x1;
	s3 =	sadd.s32 s4, s19  }
0x9c: {  	s7 =	simm.s32 $0x0;
	s20 =	sshll.u32 s5, $0x1;
	s5 =	sadd.s32 s21, s3  }
0x9d: {  	[timem:s7], [sflag:s22] =	dma.local [hbm:s5], s20  }
0x9e: {  	_ =	swait.ge [sflag:s22], s20  }
0x9f: {  	s4 =	ssub.s32 $0x0, s20;
	[sflag:s22] =	ssyncset.done $0x0  }
0xa0: {  	[sflag:s22] =	ssyncadd.s32 s4;
	_ =	sdelay $0x1  }
0xa1: {  	s23 =	simm.s32 $0x1B8B  }
0xa2: {  	_ =	swait.ge [sflag:s23], $0x1  }
0xa3: {  	[sflag:s23] =	ssyncset.done $0x0  }
0xa4: {  	s25 =	simm.s32 $0x1B8E;
	s24 =	sld [smem:$0x3FFE];
	[sflag:s23] =	ssyncadd.s32 $0xFFFFFFFF  }
0xa5: {  	s26 =	simm.s32 $execute0_lowered;
	[smem:$0x3FD2] =	sst s25  }
0xa6: {  	s5 =	sshll.u32 s26, $0x1;
	_ =	strace $0x80000049;
	[dreg:$0x1] =	wrdreg $0xFFFFFFFF  }
0xa7: {  	s28 =	simm.s32 $_size_execute0_lowered;
	s3 =	sadd.s32 s3, s5;
	[dreg:$0x0] =	wrdreg $0x0  }
0xa8: {  	s5 =	sshll.u32 s28, $0x1;
	[dreg:$0x2] =	wrdreg s3  }
0xa9: {  	[dreg:$0x3] =	wrdreg s5  }
0xaa: {  	[dreg:$0x4] =	wrdreg $0xC0  }
0xab: {  	_ =	task [dreg:s7], $0x5FFFF  }
0xac: {  	[dreg:$0x1] =	wrdreg $0xFFFFFFFF  }
0xad: {  	[dreg:$0x0] =	wrdreg $0x60  }
0xae: {  	[dreg:$0x2] =	wrdreg s24  }
0xaf: {  	[dreg:$0x3] =	wrdreg s2  }
0xb0: {  	[dreg:$0x4] =	wrdreg $0xA  }
0xb1: {  	_ =	task.clear_ibuf [dreg:s7], $0x5FFFF;
	_ =	strace $0x90000049  }
0xb2: {  	s29 =	simm.s32 $0xA;
	_ =	strace $0x8000004B  }
0xb3: {  	_ =	swait.ge [sflag:s29], $0x1  }
0xb4: {  	[sflag:s29] =	ssyncadd.s32 $0xFFFFFFFF  }
0xb5: {  	_ =	strace $0x9000004B  }
0xb6: {  	_ =	sfence  }
0xb7: {  	s30 =	sld [smem:$0x0];
	_ =	sdelay $0x2  }
0xb8: {  	s31 =	sshll.u32 s1, $0xD;
	s1 =	sshrl.u32 s1, $0x2  }
0xb9: {  	s3 =	sand.u32 $0x4000, s31;
	s1 =	sadd.s32 s1, s30  }
0xba: {  	s0 =	sor.u32 s3, s0;
	s1 =	sshll.u32 s1, $0x11  }
0xbb: {  	s0 =	sor.u32 s1, s0  }
0xbc: {  	s0 =	sadd.s32 $0x8F2B, s0  }
0xbd: {  	[sflag:s0] =	ssyncadd.remote.s32 $0x1  }
0xbe: {  	_ =	sfence.sel $0xFFFF  }
0xbf: {  	[dreg:$0x0] =	wrdreg $0xFFFFFFFF;
	(pc) =	sbr.abs _section_cstart, $3  }
0xc0: {  	[dreg:$0x1] =	wrdreg $0xFFFFFFFF  }
0xc1: {  	_ =	task.clear_ibuf [dreg:s7], $0x2FFFF;
	_ =	strace $0x9FFFFFFF  }
0xc2: {  	(tm) =	ssettm $0x7FFFFFFF  }
0xc3: {  	_ =	shalt  }
tec
execute0_lowered:
.L_overlay_start_1:
0x0: {  	(tag) =	ssettag $0x1  }
0x1: {  	v0 =	vlaneseq.u32  }
0x2: {  	v0 =	vmul.u32 $0x10, v0;
	_ =	sdelay $0x1  }
0x3: {  	v1 =	vimm.f32 $0.0e+00;
	v24 =	vor.u32 $0x1, v0;
	v4 =	vor.u32 $0x2, v0  }
0x4: {  	v25 =	vor.u32 $0x3, v0;
	v7 =	vor.u32 $0x100, v0;
	v9 =	vor.u32 $0x101, v0  }
0x5: {  	v10 =	vor.u32 $0x102, v0;
	v11 =	vor.u32 $0x103, v0;
	v12 =	vor.u32 $0x200, v0  }
0x6: {  	v13 =	vor.u32 $0x201, v0;
	v14 =	vor.u32 $0x202, v0;
	v15 =	vor.u32 $0x203, v0  }
0x7: {  	v16 =	vor.u32 $0x300, v0;
	v17 =	vor.u32 $0x301, v0;
	v18 =	vor.u32 $0x302, v0  }
0x8: {  	s1 =	srdreg.scid;
	v19 =	vor.u32 $0x303, v0;
	v20 =	vor.u32 $0x400, v0;
	v21 =	vor.u32 $0x401, v0  }
0x9: {  	s0 =	stileid.u32;
	s3 =	rddreg [dreg:$0x0];
	v22 =	vor.u32 $0x402, v0;
	v23 =	vor.u32 $0x403, v0;
	v8 =	vor.u32 $0x500, v0  }
0xa: {  	s8 =	rddreg [dreg:$0x1];
	s2 =	simm.s32 $0x0;
	s14 =	simm.s32 $0x0;
	v3 =	vor.u32 $0x501, v0;
	v26 =	vor.u32 $0x502, v0;
	v27 =	vor.u32 $0x503, v0  }
0xb: {  	s5 =	sand.u32 $0x1, s1;
	s26 =	sshll.u32 s0, $0x1;
	s10 =	smul.u32 $0x4E20, s0;
	v28 =	vor.u32 $0x600, v0;
	v29 =	vor.u32 $0x601, v0;
	v30 =	vor.u32 $0x602, v0  }
0xc: {  	s28 =	sshrl.u32 s0, $0x2;
	s1 =	rddreg [dreg:$0x2];
	s12 =	smul.u32 $0x9C40, s0;
	v31 =	vor.u32 $0x603, v0;
	v32 =	vor.u32 $0x700, v0;
	v33 =	vor.u32 $0x701, v0  }
0xd: {  	[smem:$0x7FF] =	sst s2;
	s29 =	sadd.s32 $0x2400, s3;
	s6 =	smul.u32 $0x50000, s28;
	v34 =	vor.u32 $0x702, v0;
	v35 =	vor.u32 $0x703, v0;
	v36 =	vor.u32 $0x800, v0  }
0xe: {  	s4 =	sor.u32 s5, s26;
	_ =	strace $0x8000004A;
	s11 =	smul.u32 $0x2710, s5;
	v37 =	vor.u32 $0x801, v0;
	v38 =	vor.u32 $0x802, v0;
	v39 =	vor.u32 $0x803, v0  }
0xf: {  	s30 =	ssub.s32 $0x2, s5;
	s13 =	smul.u32 $0x4E20, s5;
	s7 =	sshll.u32 s4, $0x7;
	v40 =	vor.u32 $0x900, v0;
	v41 =	vor.u32 $0x901, v0;
	v42 =	vor.u32 $0x902, v0  }
0x10: {  	s4 =	smul.u32 $0x2710, s4;
	s9 =	sshrl.u32 s30, $0x1;
	v43 =	vor.u32 $0x903, v0;
	v44 =	vor.u32 $0xA00, v0;
	v45 =	vor.u32 $0xA01, v0;
	s7 =	sand.u32 $0x380, s7  }
0x11: {  	v46 =	vor.u32 $0xA02, v0;
	v47 =	vor.u32 $0xA03, v0;
	v48 =	vor.u32 $0xB00, v0;
	s9 =	ssub.s32 s30, s9;
	s10 =	sadd.s32 s11, s10;
	s11 =	simm.s32 $0x3300  }
0x12: {  	v49 =	vor.u32 $0xB01, v0;
	v50 =	vor.u32 $0xB02, v0;
	v51 =	vor.u32 $0xB03, v0;
	s6 =	sor.u32 s6, s7;
	s4 =	sadd.s32 $0x2700, s4;
	s7 =	sadd.s32 s12, s29  }
0x13: {  	v52 =	vor.u32 $0xC00, v0;
	v53 =	vor.u32 $0xC01, v0;
	v54 =	vor.u32 $0xC02, v0;
	s10 =	sshrl.u32 s10, $0x3;
	s12 =	simm.s32 $0x80;
	s6 =	sshrl.u32 s6, $0x3  }
0x14: {  	v55 =	vor.u32 $0xC03, v0;
	v56 =	vor.u32 $0xD00, v0;
	v5 =	vor.u32 $0xF01, v0;
	s31 =	sshrl.u32 s4, $0x3;
	s4 =	sshll.u32 s4, $0x1;
	s7 =	sadd.s32 s13, s7  }
0x15: {  	v57 =	vor.u32 $0xD01, v0;
	v58 =	vor.u32 $0xD02, v0;
	v59 =	vor.u32 $0xD03, v0;
	[tilespmem:$0x1FFD0] =	vst v5;
	s13 =	simm.s32 $0x400;
	s6 =	sadd.s32 s6, s3;
	s3 =	sadd.s32 s8, s31  }
0x16: {  	v60 =	vor.u32 $0xE00, v0;
	v61 =	vor.u32 $0xE01, v0;
	v5 =	vor.u32 $0xF02, v0;
	[tilespmem:$0x1FFF0] =	vst v7;
	s4 =	sadd.s32 s29, s4;
	s8 =	sadd.s32 s10, s8;
	s10 =	simm.s32 $0x300  }
0x17: {  	v62 =	vor.u32 $0xE02, v0;
	v63 =	vor.u32 $0xE03, v0;
	v2 =	vor.u32 $0xF00, v0;
	[tilespmem:$0x1FFE0] =	vst v5;
	s5 =	sadd.s32 $0x9E800, s6;
	s6 =	smax.u32 s9, $0x1;
	s9 =	simm.s32 $0x1  }
.LBB2_1:
0x18: {  	s15 =	simm.s32 $0x0  }
.LBB2_2:
0x19: {  	p0 =	sne.s32 s15, $0x27FC0  }
.Ltmp0:
0x1a: {  	_ = 	snop;
	(pc) =	sbr.rel @p0 .LBB2_2-.Ltmp0, $3  }
0x1b: {  	_ =	sdelay $0x1  }
0x1c: {  	s16 =	sshra.s32 s15, $0x2  }
0x1d: {  	s15 =	sadd.s32 $0x40, s15;
	[tilespmem:s16+$0x3300] =	vst v1  }
0x1e: {  	s15 =	simm.s32 $0x0;
	s16 =	smov.u32 s7  }
.LBB2_4:
0x1f: {  	s17 =	sadd.s32 s15, s8  }
0x20: {  	[tilespmem:s2], [sflag:$0x1] =	stream.linear.gather [hbm4b:s17+s2], $0x300, $0x38;
	[tilespmem:$0xD300] =	vst v63  }
0x21: {  	_ =	swait.ge [sflag:s9], $0x300  }
0x22: {  	[sflag:s9] =	ssyncset.done $0x0  }
0x23: {  	[sflag:s9] =	ssyncadd.s32 $0xFFFFFD00  }
0x24: {  	[tilespmem:s10], [sflag:$0x1] =	stream.linear.gather [hbm4b:s16+s2], $0x3000, $0x38;
	[tilespmem:$0xD300] =	vst v63  }
0x25: {  	_ =	swait.ge [sflag:s9], $0x3000  }
0x26: {  	[sflag:s9] =	ssyncset.done $0x0  }
0x27: {  	[sflag:s9] =	ssyncadd.s32 $0xFFFFD000  }
0x28: {  	v1 =	vld [tilespmem:$0x0];
	_ =	sdelay $0x4  }
0x29: {  	v5 =	vld.idx.msk [tilespmem:v0+s10+$0x0], $0xffff;
	v1 =	vshll.u32 v1, $0x2;
	_ =	sdelay $0x4  }
0x2a: {  	[tilespmem:v1+s11+$0x0] =	vst.idx.add.f32.msk $0xffff, v5  }
0x2b: {  	v6 =	vor.u32 $0x1, v1;
	v5 =	vld.idx.msk [tilespmem:v24+s10+$0x0], $0xffff;
	_ =	sdelay $0x4  }
0x2c: {  	[tilespmem:v6+s11+$0x0] =	vst.idx.add.f32.msk $0xffff, v5  }
0x2d: {  	v6 =	vor.u32 $0x2, v1;
	v5 =	vld.idx.msk [tilespmem:v4+s10+$0x0], $0xffff;
	_ =	sdelay $0x4  }
0x2e: {  	[tilespmem:v6+s11+$0x0] =	vst.idx.add.f32.msk $0xffff, v5  }
0x2f: {  	v1 =	vor.u32 $0x3, v1;
	v5 =	vld.idx.msk [tilespmem:v25+s10+$0x0], $0xffff;
	_ =	sdelay $0x4  }
0x30: {  	[tilespmem:v1+s11+$0x0] =	vst.idx.add.f32.msk $0xffff, v5  }
0x31: {  	v1 =	vld [tilespmem:$0x10];
	_ =	sdelay $0x4  }
0x32: {  	v5 =	vld.idx.msk [tilespmem:v7+s10+$0x0], $0xffff;
	v1 =	vshll.u32 v1, $0x2;
	_ =	sdelay $0x4  }
0x33: {  	[tilespmem:v1+s11+$0x0] =	vst.idx.add.f32.msk $0xffff, v5  }
0x34: {  	v6 =	vor.u32 $0x1, v1;
	v5 =	vld.idx.msk [tilespmem:v9+s10+$0x0], $0xffff;
	_ =	sdelay $0x4  }
0x35: {  	[tilespmem:v6+s11+$0x0] =	vst.idx.add.f32.msk $0xffff, v5  }
0x36: {  	v6 =	vor.u32 $0x2, v1;
	v5 =	vld.idx.msk [tilespmem:v10+s10+$0x0], $0xffff;
	_ =	sdelay $0x4  }
0x37: {  	[tilespmem:v6+s11+$0x0] =	vst.idx.add.f32.msk $0xffff, v5  }
0x38: {  	v1 =	vor.u32 $0x3, v1;
	v5 =	vld.idx.msk [tilespmem:v11+s10+$0x0], $0xffff;
	_ =	sdelay $0x4  }
0x39: {  	[tilespmem:v1+s11+$0x0] =	vst.idx.add.f32.msk $0xffff, v5  }
0x3a: {  	v1 =	vld [tilespmem:$0x20];
	_ =	sdelay $0x4  }
0x3b: {  	v5 =	vld.idx.msk [tilespmem:v12+s10+$0x0], $0xffff;
	v1 =	vshll.u32 v1, $0x2;
	_ =	sdelay $0x4  }
0x3c: {  	[tilespmem:v1+s11+$0x0] =	vst.idx.add.f32.msk $0xffff, v5  }
0x3d: {  	v6 =	vor.u32 $0x1, v1;
	v5 =	vld.idx.msk [tilespmem:v13+s10+$0x0], $0xffff;
	_ =	sdelay $0x4  }
0x3e: {  	[tilespmem:v6+s11+$0x0] =	vst.idx.add.f32.msk $0xffff, v5  }
0x3f: {  	v6 =	vor.u32 $0x2, v1;
	v5 =	vld.idx.msk [tilespmem:v14+s10+$0x0], $0xffff;
	_ =	sdelay $0x4  }
0x40: {  	[tilespmem:v6+s11+$0x0] =	vst.idx.add.f32.msk $0xffff, v5  }
0x41: {  	v1 =	vor.u32 $0x3, v1;
	v5 =	vld.idx.msk [tilespmem:v15+s10+$0x0], $0xffff;
	_ =	sdelay $0x4  }
0x42: {  	[tilespmem:v1+s11+$0x0] =	vst.idx.add.f32.msk $0xffff, v5  }
0x43: {  	v1 =	vld [tilespmem:$0x30];
	_ =	sdelay $0x4  }
0x44: {  	v5 =	vld.idx.msk [tilespmem:v16+s10+$0x0], $0xffff;
	v1 =	vshll.u32 v1, $0x2;
	_ =	sdelay $0x4  }
0x45: {  	[tilespmem:v1+s11+$0x0] =	vst.idx.add.f32.msk $0xffff, v5  }
0x46: {  	v6 =	vor.u32 $0x1, v1;
	v5 =	vld.idx.msk [tilespmem:v17+s10+$0x0], $0xffff;
	_ =	sdelay $0x4  }
0x47: {  	[tilespmem:v6+s11+$0x0] =	vst.idx.add.f32.msk $0xffff, v5  }
0x48: {  	v6 =	vor.u32 $0x2, v1;
	v5 =	vld.idx.msk [tilespmem:v18+s10+$0x0], $0xffff;
	_ =	sdelay $0x4  }
0x49: {  	[tilespmem:v6+s11+$0x0] =	vst.idx.add.f32.msk $0xffff, v5  }
0x4a: {  	v1 =	vor.u32 $0x3, v1;
	v5 =	vld.idx.msk [tilespmem:v19+s10+$0x0], $0xffff;
	_ =	sdelay $0x4  }
0x4b: {  	[tilespmem:v1+s11+$0x0] =	vst.idx.add.f32.msk $0xffff, v5  }
0x4c: {  	v1 =	vld [tilespmem:$0x40];
	_ =	sdelay $0x4  }
0x4d: {  	v5 =	vld.idx.msk [tilespmem:v20+s10+$0x0], $0xffff;
	v1 =	vshll.u32 v1, $0x2;
	_ =	sdelay $0x4  }
0x4e: {  	[tilespmem:v1+s11+$0x0] =	vst.idx.add.f32.msk $0xffff, v5  }
0x4f: {  	v6 =	vor.u32 $0x1, v1;
	v5 =	vld.idx.msk [tilespmem:v21+s10+$0x0], $0xffff;
	_ =	sdelay $0x4  }
0x50: {  	[tilespmem:v6+s11+$0x0] =	vst.idx.add.f32.msk $0xffff, v5  }
0x51: {  	v6 =	vor.u32 $0x2, v1;
	v5 =	vld.idx.msk [tilespmem:v22+s10+$0x0], $0xffff;
	_ =	sdelay $0x4  }
0x52: {  	[tilespmem:v6+s11+$0x0] =	vst.idx.add.f32.msk $0xffff, v5  }
0x53: {  	v1 =	vor.u32 $0x3, v1;
	v5 =	vld.idx.msk [tilespmem:v23+s10+$0x0], $0xffff;
	_ =	sdelay $0x4  }
0x54: {  	[tilespmem:v1+s11+$0x0] =	vst.idx.add.f32.msk $0xffff, v5  }
0x55: {  	v1 =	vld [tilespmem:$0x50];
	_ =	sdelay $0x4  }
0x56: {  	v5 =	vld.idx.msk [tilespmem:v8+s10+$0x0], $0xffff;
	v1 =	vshll.u32 v1, $0x2;
	_ =	sdelay $0x4  }
0x57: {  	[tilespmem:v1+s11+$0x0] =	vst.idx.add.f32.msk $0xffff, v5  }
0x58: {  	v6 =	vor.u32 $0x1, v1;
	v5 =	vld.idx.msk [tilespmem:v3+s10+$0x0], $0xffff;
	_ =	sdelay $0x4  }
0x59: {  	[tilespmem:v6+s11+$0x0] =	vst.idx.add.f32.msk $0xffff, v5  }
0x5a: {  	v6 =	vor.u32 $0x2, v1;
	v5 =	vld.idx.msk [tilespmem:v26+s10+$0x0], $0xffff;
	_ =	sdelay $0x4  }
0x5b: {  	[tilespmem:v6+s11+$0x0] =	vst.idx.add.f32.msk $0xffff, v5  }
0x5c: {  	v1 =	vor.u32 $0x3, v1;
	v5 =	vld.idx.msk [tilespmem:v27+s10+$0x0], $0xffff;
	_ =	sdelay $0x4  }
0x5d: {  	[tilespmem:v1+s11+$0x0] =	vst.idx.add.f32.msk $0xffff, v5  }
0x5e: {  	v1 =	vld [tilespmem:$0x60];
	_ =	sdelay $0x4  }
0x5f: {  	v5 =	vld.idx.msk [tilespmem:v28+s10+$0x0], $0xffff;
	v1 =	vshll.u32 v1, $0x2;
	_ =	sdelay $0x4  }
0x60: {  	[tilespmem:v1+s11+$0x0] =	vst.idx.add.f32.msk $0xffff, v5  }
0x61: {  	v6 =	vor.u32 $0x1, v1;
	v5 =	vld.idx.msk [tilespmem:v29+s10+$0x0], $0xffff;
	_ =	sdelay $0x4  }
0x62: {  	[tilespmem:v6+s11+$0x0] =	vst.idx.add.f32.msk $0xffff, v5  }
0x63: {  	v6 =	vor.u32 $0x2, v1;
	v5 =	vld.idx.msk [tilespmem:v30+s10+$0x0], $0xffff;
	_ =	sdelay $0x4  }
0x64: {  	[tilespmem:v6+s11+$0x0] =	vst.idx.add.f32.msk $0xffff, v5  }
0x65: {  	v1 =	vor.u32 $0x3, v1;
	v5 =	vld.idx.msk [tilespmem:v31+s10+$0x0], $0xffff;
	_ =	sdelay $0x4  }
0x66: {  	[tilespmem:v1+s11+$0x0] =	vst.idx.add.f32.msk $0xffff, v5  }
0x67: {  	v1 =	vld [tilespmem:$0x70];
	_ =	sdelay $0x4  }
0x68: {  	v5 =	vld.idx.msk [tilespmem:v32+s10+$0x0], $0xffff;
	v1 =	vshll.u32 v1, $0x2;
	_ =	sdelay $0x4  }
0x69: {  	[tilespmem:v1+s11+$0x0] =	vst.idx.add.f32.msk $0xffff, v5  }
0x6a: {  	v6 =	vor.u32 $0x1, v1;
	v5 =	vld.idx.msk [tilespmem:v33+s10+$0x0], $0xffff;
	_ =	sdelay $0x4  }
0x6b: {  	[tilespmem:v6+s11+$0x0] =	vst.idx.add.f32.msk $0xffff, v5  }
0x6c: {  	v6 =	vor.u32 $0x2, v1;
	v5 =	vld.idx.msk [tilespmem:v34+s10+$0x0], $0xffff;
	_ =	sdelay $0x4  }
0x6d: {  	[tilespmem:v6+s11+$0x0] =	vst.idx.add.f32.msk $0xffff, v5  }
0x6e: {  	v1 =	vor.u32 $0x3, v1;
	v5 =	vld.idx.msk [tilespmem:v35+s10+$0x0], $0xffff;
	_ =	sdelay $0x4  }
0x6f: {  	[tilespmem:v1+s11+$0x0] =	vst.idx.add.f32.msk $0xffff, v5  }
0x70: {  	v1 =	vld [tilespmem:$0x80];
	_ =	sdelay $0x4  }
0x71: {  	v5 =	vld.idx.msk [tilespmem:v36+s10+$0x0], $0xffff;
	v1 =	vshll.u32 v1, $0x2;
	_ =	sdelay $0x4  }
0x72: {  	[tilespmem:v1+s11+$0x0] =	vst.idx.add.f32.msk $0xffff, v5  }
0x73: {  	v6 =	vor.u32 $0x1, v1;
	v5 =	vld.idx.msk [tilespmem:v37+s10+$0x0], $0xffff;
	_ =	sdelay $0x4  }
0x74: {  	[tilespmem:v6+s11+$0x0] =	vst.idx.add.f32.msk $0xffff, v5  }
0x75: {  	v6 =	vor.u32 $0x2, v1;
	v5 =	vld.idx.msk [tilespmem:v38+s10+$0x0], $0xffff;
	_ =	sdelay $0x4  }
0x76: {  	[tilespmem:v6+s11+$0x0] =	vst.idx.add.f32.msk $0xffff, v5  }
0x77: {  	v1 =	vor.u32 $0x3, v1;
	v5 =	vld.idx.msk [tilespmem:v39+s10+$0x0], $0xffff;
	_ =	sdelay $0x4  }
0x78: {  	[tilespmem:v1+s11+$0x0] =	vst.idx.add.f32.msk $0xffff, v5  }
0x79: {  	v1 =	vld [tilespmem:$0x90];
	_ =	sdelay $0x4  }
0x7a: {  	v5 =	vld.idx.msk [tilespmem:v40+s10+$0x0], $0xffff;
	v1 =	vshll.u32 v1, $0x2;
	_ =	sdelay $0x4  }
0x7b: {  	[tilespmem:v1+s11+$0x0] =	vst.idx.add.f32.msk $0xffff, v5  }
0x7c: {  	v6 =	vor.u32 $0x1, v1;
	v5 =	vld.idx.msk [tilespmem:v41+s10+$0x0], $0xffff;
	_ =	sdelay $0x4  }
0x7d: {  	[tilespmem:v6+s11+$0x0] =	vst.idx.add.f32.msk $0xffff, v5  }
0x7e: {  	v6 =	vor.u32 $0x2, v1;
	v5 =	vld.idx.msk [tilespmem:v42+s10+$0x0], $0xffff;
	_ =	sdelay $0x4  }
0x7f: {  	[tilespmem:v6+s11+$0x0] =	vst.idx.add.f32.msk $0xffff, v5  }
0x80: {  	v1 =	vor.u32 $0x3, v1;
	v5 =	vld.idx.msk [tilespmem:v43+s10+$0x0], $0xffff;
	_ =	sdelay $0x4  }
0x81: {  	[tilespmem:v1+s11+$0x0] =	vst.idx.add.f32.msk $0xffff, v5  }
0x82: {  	v1 =	vld [tilespmem:$0xA0];
	_ =	sdelay $0x4  }
0x83: {  	v5 =	vld.idx.msk [tilespmem:v44+s10+$0x0], $0xffff;
	v1 =	vshll.u32 v1, $0x2;
	_ =	sdelay $0x4  }
0x84: {  	[tilespmem:v1+s11+$0x0] =	vst.idx.add.f32.msk $0xffff, v5  }
0x85: {  	v6 =	vor.u32 $0x1, v1;
	v5 =	vld.idx.msk [tilespmem:v45+s10+$0x0], $0xffff;
	_ =	sdelay $0x4  }
0x86: {  	[tilespmem:v6+s11+$0x0] =	vst.idx.add.f32.msk $0xffff, v5  }
0x87: {  	v6 =	vor.u32 $0x2, v1;
	v5 =	vld.idx.msk [tilespmem:v46+s10+$0x0], $0xffff;
	_ =	sdelay $0x4  }
0x88: {  	[tilespmem:v6+s11+$0x0] =	vst.idx.add.f32.msk $0xffff, v5  }
0x89: {  	v1 =	vor.u32 $0x3, v1;
	v5 =	vld.idx.msk [tilespmem:v47+s10+$0x0], $0xffff;
	_ =	sdelay $0x4  }
0x8a: {  	[tilespmem:v1+s11+$0x0] =	vst.idx.add.f32.msk $0xffff, v5  }
0x8b: {  	v1 =	vld [tilespmem:$0xB0];
	_ =	sdelay $0x4  }
0x8c: {  	v5 =	vld.idx.msk [tilespmem:v48+s10+$0x0], $0xffff;
	v1 =	vshll.u32 v1, $0x2;
	_ =	sdelay $0x4  }
0x8d: {  	[tilespmem:v1+s11+$0x0] =	vst.idx.add.f32.msk $0xffff, v5  }
0x8e: {  	v6 =	vor.u32 $0x1, v1;
	v5 =	vld.idx.msk [tilespmem:v49+s10+$0x0], $0xffff;
	_ =	sdelay $0x4  }
0x8f: {  	[tilespmem:v6+s11+$0x0] =	vst.idx.add.f32.msk $0xffff, v5  }
0x90: {  	v6 =	vor.u32 $0x2, v1;
	v5 =	vld.idx.msk [tilespmem:v50+s10+$0x0], $0xffff;
	_ =	sdelay $0x4  }
0x91: {  	[tilespmem:v6+s11+$0x0] =	vst.idx.add.f32.msk $0xffff, v5  }
0x92: {  	v1 =	vor.u32 $0x3, v1;
	v5 =	vld.idx.msk [tilespmem:v51+s10+$0x0], $0xffff;
	_ =	sdelay $0x4  }
0x93: {  	[tilespmem:v1+s11+$0x0] =	vst.idx.add.f32.msk $0xffff, v5  }
0x94: {  	v1 =	vld [tilespmem:$0xC0];
	_ =	sdelay $0x4  }
0x95: {  	v5 =	vld.idx.msk [tilespmem:v52+s10+$0x0], $0xffff;
	v1 =	vshll.u32 v1, $0x2;
	_ =	sdelay $0x4  }
0x96: {  	[tilespmem:v1+s11+$0x0] =	vst.idx.add.f32.msk $0xffff, v5  }
0x97: {  	v6 =	vor.u32 $0x1, v1;
	v5 =	vld.idx.msk [tilespmem:v53+s10+$0x0], $0xffff;
	_ =	sdelay $0x4  }
0x98: {  	[tilespmem:v6+s11+$0x0] =	vst.idx.add.f32.msk $0xffff, v5  }
0x99: {  	v6 =	vor.u32 $0x2, v1;
	v5 =	vld.idx.msk [tilespmem:v54+s10+$0x0], $0xffff;
	_ =	sdelay $0x4  }
0x9a: {  	[tilespmem:v6+s11+$0x0] =	vst.idx.add.f32.msk $0xffff, v5  }
0x9b: {  	v1 =	vor.u32 $0x3, v1;
	v5 =	vld.idx.msk [tilespmem:v55+s10+$0x0], $0xffff;
	_ =	sdelay $0x4  }
0x9c: {  	[tilespmem:v1+s11+$0x0] =	vst.idx.add.f32.msk $0xffff, v5  }
0x9d: {  	v1 =	vld [tilespmem:$0xD0];
	_ =	sdelay $0x4  }
0x9e: {  	v5 =	vld.idx.msk [tilespmem:v56+s10+$0x0], $0xffff;
	v1 =	vshll.u32 v1, $0x2;
	_ =	sdelay $0x4  }
0x9f: {  	[tilespmem:v1+s11+$0x0] =	vst.idx.add.f32.msk $0xffff, v5  }
0xa0: {  	v6 =	vor.u32 $0x1, v1;
	v5 =	vld.idx.msk [tilespmem:v57+s10+$0x0], $0xffff;
	_ =	sdelay $0x4  }
0xa1: {  	[tilespmem:v6+s11+$0x0] =	vst.idx.add.f32.msk $0xffff, v5  }
0xa2: {  	v6 =	vor.u32 $0x2, v1;
	v5 =	vld.idx.msk [tilespmem:v58+s10+$0x0], $0xffff;
	_ =	sdelay $0x4  }
0xa3: {  	[tilespmem:v6+s11+$0x0] =	vst.idx.add.f32.msk $0xffff, v5  }
0xa4: {  	v1 =	vor.u32 $0x3, v1;
	v5 =	vld.idx.msk [tilespmem:v59+s10+$0x0], $0xffff;
	_ =	sdelay $0x4  }
0xa5: {  	[tilespmem:v1+s11+$0x0] =	vst.idx.add.f32.msk $0xffff, v5  }
0xa6: {  	v1 =	vld [tilespmem:$0xE0];
	_ =	sdelay $0x4  }
0xa7: {  	v5 =	vld.idx.msk [tilespmem:v60+s10+$0x0], $0xffff;
	v1 =	vshll.u32 v1, $0x2;
	_ =	sdelay $0x4  }
0xa8: {  	[tilespmem:v1+s11+$0x0] =	vst.idx.add.f32.msk $0xffff, v5  }
0xa9: {  	v6 =	vor.u32 $0x1, v1;
	v5 =	vld.idx.msk [tilespmem:v61+s10+$0x0], $0xffff;
	_ =	sdelay $0x4  }
0xaa: {  	[tilespmem:v6+s11+$0x0] =	vst.idx.add.f32.msk $0xffff, v5  }
0xab: {  	v6 =	vor.u32 $0x2, v1;
	v5 =	vld.idx.msk [tilespmem:v62+s10+$0x0], $0xffff;
	_ =	sdelay $0x4  }
0xac: {  	[tilespmem:v6+s11+$0x0] =	vst.idx.add.f32.msk $0xffff, v5  }
0xad: {  	v1 =	vor.u32 $0x3, v1;
	v5 =	vld.idx.msk [tilespmem:v63+s10+$0x0], $0xffff;
	_ =	sdelay $0x4  }
0xae: {  	[tilespmem:v1+s11+$0x0] =	vst.idx.add.f32.msk $0xffff, v5  }
0xaf: {  	v1 =	vld [tilespmem:$0xF0];
	_ =	sdelay $0x4  }
0xb0: {  	v5 =	vld.idx.msk [tilespmem:v2+s10+$0x0], $0xffff;
	v1 =	vshll.u32 v1, $0x2;
	_ =	sdelay $0x4  }
0xb1: {  	[tilespmem:v1+s11+$0x0] =	vst.idx.add.f32.msk $0xffff, v5  }
0xb2: {  	v5 =	vld [tilespmem:$0x1FFD0];
	_ =	sdelay $0x7  }
0xb3: {  	v6 =	vor.u32 $0x1, v1;
	v5 =	vld.idx.msk [tilespmem:v5+s10+$0x0], $0xffff;
	_ =	sdelay $0x4  }
0xb4: {  	[tilespmem:v6+s11+$0x0] =	vst.idx.add.f32.msk $0xffff, v5  }
0xb5: {  	v5 =	vld [tilespmem:$0x1FFE0];
	_ =	sdelay $0x7  }
0xb6: {  	v6 =	vor.u32 $0x2, v1;
	v5 =	vld.idx.msk [tilespmem:v5+s10+$0x0], $0xffff  }
0xb7: {  	v7 =	vor.u32 $0xF03, v0;
	_ =	sdelay $0x3  }
0xb8: {  	[tilespmem:v6+s11+$0x0] =	vst.idx.add.f32.msk $0xffff, v5  }
0xb9: {  	v1 =	vor.u32 $0x3, v1;
	v5 =	vld.idx.msk [tilespmem:v7+s10+$0x0], $0xffff;
	_ =	sdelay $0x4  }
0xba: {  	[tilespmem:v1+s11+$0x0] =	vst.idx.add.f32.msk $0xffff, v5  }
0xbb: {  	v5 =	vor.u32 $0x1000, v0;
	v1 =	vld [tilespmem:$0x100];
	_ =	sdelay $0x4  }
0xbc: {  	v5 =	vld.idx.msk [tilespmem:v5+s10+$0x0], $0xffff;
	v1 =	vshll.u32 v1, $0x2  }
0xbd: {  	v6 =	vor.u32 $0x1001, v0;
	_ =	sdelay $0x3  }
0xbe: {  	[tilespmem:v1+s11+$0x0] =	vst.idx.add.f32.msk $0xffff, v5  }
0xbf: {  	v5 =	vld.idx.msk [tilespmem:v6+s10+$0x0], $0xffff;
	v6 =	vor.u32 $0x1, v1  }
0xc0: {  	v7 =	vor.u32 $0x1002, v0;
	_ =	sdelay $0x3  }
0xc1: {  	[tilespmem:v6+s11+$0x0] =	vst.idx.add.f32.msk $0xffff, v5  }
0xc2: {  	v6 =	vor.u32 $0x2, v1;
	v5 =	vld.idx.msk [tilespmem:v7+s10+$0x0], $0xffff  }
0xc3: {  	v7 =	vor.u32 $0x1003, v0;
	_ =	sdelay $0x3  }
0xc4: {  	[tilespmem:v6+s11+$0x0] =	vst.idx.add.f32.msk $0xffff, v5  }
0xc5: {  	v1 =	vor.u32 $0x3, v1;
	v5 =	vld.idx.msk [tilespmem:v7+s10+$0x0], $0xffff;
	_ =	sdelay $0x4  }
0xc6: {  	[tilespmem:v1+s11+$0x0] =	vst.idx.add.f32.msk $0xffff, v5  }
0xc7: {  	v5 =	vor.u32 $0x1100, v0;
	v1 =	vld [tilespmem:$0x110];
	_ =	sdelay $0x4  }
0xc8: {  	v5 =	vld.idx.msk [tilespmem:v5+s10+$0x0], $0xffff;
	v1 =	vshll.u32 v1, $0x2  }
0xc9: {  	v6 =	vor.u32 $0x1101, v0;
	_ =	sdelay $0x3  }
0xca: {  	[tilespmem:v1+s11+$0x0] =	vst.idx.add.f32.msk $0xffff, v5  }
0xcb: {  	v5 =	vld.idx.msk [tilespmem:v6+s10+$0x0], $0xffff;
	v6 =	vor.u32 $0x1, v1  }
0xcc: {  	v7 =	vor.u32 $0x1102, v0;
	_ =	sdelay $0x3  }
0xcd: {  	[tilespmem:v6+s11+$0x0] =	vst.idx.add.f32.msk $0xffff, v5  }
0xce: {  	v6 =	vor.u32 $0x2, v1;
	v5 =	vld.idx.msk [tilespmem:v7+s10+$0x0], $0xffff  }
0xcf: {  	v7 =	vor.u32 $0x1103, v0;
	_ =	sdelay $0x3  }
0xd0: {  	[tilespmem:v6+s11+$0x0] =	vst.idx.add.f32.msk $0xffff, v5  }
0xd1: {  	v1 =	vor.u32 $0x3, v1;
	v5 =	vld.idx.msk [tilespmem:v7+s10+$0x0], $0xffff;
	_ =	sdelay $0x4  }
0xd2: {  	[tilespmem:v1+s11+$0x0] =	vst.idx.add.f32.msk $0xffff, v5  }
0xd3: {  	v5 =	vor.u32 $0x1200, v0;
	v1 =	vld [tilespmem:$0x120];
	_ =	sdelay $0x4  }
0xd4: {  	v5 =	vld.idx.msk [tilespmem:v5+s10+$0x0], $0xffff;
	v1 =	vshll.u32 v1, $0x2  }
0xd5: {  	v6 =	vor.u32 $0x1201, v0;
	_ =	sdelay $0x3  }
0xd6: {  	[tilespmem:v1+s11+$0x0] =	vst.idx.add.f32.msk $0xffff, v5  }
0xd7: {  	v5 =	vld.idx.msk [tilespmem:v6+s10+$0x0], $0xffff;
	v6 =	vor.u32 $0x1, v1  }
0xd8: {  	v7 =	vor.u32 $0x1202, v0;
	_ =	sdelay $0x3  }
0xd9: {  	[tilespmem:v6+s11+$0x0] =	vst.idx.add.f32.msk $0xffff, v5  }
0xda: {  	v6 =	vor.u32 $0x2, v1;
	v5 =	vld.idx.msk [tilespmem:v7+s10+$0x0], $0xffff  }
0xdb: {  	v7 =	vor.u32 $0x1203, v0;
	_ =	sdelay $0x3  }
0xdc: {  	[tilespmem:v6+s11+$0x0] =	vst.idx.add.f32.msk $0xffff, v5  }
0xdd: {  	v1 =	vor.u32 $0x3, v1;
	v5 =	vld.idx.msk [tilespmem:v7+s10+$0x0], $0xffff;
	_ =	sdelay $0x4  }
0xde: {  	[tilespmem:v1+s11+$0x0] =	vst.idx.add.f32.msk $0xffff, v5  }
0xdf: {  	v5 =	vor.u32 $0x1300, v0;
	v1 =	vld [tilespmem:$0x130];
	_ =	sdelay $0x4  }
0xe0: {  	v5 =	vld.idx.msk [tilespmem:v5+s10+$0x0], $0xffff;
	v1 =	vshll.u32 v1, $0x2  }
0xe1: {  	v6 =	vor.u32 $0x1301, v0;
	_ =	sdelay $0x3  }
0xe2: {  	[tilespmem:v1+s11+$0x0] =	vst.idx.add.f32.msk $0xffff, v5  }
0xe3: {  	v5 =	vld.idx.msk [tilespmem:v6+s10+$0x0], $0xffff;
	v6 =	vor.u32 $0x1, v1  }
0xe4: {  	v7 =	vor.u32 $0x1302, v0;
	_ =	sdelay $0x3  }
0xe5: {  	[tilespmem:v6+s11+$0x0] =	vst.idx.add.f32.msk $0xffff, v5  }
0xe6: {  	v6 =	vor.u32 $0x2, v1;
	v5 =	vld.idx.msk [tilespmem:v7+s10+$0x0], $0xffff  }
0xe7: {  	v7 =	vor.u32 $0x1303, v0;
	_ =	sdelay $0x3  }
0xe8: {  	[tilespmem:v6+s11+$0x0] =	vst.idx.add.f32.msk $0xffff, v5  }
0xe9: {  	v1 =	vor.u32 $0x3, v1;
	v5 =	vld.idx.msk [tilespmem:v7+s10+$0x0], $0xffff;
	_ =	sdelay $0x4  }
0xea: {  	[tilespmem:v1+s11+$0x0] =	vst.idx.add.f32.msk $0xffff, v5  }
0xeb: {  	v5 =	vor.u32 $0x1400, v0;
	v1 =	vld [tilespmem:$0x140];
	_ =	sdelay $0x4  }
0xec: {  	v5 =	vld.idx.msk [tilespmem:v5+s10+$0x0], $0xffff;
	v1 =	vshll.u32 v1, $0x2  }
0xed: {  	v6 =	vor.u32 $0x1401, v0;
	_ =	sdelay $0x3  }
0xee: {  	[tilespmem:v1+s11+$0x0] =	vst.idx.add.f32.msk $0xffff, v5  }
0xef: {  	v5 =	vld.idx.msk [tilespmem:v6+s10+$0x0], $0xffff;
	v6 =	vor.u32 $0x1, v1  }
0xf0: {  	v7 =	vor.u32 $0x1402, v0;
	_ =	sdelay $0x3  }
0xf1: {  	[tilespmem:v6+s11+$0x0] =	vst.idx.add.f32.msk $0xffff, v5  }
0xf2: {  	v6 =	vor.u32 $0x2, v1;
	v5 =	vld.idx.msk [tilespmem:v7+s10+$0x0], $0xffff  }
0xf3: {  	v7 =	vor.u32 $0x1403, v0;
	_ =	sdelay $0x3  }
0xf4: {  	[tilespmem:v6+s11+$0x0] =	vst.idx.add.f32.msk $0xffff, v5  }
0xf5: {  	v1 =	vor.u32 $0x3, v1;
	v5 =	vld.idx.msk [tilespmem:v7+s10+$0x0], $0xffff;
	_ =	sdelay $0x4  }
0xf6: {  	[tilespmem:v1+s11+$0x0] =	vst.idx.add.f32.msk $0xffff, v5  }
0xf7: {  	v5 =	vor.u32 $0x1500, v0;
	v1 =	vld [tilespmem:$0x150];
	_ =	sdelay $0x4  }
0xf8: {  	v5 =	vld.idx.msk [tilespmem:v5+s10+$0x0], $0xffff;
	v1 =	vshll.u32 v1, $0x2  }
0xf9: {  	v6 =	vor.u32 $0x1501, v0;
	_ =	sdelay $0x3  }
0xfa: {  	[tilespmem:v1+s11+$0x0] =	vst.idx.add.f32.msk $0xffff, v5  }
0xfb: {  	v5 =	vld.idx.msk [tilespmem:v6+s10+$0x0], $0xffff;
	v6 =	vor.u32 $0x1, v1  }
0xfc: {  	v7 =	vor.u32 $0x1502, v0;
	_ =	sdelay $0x3  }
0xfd: {  	[tilespmem:v6+s11+$0x0] =	vst.idx.add.f32.msk $0xffff, v5  }
0xfe: {  	v6 =	vor.u32 $0x2, v1;
	v5 =	vld.idx.msk [tilespmem:v7+s10+$0x0], $0xffff  }
0xff: {  	v7 =	vor.u32 $0x1503, v0;
	_ =	sdelay $0x3  }
0x100: {  	[tilespmem:v6+s11+$0x0] =	vst.idx.add.f32.msk $0xffff, v5  }
0x101: {  	v1 =	vor.u32 $0x3, v1;
	v5 =	vld.idx.msk [tilespmem:v7+s10+$0x0], $0xffff;
	_ =	sdelay $0x4  }
0x102: {  	[tilespmem:v1+s11+$0x0] =	vst.idx.add.f32.msk $0xffff, v5  }
0x103: {  	v5 =	vor.u32 $0x1600, v0;
	v1 =	vld [tilespmem:$0x160];
	_ =	sdelay $0x4  }
0x104: {  	v5 =	vld.idx.msk [tilespmem:v5+s10+$0x0], $0xffff;
	v1 =	vshll.u32 v1, $0x2  }
0x105: {  	v6 =	vor.u32 $0x1601, v0;
	_ =	sdelay $0x3  }
0x106: {  	[tilespmem:v1+s11+$0x0] =	vst.idx.add.f32.msk $0xffff, v5  }
0x107: {  	v5 =	vld.idx.msk [tilespmem:v6+s10+$0x0], $0xffff;
	v6 =	vor.u32 $0x1, v1  }
0x108: {  	v7 =	vor.u32 $0x1602, v0;
	_ =	sdelay $0x3  }
0x109: {  	[tilespmem:v6+s11+$0x0] =	vst.idx.add.f32.msk $0xffff, v5  }
0x10a: {  	v6 =	vor.u32 $0x2, v1;
	v5 =	vld.idx.msk [tilespmem:v7+s10+$0x0], $0xffff  }
0x10b: {  	v7 =	vor.u32 $0x1603, v0;
	_ =	sdelay $0x3  }
0x10c: {  	[tilespmem:v6+s11+$0x0] =	vst.idx.add.f32.msk $0xffff, v5  }
0x10d: {  	v1 =	vor.u32 $0x3, v1;
	v5 =	vld.idx.msk [tilespmem:v7+s10+$0x0], $0xffff;
	_ =	sdelay $0x4  }
0x10e: {  	[tilespmem:v1+s11+$0x0] =	vst.idx.add.f32.msk $0xffff, v5  }
0x10f: {  	v5 =	vor.u32 $0x1700, v0;
	v1 =	vld [tilespmem:$0x170];
	_ =	sdelay $0x4  }
0x110: {  	v5 =	vld.idx.msk [tilespmem:v5+s10+$0x0], $0xffff;
	v1 =	vshll.u32 v1, $0x2  }
0x111: {  	v6 =	vor.u32 $0x1701, v0;
	_ =	sdelay $0x3  }
0x112: {  	[tilespmem:v1+s11+$0x0] =	vst.idx.add.f32.msk $0xffff, v5  }
0x113: {  	v5 =	vld.idx.msk [tilespmem:v6+s10+$0x0], $0xffff;
	v6 =	vor.u32 $0x1, v1  }
0x114: {  	v7 =	vor.u32 $0x1702, v0;
	_ =	sdelay $0x3  }
0x115: {  	[tilespmem:v6+s11+$0x0] =	vst.idx.add.f32.msk $0xffff, v5  }
0x116: {  	v6 =	vor.u32 $0x2, v1;
	v5 =	vld.idx.msk [tilespmem:v7+s10+$0x0], $0xffff  }
0x117: {  	v7 =	vor.u32 $0x1703, v0;
	_ =	sdelay $0x3  }
0x118: {  	[tilespmem:v6+s11+$0x0] =	vst.idx.add.f32.msk $0xffff, v5  }
0x119: {  	v1 =	vor.u32 $0x3, v1;
	v5 =	vld.idx.msk [tilespmem:v7+s10+$0x0], $0xffff;
	_ =	sdelay $0x4  }
0x11a: {  	[tilespmem:v1+s11+$0x0] =	vst.idx.add.f32.msk $0xffff, v5  }
0x11b: {  	v5 =	vor.u32 $0x1800, v0;
	v1 =	vld [tilespmem:$0x180];
	_ =	sdelay $0x4  }
0x11c: {  	v5 =	vld.idx.msk [tilespmem:v5+s10+$0x0], $0xffff;
	v1 =	vshll.u32 v1, $0x2  }
0x11d: {  	v6 =	vor.u32 $0x1801, v0;
	_ =	sdelay $0x3  }
0x11e: {  	[tilespmem:v1+s11+$0x0] =	vst.idx.add.f32.msk $0xffff, v5  }
0x11f: {  	v5 =	vld.idx.msk [tilespmem:v6+s10+$0x0], $0xffff;
	v6 =	vor.u32 $0x1, v1  }
0x120: {  	v7 =	vor.u32 $0x1802, v0;
	_ =	sdelay $0x3  }
0x121: {  	[tilespmem:v6+s11+$0x0] =	vst.idx.add.f32.msk $0xffff, v5  }
0x122: {  	v6 =	vor.u32 $0x2, v1;
	v5 =	vld.idx.msk [tilespmem:v7+s10+$0x0], $0xffff  }
0x123: {  	v7 =	vor.u32 $0x1803, v0;
	_ =	sdelay $0x3  }
0x124: {  	[tilespmem:v6+s11+$0x0] =	vst.idx.add.f32.msk $0xffff, v5  }
0x125: {  	v1 =	vor.u32 $0x3, v1;
	v5 =	vld.idx.msk [tilespmem:v7+s10+$0x0], $0xffff;
	_ =	sdelay $0x4  }
0x126: {  	[tilespmem:v1+s11+$0x0] =	vst.idx.add.f32.msk $0xffff, v5  }
0x127: {  	v5 =	vor.u32 $0x1900, v0;
	v1 =	vld [tilespmem:$0x190];
	_ =	sdelay $0x4  }
0x128: {  	v5 =	vld.idx.msk [tilespmem:v5+s10+$0x0], $0xffff;
	v1 =	vshll.u32 v1, $0x2  }
0x129: {  	v6 =	vor.u32 $0x1901, v0;
	_ =	sdelay $0x3  }
0x12a: {  	[tilespmem:v1+s11+$0x0] =	vst.idx.add.f32.msk $0xffff, v5  }
0x12b: {  	v5 =	vld.idx.msk [tilespmem:v6+s10+$0x0], $0xffff;
	v6 =	vor.u32 $0x1, v1  }
0x12c: {  	v7 =	vor.u32 $0x1902, v0;
	_ =	sdelay $0x3  }
0x12d: {  	[tilespmem:v6+s11+$0x0] =	vst.idx.add.f32.msk $0xffff, v5  }
0x12e: {  	v6 =	vor.u32 $0x2, v1;
	v5 =	vld.idx.msk [tilespmem:v7+s10+$0x0], $0xffff  }
0x12f: {  	v7 =	vor.u32 $0x1903, v0;
	_ =	sdelay $0x3  }
0x130: {  	[tilespmem:v6+s11+$0x0] =	vst.idx.add.f32.msk $0xffff, v5  }
0x131: {  	v1 =	vor.u32 $0x3, v1;
	v5 =	vld.idx.msk [tilespmem:v7+s10+$0x0], $0xffff;
	_ =	sdelay $0x4  }
0x132: {  	[tilespmem:v1+s11+$0x0] =	vst.idx.add.f32.msk $0xffff, v5  }
0x133: {  	v5 =	vor.u32 $0x1A00, v0;
	v1 =	vld [tilespmem:$0x1A0];
	_ =	sdelay $0x4  }
0x134: {  	v5 =	vld.idx.msk [tilespmem:v5+s10+$0x0], $0xffff;
	v1 =	vshll.u32 v1, $0x2  }
0x135: {  	v6 =	vor.u32 $0x1A01, v0;
	_ =	sdelay $0x3  }
0x136: {  	[tilespmem:v1+s11+$0x0] =	vst.idx.add.f32.msk $0xffff, v5  }
0x137: {  	v5 =	vld.idx.msk [tilespmem:v6+s10+$0x0], $0xffff;
	v6 =	vor.u32 $0x1, v1  }
0x138: {  	v7 =	vor.u32 $0x1A02, v0;
	_ =	sdelay $0x3  }
0x139: {  	[tilespmem:v6+s11+$0x0] =	vst.idx.add.f32.msk $0xffff, v5  }
0x13a: {  	v6 =	vor.u32 $0x2, v1;
	v5 =	vld.idx.msk [tilespmem:v7+s10+$0x0], $0xffff  }
0x13b: {  	v7 =	vor.u32 $0x1A03, v0;
	_ =	sdelay $0x3  }
0x13c: {  	[tilespmem:v6+s11+$0x0] =	vst.idx.add.f32.msk $0xffff, v5  }
0x13d: {  	v1 =	vor.u32 $0x3, v1;
	v5 =	vld.idx.msk [tilespmem:v7+s10+$0x0], $0xffff;
	_ =	sdelay $0x4  }
0x13e: {  	[tilespmem:v1+s11+$0x0] =	vst.idx.add.f32.msk $0xffff, v5  }
0x13f: {  	v5 =	vor.u32 $0x1B00, v0;
	v1 =	vld [tilespmem:$0x1B0];
	_ =	sdelay $0x4  }
0x140: {  	v5 =	vld.idx.msk [tilespmem:v5+s10+$0x0], $0xffff;
	v1 =	vshll.u32 v1, $0x2  }
0x141: {  	v6 =	vor.u32 $0x1B01, v0;
	_ =	sdelay $0x3  }
0x142: {  	[tilespmem:v1+s11+$0x0] =	vst.idx.add.f32.msk $0xffff, v5  }
0x143: {  	v5 =	vld.idx.msk [tilespmem:v6+s10+$0x0], $0xffff;
	v6 =	vor.u32 $0x1, v1  }
0x144: {  	v7 =	vor.u32 $0x1B02, v0;
	_ =	sdelay $0x3  }
0x145: {  	[tilespmem:v6+s11+$0x0] =	vst.idx.add.f32.msk $0xffff, v5  }
0x146: {  	v6 =	vor.u32 $0x2, v1;
	v5 =	vld.idx.msk [tilespmem:v7+s10+$0x0], $0xffff  }
0x147: {  	v7 =	vor.u32 $0x1B03, v0;
	_ =	sdelay $0x3  }
0x148: {  	[tilespmem:v6+s11+$0x0] =	vst.idx.add.f32.msk $0xffff, v5  }
0x149: {  	v1 =	vor.u32 $0x3, v1;
	v5 =	vld.idx.msk [tilespmem:v7+s10+$0x0], $0xffff;
	_ =	sdelay $0x4  }
0x14a: {  	[tilespmem:v1+s11+$0x0] =	vst.idx.add.f32.msk $0xffff, v5  }
0x14b: {  	v5 =	vor.u32 $0x1C00, v0;
	v1 =	vld [tilespmem:$0x1C0];
	_ =	sdelay $0x4  }
0x14c: {  	v5 =	vld.idx.msk [tilespmem:v5+s10+$0x0], $0xffff;
	v1 =	vshll.u32 v1, $0x2  }
0x14d: {  	v6 =	vor.u32 $0x1C01, v0;
	_ =	sdelay $0x3  }
0x14e: {  	[tilespmem:v1+s11+$0x0] =	vst.idx.add.f32.msk $0xffff, v5  }
0x14f: {  	v5 =	vld.idx.msk [tilespmem:v6+s10+$0x0], $0xffff;
	v6 =	vor.u32 $0x1, v1  }
0x150: {  	v7 =	vor.u32 $0x1C02, v0;
	_ =	sdelay $0x3  }
0x151: {  	[tilespmem:v6+s11+$0x0] =	vst.idx.add.f32.msk $0xffff, v5  }
0x152: {  	v6 =	vor.u32 $0x2, v1;
	v5 =	vld.idx.msk [tilespmem:v7+s10+$0x0], $0xffff  }
0x153: {  	v7 =	vor.u32 $0x1C03, v0;
	_ =	sdelay $0x3  }
0x154: {  	[tilespmem:v6+s11+$0x0] =	vst.idx.add.f32.msk $0xffff, v5  }
0x155: {  	v1 =	vor.u32 $0x3, v1;
	v5 =	vld.idx.msk [tilespmem:v7+s10+$0x0], $0xffff;
	_ =	sdelay $0x4  }
0x156: {  	[tilespmem:v1+s11+$0x0] =	vst.idx.add.f32.msk $0xffff, v5  }
0x157: {  	v5 =	vor.u32 $0x1D00, v0;
	v1 =	vld [tilespmem:$0x1D0];
	_ =	sdelay $0x4  }
0x158: {  	v5 =	vld.idx.msk [tilespmem:v5+s10+$0x0], $0xffff;
	v1 =	vshll.u32 v1, $0x2  }
0x159: {  	v6 =	vor.u32 $0x1D01, v0;
	_ =	sdelay $0x3  }
0x15a: {  	[tilespmem:v1+s11+$0x0] =	vst.idx.add.f32.msk $0xffff, v5  }
0x15b: {  	v5 =	vld.idx.msk [tilespmem:v6+s10+$0x0], $0xffff;
	v6 =	vor.u32 $0x1, v1  }
0x15c: {  	v7 =	vor.u32 $0x1D02, v0;
	_ =	sdelay $0x3  }
0x15d: {  	[tilespmem:v6+s11+$0x0] =	vst.idx.add.f32.msk $0xffff, v5  }
0x15e: {  	v6 =	vor.u32 $0x2, v1;
	v5 =	vld.idx.msk [tilespmem:v7+s10+$0x0], $0xffff  }
0x15f: {  	v7 =	vor.u32 $0x1D03, v0;
	_ =	sdelay $0x3  }
0x160: {  	[tilespmem:v6+s11+$0x0] =	vst.idx.add.f32.msk $0xffff, v5  }
0x161: {  	v1 =	vor.u32 $0x3, v1;
	v5 =	vld.idx.msk [tilespmem:v7+s10+$0x0], $0xffff;
	_ =	sdelay $0x4  }
0x162: {  	[tilespmem:v1+s11+$0x0] =	vst.idx.add.f32.msk $0xffff, v5  }
0x163: {  	v5 =	vor.u32 $0x1E00, v0;
	v1 =	vld [tilespmem:$0x1E0];
	_ =	sdelay $0x4  }
0x164: {  	v5 =	vld.idx.msk [tilespmem:v5+s10+$0x0], $0xffff;
	v1 =	vshll.u32 v1, $0x2  }
0x165: {  	v6 =	vor.u32 $0x1E01, v0;
	_ =	sdelay $0x3  }
0x166: {  	[tilespmem:v1+s11+$0x0] =	vst.idx.add.f32.msk $0xffff, v5  }
0x167: {  	v5 =	vld.idx.msk [tilespmem:v6+s10+$0x0], $0xffff;
	v6 =	vor.u32 $0x1, v1  }
0x168: {  	v7 =	vor.u32 $0x1E02, v0;
	_ =	sdelay $0x3  }
0x169: {  	[tilespmem:v6+s11+$0x0] =	vst.idx.add.f32.msk $0xffff, v5  }
0x16a: {  	v6 =	vor.u32 $0x2, v1;
	v5 =	vld.idx.msk [tilespmem:v7+s10+$0x0], $0xffff  }
0x16b: {  	v7 =	vor.u32 $0x1E03, v0;
	_ =	sdelay $0x3  }
0x16c: {  	[tilespmem:v6+s11+$0x0] =	vst.idx.add.f32.msk $0xffff, v5  }
0x16d: {  	v1 =	vor.u32 $0x3, v1;
	v5 =	vld.idx.msk [tilespmem:v7+s10+$0x0], $0xffff;
	_ =	sdelay $0x4  }
0x16e: {  	[tilespmem:v1+s11+$0x0] =	vst.idx.add.f32.msk $0xffff, v5  }
0x16f: {  	v5 =	vor.u32 $0x1F00, v0;
	v1 =	vld [tilespmem:$0x1F0];
	_ =	sdelay $0x4  }
0x170: {  	v5 =	vld.idx.msk [tilespmem:v5+s10+$0x0], $0xffff;
	v1 =	vshll.u32 v1, $0x2  }
0x171: {  	v6 =	vor.u32 $0x1F01, v0;
	_ =	sdelay $0x3  }
0x172: {  	[tilespmem:v1+s11+$0x0] =	vst.idx.add.f32.msk $0xffff, v5  }
0x173: {  	v5 =	vld.idx.msk [tilespmem:v6+s10+$0x0], $0xffff;
	v6 =	vor.u32 $0x1, v1  }
0x174: {  	v7 =	vor.u32 $0x1F02, v0;
	_ =	sdelay $0x3  }
0x175: {  	[tilespmem:v6+s11+$0x0] =	vst.idx.add.f32.msk $0xffff, v5  }
0x176: {  	v6 =	vor.u32 $0x2, v1;
	v5 =	vld.idx.msk [tilespmem:v7+s10+$0x0], $0xffff  }
0x177: {  	v7 =	vor.u32 $0x1F03, v0;
	_ =	sdelay $0x3  }
0x178: {  	[tilespmem:v6+s11+$0x0] =	vst.idx.add.f32.msk $0xffff, v5  }
0x179: {  	v1 =	vor.u32 $0x3, v1;
	v5 =	vld.idx.msk [tilespmem:v7+s10+$0x0], $0xffff;
	_ =	sdelay $0x4  }
0x17a: {  	[tilespmem:v1+s11+$0x0] =	vst.idx.add.f32.msk $0xffff, v5  }
0x17b: {  	v5 =	vor.u32 $0x2000, v0;
	v1 =	vld [tilespmem:$0x200];
	_ =	sdelay $0x4  }
0x17c: {  	v5 =	vld.idx.msk [tilespmem:v5+s10+$0x0], $0xffff;
	v1 =	vshll.u32 v1, $0x2  }
0x17d: {  	v6 =	vor.u32 $0x2001, v0;
	_ =	sdelay $0x3  }
0x17e: {  	[tilespmem:v1+s11+$0x0] =	vst.idx.add.f32.msk $0xffff, v5  }
0x17f: {  	v5 =	vld.idx.msk [tilespmem:v6+s10+$0x0], $0xffff;
	v6 =	vor.u32 $0x1, v1  }
0x180: {  	v7 =	vor.u32 $0x2002, v0;
	_ =	sdelay $0x3  }
0x181: {  	[tilespmem:v6+s11+$0x0] =	vst.idx.add.f32.msk $0xffff, v5  }
0x182: {  	v6 =	vor.u32 $0x2, v1;
	v5 =	vld.idx.msk [tilespmem:v7+s10+$0x0], $0xffff  }
0x183: {  	v7 =	vor.u32 $0x2003, v0;
	_ =	sdelay $0x3  }
0x184: {  	[tilespmem:v6+s11+$0x0] =	vst.idx.add.f32.msk $0xffff, v5  }
0x185: {  	v1 =	vor.u32 $0x3, v1;
	v5 =	vld.idx.msk [tilespmem:v7+s10+$0x0], $0xffff;
	_ =	sdelay $0x4  }
0x186: {  	[tilespmem:v1+s11+$0x0] =	vst.idx.add.f32.msk $0xffff, v5  }
0x187: {  	v5 =	vor.u32 $0x2100, v0;
	v1 =	vld [tilespmem:$0x210];
	_ =	sdelay $0x4  }
0x188: {  	v5 =	vld.idx.msk [tilespmem:v5+s10+$0x0], $0xffff;
	v1 =	vshll.u32 v1, $0x2  }
0x189: {  	v6 =	vor.u32 $0x2101, v0;
	_ =	sdelay $0x3  }
0x18a: {  	[tilespmem:v1+s11+$0x0] =	vst.idx.add.f32.msk $0xffff, v5  }
0x18b: {  	v5 =	vld.idx.msk [tilespmem:v6+s10+$0x0], $0xffff;
	v6 =	vor.u32 $0x1, v1  }
0x18c: {  	v7 =	vor.u32 $0x2102, v0;
	_ =	sdelay $0x3  }
0x18d: {  	[tilespmem:v6+s11+$0x0] =	vst.idx.add.f32.msk $0xffff, v5  }
0x18e: {  	v6 =	vor.u32 $0x2, v1;
	v5 =	vld.idx.msk [tilespmem:v7+s10+$0x0], $0xffff  }
0x18f: {  	v7 =	vor.u32 $0x2103, v0;
	_ =	sdelay $0x3  }
0x190: {  	[tilespmem:v6+s11+$0x0] =	vst.idx.add.f32.msk $0xffff, v5  }
0x191: {  	v1 =	vor.u32 $0x3, v1;
	v5 =	vld.idx.msk [tilespmem:v7+s10+$0x0], $0xffff;
	_ =	sdelay $0x4  }
0x192: {  	[tilespmem:v1+s11+$0x0] =	vst.idx.add.f32.msk $0xffff, v5  }
0x193: {  	v5 =	vor.u32 $0x2200, v0;
	v1 =	vld [tilespmem:$0x220];
	_ =	sdelay $0x4  }
0x194: {  	v5 =	vld.idx.msk [tilespmem:v5+s10+$0x0], $0xffff;
	v1 =	vshll.u32 v1, $0x2  }
0x195: {  	v6 =	vor.u32 $0x2201, v0;
	_ =	sdelay $0x3  }
0x196: {  	[tilespmem:v1+s11+$0x0] =	vst.idx.add.f32.msk $0xffff, v5  }
0x197: {  	v5 =	vld.idx.msk [tilespmem:v6+s10+$0x0], $0xffff;
	v6 =	vor.u32 $0x1, v1  }
0x198: {  	v7 =	vor.u32 $0x2202, v0;
	_ =	sdelay $0x3  }
0x199: {  	[tilespmem:v6+s11+$0x0] =	vst.idx.add.f32.msk $0xffff, v5  }
0x19a: {  	v6 =	vor.u32 $0x2, v1;
	v5 =	vld.idx.msk [tilespmem:v7+s10+$0x0], $0xffff  }
0x19b: {  	v7 =	vor.u32 $0x2203, v0;
	_ =	sdelay $0x3  }
0x19c: {  	[tilespmem:v6+s11+$0x0] =	vst.idx.add.f32.msk $0xffff, v5  }
0x19d: {  	v1 =	vor.u32 $0x3, v1;
	v5 =	vld.idx.msk [tilespmem:v7+s10+$0x0], $0xffff;
	_ =	sdelay $0x4  }
0x19e: {  	[tilespmem:v1+s11+$0x0] =	vst.idx.add.f32.msk $0xffff, v5  }
0x19f: {  	v5 =	vor.u32 $0x2300, v0;
	v1 =	vld [tilespmem:$0x230];
	_ =	sdelay $0x4  }
0x1a0: {  	v5 =	vld.idx.msk [tilespmem:v5+s10+$0x0], $0xffff;
	v1 =	vshll.u32 v1, $0x2  }
0x1a1: {  	v6 =	vor.u32 $0x2301, v0;
	_ =	sdelay $0x3  }
0x1a2: {  	[tilespmem:v1+s11+$0x0] =	vst.idx.add.f32.msk $0xffff, v5  }
0x1a3: {  	v5 =	vld.idx.msk [tilespmem:v6+s10+$0x0], $0xffff;
	v6 =	vor.u32 $0x1, v1  }
0x1a4: {  	v7 =	vor.u32 $0x2302, v0;
	_ =	sdelay $0x3  }
0x1a5: {  	[tilespmem:v6+s11+$0x0] =	vst.idx.add.f32.msk $0xffff, v5  }
0x1a6: {  	v6 =	vor.u32 $0x2, v1;
	v5 =	vld.idx.msk [tilespmem:v7+s10+$0x0], $0xffff  }
0x1a7: {  	v7 =	vor.u32 $0x2303, v0;
	_ =	sdelay $0x3  }
0x1a8: {  	[tilespmem:v6+s11+$0x0] =	vst.idx.add.f32.msk $0xffff, v5  }
0x1a9: {  	v1 =	vor.u32 $0x3, v1;
	v5 =	vld.idx.msk [tilespmem:v7+s10+$0x0], $0xffff;
	_ =	sdelay $0x4  }
0x1aa: {  	[tilespmem:v1+s11+$0x0] =	vst.idx.add.f32.msk $0xffff, v5  }
0x1ab: {  	v5 =	vor.u32 $0x2400, v0;
	v1 =	vld [tilespmem:$0x240];
	_ =	sdelay $0x4  }
0x1ac: {  	v5 =	vld.idx.msk [tilespmem:v5+s10+$0x0], $0xffff;
	v1 =	vshll.u32 v1, $0x2  }
0x1ad: {  	v6 =	vor.u32 $0x2401, v0;
	_ =	sdelay $0x3  }
0x1ae: {  	[tilespmem:v1+s11+$0x0] =	vst.idx.add.f32.msk $0xffff, v5  }
0x1af: {  	v5 =	vld.idx.msk [tilespmem:v6+s10+$0x0], $0xffff;
	v6 =	vor.u32 $0x1, v1  }
0x1b0: {  	v7 =	vor.u32 $0x2402, v0;
	_ =	sdelay $0x3  }
0x1b1: {  	[tilespmem:v6+s11+$0x0] =	vst.idx.add.f32.msk $0xffff, v5  }
0x1b2: {  	v6 =	vor.u32 $0x2, v1;
	v5 =	vld.idx.msk [tilespmem:v7+s10+$0x0], $0xffff  }
0x1b3: {  	v7 =	vor.u32 $0x2403, v0;
	_ =	sdelay $0x3  }
0x1b4: {  	[tilespmem:v6+s11+$0x0] =	vst.idx.add.f32.msk $0xffff, v5  }
0x1b5: {  	v1 =	vor.u32 $0x3, v1;
	v5 =	vld.idx.msk [tilespmem:v7+s10+$0x0], $0xffff;
	_ =	sdelay $0x4  }
0x1b6: {  	[tilespmem:v1+s11+$0x0] =	vst.idx.add.f32.msk $0xffff, v5  }
0x1b7: {  	v5 =	vor.u32 $0x2500, v0;
	v1 =	vld [tilespmem:$0x250];
	_ =	sdelay $0x4  }
0x1b8: {  	v5 =	vld.idx.msk [tilespmem:v5+s10+$0x0], $0xffff;
	v1 =	vshll.u32 v1, $0x2  }
0x1b9: {  	v6 =	vor.u32 $0x2501, v0;
	_ =	sdelay $0x3  }
0x1ba: {  	[tilespmem:v1+s11+$0x0] =	vst.idx.add.f32.msk $0xffff, v5  }
0x1bb: {  	v5 =	vld.idx.msk [tilespmem:v6+s10+$0x0], $0xffff;
	v6 =	vor.u32 $0x1, v1  }
0x1bc: {  	v7 =	vor.u32 $0x2502, v0;
	_ =	sdelay $0x3  }
0x1bd: {  	[tilespmem:v6+s11+$0x0] =	vst.idx.add.f32.msk $0xffff, v5  }
0x1be: {  	v6 =	vor.u32 $0x2, v1;
	v5 =	vld.idx.msk [tilespmem:v7+s10+$0x0], $0xffff  }
0x1bf: {  	v7 =	vor.u32 $0x2503, v0;
	_ =	sdelay $0x3  }
0x1c0: {  	[tilespmem:v6+s11+$0x0] =	vst.idx.add.f32.msk $0xffff, v5  }
0x1c1: {  	v1 =	vor.u32 $0x3, v1;
	v5 =	vld.idx.msk [tilespmem:v7+s10+$0x0], $0xffff;
	_ =	sdelay $0x4  }
0x1c2: {  	[tilespmem:v1+s11+$0x0] =	vst.idx.add.f32.msk $0xffff, v5  }
0x1c3: {  	v5 =	vor.u32 $0x2600, v0;
	v1 =	vld [tilespmem:$0x260];
	_ =	sdelay $0x4  }
0x1c4: {  	v5 =	vld.idx.msk [tilespmem:v5+s10+$0x0], $0xffff;
	v1 =	vshll.u32 v1, $0x2  }
0x1c5: {  	v6 =	vor.u32 $0x2601, v0;
	_ =	sdelay $0x3  }
0x1c6: {  	[tilespmem:v1+s11+$0x0] =	vst.idx.add.f32.msk $0xffff, v5  }
0x1c7: {  	v5 =	vld.idx.msk [tilespmem:v6+s10+$0x0], $0xffff;
	v6 =	vor.u32 $0x1, v1  }
0x1c8: {  	v7 =	vor.u32 $0x2602, v0;
	_ =	sdelay $0x3  }
0x1c9: {  	[tilespmem:v6+s11+$0x0] =	vst.idx.add.f32.msk $0xffff, v5  }
0x1ca: {  	v6 =	vor.u32 $0x2, v1;
	v5 =	vld.idx.msk [tilespmem:v7+s10+$0x0], $0xffff  }
0x1cb: {  	v7 =	vor.u32 $0x2603, v0;
	_ =	sdelay $0x3  }
0x1cc: {  	[tilespmem:v6+s11+$0x0] =	vst.idx.add.f32.msk $0xffff, v5  }
0x1cd: {  	v1 =	vor.u32 $0x3, v1;
	v5 =	vld.idx.msk [tilespmem:v7+s10+$0x0], $0xffff;
	_ =	sdelay $0x4  }
0x1ce: {  	[tilespmem:v1+s11+$0x0] =	vst.idx.add.f32.msk $0xffff, v5  }
0x1cf: {  	v5 =	vor.u32 $0x2700, v0;
	v1 =	vld [tilespmem:$0x270];
	_ =	sdelay $0x4  }
0x1d0: {  	v5 =	vld.idx.msk [tilespmem:v5+s10+$0x0], $0xffff;
	v1 =	vshll.u32 v1, $0x2  }
0x1d1: {  	v6 =	vor.u32 $0x2701, v0;
	_ =	sdelay $0x3  }
0x1d2: {  	[tilespmem:v1+s11+$0x0] =	vst.idx.add.f32.msk $0xffff, v5  }
0x1d3: {  	v5 =	vld.idx.msk [tilespmem:v6+s10+$0x0], $0xffff;
	v6 =	vor.u32 $0x1, v1  }
0x1d4: {  	v7 =	vor.u32 $0x2702, v0;
	_ =	sdelay $0x3  }
0x1d5: {  	[tilespmem:v6+s11+$0x0] =	vst.idx.add.f32.msk $0xffff, v5  }
0x1d6: {  	v6 =	vor.u32 $0x2, v1;
	v5 =	vld.idx.msk [tilespmem:v7+s10+$0x0], $0xffff  }
0x1d7: {  	v7 =	vor.u32 $0x2703, v0;
	_ =	sdelay $0x3  }
0x1d8: {  	[tilespmem:v6+s11+$0x0] =	vst.idx.add.f32.msk $0xffff, v5  }
0x1d9: {  	v1 =	vor.u32 $0x3, v1;
	v5 =	vld.idx.msk [tilespmem:v7+s10+$0x0], $0xffff;
	_ =	sdelay $0x4  }
0x1da: {  	[tilespmem:v1+s11+$0x0] =	vst.idx.add.f32.msk $0xffff, v5  }
0x1db: {  	v5 =	vor.u32 $0x2800, v0;
	v1 =	vld [tilespmem:$0x280];
	_ =	sdelay $0x4  }
0x1dc: {  	v5 =	vld.idx.msk [tilespmem:v5+s10+$0x0], $0xffff;
	v1 =	vshll.u32 v1, $0x2  }
0x1dd: {  	v6 =	vor.u32 $0x2801, v0;
	_ =	sdelay $0x3  }
0x1de: {  	[tilespmem:v1+s11+$0x0] =	vst.idx.add.f32.msk $0xffff, v5  }
0x1df: {  	v5 =	vld.idx.msk [tilespmem:v6+s10+$0x0], $0xffff;
	v6 =	vor.u32 $0x1, v1  }
0x1e0: {  	v7 =	vor.u32 $0x2802, v0;
	_ =	sdelay $0x3  }
0x1e1: {  	[tilespmem:v6+s11+$0x0] =	vst.idx.add.f32.msk $0xffff, v5  }
0x1e2: {  	v6 =	vor.u32 $0x2, v1;
	v5 =	vld.idx.msk [tilespmem:v7+s10+$0x0], $0xffff  }
0x1e3: {  	v7 =	vor.u32 $0x2803, v0;
	_ =	sdelay $0x3  }
0x1e4: {  	[tilespmem:v6+s11+$0x0] =	vst.idx.add.f32.msk $0xffff, v5  }
0x1e5: {  	v1 =	vor.u32 $0x3, v1;
	v5 =	vld.idx.msk [tilespmem:v7+s10+$0x0], $0xffff;
	_ =	sdelay $0x4  }
0x1e6: {  	[tilespmem:v1+s11+$0x0] =	vst.idx.add.f32.msk $0xffff, v5  }
0x1e7: {  	v5 =	vor.u32 $0x2900, v0;
	v1 =	vld [tilespmem:$0x290];
	_ =	sdelay $0x4  }
0x1e8: {  	v5 =	vld.idx.msk [tilespmem:v5+s10+$0x0], $0xffff;
	v1 =	vshll.u32 v1, $0x2  }
0x1e9: {  	v6 =	vor.u32 $0x2901, v0;
	_ =	sdelay $0x3  }
0x1ea: {  	[tilespmem:v1+s11+$0x0] =	vst.idx.add.f32.msk $0xffff, v5  }
0x1eb: {  	v5 =	vld.idx.msk [tilespmem:v6+s10+$0x0], $0xffff;
	v6 =	vor.u32 $0x1, v1  }
0x1ec: {  	v7 =	vor.u32 $0x2902, v0;
	_ =	sdelay $0x3  }
0x1ed: {  	[tilespmem:v6+s11+$0x0] =	vst.idx.add.f32.msk $0xffff, v5  }
0x1ee: {  	v6 =	vor.u32 $0x2, v1;
	v5 =	vld.idx.msk [tilespmem:v7+s10+$0x0], $0xffff  }
0x1ef: {  	v7 =	vor.u32 $0x2903, v0;
	_ =	sdelay $0x3  }
0x1f0: {  	[tilespmem:v6+s11+$0x0] =	vst.idx.add.f32.msk $0xffff, v5  }
0x1f1: {  	v1 =	vor.u32 $0x3, v1;
	v5 =	vld.idx.msk [tilespmem:v7+s10+$0x0], $0xffff;
	_ =	sdelay $0x4  }
0x1f2: {  	[tilespmem:v1+s11+$0x0] =	vst.idx.add.f32.msk $0xffff, v5  }
0x1f3: {  	v5 =	vor.u32 $0x2A00, v0;
	v1 =	vld [tilespmem:$0x2A0];
	_ =	sdelay $0x4  }
0x1f4: {  	v5 =	vld.idx.msk [tilespmem:v5+s10+$0x0], $0xffff;
	v1 =	vshll.u32 v1, $0x2  }
0x1f5: {  	v6 =	vor.u32 $0x2A01, v0;
	_ =	sdelay $0x3  }
0x1f6: {  	[tilespmem:v1+s11+$0x0] =	vst.idx.add.f32.msk $0xffff, v5  }
0x1f7: {  	v5 =	vld.idx.msk [tilespmem:v6+s10+$0x0], $0xffff;
	v6 =	vor.u32 $0x1, v1  }
0x1f8: {  	v7 =	vor.u32 $0x2A02, v0;
	_ =	sdelay $0x3  }
0x1f9: {  	[tilespmem:v6+s11+$0x0] =	vst.idx.add.f32.msk $0xffff, v5  }
0x1fa: {  	v6 =	vor.u32 $0x2, v1;
	v5 =	vld.idx.msk [tilespmem:v7+s10+$0x0], $0xffff  }
0x1fb: {  	v7 =	vor.u32 $0x2A03, v0;
	_ =	sdelay $0x3  }
0x1fc: {  	[tilespmem:v6+s11+$0x0] =	vst.idx.add.f32.msk $0xffff, v5  }
0x1fd: {  	v1 =	vor.u32 $0x3, v1;
	v5 =	vld.idx.msk [tilespmem:v7+s10+$0x0], $0xffff;
	_ =	sdelay $0x4  }
0x1fe: {  	[tilespmem:v1+s11+$0x0] =	vst.idx.add.f32.msk $0xffff, v5  }
0x1ff: {  	v5 =	vor.u32 $0x2B00, v0;
	v1 =	vld [tilespmem:$0x2B0];
	_ =	sdelay $0x4  }
0x200: {  	v5 =	vld.idx.msk [tilespmem:v5+s10+$0x0], $0xffff;
	v1 =	vshll.u32 v1, $0x2  }
0x201: {  	v6 =	vor.u32 $0x2B01, v0;
	_ =	sdelay $0x3  }
0x202: {  	[tilespmem:v1+s11+$0x0] =	vst.idx.add.f32.msk $0xffff, v5  }
0x203: {  	v5 =	vld.idx.msk [tilespmem:v6+s10+$0x0], $0xffff;
	v6 =	vor.u32 $0x1, v1  }
0x204: {  	v7 =	vor.u32 $0x2B02, v0;
	_ =	sdelay $0x3  }
0x205: {  	[tilespmem:v6+s11+$0x0] =	vst.idx.add.f32.msk $0xffff, v5  }
0x206: {  	v6 =	vor.u32 $0x2, v1;
	v5 =	vld.idx.msk [tilespmem:v7+s10+$0x0], $0xffff  }
0x207: {  	v7 =	vor.u32 $0x2B03, v0;
	_ =	sdelay $0x3  }
0x208: {  	[tilespmem:v6+s11+$0x0] =	vst.idx.add.f32.msk $0xffff, v5  }
0x209: {  	v1 =	vor.u32 $0x3, v1;
	v5 =	vld.idx.msk [tilespmem:v7+s10+$0x0], $0xffff;
	_ =	sdelay $0x4  }
0x20a: {  	[tilespmem:v1+s11+$0x0] =	vst.idx.add.f32.msk $0xffff, v5  }
0x20b: {  	v5 =	vor.u32 $0x2C00, v0;
	v1 =	vld [tilespmem:$0x2C0];
	_ =	sdelay $0x4  }
0x20c: {  	v5 =	vld.idx.msk [tilespmem:v5+s10+$0x0], $0xffff;
	v1 =	vshll.u32 v1, $0x2  }
0x20d: {  	v6 =	vor.u32 $0x2C01, v0;
	_ =	sdelay $0x3  }
0x20e: {  	[tilespmem:v1+s11+$0x0] =	vst.idx.add.f32.msk $0xffff, v5  }
0x20f: {  	v5 =	vld.idx.msk [tilespmem:v6+s10+$0x0], $0xffff;
	v6 =	vor.u32 $0x1, v1  }
0x210: {  	v7 =	vor.u32 $0x2C02, v0;
	_ =	sdelay $0x3  }
0x211: {  	[tilespmem:v6+s11+$0x0] =	vst.idx.add.f32.msk $0xffff, v5  }
0x212: {  	v6 =	vor.u32 $0x2, v1;
	v5 =	vld.idx.msk [tilespmem:v7+s10+$0x0], $0xffff  }
0x213: {  	v7 =	vor.u32 $0x2C03, v0;
	_ =	sdelay $0x3  }
0x214: {  	[tilespmem:v6+s11+$0x0] =	vst.idx.add.f32.msk $0xffff, v5  }
0x215: {  	v1 =	vor.u32 $0x3, v1;
	v5 =	vld.idx.msk [tilespmem:v7+s10+$0x0], $0xffff;
	_ =	sdelay $0x4  }
0x216: {  	[tilespmem:v1+s11+$0x0] =	vst.idx.add.f32.msk $0xffff, v5  }
0x217: {  	v5 =	vor.u32 $0x2D00, v0;
	v1 =	vld [tilespmem:$0x2D0];
	_ =	sdelay $0x4  }
0x218: {  	v5 =	vld.idx.msk [tilespmem:v5+s10+$0x0], $0xffff;
	v1 =	vshll.u32 v1, $0x2  }
0x219: {  	v6 =	vor.u32 $0x2D01, v0;
	_ =	sdelay $0x3  }
0x21a: {  	[tilespmem:v1+s11+$0x0] =	vst.idx.add.f32.msk $0xffff, v5  }
0x21b: {  	v5 =	vld.idx.msk [tilespmem:v6+s10+$0x0], $0xffff;
	v6 =	vor.u32 $0x1, v1  }
0x21c: {  	v7 =	vor.u32 $0x2D02, v0;
	_ =	sdelay $0x3  }
0x21d: {  	[tilespmem:v6+s11+$0x0] =	vst.idx.add.f32.msk $0xffff, v5  }
0x21e: {  	v6 =	vor.u32 $0x2, v1;
	v5 =	vld.idx.msk [tilespmem:v7+s10+$0x0], $0xffff  }
0x21f: {  	v7 =	vor.u32 $0x2D03, v0;
	_ =	sdelay $0x3  }
0x220: {  	[tilespmem:v6+s11+$0x0] =	vst.idx.add.f32.msk $0xffff, v5  }
0x221: {  	v1 =	vor.u32 $0x3, v1;
	v5 =	vld.idx.msk [tilespmem:v7+s10+$0x0], $0xffff;
	_ =	sdelay $0x4  }
0x222: {  	[tilespmem:v1+s11+$0x0] =	vst.idx.add.f32.msk $0xffff, v5  }
0x223: {  	v5 =	vor.u32 $0x2E00, v0;
	v1 =	vld [tilespmem:$0x2E0];
	_ =	sdelay $0x4  }
0x224: {  	v5 =	vld.idx.msk [tilespmem:v5+s10+$0x0], $0xffff;
	v1 =	vshll.u32 v1, $0x2  }
0x225: {  	v6 =	vor.u32 $0x2E01, v0;
	_ =	sdelay $0x3  }
0x226: {  	[tilespmem:v1+s11+$0x0] =	vst.idx.add.f32.msk $0xffff, v5  }
0x227: {  	v5 =	vld.idx.msk [tilespmem:v6+s10+$0x0], $0xffff;
	v6 =	vor.u32 $0x1, v1  }
0x228: {  	v7 =	vor.u32 $0x2E02, v0;
	_ =	sdelay $0x3  }
0x229: {  	[tilespmem:v6+s11+$0x0] =	vst.idx.add.f32.msk $0xffff, v5  }
0x22a: {  	v6 =	vor.u32 $0x2, v1;
	v5 =	vld.idx.msk [tilespmem:v7+s10+$0x0], $0xffff  }
0x22b: {  	v7 =	vor.u32 $0x2E03, v0;
	_ =	sdelay $0x3  }
0x22c: {  	[tilespmem:v6+s11+$0x0] =	vst.idx.add.f32.msk $0xffff, v5  }
0x22d: {  	v1 =	vor.u32 $0x3, v1;
	v5 =	vld.idx.msk [tilespmem:v7+s10+$0x0], $0xffff;
	_ =	sdelay $0x4  }
0x22e: {  	[tilespmem:v1+s11+$0x0] =	vst.idx.add.f32.msk $0xffff, v5  }
0x22f: {  	v5 =	vor.u32 $0x2F00, v0;
	v1 =	vld [tilespmem:$0x2F0];
	_ =	sdelay $0x4  }
0x230: {  	v5 =	vld.idx.msk [tilespmem:v5+s10+$0x0], $0xffff;
	v1 =	vshll.u32 v1, $0x2  }
0x231: {  	v6 =	vor.u32 $0x2F01, v0;
	_ =	sdelay $0x3  }
0x232: {  	[tilespmem:v1+s11+$0x0] =	vst.idx.add.f32.msk $0xffff, v5  }
0x233: {  	v5 =	vld.idx.msk [tilespmem:v6+s10+$0x0], $0xffff;
	v6 =	vor.u32 $0x1, v1  }
0x234: {  	v7 =	vor.u32 $0x2F02, v0;
	_ =	sdelay $0x3  }
0x235: {  	[tilespmem:v6+s11+$0x0] =	vst.idx.add.f32.msk $0xffff, v5  }
0x236: {  	v6 =	vor.u32 $0x2, v1;
	v5 =	vld.idx.msk [tilespmem:v7+s10+$0x0], $0xffff  }
0x237: {  	v7 =	vor.u32 $0x2F03, v0;
	_ =	sdelay $0x3  }
0x238: {  	[tilespmem:v6+s11+$0x0] =	vst.idx.add.f32.msk $0xffff, v5  }
0x239: {  	p0 =	sne.s32 s15, $0x480;
	v1 =	vor.u32 $0x3, v1;
	v5 =	vld.idx.msk [tilespmem:v7+s10+$0x0], $0xffff  }
.Ltmp1:
0x23a: {  	_ = 	snop;
	(pc) =	sbr.rel @p0 .LBB2_4-.Ltmp1, $3  }
0x23b: {  	_ =	sdelay $0x1  }
0x23c: {  	v7 =	vld [tilespmem:$0x1FFF0]  }
0x23d: {  	s15 =	sadd.s32 $0x60, s15;
	s16 =	sadd.s32 $0x600, s16;
	[tilespmem:v1+s11+$0x0] =	vst.idx.add.f32.msk $0xffff, v5  }
0x23e: {  	[tilespmem:s2], [sflag:$0x1] =	stream.linear.gather [hbm4b:s3+s2], $0x10, $0x38;
	[tilespmem:$0xD300] =	vst v63  }
0x23f: {  	_ =	swait.ge [sflag:s9], $0x10  }
0x240: {  	[sflag:s9] =	ssyncset.done $0x0  }
0x241: {  	[sflag:s9] =	ssyncadd.s32 $0xFFFFFFF0  }
0x242: {  	[tilespmem:s10], [sflag:$0x1] =	stream.linear.gather [hbm4b:s4+s2], $0x100, $0x38;
	[tilespmem:$0xD300] =	vst v63  }
0x243: {  	_ =	swait.ge [sflag:s9], $0x100  }
0x244: {  	[sflag:s9] =	ssyncset.done $0x0  }
0x245: {  	[sflag:s9] =	ssyncadd.s32 $0xFFFFFF00  }
0x246: {  	v1 =	vld [tilespmem:$0x0];
	_ =	sdelay $0x4  }
0x247: {  	v5 =	vld.idx.msk [tilespmem:v0+s10+$0x0], $0xffff;
	v1 =	vshll.u32 v1, $0x2;
	_ =	sdelay $0x4  }
0x248: {  	[tilespmem:v1+s11+$0x0] =	vst.idx.add.f32.msk $0xffff, v5  }
0x249: {  	v6 =	vor.u32 $0x1, v1;
	v5 =	vld.idx.msk [tilespmem:v24+s10+$0x0], $0xffff;
	_ =	sdelay $0x4  }
0x24a: {  	[tilespmem:v6+s11+$0x0] =	vst.idx.add.f32.msk $0xffff, v5  }
0x24b: {  	v6 =	vor.u32 $0x2, v1;
	v5 =	vld.idx.msk [tilespmem:v4+s10+$0x0], $0xffff;
	_ =	sdelay $0x4  }
0x24c: {  	[tilespmem:v6+s11+$0x0] =	vst.idx.add.f32.msk $0xffff, v5  }
0x24d: {  	v1 =	vor.u32 $0x3, v1;
	v5 =	vld.idx.msk [tilespmem:v25+s10+$0x0], $0xffff;
	_ =	sdelay $0x2  }
0x24e: {  	s14 =	sadd.s32 $0x1, s14  }
0x24f: {  	p0 =	sne.s32 s14, s6  }
.Ltmp2:
0x250: {  	[tilespmem:v1+s11+$0x0] =	vst.idx.add.f32.msk $0xffff, v5;
	(pc) =	sbr.rel @p0 .LBB2_1-.Ltmp2, $4  }
0x251: {  	[hbm4b:s5+s12] =	stream.strided.scatter [tilespmem:s11], [sflag:$0x1], $0xA000, s13, s12, $0x38;
	[tilespmem:$0xD300] =	vst v63  }
0x252: {  	_ =	swait.ge [sflag:s9], $0xA000  }
0x253: {  	[sflag:s9] =	ssyncset.done $0x0  }
0x254: {  	v1 =	vimm.f32 $0.0e+00;
	[sflag:s9] =	ssyncadd.s32 $0xFFFF6000  }
0x255: {  	_ =	sfence.sel $0x180000  }
0x256: {  	[bflag:$0x0] =	sbarrier.arrive $0xFFFF  }
0x257: {  	p0 =	sne.s32 s0, $0x0;
	_ =	strace $0x9000004A  }
0x258: {  	s0 =	sadd.s32 @!p0 $0x100000, s1;
	[bflag:$0x2] =	sbarrier.arrive $0xFFFF  }
0x259: {  	[sflag:s0] =	ssyncadd.tile.s32 @!p0 $0x1;
	_ =	shalt  }
.Lfunc_end2:
_tile_overlayer_lowered:
.L_overlay_start_2:
0x25a: {  	(tag) =	ssettag $0x2  }
0x25b: {  	s0 =	rddreg [dreg:$0x0];
	s2 =	stileid.u32  }
0x25c: {  	s1 =	rddreg [dreg:$0x1];
	p0 =	sne.s32 s2, $0x0  }
0x25d: {  	s3 =	rddreg [dreg:$0x2];
	[bflag:$0x3] =	sbarrier.arrive $0xFFFF;
	s2 =	simm.s32 @!p0 $0x1C01  }
0x25e: {  	[timem:s3], [sflag:s2] =	dma.local @!p0 [hbm:s0], s1  }
0x25f: {  	s0 =	simm.s32 @!p0 $0x1  }
0x260: {  	_ =	swait.ge @!p0 [sflag:s0], s1  }
0x261: {  	s1 =	ssub.s32 @!p0 $0x0, s1;
	[sflag:s0] =	ssyncset.done @!p0 $0x0  }
0x262: {  	[sflag:s0] =	ssyncadd.s32 @!p0 s1  }
0x263: {  	[bflag:$0x3] =	sbarrier.arrive $0xFFFF  }
0x264: {  	_ =	shalt  }

// kernel: kernel.9.cloned.1.call-start
scs
__scs_entry_jumppad:
0x0: {  	(pc) =	sbr.rel $0x88, $3  }
0x1: {  	(tag) =	ssettag $0x0;
	lr =	simm.s32 $0x1  }
0x2: {  	[smem:$0x3F93] =	sst lr;
	_ =	strace $0xD0000000  }
0x3: {  	_ = 	snop  }
0x4: {  	_ = 	snop  }
0x5: {  	_ = 	snop  }
0x6: {  	_ = 	snop  }
0x7: {  	_ = 	snop  }
__scs_overlays_trampoline_lowered:
0x8: {  	[smem:$0x3FA2] =	sst s0  }
0x9: {  	[smem:$0x3FA3] =	sst s1  }
0xa: {  	[smem:$0x3FA4] =	sst s2  }
0xb: {  	[smem:$0x3FA5] =	sst s3  }
0xc: {  	[smem:$0x3FA6] =	sst s4  }
0xd: {  	[smem:$0x3FA7] =	sst s5  }
0xe: {  	[smem:$0x3FA8] =	sst s6  }
0xf: {  	[smem:$0x3FA9] =	sst s7  }
0x10: {  	[smem:$0x3FAA] =	sst s8  }
0x11: {  	[smem:$0x3FAB] =	sst s9;
	s0 =	simm.s32 @!p0 $0x0  }
0x12: {  	s1 =	sld [smem:$0x3F91];
	s0 =	simm.s32 @p0 $0x1  }
0x13: {  	[smem:$0x3FAC] =	sst s0;
	s0 =	simm.s32 @!p1 $0x0  }
0x14: {  	s2 =	sld [smem:$0x3F90];
	s0 =	simm.s32 @p1 $0x1  }
0x15: {  	[smem:$0x3FAD] =	sst s0;
	s0 =	simm.s32 @!p2 $0x0  }
0x16: {  	s3 =	sld [smem:$0x3FDB];
	s0 =	simm.s32 @p2 $0x1  }
0x17: {  	s4 =	simm.s32 $0x1BF5;
	[smem:$0x3FAF] =	sst s0  }
0x18: {  	s0 =	sld [smem:$0x3F92];
	_ =	swait.ge [sflag:s4], $0x0  }
0x19: {  	s7 =	sld [smem:$0x3F93]  }
0x1a: {  	s8 =	sadd.s32 $0xFFFFE003, lr  }
0x1b: {  	s9 =	sadd.s32 $0xFFFFFEF7, lr;
	s5 =	simm.s32 $0xFFFFFFFF;
	p2 =	slt.u32 s8, $0xFFFFF086  }
0x1c: {  	p1 =	slt.u32 s9, $0xF7A;
	s5 =	simm.s32 @!p2 $0x0  }
0x1d: {  	s5 =	simm.s32 @p1 $0x1;
	p0 =	seq.s32 s7, s2  }
0x1e: {  	s7 =	smul.u32 @!p0 $0xF7A, s2;
	p2 =	seq.s32 @!p0 s5, $0x0  }
0x1f: {  	s9 =	smul.u32 $0xF7A, s1;
	s8 =	simm.s32 @!p0 $0x1BF5;
	p2 =	por !p2, p0  }
0x20: {  	[sflag:s8] =	ssyncset.s32 @!p0 $0xFFFFF086;
	s6 =	sadd.s32 @!p0 s3, s7;
	s7 =	simm.s32 @!p0 $0x108  }
0x21: {  	s3 =	sadd.s32 s3, s9;
	s6 =	sadd.s32 @!p0 $0x88, s6;
	s7 =	simm.s32 @p2 $0x1082  }
0x22: {  	[simem:s7], [sflag:s8] =	dma.local @!p0 [hbm:s6], $0xF7A  }
0x23: {  	s9 =	sor.u32 $0xD0000000, s2;
	s6 =	simm.s32 $0x108;
	_ =	swait.ge @!p0 [sflag:s8], $0x0  }
0x24: {  	s3 =	sadd.s32 $0x88, s3;
	s6 =	simm.s32 @!p1 $0x1082;
	[sflag:s4] =	ssyncset.s32 $0xFFFFF086  }
0x25: {  	[simem:s6], [sflag:s4] =	dma.local [hbm:s3], $0xF7A  }
0x26: {  	[smem:$0x3F93] =	sst s1;
	(tag) =	ssettag s2;
	_ =	strace s9  }
0x27: {  	s1 =	sld [smem:$0x3FA3]  }
0x28: {  	s2 =	sld [smem:$0x3FA4]  }
0x29: {  	s4 =	sld [smem:$0x3FA6]  }
0x2a: {  	p0 =	seq.s32 s5, $0x0;
	s5 =	sld [smem:$0x3FA7]  }
0x2b: {  	s6 =	sld [smem:$0x3FA8]  }
0x2c: {  	s7 =	sld [smem:$0x3FA9]  }
0x2d: {  	s3 =	simm.s32 $0x108;
	s8 =	sld [smem:$0x3FAA]  }
0x2e: {  	s3 =	simm.s32 @!p0 $0x1082;
	s9 =	sld [smem:$0x3FAB]  }
0x2f: {  	lr =	sadd.s32 s0, s3;
	s0 =	sld [smem:$0x3FA2]  }
0x30: {  	s3 =	sld [smem:$0x3FA5]  }
0x31: {  	[smem:$0x3FAE] =	sst s10  }
0x32: {  	s10 =	sld [smem:$0x3FAC];
	_ =	sdelay $0x3  }
0x33: {  	p0 =	seq.s32 s10, $0x1;
	s10 =	sld [smem:$0x3FAE];
	_ =	sdelay $0x3  }
0x34: {  	[smem:$0x3FAE] =	sst s10  }
0x35: {  	s10 =	sld [smem:$0x3FAD];
	_ =	sdelay $0x3  }
0x36: {  	p1 =	seq.s32 s10, $0x1;
	s10 =	sld [smem:$0x3FAE];
	_ =	sdelay $0x3  }
0x37: {  	[smem:$0x3FAE] =	sst s10  }
0x38: {  	s10 =	sld [smem:$0x3FAF]  }
0x39: {  	_ = 	snop;
	(pc) =	sbr.ind lr, $3  }
0x3a: {  	_ = 	snop  }
0x3b: {  	_ = 	snop  }
0x3c: {  	p2 =	seq.s32 s10, $0x1;
	s10 =	sld [smem:$0x3FAE]  }
0x3d: {  	_ =	shalt  }
0x3e: {  	_ =	shalt  }
0x3f: {  	_ =	shalt  }
0x40: {  	_ =	shalt  }
0x41: {  	_ =	shalt  }
0x42: {  	_ =	shalt  }
0x43: {  	_ =	shalt  }
0x44: {  	_ =	shalt  }
0x45: {  	_ =	shalt  }
0x46: {  	_ =	shalt  }
0x47: {  	_ =	shalt  }
0x48: {  	_ =	shalt  }
0x49: {  	_ =	shalt  }
0x4a: {  	_ =	shalt  }
0x4b: {  	_ =	shalt  }
0x4c: {  	_ =	shalt  }
0x4d: {  	_ =	shalt  }
0x4e: {  	_ =	shalt  }
0x4f: {  	_ =	shalt  }
0x50: {  	_ =	shalt  }
0x51: {  	_ =	shalt  }
0x52: {  	_ =	shalt  }
0x53: {  	_ =	shalt  }
0x54: {  	_ =	shalt  }
0x55: {  	_ =	shalt  }
0x56: {  	_ =	shalt  }
0x57: {  	_ =	shalt  }
0x58: {  	_ =	shalt  }
0x59: {  	_ =	shalt  }
0x5a: {  	_ =	shalt  }
0x5b: {  	_ =	shalt  }
0x5c: {  	_ =	shalt  }
0x5d: {  	_ =	shalt  }
0x5e: {  	_ =	shalt  }
0x5f: {  	_ =	shalt  }
0x60: {  	_ =	shalt  }
0x61: {  	_ =	shalt  }
0x62: {  	_ =	shalt  }
0x63: {  	_ =	shalt  }
0x64: {  	_ =	shalt  }
0x65: {  	_ =	shalt  }
0x66: {  	_ =	shalt  }
0x67: {  	_ =	shalt  }
0x68: {  	_ =	shalt  }
0x69: {  	_ =	shalt  }
0x6a: {  	_ =	shalt  }
0x6b: {  	_ =	shalt  }
0x6c: {  	_ =	shalt  }
0x6d: {  	_ =	shalt  }
0x6e: {  	_ =	shalt  }
0x6f: {  	_ =	shalt  }
0x70: {  	_ =	shalt  }
0x71: {  	_ =	shalt  }
0x72: {  	_ =	shalt  }
0x73: {  	_ =	shalt  }
0x74: {  	_ =	shalt  }
0x75: {  	_ =	shalt  }
0x76: {  	_ =	shalt  }
0x77: {  	_ =	shalt  }
0x78: {  	_ =	shalt  }
0x79: {  	_ =	shalt  }
0x7a: {  	_ =	shalt  }
0x7b: {  	_ =	shalt  }
0x7c: {  	_ =	shalt  }
0x7d: {  	_ =	shalt  }
0x7e: {  	_ =	shalt  }
0x7f: {  	_ =	shalt  }
0x80: {  	_ =	shalt  }
0x81: {  	_ =	shalt  }
0x82: {  	_ =	shalt  }
0x83: {  	_ =	shalt  }
0x84: {  	_ =	shalt  }
0x85: {  	_ =	shalt  }
0x86: {  	_ =	shalt  }
0x87: {  	_ =	shalt  }
.Lfunc_end0:
.L_simem_size_0:
called_computation_lowered:
.L_overlay_start_0:
0x88: {  	s2 =	sld [smem:$0x3FD9]  }
0x89: {  	s3 =	sld [smem:$0x3FFE];
	_ =	sdelay $0x1  }
0x8a: {  	s1 =	srdreg.scid  }
0x8b: {  	s0 =	sand.u32 $0x1, s1  }
0x8c: {  	s17 =	sshll.u32 s0, $0xA;
	s2 =	sadd.s32 s3, s2  }
0x8d: {  	s2 =	sadd.s32 s2, s17  }
0x8e: {  	[smem:$0x3FBA] =	sst s2  }
0x8f: {  	_ = 	snop  }
0x90: {  	s2 =	sld [smem:$0x3FC6]  }
0x91: {  	s18 =	sld [smem:$0x3FD0];
	(tm) =	ssettm $0x1  }
0x92: {  	s4 =	sld [smem:$0x3FFB];
	_ =	sdelay $0x3  }
0x93: {  	_ =	strace s4  }
0x94: {  	s4 =	sld [smem:$0x3FFC];
	_ =	sdelay $0x3  }
0x95: {  	_ =	strace s4  }
0x96: {  	s4 =	sld [smem:$0x3FFD];
	_ =	sdelay $0x3  }
0x97: {  	_ =	strace s4  }
0x98: {  	_ =	strace $0x8FFFFFFF  }
0x99: {  	s19 =	sld [smem:$0x3FDB];
	_ =	sdelay $0x1  }
0x9a: {  	s5 =	simm.s32 $_scs_section_size  }
0x9b: {  	s6 =	simm.s32 $_size__tile_overlayer_lowered;
	s7 =	simm.s32 $_tile_overlayer_lowered  }
0x9c: {  	s22 =	simm.s32 $0x1BFF;
	s21 =	sshll.u32 s7, $0x1;
	s4 =	sadd.s32 s5, s19  }
0x9d: {  	s8 =	simm.s32 $0x0;
	s20 =	sshll.u32 s6, $0x1;
	s6 =	sadd.s32 s21, s4  }
0x9e: {  	[timem:s8], [sflag:s22] =	dma.local [hbm:s6], s20  }
0x9f: {  	_ =	swait.ge [sflag:s22], s20  }
0xa0: {  	s5 =	ssub.s32 $0x0, s20;
	[sflag:s22] =	ssyncset.done $0x0  }
0xa1: {  	[sflag:s22] =	ssyncadd.s32 s5;
	_ =	sdelay $0x1  }
0xa2: {  	s23 =	simm.s32 $0x1B8B  }
0xa3: {  	_ =	swait.ge [sflag:s23], $0x1  }
0xa4: {  	[sflag:s23] =	ssyncset.done $0x0  }
0xa5: {  	s25 =	simm.s32 $0x1B8E;
	s24 =	sld [smem:$0x3FFE];
	[sflag:s23] =	ssyncadd.s32 $0xFFFFFFFF  }
0xa6: {  	s26 =	simm.s32 $execute0_lowered;
	[smem:$0x3FD2] =	sst s25  }
0xa7: {  	s6 =	sshll.u32 s26, $0x1;
	_ =	strace $0x80000046;
	[dreg:$0x1] =	wrdreg $0xFFFFFFFF  }
0xa8: {  	s28 =	simm.s32 $_size_execute0_lowered;
	s4 =	sadd.s32 s4, s6;
	[dreg:$0x0] =	wrdreg $0x0  }
0xa9: {  	s6 =	sshll.u32 s28, $0x1;
	[dreg:$0x2] =	wrdreg s4  }
0xaa: {  	[dreg:$0x3] =	wrdreg s6  }
0xab: {  	[dreg:$0x4] =	wrdreg $0xC0  }
0xac: {  	_ =	task [dreg:s8], $0x5FFFF  }
0xad: {  	[dreg:$0x1] =	wrdreg $0xFFFFFFFF  }
0xae: {  	[dreg:$0x0] =	wrdreg $0x60  }
0xaf: {  	[dreg:$0x2] =	wrdreg s18  }
0xb0: {  	[dreg:$0x3] =	wrdreg s2  }
0xb1: {  	[dreg:$0x4] =	wrdreg s24  }
0xb2: {  	[dreg:$0x5] =	wrdreg $0x9  }
0xb3: {  	_ =	task.clear_ibuf [dreg:s8], $0x6FFFF;
	_ =	strace $0x90000046  }
0xb4: {  	s29 =	simm.s32 $0x9;
	_ =	strace $0x80000048  }
0xb5: {  	_ =	swait.ge [sflag:s29], $0x1  }
0xb6: {  	[sflag:s29] =	ssyncadd.s32 $0xFFFFFFFF  }
0xb7: {  	_ =	strace $0x90000048  }
0xb8: {  	_ =	sfence  }
0xb9: {  	s30 =	sld [smem:$0x0];
	_ =	sdelay $0x2  }
0xba: {  	s31 =	sshll.u32 s1, $0xD;
	s1 =	sshrl.u32 s1, $0x2  }
0xbb: {  	s3 =	sand.u32 $0x4000, s31;
	s1 =	sadd.s32 s1, s30  }
0xbc: {  	s0 =	sor.u32 s3, s0;
	s1 =	sshll.u32 s1, $0x11  }
0xbd: {  	s0 =	sor.u32 s1, s0  }
0xbe: {  	s0 =	sadd.s32 $0x8F2B, s0  }
0xbf: {  	[sflag:s0] =	ssyncadd.remote.s32 $0x1  }
0xc0: {  	_ =	sfence.sel $0xFFFF  }
0xc1: {  	[dreg:$0x0] =	wrdreg $0xFFFFFFFF;
	(pc) =	sbr.abs _section_cstart, $3  }
0xc2: {  	[dreg:$0x1] =	wrdreg $0xFFFFFFFF  }
0xc3: {  	_ =	task.clear_ibuf [dreg:s8], $0x2FFFF;
	_ =	strace $0x9FFFFFFF  }
0xc4: {  	(tm) =	ssettm $0x7FFFFFFF  }
0xc5: {  	_ =	shalt  }
tec
execute0_lowered:
.L_overlay_start_1:
0x0: {  	(tag) =	ssettag $0x1  }
0x1: {  	s1 =	rddreg [dreg:$0x0]  }
0x2: {  	s9 =	rddreg [dreg:$0x1]  }
0x3: {  	s2 =	srdreg.scid;
	s0 =	stileid.u32  }
0x4: {  	s4 =	rddreg [dreg:$0x2];
	s3 =	simm.s32 $0x0;
	s13 =	simm.s32 $0x2  }
0x5: {  	s14 =	simm.s32 $0x4100;
	s15 =	simm.s32 $0x3;
	s16 =	simm.s32 $0x4  }
0x6: {  	s17 =	simm.s32 $0x5;
	s18 =	simm.s32 $0x6;
	s19 =	simm.s32 $0x8100  }
0x7: {  	s20 =	simm.s32 $0x7;
	s21 =	simm.s32 $0x10;
	s22 =	simm.s32 $0x8180  }
0x8: {  	s23 =	simm.s32 $0x0;
	s7 =	sand.u32 $0x1, s2;
	s10 =	smul.u32 $0x4E20, s0  }
0x9: {  	s5 =	sshll.u32 s0, $0x1;
	s2 =	rddreg [dreg:$0x3];
	s30 =	smul.u32 $0x4E200, s0  }
0xa: {  	[smem:$0x7FF] =	sst s3;
	s8 =	sadd.s32 $0x2400, s4;
	s12 =	smul.u32 $0x2710, s7  }
0xb: {  	s5 =	sor.u32 s7, s5;
	s6 =	ssub.s32 $0x2, s7;
	s7 =	smul.u32 $0x27100, s7  }
0xc: {  	_ =	strace $0x80000047;
	s5 =	smul.u32 $0x2710, s5;
	s28 =	sshrl.u32 s6, $0x1  }
0xd: {  	s6 =	ssub.s32 s6, s28;
	s10 =	sadd.s32 s12, s10;
	s12 =	simm.s32 $0x100  }
0xe: {  	s29 =	sadd.s32 $0x2700, s5;
	s6 =	smax.u32 s6, $0x1;
	s31 =	sshrl.u32 s10, $0x3  }
0xf: {  	s10 =	sadd.s32 $0x80, s10;
	s5 =	sshrl.u32 s29, $0x3;
	s11 =	sshll.u32 s29, $0x4  }
0x10: {  	s4 =	sadd.s32 s9, s5;
	s5 =	sadd.s32 s8, s11;
	s8 =	sadd.s32 s30, s8  }
0x11: {  	s10 =	sshrl.u32 s10, $0x3;
	s11 =	simm.s32 $0x1;
	s7 =	sadd.s32 s7, s8  }
0x12: {  	s8 =	sadd.s32 s31, s9;
	s9 =	sadd.s32 s10, s9;
	s10 =	simm.s32 $0x80  }
.LBB2_1:
0x13: {  	s24 =	sadd.s32 $0x0, s8  }
0x14: {  	[tilespmem:s3], [sflag:$0x1] =	stream.linear.gather [hbm4b:s24+s3], $0x80, $0x38;
	[tilespmem:$0x8980] =	vst v63  }
0x15: {  	s30 =	sadd.s32 $0x0, s9  }
0x16: {  	[tilespmem:s10], [sflag:$0x2] =	stream.linear.gather [hbm4b:s30+s3], $0x80, $0x38;
	[tilespmem:$0x8980] =	vst v63  }
0x17: {  	_ =	swait.ge [sflag:s11], $0x80  }
0x18: {  	[sflag:s11] =	ssyncset.done $0x0  }
0x19: {  	[sflag:s11] =	ssyncadd.s32 $0xFFFFFF80  }
0x1a: {  	[tilespmem:s12], [sflag:$0x3] =	stream.indirect.gather [hbm4b:s1+s10], $0x80, s3, s10, $0xb8;
	[tilespmem:$0x8980] =	vst v63  }
0x1b: {  	_ =	swait.ge [sflag:s13], $0x80  }
0x1c: {  	[sflag:s13] =	ssyncset.done $0x0  }
0x1d: {  	[sflag:s13] =	ssyncadd.s32 $0xFFFFFF80  }
0x1e: {  	[tilespmem:s14], [sflag:$0x4] =	stream.indirect.gather [hbm4b:s1+s10], $0x80, s10, s10, $0xb8;
	[tilespmem:$0x8980] =	vst v63  }
0x1f: {  	_ =	swait.ge [sflag:s15], $0x4000  }
0x20: {  	[sflag:s15] =	ssyncset.done $0x0  }
0x21: {  	[sflag:s15] =	ssyncadd.s32 $0xFFFFC000  }
0x22: {  	[hbm4b:s7+s3] =	stream.linear.scatter [tilespmem:s12], [sflag:$0x5], $0x4000, $0x38;
	[tilespmem:$0x8980] =	vst v63  }
0x23: {  	_ =	swait.ge [sflag:s16], $0x4000  }
0x24: {  	[sflag:s16] =	ssyncset.done $0x0  }
0x25: {  	s31 =	sadd.s32 $0x800, s7;
	[sflag:s16] =	ssyncadd.s32 $0xFFFFC000  }
0x26: {  	[hbm4b:s31+s3] =	stream.linear.scatter [tilespmem:s14], [sflag:$0x6], $0x4000, $0x38;
	[tilespmem:$0x8980] =	vst v63  }
0x27: {  	_ =	swait.ge [sflag:s17], $0x4000  }
0x28: {  	[sflag:s17] =	ssyncset.done $0x0  }
0x29: {  	[sflag:s17] =	ssyncadd.s32 $0xFFFFC000  }
0x2a: {  	s25 =	simm.s32 $0x20;
	_ =	swait.ge [sflag:s18], $0x4000  }
0x2b: {  	s26 =	simm.s32 $0x40;
	s24 =	sadd.s32 $0x1000, s7;
	[sflag:s18] =	ssyncset.done $0x0  }
.LBB2_2:
0x2c: {  	s28 =	sadd.s32 s25, s8  }
0x2d: {  	[sflag:s18] =	ssyncadd.s32 $0xFFFFC000;
	s29 =	smov.u32 s26;
	s30 =	sadd.s32 $0x20, s26  }
0x2e: {  	[tilespmem:s3], [sflag:$0x1] =	stream.linear.gather [hbm4b:s28+s3], $0x80, $0x38;
	[tilespmem:$0x8980] =	vst v63  }
0x2f: {  	p0 =	sne.s32 s26, $0x4C0;
	s26 =	sadd.s32 s25, s9;
	s25 =	smov.u32 s29  }
0x30: {  	[tilespmem:s10], [sflag:$0x2] =	stream.linear.gather [hbm4b:s26+s3], $0x80, $0x38;
	[tilespmem:$0x8980] =	vst v63  }
0x31: {  	_ =	swait.ge [sflag:s11], $0x80  }
0x32: {  	[sflag:s11] =	ssyncset.done $0x0  }
0x33: {  	[sflag:s11] =	ssyncadd.s32 $0xFFFFFF80  }
0x34: {  	[tilespmem:s12], [sflag:$0x3] =	stream.indirect.gather [hbm4b:s1+s10], $0x80, s3, s10, $0xb8;
	[tilespmem:$0x8980] =	vst v63  }
0x35: {  	_ =	swait.ge [sflag:s13], $0x80  }
0x36: {  	[sflag:s13] =	ssyncset.done $0x0  }
0x37: {  	[sflag:s13] =	ssyncadd.s32 $0xFFFFFF80  }
0x38: {  	[tilespmem:s14], [sflag:$0x4] =	stream.indirect.gather [hbm4b:s1+s10], $0x80, s10, s10, $0xb8;
	[tilespmem:$0x8980] =	vst v63  }
0x39: {  	_ =	swait.ge [sflag:s15], $0x4000  }
0x3a: {  	[sflag:s15] =	ssyncset.done $0x0  }
0x3b: {  	[sflag:s15] =	ssyncadd.s32 $0xFFFFC000  }
0x3c: {  	[hbm4b:s24+s3] =	stream.linear.scatter [tilespmem:s12], [sflag:$0x5], $0x4000, $0x38;
	[tilespmem:$0x8980] =	vst v63  }
0x3d: {  	_ =	swait.ge [sflag:s16], $0x4000  }
0x3e: {  	[sflag:s16] =	ssyncset.done $0x0  }
0x3f: {  	s26 =	sadd.s32 $0x800, s24;
	[sflag:s16] =	ssyncadd.s32 $0xFFFFC000  }
0x40: {  	[hbm4b:s26+s3] =	stream.linear.scatter [tilespmem:s14], [sflag:$0x6], $0x4000, $0x38;
	[tilespmem:$0x8980] =	vst v63  }
.Ltmp0:
0x41: {  	_ =	swait.ge [sflag:s17], $0x4000;
	(pc) =	sbr.rel @p0 .LBB2_2-.Ltmp0, $4  }
0x42: {  	[sflag:s17] =	ssyncset.done $0x0  }
0x43: {  	[sflag:s17] =	ssyncadd.s32 $0xFFFFC000  }
0x44: {  	_ =	swait.ge [sflag:s18], $0x4000  }
0x45: {  	s24 =	sadd.s32 $0x1000, s24;
	s26 =	smov.u32 s30;
	[sflag:s18] =	ssyncset.done $0x0  }
0x46: {  	s26 =	sadd.s32 s25, s8;
	[sflag:s18] =	ssyncadd.s32 $0xFFFFC000  }
0x47: {  	[tilespmem:s3], [sflag:$0x1] =	stream.linear.gather [hbm4b:s26+s3], $0x80, $0x38;
	[tilespmem:$0x8980] =	vst v63  }
0x48: {  	s30 =	sadd.s32 s25, s9  }
0x49: {  	[tilespmem:s10], [sflag:$0x2] =	stream.linear.gather [hbm4b:s30+s3], $0x80, $0x38;
	[tilespmem:$0x8980] =	vst v63  }
0x4a: {  	_ =	swait.ge [sflag:s11], $0x80  }
0x4b: {  	[sflag:s11] =	ssyncset.done $0x0  }
0x4c: {  	[sflag:s11] =	ssyncadd.s32 $0xFFFFFF80  }
0x4d: {  	[tilespmem:s12], [sflag:$0x3] =	stream.indirect.gather [hbm4b:s1+s10], $0x80, s3, s10, $0xb8;
	[tilespmem:$0x8980] =	vst v63  }
0x4e: {  	_ =	swait.ge [sflag:s13], $0x80  }
0x4f: {  	[sflag:s13] =	ssyncset.done $0x0  }
0x50: {  	[sflag:s13] =	ssyncadd.s32 $0xFFFFFF80  }
0x51: {  	[tilespmem:s14], [sflag:$0x4] =	stream.indirect.gather [hbm4b:s1+s10], $0x80, s10, s10, $0xb8;
	[tilespmem:$0x8980] =	vst v63  }
0x52: {  	_ =	swait.ge [sflag:s15], $0x4000  }
0x53: {  	[sflag:s15] =	ssyncset.done $0x0  }
0x54: {  	[sflag:s15] =	ssyncadd.s32 $0xFFFFC000  }
0x55: {  	[hbm4b:s24+s3] =	stream.linear.scatter [tilespmem:s12], [sflag:$0x5], $0x4000, $0x38;
	[tilespmem:$0x8980] =	vst v63  }
0x56: {  	_ =	swait.ge [sflag:s16], $0x4000  }
0x57: {  	[sflag:s16] =	ssyncset.done $0x0  }
0x58: {  	s31 =	sadd.s32 $0x800, s24;
	[sflag:s16] =	ssyncadd.s32 $0xFFFFC000  }
0x59: {  	[hbm4b:s31+s3] =	stream.linear.scatter [tilespmem:s14], [sflag:$0x6], $0x4000, $0x38;
	[tilespmem:$0x8980] =	vst v63  }
0x5a: {  	_ =	swait.ge [sflag:s17], $0x4000  }
0x5b: {  	[sflag:s17] =	ssyncset.done $0x0  }
0x5c: {  	[sflag:s17] =	ssyncadd.s32 $0xFFFFC000  }
0x5d: {  	_ =	swait.ge [sflag:s18], $0x4000  }
0x5e: {  	[sflag:s18] =	ssyncset.done $0x0  }
0x5f: {  	[sflag:s18] =	ssyncadd.s32 $0xFFFFC000  }
0x60: {  	[tilespmem:s19], [sflag:$0x7] =	stream.linear.gather [hbm4b:s4+s3], $0x10, $0x38;
	[tilespmem:$0x8980] =	vst v63  }
0x61: {  	_ =	swait.ge [sflag:s20], $0x10  }
0x62: {  	[sflag:s20] =	ssyncset.done $0x0  }
0x63: {  	[sflag:s20] =	ssyncadd.s32 $0xFFFFFFF0  }
0x64: {  	[tilespmem:s22], [sflag:$0x1] =	stream.indirect.gather [hbm4b:s1+s21], $0x80, s19, s21, $0xb8;
	[tilespmem:$0x8980] =	vst v63  }
0x65: {  	s23 =	sadd.s32 $0x1, s23;
	_ =	swait.ge [sflag:s11], $0x800  }
0x66: {  	p0 =	sne.s32 s23, s6;
	[sflag:s11] =	ssyncset.done $0x0  }
.Ltmp1:
0x67: {  	[sflag:s11] =	ssyncadd.s32 $0xFFFFF800;
	(pc) =	sbr.rel @p0 .LBB2_1-.Ltmp1, $4  }
0x68: {  	[hbm4b:s5+s3] =	stream.linear.scatter [tilespmem:s22], [sflag:$0x7], $0x800, $0x38;
	[tilespmem:$0x8980] =	vst v63  }
0x69: {  	_ =	swait.ge [sflag:s20], $0x800  }
0x6a: {  	[sflag:s20] =	ssyncset.done $0x0  }
0x6b: {  	[sflag:s20] =	ssyncadd.s32 $0xFFFFF800  }
0x6c: {  	_ =	sfence.sel $0x180000  }
0x6d: {  	[bflag:$0x0] =	sbarrier.arrive $0xFFFF  }
0x6e: {  	p0 =	sne.s32 s0, $0x0;
	_ =	strace $0x90000047  }
0x6f: {  	s0 =	sadd.s32 @!p0 $0x100000, s2;
	[bflag:$0x2] =	sbarrier.arrive $0xFFFF  }
0x70: {  	[sflag:s0] =	ssyncadd.tile.s32 @!p0 $0x1;
	_ =	shalt  }
.Lfunc_end2:
_tile_overlayer_lowered:
.L_overlay_start_2:
0x71: {  	(tag) =	ssettag $0x2  }
0x72: {  	s0 =	rddreg [dreg:$0x0];
	s2 =	stileid.u32  }
0x73: {  	s1 =	rddreg [dreg:$0x1];
	p0 =	sne.s32 s2, $0x0  }
0x74: {  	s3 =	rddreg [dreg:$0x2];
	[bflag:$0x3] =	sbarrier.arrive $0xFFFF;
	s2 =	simm.s32 @!p0 $0x1C07  }
0x75: {  	[timem:s3], [sflag:s2] =	dma.local @!p0 [hbm:s0], s1  }
0x76: {  	s0 =	simm.s32 @!p0 $0x7  }
0x77: {  	_ =	swait.ge @!p0 [sflag:s0], s1  }
0x78: {  	s1 =	ssub.s32 @!p0 $0x0, s1;
	[sflag:s0] =	ssyncset.done @!p0 $0x0  }
0x79: {  	[sflag:s0] =	ssyncadd.s32 @!p0 s1  }
0x7a: {  	[bflag:$0x3] =	sbarrier.arrive $0xFFFF  }
0x7b: {  	_ =	shalt  }

</sc_bundles>
